<compile_context>
chip_gen: v7x
topology: tpu7x:2x2x1
jax: 0.10.2.dev20260603
libtpu: 0.0.44.dev20260713+nightly
codegen_flags: <defaults>
</compile_context>

<pallas_src>
import functools

import jax
import jax.numpy as jnp
from jax import lax
from jax.experimental import pallas as pl
from jax.experimental.pallas import tpu as pltpu
from jax.experimental.pallas import tpu_sc as plsc

N_N = 10000
N_E = 320000
D = 128
NC = 2
NS = 16
L = 128
N_DUMP = 8
ACC_N = N_N + N_DUMP
ROWS_TOTAL = 2560
PAD = ROWS_TOTAL * L - N_E
ROWS_PER_CORE = ROWS_TOTAL // NC
BULK_ROWS = ROWS_PER_CORE // NS
SLAB = 624
SLAB_REM = N_N - NS * SLAB
DEG_N = 10240
RB = 4096
NB = (N_N + RB - 1) // RB

_mesh = plsc.VectorSubcoreMesh(core_axis_name="c", subcore_axis_name="s")


@functools.partial(
    pl.kernel,
    mesh=_mesh,
    out_type=jax.ShapeDtypeStruct((NC * 4 * DEG_N,), jnp.float32),
    scratch_types=[
        pltpu.VMEM((BULK_ROWS, L), jnp.int32),
        pltpu.VMEM((BULK_ROWS, L), jnp.int32),
        pltpu.VMEM((BULK_ROWS, L), jnp.int32),
        pltpu.VMEM((BULK_ROWS, L), jnp.int32),
        pltpu.VMEM((1, L), jnp.float32),
        pltpu.VMEM((1024,), jnp.float32),
        pltpu.VMEM_SHARED((ACC_N,), jnp.float32),
        pltpu.VMEM_SHARED((ACC_N,), jnp.float32),
        pltpu.VMEM_SHARED((ACC_N,), jnp.float32),
        pltpu.VMEM_SHARED((ACC_N,), jnp.float32),
        pltpu.SemaphoreType.DMA,
        pltpu.SemaphoreType.DMA,
        pltpu.SemaphoreType.DMA,
        pltpu.SemaphoreType.DMA,
    ],
)
def _sc_degrees(s0, d0, s1, d1, out, i0, i1, i2, i3, ones_v, zb_v,
                c0, c1, c2, c3, m0, m1, m2, m3):
    c = lax.axis_index("c")
    s = lax.axis_index("s")
    zeros16 = jnp.zeros((16,), jnp.float32)
    ones16 = jnp.ones((16,), jnp.float32)

    def _fill_z(i, carry):
        zb_v[pl.ds(i * 16, 16)] = zeros16
        return carry
    lax.fori_loop(0, 1024 // 16, _fill_z, 0)

    def _fill_o(i, carry):
        ones_v[0, pl.ds(i * 16, 16)] = ones16
        return carry
    lax.fori_loop(0, L // 16, _fill_o, 0)

    @pl.when(s < 10)
    def _():
        for cref in (c0, c1, c2, c3):
            pltpu.sync_copy(zb_v.at[pl.ds(0, 1000)],
                            cref.at[pl.ds(s * 1000, 1000)])
    plsc.subcore_barrier()

    rbase = c * ROWS_PER_CORE + s * BULK_ROWS
    quad = ((s0, i0, c0, m0), (d0, i1, c1, m1),
            (s1, i2, c2, m2), (d1, i3, c3, m3))
    for arr, iv, cref, m in quad:
        pltpu.sync_copy(arr.at[pl.ds(rbase, BULK_ROWS)], iv)

    for arr, iv, cref, m in quad:
        pltpu.async_copy(ones_v.at[0], cref.at[iv.at[0]], m, add=True)

    def _cnt(j, carry):
        for arr, iv, cref, m in quad:
            pltpu.async_copy(ones_v.at[0], cref.at[iv.at[j + 1]], m, add=True)
        for arr, iv, cref, m in quad:
            pltpu.make_async_copy(ones_v.at[0], cref.at[iv.at[0]], m).wait()
        return carry
    lax.fori_loop(0, BULK_ROWS - 1, _cnt, 0)
    for arr, iv, cref, m in quad:
        pltpu.make_async_copy(ones_v.at[0], cref.at[iv.at[0]], m).wait()

    plsc.subcore_barrier()

    @pl.when(s < 10)
    def _():
        for a, cref in enumerate((c0, c1, c2, c3)):
            pltpu.sync_copy(cref.at[pl.ds(s * 1000, 1000)],
                            zb_v.at[pl.ds(0, 1000)])
            pltpu.sync_copy(
                zb_v.at[pl.ds(0, 1000)],
                out.at[pl.ds((c * 4 + a) * DEG_N + s * 1000, 1000)])


@functools.partial(
    pl.kernel,
    mesh=_mesh,
    out_type=jax.ShapeDtypeStruct((NC, N_N, D), jnp.float32),
    scratch_types=[
        pltpu.VMEM((BULK_ROWS // 2, L), jnp.int32),
        pltpu.VMEM((BULK_ROWS // 2, L), jnp.int32),
        pltpu.VMEM((L, D), jnp.float32),
        pltpu.VMEM((L, D), jnp.float32),
        pltpu.VMEM_SHARED((ACC_N, D), jnp.float32),
        pltpu.SemaphoreType.DMA,
        pltpu.SemaphoreType.DMA,
        pltpu.SemaphoreType.DMA,
        pltpu.SemaphoreType.DMA,
    ],
)
def _sc_message_pass(y, src, dst, out, sidx, didx, rows0, rows1,
                     acc, gsem0, gsem1, ssem0, ssem1):
    c = lax.axis_index("c")
    s = lax.axis_index("s")
    zeros16 = jnp.zeros((16,), jnp.float32)

    def _zo(i, carry):
        def _zi(k, carry2):
            rows0[i, pl.ds(k * 16, 16)] = zeros16
            return carry2
        return lax.fori_loop(0, D // 16, _zi, carry)
    lax.fori_loop(0, L, _zo, 0)

    slab = s * SLAB
    for off, n in ((0, 128), (128, 128), (256, 128), (384, 128), (512, 112)):
        pltpu.sync_copy(rows0.at[pl.ds(0, n)], acc.at[pl.ds(slab + off, n)])

    @pl.when(s == 0)
    def _():
        pltpu.sync_copy(rows0.at[pl.ds(0, SLAB_REM)],
                        acc.at[pl.ds(NS * SLAB, SLAB_REM)])

    plsc.subcore_barrier()

    HALF = BULK_ROWS // 2
    rbase = c * ROWS_PER_CORE + s * BULK_ROWS
    for phase in range(2):
        pbase = rbase + phase * HALF
        pltpu.sync_copy(src.at[pl.ds(pbase, HALF)], sidx)
        pltpu.sync_copy(dst.at[pl.ds(pbase, HALF)], didx)

        pltpu.async_copy(y.at[sidx.at[0]], rows0, gsem0)

        def _step(it, carry):
            j = it * 2
            @pl.when(it > 0)
            def _():
                pltpu.make_async_copy(rows1, acc.at[didx.at[0]], ssem1).wait()
            pltpu.async_copy(y.at[sidx.at[j + 1]], rows1, gsem1)
            pltpu.make_async_copy(y.at[sidx.at[0]], rows0, gsem0).wait()
            pltpu.async_copy(rows0, acc.at[didx.at[j]], ssem0, add=True)
            pltpu.make_async_copy(rows0, acc.at[didx.at[0]], ssem0).wait()

            @pl.when(it < HALF // 2 - 1)
            def _():
                pltpu.async_copy(y.at[sidx.at[j + 2]], rows0, gsem0)
            pltpu.make_async_copy(y.at[sidx.at[0]], rows1, gsem1).wait()
            pltpu.async_copy(rows1, acc.at[didx.at[j + 1]], ssem1, add=True)
            return carry
        lax.fori_loop(0, HALF // 2, _step, 0)
        pltpu.make_async_copy(rows1, acc.at[didx.at[0]], ssem1).wait()

    plsc.subcore_barrier()
    chunks = ((0, 128), (128, 128), (256, 128), (384, 128), (512, 112))
    bufs, gs, ss = (rows0, rows1), (gsem0, gsem1), (ssem0, ssem1)

    def _cin(k, b):
        off, n = chunks[k]
        pltpu.async_copy(acc.at[pl.ds(slab + off, n)],
                         bufs[b].at[pl.ds(0, n)], gs[b])

    _cin(0, 0)
    for k in range(5):
        off, n = chunks[k]
        b = k % 2
        pltpu.make_async_copy(acc.at[pl.ds(slab + off, n)],
                              bufs[b].at[pl.ds(0, n)], gs[b]).wait()
        if k + 1 < 5:
            nb = (k + 1) % 2
            if k + 1 >= 2:
                poff, pn = chunks[k - 1]
                pltpu.make_async_copy(
                    bufs[nb].at[pl.ds(0, pn)],
                    out.at[c, pl.ds(slab + poff, pn)], ss[nb]).wait()
            _cin(k + 1, nb)
        pltpu.async_copy(bufs[b].at[pl.ds(0, n)],
                         out.at[c, pl.ds(slab + off, n)], ss[b])
    for k in (3, 4):
        off, n = chunks[k]
        pltpu.make_async_copy(bufs[k % 2].at[pl.ds(0, n)],
                              out.at[c, pl.ds(slab + off, n)],
                              ss[k % 2]).wait()

    @pl.when(s == 0)
    def _():
        pltpu.sync_copy(acc.at[pl.ds(NS * SLAB, SLAB_REM)],
                        rows0.at[pl.ds(0, SLAB_REM)])
        pltpu.sync_copy(rows0.at[pl.ds(0, SLAB_REM)],
                        out.at[c, pl.ds(NS * SLAB, SLAB_REM)])


def _tc_first_body(cnt_ref, h_ref, w_ref, o_ref):
    i = pl.program_id(0)
    sl = pl.ds(i * RB, RB)
    deg = cnt_ref[0, 0, sl] + cnt_ref[1, 0, sl]
    ns = lax.rsqrt(jnp.maximum(deg, 1.0))
    o_ref[...] = jnp.dot(h_ref[...] * ns[:, None], w_ref[...],
                         preferred_element_type=jnp.float32)


def _tc_mid_body(cnt_ref, p_ref, b_ref, w_ref, o_ref):
    i = pl.program_id(0)
    sl = pl.ds(i * RB, RB)
    din = cnt_ref[0, 1, sl] + cnt_ref[1, 1, sl]
    dout = cnt_ref[0, 2, sl] + cnt_ref[1, 2, sl]
    nd = lax.rsqrt(jnp.maximum(din, 1.0))
    ns = lax.rsqrt(jnp.maximum(dout, 1.0))
    agg = (p_ref[0, :, :] + p_ref[1, :, :]) * nd[:, None] + b_ref[...]
    o_ref[...] = jnp.dot(agg * ns[:, None], w_ref[...],
                         preferred_element_type=jnp.float32)


def _tc_last_body(cnt_ref, p_ref, b_ref, w_ref, bp_ref, o_ref):
    i = pl.program_id(0)
    sl = pl.ds(i * RB, RB)
    din = cnt_ref[0, 3, sl] + cnt_ref[1, 3, sl]
    nd = lax.rsqrt(jnp.maximum(din, 1.0))
    agg = (p_ref[0, :, :] + p_ref[1, :, :]) * nd[:, None] + b_ref[...]
    o_ref[...] = jnp.dot(agg, w_ref[...],
                         preferred_element_type=jnp.float32) + bp_ref[...]


_cnt_spec = pl.BlockSpec((NC, 4, DEG_N), lambda i: (0, 0, 0))
_row_spec = pl.BlockSpec((RB, D), lambda i: (i, 0))
_p_spec = pl.BlockSpec((NC, RB, D), lambda i: (0, i, 0))
_w_spec = pl.BlockSpec((D, D), lambda i: (0, 0))
_b_spec = pl.BlockSpec((1, D), lambda i: (0, 0))
_out_struct = jax.ShapeDtypeStruct((N_N, D), jnp.float32)

_tc_first = pl.pallas_call(
    _tc_first_body, grid=(NB,),
    in_specs=[_cnt_spec, _row_spec, _w_spec],
    out_specs=_row_spec, out_shape=_out_struct)

_tc_mid = pl.pallas_call(
    _tc_mid_body, grid=(NB,),
    in_specs=[_cnt_spec, _p_spec, _b_spec, _w_spec],
    out_specs=_row_spec, out_shape=_out_struct)

_tc_last = pl.pallas_call(
    _tc_last_body, grid=(NB,),
    in_specs=[_cnt_spec, _p_spec, _b_spec, _w_spec, _b_spec],
    out_specs=_row_spec, out_shape=_out_struct)


def kernel(h, block0_edge_index, block1_edge_index, W1, b1, W2, b2, Wp, bp):
    pad_i = jnp.arange(PAD, dtype=jnp.int32)
    pad_dump = (N_N + pad_i % N_DUMP).astype(jnp.int32)
    pad_inb = (pad_i % N_N).astype(jnp.int32)

    def _rows(a, pad):
        a = jnp.concatenate([a.astype(jnp.int32), pad])
        return a.reshape(ROWS_TOTAL, L)

    s0g = _rows(block0_edge_index[0], pad_inb)
    s0d = _rows(block0_edge_index[0], pad_dump)
    d0 = _rows(block0_edge_index[1], pad_dump)
    s1g = _rows(block1_edge_index[0], pad_inb)
    s1d = _rows(block1_edge_index[0], pad_dump)
    d1 = _rows(block1_edge_index[1], pad_dump)

    cnts = _sc_degrees(s0d, d0, s1d, d1).reshape(NC, 4, DEG_N)
    y0 = _tc_first(cnts, h, W1)
    p0 = _sc_message_pass(y0, s0g, d0)
    y1 = _tc_mid(cnts, p0, b1.reshape(1, D), W2)
    p1 = _sc_message_pass(y1, s1g, d1)
    out = _tc_last(cnts, p1, b2.reshape(1, D), Wp, bp.reshape(1, D))
    return out

# --- scband reference (transcript-rebuilt; emitter-appended) ---
"""Pipeline reference for scband-stochastic-gcn-9723805958348 (READ-ONLY COPY).

The authoritative reference and input builder live on the scoring server;
editing this copy changes nothing except your own understanding.
"""

import jax, jax.numpy as jnp
import numpy as np

N_NODES = 10000
N_EDGES = 320000
IN_DIM = 128
H1_DIM = 128
H2_DIM = 128
EMB_DIM = 128


def setup_inputs(seed: int = 0) -> dict:
    key = jax.random.key(seed)
    ks = jax.random.split(key, 12)
    h = jax.random.normal(ks[0], (N_NODES, IN_DIM), dtype=jnp.float32)
    block0_edge_index = jax.random.randint(ks[1], (2, N_EDGES), 0, N_NODES, dtype=jnp.int64)
    block1_edge_index = jax.random.randint(ks[2], (2, N_EDGES), 0, N_NODES, dtype=jnp.int64)
    # GraphConv weights (dgl GraphConv: weight [in, out], bias [out])
    W1 = jax.random.normal(ks[3], (IN_DIM, H1_DIM), dtype=jnp.float32) * (1.0 / np.sqrt(IN_DIM))
    b1 = jnp.zeros((H1_DIM,), dtype=jnp.float32)
    W2 = jax.random.normal(ks[4], (H1_DIM, H2_DIM), dtype=jnp.float32) * (1.0 / np.sqrt(H1_DIM))
    b2 = jnp.zeros((H2_DIM,), dtype=jnp.float32)
    Wp = jax.random.normal(ks[5], (H2_DIM, EMB_DIM), dtype=jnp.float32) * (1.0 / np.sqrt(H2_DIM))
    bp = jax.random.normal(ks[6], (EMB_DIM,), dtype=jnp.float32) * 0.01
    return {"h": h, "block0_edge_index": block0_edge_index, "block1_edge_index": block1_edge_index,
            "W1": W1, "b1": b1, "W2": W2, "b2": b2, "Wp": Wp, "bp": bp}


def _graph_conv(h, src, dst, W, b, n_nodes):
    # dgl.nn.GraphConv with norm='both', allow_zero_in_degree=True
    deg_out = jnp.bincount(src, length=n_nodes).astype(jnp.float32)
    deg_out = jnp.clip(deg_out, 1.0, None)
    norm_src = jnp.power(deg_out, -0.5)
    h = h * norm_src[:, None]
    # in_feats >= out_feats here: multiply by weight first (mult W first)
    h = h @ W
    # message passing: sum over incoming edges
    msgs = jnp.take(h, src, axis=0)
    agg = jax.ops.segment_sum(msgs, dst, num_segments=n_nodes)
    deg_in = jnp.bincount(dst, length=n_nodes).astype(jnp.float32)
    deg_in = jnp.clip(deg_in, 1.0, None)
    norm_dst = jnp.power(deg_in, -0.5)
    agg = agg * norm_dst[:, None]
    return agg + b


def reference(h, block0_edge_index, block1_edge_index, W1, b1, W2, b2, Wp, bp):
    src0, dst0 = block0_edge_index[0], block0_edge_index[1]
    src1, dst1 = block1_edge_index[0], block1_edge_index[1]
    h = _graph_conv(h, src0, dst0, W1, b1, N_NODES)
    h = _graph_conv(h, src1, dst1, W2, b2, N_NODES)
    h = h @ Wp + bp
    return h

if __name__ == "__main__":
    import jax
    _d = setup_inputs()
    print(jax.jit(kernel)(*tuple(_d.values())))

</pallas_src>

<mosaic_0001>
#map = affine_map<(d0, d1) -> (0, 0)>
#map1 = affine_map<(d0, d1) -> (0, 0, 0)>
module attributes {stable_mosaic.version = 14 : i64} {
  func.func @_sc_message_pass(%arg0: i32, %arg1: i32, %arg2: memref<10000x128xf32, #tpu.memory_space<hbm>>, %arg3: memref<2560x128xi32, #tpu.memory_space<hbm>>, %arg4: memref<2560x128xi32, #tpu.memory_space<hbm>>, %arg5: memref<2x10000x128xf32, #tpu.memory_space<hbm>>, %arg6: memref<40x128xi32, #tpu.memory_space<vmem>>, %arg7: memref<40x128xi32, #tpu.memory_space<vmem>>, %arg8: memref<128x128xf32, #tpu.memory_space<vmem>>, %arg9: memref<128x128xf32, #tpu.memory_space<vmem>>, %arg10: memref<10008x128xf32, #tpu.memory_space<vmem_shared>>, %arg11: memref<!tpu.dma_semaphore, #tpu.memory_space<semaphore_mem>>, %arg12: memref<!tpu.dma_semaphore, #tpu.memory_space<semaphore_mem>>, %arg13: memref<!tpu.dma_semaphore, #tpu.memory_space<semaphore_mem>>, %arg14: memref<!tpu.dma_semaphore, #tpu.memory_space<semaphore_mem>>) attributes {dimension_semantics = [#tpu.dimension_semantics<core_parallel>, #tpu.dimension_semantics<subcore_parallel>], iteration_bounds = array<i64: 2, 16>, scalar_prefetch = 0 : i64, scratch_operands = 9 : i64, tpu.core_type = #tpu.core_type<sc_vector_subcore>, window_params = [{transform_indices = #map}, {transform_indices = #map}, {transform_indices = #map}, {transform_indices = #map1}]} {
    %broadcast_in_dim3A = arith.constant 0.000000e+00 : f32
    %broadcast_in_dim3A_0 = vector.broadcast %broadcast_in_dim3A : f32 to vector<16xf32>
    %scan3A = arith.constant 0 : i32
    %scan3A_1 = arith.constant 0 : i32
    %scan3A_2 = arith.constant 128 : i32
    %scan3A_3 = arith.addi %scan3A_1, %scan3A_2 : i32
    %scan3A_4 = arith.constant 1 : i32
    scf.for %scan3A_331 = %scan3A_1 to %scan3A_3 step %scan3A_4  : i32 {
      %scan3A_332 = arith.constant 0 : i32
      %scan3A_333 = arith.constant 8 : i32
      %scan3A_334 = arith.addi %scan3A_332, %scan3A_333 : i32
      %scan3A_335 = arith.constant 1 : i32
      scf.for %scan3A_337 = %scan3A_332 to %scan3A_334 step %scan3A_335  : i32 {
        %mul3A_338 = arith.constant 16 : i32
        %mul3A_339 = arith.muli %scan3A_337, %mul3A_338 : i32
        %swap3A = arith.index_cast %scan3A_331 : i32 to index
        %swap3A_340 = arith.index_cast %mul3A_339 : i32 to index
        %swap3A_341 = tpu.vector_load %arg8[%swap3A, %swap3A_340] {strides = array<i32>} : memref<128x128xf32, #tpu.memory_space<vmem>>, vector<1x16xf32>,
        %swap3A_342 = vector.shape_cast %swap3A_341 : vector<1x16xf32> to vector<16xf32>
        %swap3A_343 = vector.shape_cast %broadcast_in_dim3A_0 : vector<16xf32> to vector<1x16xf32>
        tpu.vector_store %arg8[%swap3A, %swap3A_340], %swap3A_343 {strides = array<i32>} : memref<128x128xf32, #tpu.memory_space<vmem>>, vector<1x16xf32>,
      }
      %scan3A_336 = arith.constant 8 : i32
    }
    %scan3A_5 = arith.constant 128 : i32
    %mul3A = arith.constant 624 : i32
    %mul3A_6 = arith.muli %arg1, %mul3A : i32
    %add3A = arith.constant 0 : i32
    %add3A_7 = arith.addi %mul3A_6, %add3A : i32
    "tpu.region"() ({
      %run_scoped3A = tpu.sem_alloc : memref<!tpu.dma_semaphore, #tpu.memory_space<semaphore_mem>>
      %dma_start3A_331 = arith.constant 0 : i32
      %dma_start3A_332 = arith.constant 0 : i32
      %dma_start3A_333 = tpu.memref_slice %arg8[%dma_start3A_331, %dma_start3A_332] : memref<128x128xf32, #tpu.memory_space<vmem>> -> memref<128x128xf32, #tpu.memory_space<vmem>>
      %dma_start3A_334 = arith.constant 0 : i32
      %dma_start3A_335 = tpu.memref_slice %arg10[%add3A_7, %dma_start3A_334] : memref<10008x128xf32, #tpu.memory_space<vmem_shared>> -> memref<128x128xf32, #tpu.memory_space<vmem_shared>>
      %dma_start3A_336 = arith.constant 0 : i32
      %dma_start3A_337 = tpu.memref_slice %arg10[%add3A_7, %dma_start3A_336] : memref<10008x128xf32, #tpu.memory_space<vmem_shared>> -> memref<128x128xf32, #tpu.memory_space<vmem_shared>>
      %dma_start3A_338 = arith.constant 0 : i32
      %dma_start3A_339 = arith.constant 0 : i32
      %dma_start3A_340 = tpu.memref_slice %arg8[%dma_start3A_338, %dma_start3A_339] : memref<128x128xf32, #tpu.memory_space<vmem>> -> memref<128x128xf32, #tpu.memory_space<vmem>>
      tpu.enqueue_dma source(%dma_start3A_340 : memref<128x128xf32, #tpu.memory_space<vmem>>) target(%dma_start3A_337 : memref<128x128xf32, #tpu.memory_space<vmem_shared>>) target_semaphore(%run_scoped3A : memref<!tpu.dma_semaphore, #tpu.memory_space<semaphore_mem>>)
      %dma_wait3A_341 = arith.constant 0 : i32
      %dma_wait3A_342 = arith.constant 0 : i32
      %dma_wait3A_343 = tpu.memref_slice %arg8[%dma_wait3A_341, %dma_wait3A_342] : memref<128x128xf32, #tpu.memory_space<vmem>> -> memref<128x128xf32, #tpu.memory_space<vmem>>
      %dma_wait3A_344 = arith.constant 0 : i32
      %dma_wait3A_345 = tpu.memref_slice %arg10[%add3A_7, %dma_wait3A_344] : memref<10008x128xf32, #tpu.memory_space<vmem_shared>> -> memref<128x128xf32, #tpu.memory_space<vmem_shared>>
      %dma_wait3A_346 = arith.constant 0 : i32
      %dma_wait3A_347 = tpu.memref_slice %arg10[%add3A_7, %dma_wait3A_346] : memref<10008x128xf32, #tpu.memory_space<vmem_shared>> -> memref<128x128xf32, #tpu.memory_space<vmem_shared>>
      %dma_wait3A_348 = arith.constant 0 : i32
      %dma_wait3A_349 = arith.constant 0 : i32
      %dma_wait3A_350 = tpu.memref_slice %arg8[%dma_wait3A_348, %dma_wait3A_349] : memref<128x128xf32, #tpu.memory_space<vmem>> -> memref<128x128xf32, #tpu.memory_space<vmem>>
      tpu.wait_dma2 semaphore(%run_scoped3A : memref<!tpu.dma_semaphore, #tpu.memory_space<semaphore_mem>>) src(%dma_wait3A_350 : memref<128x128xf32, #tpu.memory_space<vmem>>) dst(%dma_wait3A_347 : memref<128x128xf32, #tpu.memory_space<vmem_shared>>)
      tpu.yield
    }) : () -> ()
    %add3A_8 = arith.constant 128 : i32
    %add3A_9 = arith.addi %mul3A_6, %add3A_8 : i32
    "tpu.region"() ({
      %run_scoped3A = tpu.sem_alloc : memref<!tpu.dma_semaphore, #tpu.memory_space<semaphore_mem>>
      %dma_start3A_331 = arith.constant 0 : i32
      %dma_start3A_332 = arith.constant 0 : i32
      %dma_start3A_333 = tpu.memref_slice %arg8[%dma_start3A_331, %dma_start3A_332] : memref<128x128xf32, #tpu.memory_space<vmem>> -> memref<128x128xf32, #tpu.memory_space<vmem>>
      %dma_start3A_334 = arith.constant 0 : i32
      %dma_start3A_335 = tpu.memref_slice %arg10[%add3A_9, %dma_start3A_334] : memref<10008x128xf32, #tpu.memory_space<vmem_shared>> -> memref<128x128xf32, #tpu.memory_space<vmem_shared>>
      %dma_start3A_336 = arith.constant 0 : i32
      %dma_start3A_337 = tpu.memref_slice %arg10[%add3A_9, %dma_start3A_336] : memref<10008x128xf32, #tpu.memory_space<vmem_shared>> -> memref<128x128xf32, #tpu.memory_space<vmem_shared>>
      %dma_start3A_338 = arith.constant 0 : i32
      %dma_start3A_339 = arith.constant 0 : i32
      %dma_start3A_340 = tpu.memref_slice %arg8[%dma_start3A_338, %dma_start3A_339] : memref<128x128xf32, #tpu.memory_space<vmem>> -> memref<128x128xf32, #tpu.memory_space<vmem>>
      tpu.enqueue_dma source(%dma_start3A_340 : memref<128x128xf32, #tpu.memory_space<vmem>>) target(%dma_start3A_337 : memref<128x128xf32, #tpu.memory_space<vmem_shared>>) target_semaphore(%run_scoped3A : memref<!tpu.dma_semaphore, #tpu.memory_space<semaphore_mem>>)
      %dma_wait3A_341 = arith.constant 0 : i32
      %dma_wait3A_342 = arith.constant 0 : i32
      %dma_wait3A_343 = tpu.memref_slice %arg8[%dma_wait3A_341, %dma_wait3A_342] : memref<128x128xf32, #tpu.memory_space<vmem>> -> memref<128x128xf32, #tpu.memory_space<vmem>>
      %dma_wait3A_344 = arith.constant 0 : i32
      %dma_wait3A_345 = tpu.memref_slice %arg10[%add3A_9, %dma_wait3A_344] : memref<10008x128xf32, #tpu.memory_space<vmem_shared>> -> memref<128x128xf32, #tpu.memory_space<vmem_shared>>
      %dma_wait3A_346 = arith.constant 0 : i32
      %dma_wait3A_347 = tpu.memref_slice %arg10[%add3A_9, %dma_wait3A_346] : memref<10008x128xf32, #tpu.memory_space<vmem_shared>> -> memref<128x128xf32, #tpu.memory_space<vmem_shared>>
      %dma_wait3A_348 = arith.constant 0 : i32
      %dma_wait3A_349 = arith.constant 0 : i32
      %dma_wait3A_350 = tpu.memref_slice %arg8[%dma_wait3A_348, %dma_wait3A_349] : memref<128x128xf32, #tpu.memory_space<vmem>> -> memref<128x128xf32, #tpu.memory_space<vmem>>
      tpu.wait_dma2 semaphore(%run_scoped3A : memref<!tpu.dma_semaphore, #tpu.memory_space<semaphore_mem>>) src(%dma_wait3A_350 : memref<128x128xf32, #tpu.memory_space<vmem>>) dst(%dma_wait3A_347 : memref<128x128xf32, #tpu.memory_space<vmem_shared>>)
      tpu.yield
    }) : () -> ()
    %add3A_10 = arith.constant 256 : i32
    %add3A_11 = arith.addi %mul3A_6, %add3A_10 : i32
    "tpu.region"() ({
      %run_scoped3A = tpu.sem_alloc : memref<!tpu.dma_semaphore, #tpu.memory_space<semaphore_mem>>
      %dma_start3A_331 = arith.constant 0 : i32
      %dma_start3A_332 = arith.constant 0 : i32
      %dma_start3A_333 = tpu.memref_slice %arg8[%dma_start3A_331, %dma_start3A_332] : memref<128x128xf32, #tpu.memory_space<vmem>> -> memref<128x128xf32, #tpu.memory_space<vmem>>
      %dma_start3A_334 = arith.constant 0 : i32
      %dma_start3A_335 = tpu.memref_slice %arg10[%add3A_11, %dma_start3A_334] : memref<10008x128xf32, #tpu.memory_space<vmem_shared>> -> memref<128x128xf32, #tpu.memory_space<vmem_shared>>
      %dma_start3A_336 = arith.constant 0 : i32
      %dma_start3A_337 = tpu.memref_slice %arg10[%add3A_11, %dma_start3A_336] : memref<10008x128xf32, #tpu.memory_space<vmem_shared>> -> memref<128x128xf32, #tpu.memory_space<vmem_shared>>
      %dma_start3A_338 = arith.constant 0 : i32
      %dma_start3A_339 = arith.constant 0 : i32
      %dma_start3A_340 = tpu.memref_slice %arg8[%dma_start3A_338, %dma_start3A_339] : memref<128x128xf32, #tpu.memory_space<vmem>> -> memref<128x128xf32, #tpu.memory_space<vmem>>
      tpu.enqueue_dma source(%dma_start3A_340 : memref<128x128xf32, #tpu.memory_space<vmem>>) target(%dma_start3A_337 : memref<128x128xf32, #tpu.memory_space<vmem_shared>>) target_semaphore(%run_scoped3A : memref<!tpu.dma_semaphore, #tpu.memory_space<semaphore_mem>>)
      %dma_wait3A_341 = arith.constant 0 : i32
      %dma_wait3A_342 = arith.constant 0 : i32
      %dma_wait3A_343 = tpu.memref_slice %arg8[%dma_wait3A_341, %dma_wait3A_342] : memref<128x128xf32, #tpu.memory_space<vmem>> -> memref<128x128xf32, #tpu.memory_space<vmem>>
      %dma_wait3A_344 = arith.constant 0 : i32
      %dma_wait3A_345 = tpu.memref_slice %arg10[%add3A_11, %dma_wait3A_344] : memref<10008x128xf32, #tpu.memory_space<vmem_shared>> -> memref<128x128xf32, #tpu.memory_space<vmem_shared>>
      %dma_wait3A_346 = arith.constant 0 : i32
      %dma_wait3A_347 = tpu.memref_slice %arg10[%add3A_11, %dma_wait3A_346] : memref<10008x128xf32, #tpu.memory_space<vmem_shared>> -> memref<128x128xf32, #tpu.memory_space<vmem_shared>>
      %dma_wait3A_348 = arith.constant 0 : i32
      %dma_wait3A_349 = arith.constant 0 : i32
      %dma_wait3A_350 = tpu.memref_slice %arg8[%dma_wait3A_348, %dma_wait3A_349] : memref<128x128xf32, #tpu.memory_space<vmem>> -> memref<128x128xf32, #tpu.memory_space<vmem>>
      tpu.wait_dma2 semaphore(%run_scoped3A : memref<!tpu.dma_semaphore, #tpu.memory_space<semaphore_mem>>) src(%dma_wait3A_350 : memref<128x128xf32, #tpu.memory_space<vmem>>) dst(%dma_wait3A_347 : memref<128x128xf32, #tpu.memory_space<vmem_shared>>)
      tpu.yield
    }) : () -> ()
    %add3A_12 = arith.constant 384 : i32
    %add3A_13 = arith.addi %mul3A_6, %add3A_12 : i32
    "tpu.region"() ({
      %run_scoped3A = tpu.sem_alloc : memref<!tpu.dma_semaphore, #tpu.memory_space<semaphore_mem>>
      %dma_start3A_331 = arith.constant 0 : i32
      %dma_start3A_332 = arith.constant 0 : i32
      %dma_start3A_333 = tpu.memref_slice %arg8[%dma_start3A_331, %dma_start3A_332] : memref<128x128xf32, #tpu.memory_space<vmem>> -> memref<128x128xf32, #tpu.memory_space<vmem>>
      %dma_start3A_334 = arith.constant 0 : i32
      %dma_start3A_335 = tpu.memref_slice %arg10[%add3A_13, %dma_start3A_334] : memref<10008x128xf32, #tpu.memory_space<vmem_shared>> -> memref<128x128xf32, #tpu.memory_space<vmem_shared>>
      %dma_start3A_336 = arith.constant 0 : i32
      %dma_start3A_337 = tpu.memref_slice %arg10[%add3A_13, %dma_start3A_336] : memref<10008x128xf32, #tpu.memory_space<vmem_shared>> -> memref<128x128xf32, #tpu.memory_space<vmem_shared>>
      %dma_start3A_338 = arith.constant 0 : i32
      %dma_start3A_339 = arith.constant 0 : i32
      %dma_start3A_340 = tpu.memref_slice %arg8[%dma_start3A_338, %dma_start3A_339] : memref<128x128xf32, #tpu.memory_space<vmem>> -> memref<128x128xf32, #tpu.memory_space<vmem>>
      tpu.enqueue_dma source(%dma_start3A_340 : memref<128x128xf32, #tpu.memory_space<vmem>>) target(%dma_start3A_337 : memref<128x128xf32, #tpu.memory_space<vmem_shared>>) target_semaphore(%run_scoped3A : memref<!tpu.dma_semaphore, #tpu.memory_space<semaphore_mem>>)
      %dma_wait3A_341 = arith.constant 0 : i32
      %dma_wait3A_342 = arith.constant 0 : i32
      %dma_wait3A_343 = tpu.memref_slice %arg8[%dma_wait3A_341, %dma_wait3A_342] : memref<128x128xf32, #tpu.memory_space<vmem>> -> memref<128x128xf32, #tpu.memory_space<vmem>>
      %dma_wait3A_344 = arith.constant 0 : i32
      %dma_wait3A_345 = tpu.memref_slice %arg10[%add3A_13, %dma_wait3A_344] : memref<10008x128xf32, #tpu.memory_space<vmem_shared>> -> memref<128x128xf32, #tpu.memory_space<vmem_shared>>
      %dma_wait3A_346 = arith.constant 0 : i32
      %dma_wait3A_347 = tpu.memref_slice %arg10[%add3A_13, %dma_wait3A_346] : memref<10008x128xf32, #tpu.memory_space<vmem_shared>> -> memref<128x128xf32, #tpu.memory_space<vmem_shared>>
      %dma_wait3A_348 = arith.constant 0 : i32
      %dma_wait3A_349 = arith.constant 0 : i32
      %dma_wait3A_350 = tpu.memref_slice %arg8[%dma_wait3A_348, %dma_wait3A_349] : memref<128x128xf32, #tpu.memory_space<vmem>> -> memref<128x128xf32, #tpu.memory_space<vmem>>
      tpu.wait_dma2 semaphore(%run_scoped3A : memref<!tpu.dma_semaphore, #tpu.memory_space<semaphore_mem>>) src(%dma_wait3A_350 : memref<128x128xf32, #tpu.memory_space<vmem>>) dst(%dma_wait3A_347 : memref<128x128xf32, #tpu.memory_space<vmem_shared>>)
      tpu.yield
    }) : () -> ()
    %add3A_14 = arith.constant 512 : i32
    %add3A_15 = arith.addi %mul3A_6, %add3A_14 : i32
    "tpu.region"() ({
      %run_scoped3A = tpu.sem_alloc : memref<!tpu.dma_semaphore, #tpu.memory_space<semaphore_mem>>
      %dma_start3A_331 = arith.constant 0 : i32
      %dma_start3A_332 = arith.constant 0 : i32
      %dma_start3A_333 = tpu.memref_slice %arg8[%dma_start3A_331, %dma_start3A_332] : memref<128x128xf32, #tpu.memory_space<vmem>> -> memref<112x128xf32, #tpu.memory_space<vmem>>
      %dma_start3A_334 = arith.constant 0 : i32
      %dma_start3A_335 = tpu.memref_slice %arg10[%add3A_15, %dma_start3A_334] : memref<10008x128xf32, #tpu.memory_space<vmem_shared>> -> memref<112x128xf32, #tpu.memory_space<vmem_shared>>
      %dma_start3A_336 = arith.constant 0 : i32
      %dma_start3A_337 = tpu.memref_slice %arg10[%add3A_15, %dma_start3A_336] : memref<10008x128xf32, #tpu.memory_space<vmem_shared>> -> memref<112x128xf32, #tpu.memory_space<vmem_shared>>
      %dma_start3A_338 = arith.constant 0 : i32
      %dma_start3A_339 = arith.constant 0 : i32
      %dma_start3A_340 = tpu.memref_slice %arg8[%dma_start3A_338, %dma_start3A_339] : memref<128x128xf32, #tpu.memory_space<vmem>> -> memref<112x128xf32, #tpu.memory_space<vmem>>
      tpu.enqueue_dma source(%dma_start3A_340 : memref<112x128xf32, #tpu.memory_space<vmem>>) target(%dma_start3A_337 : memref<112x128xf32, #tpu.memory_space<vmem_shared>>) target_semaphore(%run_scoped3A : memref<!tpu.dma_semaphore, #tpu.memory_space<semaphore_mem>>)
      %dma_wait3A_341 = arith.constant 0 : i32
      %dma_wait3A_342 = arith.constant 0 : i32
      %dma_wait3A_343 = tpu.memref_slice %arg8[%dma_wait3A_341, %dma_wait3A_342] : memref<128x128xf32, #tpu.memory_space<vmem>> -> memref<112x128xf32, #tpu.memory_space<vmem>>
      %dma_wait3A_344 = arith.constant 0 : i32
      %dma_wait3A_345 = tpu.memref_slice %arg10[%add3A_15, %dma_wait3A_344] : memref<10008x128xf32, #tpu.memory_space<vmem_shared>> -> memref<112x128xf32, #tpu.memory_space<vmem_shared>>
      %dma_wait3A_346 = arith.constant 0 : i32
      %dma_wait3A_347 = tpu.memref_slice %arg10[%add3A_15, %dma_wait3A_346] : memref<10008x128xf32, #tpu.memory_space<vmem_shared>> -> memref<112x128xf32, #tpu.memory_space<vmem_shared>>
      %dma_wait3A_348 = arith.constant 0 : i32
      %dma_wait3A_349 = arith.constant 0 : i32
      %dma_wait3A_350 = tpu.memref_slice %arg8[%dma_wait3A_348, %dma_wait3A_349] : memref<128x128xf32, #tpu.memory_space<vmem>> -> memref<112x128xf32, #tpu.memory_space<vmem>>
      tpu.wait_dma2 semaphore(%run_scoped3A : memref<!tpu.dma_semaphore, #tpu.memory_space<semaphore_mem>>) src(%dma_wait3A_350 : memref<112x128xf32, #tpu.memory_space<vmem>>) dst(%dma_wait3A_347 : memref<112x128xf32, #tpu.memory_space<vmem_shared>>)
      tpu.yield
    }) : () -> ()
    %eq3A = arith.constant 0 : i32
    %eq3A_16 = arith.cmpi eq, %arg1, %eq3A : i32
    %convert_element_type3A = arith.extui %eq3A_16 : i1 to i32
    %cond3A = arith.constant 0 : i32
    %cond3A_17 = arith.cmpi ne, %convert_element_type3A, %cond3A : i32
    scf.if %cond3A_17 {
      "tpu.region"() ({
        %run_scoped3A = tpu.sem_alloc : memref<!tpu.dma_semaphore, #tpu.memory_space<semaphore_mem>>
        %dma_start3A_331 = arith.constant 0 : i32
        %dma_start3A_332 = arith.constant 0 : i32
        %dma_start3A_333 = tpu.memref_slice %arg8[%dma_start3A_331, %dma_start3A_332] : memref<128x128xf32, #tpu.memory_space<vmem>> -> memref<16x128xf32, #tpu.memory_space<vmem>>
        %dma_start3A_334 = arith.constant 9984 : i32
        %dma_start3A_335 = arith.constant 0 : i32
        %dma_start3A_336 = tpu.memref_slice %arg10[%dma_start3A_334, %dma_start3A_335] : memref<10008x128xf32, #tpu.memory_space<vmem_shared>> -> memref<16x128xf32, #tpu.memory_space<vmem_shared>>
        %dma_start3A_337 = arith.constant 9984 : i32
        %dma_start3A_338 = arith.constant 0 : i32
        %dma_start3A_339 = tpu.memref_slice %arg10[%dma_start3A_337, %dma_start3A_338] : memref<10008x128xf32, #tpu.memory_space<vmem_shared>> -> memref<16x128xf32, #tpu.memory_space<vmem_shared>>
        %dma_start3A_340 = arith.constant 0 : i32
        %dma_start3A_341 = arith.constant 0 : i32
        %dma_start3A_342 = tpu.memref_slice %arg8[%dma_start3A_340, %dma_start3A_341] : memref<128x128xf32, #tpu.memory_space<vmem>> -> memref<16x128xf32, #tpu.memory_space<vmem>>
        tpu.enqueue_dma source(%dma_start3A_342 : memref<16x128xf32, #tpu.memory_space<vmem>>) target(%dma_start3A_339 : memref<16x128xf32, #tpu.memory_space<vmem_shared>>) target_semaphore(%run_scoped3A : memref<!tpu.dma_semaphore, #tpu.memory_space<semaphore_mem>>)
        %dma_wait3A_343 = arith.constant 0 : i32
        %dma_wait3A_344 = arith.constant 0 : i32
        %dma_wait3A_345 = tpu.memref_slice %arg8[%dma_wait3A_343, %dma_wait3A_344] : memref<128x128xf32, #tpu.memory_space<vmem>> -> memref<16x128xf32, #tpu.memory_space<vmem>>
        %dma_wait3A_346 = arith.constant 9984 : i32
        %dma_wait3A_347 = arith.constant 0 : i32
        %dma_wait3A_348 = tpu.memref_slice %arg10[%dma_wait3A_346, %dma_wait3A_347] : memref<10008x128xf32, #tpu.memory_space<vmem_shared>> -> memref<16x128xf32, #tpu.memory_space<vmem_shared>>
        %dma_wait3A_349 = arith.constant 9984 : i32
        %dma_wait3A_350 = arith.constant 0 : i32
        %dma_wait3A_351 = tpu.memref_slice %arg10[%dma_wait3A_349, %dma_wait3A_350] : memref<10008x128xf32, #tpu.memory_space<vmem_shared>> -> memref<16x128xf32, #tpu.memory_space<vmem_shared>>
        %dma_wait3A_352 = arith.constant 0 : i32
        %dma_wait3A_353 = arith.constant 0 : i32
        %dma_wait3A_354 = tpu.memref_slice %arg8[%dma_wait3A_352, %dma_wait3A_353] : memref<128x128xf32, #tpu.memory_space<vmem>> -> memref<16x128xf32, #tpu.memory_space<vmem>>
        tpu.wait_dma2 semaphore(%run_scoped3A : memref<!tpu.dma_semaphore, #tpu.memory_space<semaphore_mem>>) src(%dma_wait3A_354 : memref<16x128xf32, #tpu.memory_space<vmem>>) dst(%dma_wait3A_351 : memref<16x128xf32, #tpu.memory_space<vmem_shared>>)
        tpu.yield
      }) : () -> ()
    } else {
    }
    %barrier3A = arith.constant 0 : index
    tpu.barrier barrier_id(%barrier3A)
    %mul3A_18 = arith.constant 1280 : i32
    %mul3A_19 = arith.muli %arg0, %mul3A_18 : i32
    %mul3A_20 = arith.constant 80 : i32
    %mul3A_21 = arith.muli %arg1, %mul3A_20 : i32
    %add3A_22 = arith.addi %mul3A_19, %mul3A_21 : i32
    %add3A_23 = arith.constant 0 : i32
    %add3A_24 = arith.addi %add3A_22, %add3A_23 : i32
    "tpu.region"() ({
      %run_scoped3A = tpu.sem_alloc : memref<!tpu.dma_semaphore, #tpu.memory_space<semaphore_mem>>
      %dma_start3A_331 = arith.constant 0 : i32
      %dma_start3A_332 = tpu.memref_slice %arg3[%add3A_24, %dma_start3A_331] : memref<2560x128xi32, #tpu.memory_space<hbm>> -> memref<40x128xi32, #tpu.memory_space<hbm>>
      %dma_start3A_333 = arith.constant 0 : i32
      %dma_start3A_334 = tpu.memref_slice %arg3[%add3A_24, %dma_start3A_333] : memref<2560x128xi32, #tpu.memory_space<hbm>> -> memref<40x128xi32, #tpu.memory_space<hbm>>
      tpu.enqueue_dma source(%dma_start3A_334 : memref<40x128xi32, #tpu.memory_space<hbm>>) target(%arg6 : memref<40x128xi32, #tpu.memory_space<vmem>>) target_semaphore(%run_scoped3A : memref<!tpu.dma_semaphore, #tpu.memory_space<semaphore_mem>>)
      %dma_wait3A_335 = arith.constant 0 : i32
      %dma_wait3A_336 = tpu.memref_slice %arg3[%add3A_24, %dma_wait3A_335] : memref<2560x128xi32, #tpu.memory_space<hbm>> -> memref<40x128xi32, #tpu.memory_space<hbm>>
      %dma_wait3A_337 = arith.constant 0 : i32
      %dma_wait3A_338 = tpu.memref_slice %arg3[%add3A_24, %dma_wait3A_337] : memref<2560x128xi32, #tpu.memory_space<hbm>> -> memref<40x128xi32, #tpu.memory_space<hbm>>
      tpu.wait_dma2 semaphore(%run_scoped3A : memref<!tpu.dma_semaphore, #tpu.memory_space<semaphore_mem>>) src(%dma_wait3A_338 : memref<40x128xi32, #tpu.memory_space<hbm>>) dst(%arg6 : memref<40x128xi32, #tpu.memory_space<vmem>>)
      tpu.yield
    }) : () -> ()
    "tpu.region"() ({
      %run_scoped3A = tpu.sem_alloc : memref<!tpu.dma_semaphore, #tpu.memory_space<semaphore_mem>>
      %dma_start3A_331 = arith.constant 0 : i32
      %dma_start3A_332 = tpu.memref_slice %arg4[%add3A_24, %dma_start3A_331] : memref<2560x128xi32, #tpu.memory_space<hbm>> -> memref<40x128xi32, #tpu.memory_space<hbm>>
      %dma_start3A_333 = arith.constant 0 : i32
      %dma_start3A_334 = tpu.memref_slice %arg4[%add3A_24, %dma_start3A_333] : memref<2560x128xi32, #tpu.memory_space<hbm>> -> memref<40x128xi32, #tpu.memory_space<hbm>>
      tpu.enqueue_dma source(%dma_start3A_334 : memref<40x128xi32, #tpu.memory_space<hbm>>) target(%arg7 : memref<40x128xi32, #tpu.memory_space<vmem>>) target_semaphore(%run_scoped3A : memref<!tpu.dma_semaphore, #tpu.memory_space<semaphore_mem>>)
      %dma_wait3A_335 = arith.constant 0 : i32
      %dma_wait3A_336 = tpu.memref_slice %arg4[%add3A_24, %dma_wait3A_335] : memref<2560x128xi32, #tpu.memory_space<hbm>> -> memref<40x128xi32, #tpu.memory_space<hbm>>
      %dma_wait3A_337 = arith.constant 0 : i32
      %dma_wait3A_338 = tpu.memref_slice %arg4[%add3A_24, %dma_wait3A_337] : memref<2560x128xi32, #tpu.memory_space<hbm>> -> memref<40x128xi32, #tpu.memory_space<hbm>>
      tpu.wait_dma2 semaphore(%run_scoped3A : memref<!tpu.dma_semaphore, #tpu.memory_space<semaphore_mem>>) src(%dma_wait3A_338 : memref<40x128xi32, #tpu.memory_space<hbm>>) dst(%arg7 : memref<40x128xi32, #tpu.memory_space<vmem>>)
      tpu.yield
    }) : () -> ()
    %dma_start3A = arith.constant 0 : i32
    %dma_start3A_25 = arith.constant 0 : i32
    %dma_start3A_26 = tpu.memref_slice %arg6[%dma_start3A, %dma_start3A_25] : memref<40x128xi32, #tpu.memory_space<vmem>> -> memref<1x128xi32, #tpu.memory_space<vmem>>
    %dma_start3A_27 = tpu.memref_squeeze %dma_start3A_26 : memref<1x128xi32, #tpu.memory_space<vmem>> -> memref<128xi32, #tpu.memory_space<vmem>>
    %dma_start3A_28 = arith.constant 0 : i32
    %dma_start3A_29 = arith.constant 0 : i32
    %dma_start3A_30 = tpu.memref_slice %arg2[%dma_start3A_28, %dma_start3A_29] : memref<10000x128xf32, #tpu.memory_space<hbm>> -> memref<10000x128xf32, #tpu.memory_space<hbm>>
    tpu.enqueue_indirect_dma source(%dma_start3A_30 : memref<10000x128xf32, #tpu.memory_space<hbm>>) target(%arg8 : memref<128x128xf32, #tpu.memory_space<vmem>>) offsets(%dma_start3A_27 : memref<128xi32, #tpu.memory_space<vmem>>) semaphore(%arg11 : memref<!tpu.dma_semaphore, #tpu.memory_space<semaphore_mem>>)
    %scan3A_31 = arith.constant 0 : i32
    %scan3A_32 = arith.constant 0 : i32
    %scan3A_33 = arith.constant 20 : i32
    %scan3A_34 = arith.addi %scan3A_32, %scan3A_33 : i32
    %scan3A_35 = arith.constant 1 : i32
    scf.for %scan3A_331 = %scan3A_32 to %scan3A_34 step %scan3A_35  : i32 {
      %mul3A_332 = arith.constant 2 : i32
      %mul3A_333 = arith.muli %scan3A_331, %mul3A_332 : i32
      %gt3A = arith.constant 0 : i32
      %gt3A_334 = arith.cmpi sgt, %scan3A_331, %gt3A : i32
      %convert_element_type3A_335 = arith.extui %gt3A_334 : i1 to i32
      %cond3A_336 = arith.constant 0 : i32
      %cond3A_337 = arith.cmpi ne, %convert_element_type3A_335, %cond3A_336 : i32
      scf.if %cond3A_337 {
        %dma_wait3A_385 = arith.constant 0 : i32
        %dma_wait3A_386 = arith.constant 0 : i32
        %dma_wait3A_387 = tpu.memref_slice %arg7[%dma_wait3A_385, %dma_wait3A_386] : memref<40x128xi32, #tpu.memory_space<vmem>> -> memref<1x128xi32, #tpu.memory_space<vmem>>
        %dma_wait3A_388 = tpu.memref_squeeze %dma_wait3A_387 : memref<1x128xi32, #tpu.memory_space<vmem>> -> memref<128xi32, #tpu.memory_space<vmem>>
        %dma_wait3A_389 = arith.constant 0 : i32
        %dma_wait3A_390 = arith.constant 0 : i32
        %dma_wait3A_391 = tpu.memref_slice %arg10[%dma_wait3A_389, %dma_wait3A_390] : memref<10008x128xf32, #tpu.memory_space<vmem_shared>> -> memref<10008x128xf32, #tpu.memory_space<vmem_shared>>
        tpu.wait_indirect_dma semaphore(%arg14 : memref<!tpu.dma_semaphore, #tpu.memory_space<semaphore_mem>>) src(%arg9 : memref<128x128xf32, #tpu.memory_space<vmem>>) dst(%dma_wait3A_391 : memref<10008x128xf32, #tpu.memory_space<vmem_shared>>)
      } else {
      }
      %add3A_338 = arith.constant 1 : i32
      %add3A_339 = arith.addi %mul3A_333, %add3A_338 : i32
      %dma_start3A_340 = arith.constant 0 : i32
      %dma_start3A_341 = tpu.memref_slice %arg6[%add3A_339, %dma_start3A_340] : memref<40x128xi32, #tpu.memory_space<vmem>> -> memref<1x128xi32, #tpu.memory_space<vmem>>
      %dma_start3A_342 = tpu.memref_squeeze %dma_start3A_341 : memref<1x128xi32, #tpu.memory_space<vmem>> -> memref<128xi32, #tpu.memory_space<vmem>>
      %dma_start3A_343 = arith.constant 0 : i32
      %dma_start3A_344 = arith.constant 0 : i32
      %dma_start3A_345 = tpu.memref_slice %arg2[%dma_start3A_343, %dma_start3A_344] : memref<10000x128xf32, #tpu.memory_space<hbm>> -> memref<10000x128xf32, #tpu.memory_space<hbm>>
      tpu.enqueue_indirect_dma source(%dma_start3A_345 : memref<10000x128xf32, #tpu.memory_space<hbm>>) target(%arg9 : memref<128x128xf32, #tpu.memory_space<vmem>>) offsets(%dma_start3A_342 : memref<128xi32, #tpu.memory_space<vmem>>) semaphore(%arg12 : memref<!tpu.dma_semaphore, #tpu.memory_space<semaphore_mem>>)
      %dma_wait3A_346 = arith.constant 0 : i32
      %dma_wait3A_347 = arith.constant 0 : i32
      %dma_wait3A_348 = tpu.memref_slice %arg6[%dma_wait3A_346, %dma_wait3A_347] : memref<40x128xi32, #tpu.memory_space<vmem>> -> memref<1x128xi32, #tpu.memory_space<vmem>>
      %dma_wait3A_349 = tpu.memref_squeeze %dma_wait3A_348 : memref<1x128xi32, #tpu.memory_space<vmem>> -> memref<128xi32, #tpu.memory_space<vmem>>
      %dma_wait3A_350 = arith.constant 0 : i32
      %dma_wait3A_351 = arith.constant 0 : i32
      %dma_wait3A_352 = tpu.memref_slice %arg2[%dma_wait3A_350, %dma_wait3A_351] : memref<10000x128xf32, #tpu.memory_space<hbm>> -> memref<10000x128xf32, #tpu.memory_space<hbm>>
      tpu.wait_indirect_dma semaphore(%arg11 : memref<!tpu.dma_semaphore, #tpu.memory_space<semaphore_mem>>) src(%dma_wait3A_352 : memref<10000x128xf32, #tpu.memory_space<hbm>>) dst(%arg8 : memref<128x128xf32, #tpu.memory_space<vmem>>)
      %dma_start3A_353 = arith.constant 0 : i32
      %dma_start3A_354 = tpu.memref_slice %arg7[%mul3A_333, %dma_start3A_353] : memref<40x128xi32, #tpu.memory_space<vmem>> -> memref<1x128xi32, #tpu.memory_space<vmem>>
      %dma_start3A_355 = tpu.memref_squeeze %dma_start3A_354 : memref<1x128xi32, #tpu.memory_space<vmem>> -> memref<128xi32, #tpu.memory_space<vmem>>
      %dma_start3A_356 = arith.constant 0 : i32
      %dma_start3A_357 = arith.constant 0 : i32
      %dma_start3A_358 = tpu.memref_slice %arg10[%dma_start3A_356, %dma_start3A_357] : memref<10008x128xf32, #tpu.memory_space<vmem_shared>> -> memref<10008x128xf32, #tpu.memory_space<vmem_shared>>
      tpu.enqueue_indirect_dma source(%arg8 : memref<128x128xf32, #tpu.memory_space<vmem>>) target(%dma_start3A_358 : memref<10008x128xf32, #tpu.memory_space<vmem_shared>>) offsets(%dma_start3A_355 : memref<128xi32, #tpu.memory_space<vmem>>) semaphore(%arg13 : memref<!tpu.dma_semaphore, #tpu.memory_space<semaphore_mem>>) {add = true}
      %dma_wait3A_359 = arith.constant 0 : i32
      %dma_wait3A_360 = arith.constant 0 : i32
      %dma_wait3A_361 = tpu.memref_slice %arg7[%dma_wait3A_359, %dma_wait3A_360] : memref<40x128xi32, #tpu.memory_space<vmem>> -> memref<1x128xi32, #tpu.memory_space<vmem>>
      %dma_wait3A_362 = tpu.memref_squeeze %dma_wait3A_361 : memref<1x128xi32, #tpu.memory_space<vmem>> -> memref<128xi32, #tpu.memory_space<vmem>>
      %dma_wait3A_363 = arith.constant 0 : i32
      %dma_wait3A_364 = arith.constant 0 : i32
      %dma_wait3A_365 = tpu.memref_slice %arg10[%dma_wait3A_363, %dma_wait3A_364] : memref<10008x128xf32, #tpu.memory_space<vmem_shared>> -> memref<10008x128xf32, #tpu.memory_space<vmem_shared>>
      tpu.wait_indirect_dma semaphore(%arg13 : memref<!tpu.dma_semaphore, #tpu.memory_space<semaphore_mem>>) src(%arg8 : memref<128x128xf32, #tpu.memory_space<vmem>>) dst(%dma_wait3A_365 : memref<10008x128xf32, #tpu.memory_space<vmem_shared>>)
      %lt3A = arith.constant 19 : i32
      %lt3A_366 = arith.cmpi slt, %scan3A_331, %lt3A : i32
      %convert_element_type3A_367 = arith.extui %lt3A_366 : i1 to i32
      %cond3A_368 = arith.constant 0 : i32
      %cond3A_369 = arith.cmpi ne, %convert_element_type3A_367, %cond3A_368 : i32
      scf.if %cond3A_369 {
        %add3A_385 = arith.constant 2 : i32
        %add3A_386 = arith.addi %mul3A_333, %add3A_385 : i32
        %dma_start3A_387 = arith.constant 0 : i32
        %dma_start3A_388 = tpu.memref_slice %arg6[%add3A_386, %dma_start3A_387] : memref<40x128xi32, #tpu.memory_space<vmem>> -> memref<1x128xi32, #tpu.memory_space<vmem>>
        %dma_start3A_389 = tpu.memref_squeeze %dma_start3A_388 : memref<1x128xi32, #tpu.memory_space<vmem>> -> memref<128xi32, #tpu.memory_space<vmem>>
        %dma_start3A_390 = arith.constant 0 : i32
        %dma_start3A_391 = arith.constant 0 : i32
        %dma_start3A_392 = tpu.memref_slice %arg2[%dma_start3A_390, %dma_start3A_391] : memref<10000x128xf32, #tpu.memory_space<hbm>> -> memref<10000x128xf32, #tpu.memory_space<hbm>>
        tpu.enqueue_indirect_dma source(%dma_start3A_392 : memref<10000x128xf32, #tpu.memory_space<hbm>>) target(%arg8 : memref<128x128xf32, #tpu.memory_space<vmem>>) offsets(%dma_start3A_389 : memref<128xi32, #tpu.memory_space<vmem>>) semaphore(%arg11 : memref<!tpu.dma_semaphore, #tpu.memory_space<semaphore_mem>>)
      } else {
      }
      %dma_wait3A_370 = arith.constant 0 : i32
      %dma_wait3A_371 = arith.constant 0 : i32
      %dma_wait3A_372 = tpu.memref_slice %arg6[%dma_wait3A_370, %dma_wait3A_371] : memref<40x128xi32, #tpu.memory_space<vmem>> -> memref<1x128xi32, #tpu.memory_space<vmem>>
      %dma_wait3A_373 = tpu.memref_squeeze %dma_wait3A_372 : memref<1x128xi32, #tpu.memory_space<vmem>> -> memref<128xi32, #tpu.memory_space<vmem>>
      %dma_wait3A_374 = arith.constant 0 : i32
      %dma_wait3A_375 = arith.constant 0 : i32
      %dma_wait3A_376 = tpu.memref_slice %arg2[%dma_wait3A_374, %dma_wait3A_375] : memref<10000x128xf32, #tpu.memory_space<hbm>> -> memref<10000x128xf32, #tpu.memory_space<hbm>>
      tpu.wait_indirect_dma semaphore(%arg12 : memref<!tpu.dma_semaphore, #tpu.memory_space<semaphore_mem>>) src(%dma_wait3A_376 : memref<10000x128xf32, #tpu.memory_space<hbm>>) dst(%arg9 : memref<128x128xf32, #tpu.memory_space<vmem>>)
      %add3A_377 = arith.constant 1 : i32
      %add3A_378 = arith.addi %mul3A_333, %add3A_377 : i32
      %dma_start3A_379 = arith.constant 0 : i32
      %dma_start3A_380 = tpu.memref_slice %arg7[%add3A_378, %dma_start3A_379] : memref<40x128xi32, #tpu.memory_space<vmem>> -> memref<1x128xi32, #tpu.memory_space<vmem>>
      %dma_start3A_381 = tpu.memref_squeeze %dma_start3A_380 : memref<1x128xi32, #tpu.memory_space<vmem>> -> memref<128xi32, #tpu.memory_space<vmem>>
      %dma_start3A_382 = arith.constant 0 : i32
      %dma_start3A_383 = arith.constant 0 : i32
      %dma_start3A_384 = tpu.memref_slice %arg10[%dma_start3A_382, %dma_start3A_383] : memref<10008x128xf32, #tpu.memory_space<vmem_shared>> -> memref<10008x128xf32, #tpu.memory_space<vmem_shared>>
      tpu.enqueue_indirect_dma source(%arg9 : memref<128x128xf32, #tpu.memory_space<vmem>>) target(%dma_start3A_384 : memref<10008x128xf32, #tpu.memory_space<vmem_shared>>) offsets(%dma_start3A_381 : memref<128xi32, #tpu.memory_space<vmem>>) semaphore(%arg14 : memref<!tpu.dma_semaphore, #tpu.memory_space<semaphore_mem>>) {add = true}
    }
    %scan3A_36 = arith.constant 20 : i32
    %dma_wait3A = arith.constant 0 : i32
    %dma_wait3A_37 = arith.constant 0 : i32
    %dma_wait3A_38 = tpu.memref_slice %arg7[%dma_wait3A, %dma_wait3A_37] : memref<40x128xi32, #tpu.memory_space<vmem>> -> memref<1x128xi32, #tpu.memory_space<vmem>>
    %dma_wait3A_39 = tpu.memref_squeeze %dma_wait3A_38 : memref<1x128xi32, #tpu.memory_space<vmem>> -> memref<128xi32, #tpu.memory_space<vmem>>
    %dma_wait3A_40 = arith.constant 0 : i32
    %dma_wait3A_41 = arith.constant 0 : i32
    %dma_wait3A_42 = tpu.memref_slice %arg10[%dma_wait3A_40, %dma_wait3A_41] : memref<10008x128xf32, #tpu.memory_space<vmem_shared>> -> memref<10008x128xf32, #tpu.memory_space<vmem_shared>>
    tpu.wait_indirect_dma semaphore(%arg14 : memref<!tpu.dma_semaphore, #tpu.memory_space<semaphore_mem>>) src(%arg9 : memref<128x128xf32, #tpu.memory_space<vmem>>) dst(%dma_wait3A_42 : memref<10008x128xf32, #tpu.memory_space<vmem_shared>>)
    %add3A_43 = arith.constant 40 : i32
    %add3A_44 = arith.addi %add3A_22, %add3A_43 : i32
    "tpu.region"() ({
      %run_scoped3A = tpu.sem_alloc : memref<!tpu.dma_semaphore, #tpu.memory_space<semaphore_mem>>
      %dma_start3A_331 = arith.constant 0 : i32
      %dma_start3A_332 = tpu.memref_slice %arg3[%add3A_44, %dma_start3A_331] : memref<2560x128xi32, #tpu.memory_space<hbm>> -> memref<40x128xi32, #tpu.memory_space<hbm>>
      %dma_start3A_333 = arith.constant 0 : i32
      %dma_start3A_334 = tpu.memref_slice %arg3[%add3A_44, %dma_start3A_333] : memref<2560x128xi32, #tpu.memory_space<hbm>> -> memref<40x128xi32, #tpu.memory_space<hbm>>
      tpu.enqueue_dma source(%dma_start3A_334 : memref<40x128xi32, #tpu.memory_space<hbm>>) target(%arg6 : memref<40x128xi32, #tpu.memory_space<vmem>>) target_semaphore(%run_scoped3A : memref<!tpu.dma_semaphore, #tpu.memory_space<semaphore_mem>>)
      %dma_wait3A_335 = arith.constant 0 : i32
      %dma_wait3A_336 = tpu.memref_slice %arg3[%add3A_44, %dma_wait3A_335] : memref<2560x128xi32, #tpu.memory_space<hbm>> -> memref<40x128xi32, #tpu.memory_space<hbm>>
      %dma_wait3A_337 = arith.constant 0 : i32
      %dma_wait3A_338 = tpu.memref_slice %arg3[%add3A_44, %dma_wait3A_337] : memref<2560x128xi32, #tpu.memory_space<hbm>> -> memref<40x128xi32, #tpu.memory_space<hbm>>
      tpu.wait_dma2 semaphore(%run_scoped3A : memref<!tpu.dma_semaphore, #tpu.memory_space<semaphore_mem>>) src(%dma_wait3A_338 : memref<40x128xi32, #tpu.memory_space<hbm>>) dst(%arg6 : memref<40x128xi32, #tpu.memory_space<vmem>>)
      tpu.yield
    }) : () -> ()
    "tpu.region"() ({
      %run_scoped3A = tpu.sem_alloc : memref<!tpu.dma_semaphore, #tpu.memory_space<semaphore_mem>>
      %dma_start3A_331 = arith.constant 0 : i32
      %dma_start3A_332 = tpu.memref_slice %arg4[%add3A_44, %dma_start3A_331] : memref<2560x128xi32, #tpu.memory_space<hbm>> -> memref<40x128xi32, #tpu.memory_space<hbm>>
      %dma_start3A_333 = arith.constant 0 : i32
      %dma_start3A_334 = tpu.memref_slice %arg4[%add3A_44, %dma_start3A_333] : memref<2560x128xi32, #tpu.memory_space<hbm>> -> memref<40x128xi32, #tpu.memory_space<hbm>>
      tpu.enqueue_dma source(%dma_start3A_334 : memref<40x128xi32, #tpu.memory_space<hbm>>) target(%arg7 : memref<40x128xi32, #tpu.memory_space<vmem>>) target_semaphore(%run_scoped3A : memref<!tpu.dma_semaphore, #tpu.memory_space<semaphore_mem>>)
      %dma_wait3A_335 = arith.constant 0 : i32
      %dma_wait3A_336 = tpu.memref_slice %arg4[%add3A_44, %dma_wait3A_335] : memref<2560x128xi32, #tpu.memory_space<hbm>> -> memref<40x128xi32, #tpu.memory_space<hbm>>
      %dma_wait3A_337 = arith.constant 0 : i32
      %dma_wait3A_338 = tpu.memref_slice %arg4[%add3A_44, %dma_wait3A_337] : memref<2560x128xi32, #tpu.memory_space<hbm>> -> memref<40x128xi32, #tpu.memory_space<hbm>>
      tpu.wait_dma2 semaphore(%run_scoped3A : memref<!tpu.dma_semaphore, #tpu.memory_space<semaphore_mem>>) src(%dma_wait3A_338 : memref<40x128xi32, #tpu.memory_space<hbm>>) dst(%arg7 : memref<40x128xi32, #tpu.memory_space<vmem>>)
      tpu.yield
    }) : () -> ()
    %dma_start3A_45 = arith.constant 0 : i32
    %dma_start3A_46 = arith.constant 0 : i32
    %dma_start3A_47 = tpu.memref_slice %arg6[%dma_start3A_45, %dma_start3A_46] : memref<40x128xi32, #tpu.memory_space<vmem>> -> memref<1x128xi32, #tpu.memory_space<vmem>>
    %dma_start3A_48 = tpu.memref_squeeze %dma_start3A_47 : memref<1x128xi32, #tpu.memory_space<vmem>> -> memref<128xi32, #tpu.memory_space<vmem>>
    %dma_start3A_49 = arith.constant 0 : i32
    %dma_start3A_50 = arith.constant 0 : i32
    %dma_start3A_51 = tpu.memref_slice %arg2[%dma_start3A_49, %dma_start3A_50] : memref<10000x128xf32, #tpu.memory_space<hbm>> -> memref<10000x128xf32, #tpu.memory_space<hbm>>
    tpu.enqueue_indirect_dma source(%dma_start3A_51 : memref<10000x128xf32, #tpu.memory_space<hbm>>) target(%arg8 : memref<128x128xf32, #tpu.memory_space<vmem>>) offsets(%dma_start3A_48 : memref<128xi32, #tpu.memory_space<vmem>>) semaphore(%arg11 : memref<!tpu.dma_semaphore, #tpu.memory_space<semaphore_mem>>)
    %scan3A_52 = arith.constant 0 : i32
    %scan3A_53 = arith.constant 0 : i32
    %scan3A_54 = arith.constant 20 : i32
    %scan3A_55 = arith.addi %scan3A_53, %scan3A_54 : i32
    %scan3A_56 = arith.constant 1 : i32
    scf.for %scan3A_331 = %scan3A_53 to %scan3A_55 step %scan3A_56  : i32 {
      %mul3A_332 = arith.constant 2 : i32
      %mul3A_333 = arith.muli %scan3A_331, %mul3A_332 : i32
      %gt3A = arith.constant 0 : i32
      %gt3A_334 = arith.cmpi sgt, %scan3A_331, %gt3A : i32
      %convert_element_type3A_335 = arith.extui %gt3A_334 : i1 to i32
      %cond3A_336 = arith.constant 0 : i32
      %cond3A_337 = arith.cmpi ne, %convert_element_type3A_335, %cond3A_336 : i32
      scf.if %cond3A_337 {
        %dma_wait3A_385 = arith.constant 0 : i32
        %dma_wait3A_386 = arith.constant 0 : i32
        %dma_wait3A_387 = tpu.memref_slice %arg7[%dma_wait3A_385, %dma_wait3A_386] : memref<40x128xi32, #tpu.memory_space<vmem>> -> memref<1x128xi32, #tpu.memory_space<vmem>>
        %dma_wait3A_388 = tpu.memref_squeeze %dma_wait3A_387 : memref<1x128xi32, #tpu.memory_space<vmem>> -> memref<128xi32, #tpu.memory_space<vmem>>
        %dma_wait3A_389 = arith.constant 0 : i32
        %dma_wait3A_390 = arith.constant 0 : i32
        %dma_wait3A_391 = tpu.memref_slice %arg10[%dma_wait3A_389, %dma_wait3A_390] : memref<10008x128xf32, #tpu.memory_space<vmem_shared>> -> memref<10008x128xf32, #tpu.memory_space<vmem_shared>>
        tpu.wait_indirect_dma semaphore(%arg14 : memref<!tpu.dma_semaphore, #tpu.memory_space<semaphore_mem>>) src(%arg9 : memref<128x128xf32, #tpu.memory_space<vmem>>) dst(%dma_wait3A_391 : memref<10008x128xf32, #tpu.memory_space<vmem_shared>>)
      } else {
      }
      %add3A_338 = arith.constant 1 : i32
      %add3A_339 = arith.addi %mul3A_333, %add3A_338 : i32
      %dma_start3A_340 = arith.constant 0 : i32
      %dma_start3A_341 = tpu.memref_slice %arg6[%add3A_339, %dma_start3A_340] : memref<40x128xi32, #tpu.memory_space<vmem>> -> memref<1x128xi32, #tpu.memory_space<vmem>>
      %dma_start3A_342 = tpu.memref_squeeze %dma_start3A_341 : memref<1x128xi32, #tpu.memory_space<vmem>> -> memref<128xi32, #tpu.memory_space<vmem>>
      %dma_start3A_343 = arith.constant 0 : i32
      %dma_start3A_344 = arith.constant 0 : i32
      %dma_start3A_345 = tpu.memref_slice %arg2[%dma_start3A_343, %dma_start3A_344] : memref<10000x128xf32, #tpu.memory_space<hbm>> -> memref<10000x128xf32, #tpu.memory_space<hbm>>
      tpu.enqueue_indirect_dma source(%dma_start3A_345 : memref<10000x128xf32, #tpu.memory_space<hbm>>) target(%arg9 : memref<128x128xf32, #tpu.memory_space<vmem>>) offsets(%dma_start3A_342 : memref<128xi32, #tpu.memory_space<vmem>>) semaphore(%arg12 : memref<!tpu.dma_semaphore, #tpu.memory_space<semaphore_mem>>)
      %dma_wait3A_346 = arith.constant 0 : i32
      %dma_wait3A_347 = arith.constant 0 : i32
      %dma_wait3A_348 = tpu.memref_slice %arg6[%dma_wait3A_346, %dma_wait3A_347] : memref<40x128xi32, #tpu.memory_space<vmem>> -> memref<1x128xi32, #tpu.memory_space<vmem>>
      %dma_wait3A_349 = tpu.memref_squeeze %dma_wait3A_348 : memref<1x128xi32, #tpu.memory_space<vmem>> -> memref<128xi32, #tpu.memory_space<vmem>>
      %dma_wait3A_350 = arith.constant 0 : i32
      %dma_wait3A_351 = arith.constant 0 : i32
      %dma_wait3A_352 = tpu.memref_slice %arg2[%dma_wait3A_350, %dma_wait3A_351] : memref<10000x128xf32, #tpu.memory_space<hbm>> -> memref<10000x128xf32, #tpu.memory_space<hbm>>
      tpu.wait_indirect_dma semaphore(%arg11 : memref<!tpu.dma_semaphore, #tpu.memory_space<semaphore_mem>>) src(%dma_wait3A_352 : memref<10000x128xf32, #tpu.memory_space<hbm>>) dst(%arg8 : memref<128x128xf32, #tpu.memory_space<vmem>>)
      %dma_start3A_353 = arith.constant 0 : i32
      %dma_start3A_354 = tpu.memref_slice %arg7[%mul3A_333, %dma_start3A_353] : memref<40x128xi32, #tpu.memory_space<vmem>> -> memref<1x128xi32, #tpu.memory_space<vmem>>
      %dma_start3A_355 = tpu.memref_squeeze %dma_start3A_354 : memref<1x128xi32, #tpu.memory_space<vmem>> -> memref<128xi32, #tpu.memory_space<vmem>>
      %dma_start3A_356 = arith.constant 0 : i32
      %dma_start3A_357 = arith.constant 0 : i32
      %dma_start3A_358 = tpu.memref_slice %arg10[%dma_start3A_356, %dma_start3A_357] : memref<10008x128xf32, #tpu.memory_space<vmem_shared>> -> memref<10008x128xf32, #tpu.memory_space<vmem_shared>>
      tpu.enqueue_indirect_dma source(%arg8 : memref<128x128xf32, #tpu.memory_space<vmem>>) target(%dma_start3A_358 : memref<10008x128xf32, #tpu.memory_space<vmem_shared>>) offsets(%dma_start3A_355 : memref<128xi32, #tpu.memory_space<vmem>>) semaphore(%arg13 : memref<!tpu.dma_semaphore, #tpu.memory_space<semaphore_mem>>) {add = true}
      %dma_wait3A_359 = arith.constant 0 : i32
      %dma_wait3A_360 = arith.constant 0 : i32
      %dma_wait3A_361 = tpu.memref_slice %arg7[%dma_wait3A_359, %dma_wait3A_360] : memref<40x128xi32, #tpu.memory_space<vmem>> -> memref<1x128xi32, #tpu.memory_space<vmem>>
      %dma_wait3A_362 = tpu.memref_squeeze %dma_wait3A_361 : memref<1x128xi32, #tpu.memory_space<vmem>> -> memref<128xi32, #tpu.memory_space<vmem>>
      %dma_wait3A_363 = arith.constant 0 : i32
      %dma_wait3A_364 = arith.constant 0 : i32
      %dma_wait3A_365 = tpu.memref_slice %arg10[%dma_wait3A_363, %dma_wait3A_364] : memref<10008x128xf32, #tpu.memory_space<vmem_shared>> -> memref<10008x128xf32, #tpu.memory_space<vmem_shared>>
      tpu.wait_indirect_dma semaphore(%arg13 : memref<!tpu.dma_semaphore, #tpu.memory_space<semaphore_mem>>) src(%arg8 : memref<128x128xf32, #tpu.memory_space<vmem>>) dst(%dma_wait3A_365 : memref<10008x128xf32, #tpu.memory_space<vmem_shared>>)
      %lt3A = arith.constant 19 : i32
      %lt3A_366 = arith.cmpi slt, %scan3A_331, %lt3A : i32
      %convert_element_type3A_367 = arith.extui %lt3A_366 : i1 to i32
      %cond3A_368 = arith.constant 0 : i32
      %cond3A_369 = arith.cmpi ne, %convert_element_type3A_367, %cond3A_368 : i32
      scf.if %cond3A_369 {
        %add3A_385 = arith.constant 2 : i32
        %add3A_386 = arith.addi %mul3A_333, %add3A_385 : i32
        %dma_start3A_387 = arith.constant 0 : i32
        %dma_start3A_388 = tpu.memref_slice %arg6[%add3A_386, %dma_start3A_387] : memref<40x128xi32, #tpu.memory_space<vmem>> -> memref<1x128xi32, #tpu.memory_space<vmem>>
        %dma_start3A_389 = tpu.memref_squeeze %dma_start3A_388 : memref<1x128xi32, #tpu.memory_space<vmem>> -> memref<128xi32, #tpu.memory_space<vmem>>
        %dma_start3A_390 = arith.constant 0 : i32
        %dma_start3A_391 = arith.constant 0 : i32
        %dma_start3A_392 = tpu.memref_slice %arg2[%dma_start3A_390, %dma_start3A_391] : memref<10000x128xf32, #tpu.memory_space<hbm>> -> memref<10000x128xf32, #tpu.memory_space<hbm>>
        tpu.enqueue_indirect_dma source(%dma_start3A_392 : memref<10000x128xf32, #tpu.memory_space<hbm>>) target(%arg8 : memref<128x128xf32, #tpu.memory_space<vmem>>) offsets(%dma_start3A_389 : memref<128xi32, #tpu.memory_space<vmem>>) semaphore(%arg11 : memref<!tpu.dma_semaphore, #tpu.memory_space<semaphore_mem>>)
      } else {
      }
      %dma_wait3A_370 = arith.constant 0 : i32
      %dma_wait3A_371 = arith.constant 0 : i32
      %dma_wait3A_372 = tpu.memref_slice %arg6[%dma_wait3A_370, %dma_wait3A_371] : memref<40x128xi32, #tpu.memory_space<vmem>> -> memref<1x128xi32, #tpu.memory_space<vmem>>
      %dma_wait3A_373 = tpu.memref_squeeze %dma_wait3A_372 : memref<1x128xi32, #tpu.memory_space<vmem>> -> memref<128xi32, #tpu.memory_space<vmem>>
      %dma_wait3A_374 = arith.constant 0 : i32
      %dma_wait3A_375 = arith.constant 0 : i32
      %dma_wait3A_376 = tpu.memref_slice %arg2[%dma_wait3A_374, %dma_wait3A_375] : memref<10000x128xf32, #tpu.memory_space<hbm>> -> memref<10000x128xf32, #tpu.memory_space<hbm>>
      tpu.wait_indirect_dma semaphore(%arg12 : memref<!tpu.dma_semaphore, #tpu.memory_space<semaphore_mem>>) src(%dma_wait3A_376 : memref<10000x128xf32, #tpu.memory_space<hbm>>) dst(%arg9 : memref<128x128xf32, #tpu.memory_space<vmem>>)
      %add3A_377 = arith.constant 1 : i32
      %add3A_378 = arith.addi %mul3A_333, %add3A_377 : i32
      %dma_start3A_379 = arith.constant 0 : i32
      %dma_start3A_380 = tpu.memref_slice %arg7[%add3A_378, %dma_start3A_379] : memref<40x128xi32, #tpu.memory_space<vmem>> -> memref<1x128xi32, #tpu.memory_space<vmem>>
      %dma_start3A_381 = tpu.memref_squeeze %dma_start3A_380 : memref<1x128xi32, #tpu.memory_space<vmem>> -> memref<128xi32, #tpu.memory_space<vmem>>
      %dma_start3A_382 = arith.constant 0 : i32
      %dma_start3A_383 = arith.constant 0 : i32
      %dma_start3A_384 = tpu.memref_slice %arg10[%dma_start3A_382, %dma_start3A_383] : memref<10008x128xf32, #tpu.memory_space<vmem_shared>> -> memref<10008x128xf32, #tpu.memory_space<vmem_shared>>
      tpu.enqueue_indirect_dma source(%arg9 : memref<128x128xf32, #tpu.memory_space<vmem>>) target(%dma_start3A_384 : memref<10008x128xf32, #tpu.memory_space<vmem_shared>>) offsets(%dma_start3A_381 : memref<128xi32, #tpu.memory_space<vmem>>) semaphore(%arg14 : memref<!tpu.dma_semaphore, #tpu.memory_space<semaphore_mem>>) {add = true}
    }
    %scan3A_57 = arith.constant 20 : i32
    %dma_wait3A_58 = arith.constant 0 : i32
    %dma_wait3A_59 = arith.constant 0 : i32
    %dma_wait3A_60 = tpu.memref_slice %arg7[%dma_wait3A_58, %dma_wait3A_59] : memref<40x128xi32, #tpu.memory_space<vmem>> -> memref<1x128xi32, #tpu.memory_space<vmem>>
    %dma_wait3A_61 = tpu.memref_squeeze %dma_wait3A_60 : memref<1x128xi32, #tpu.memory_space<vmem>> -> memref<128xi32, #tpu.memory_space<vmem>>
    %dma_wait3A_62 = arith.constant 0 : i32
    %dma_wait3A_63 = arith.constant 0 : i32
    %dma_wait3A_64 = tpu.memref_slice %arg10[%dma_wait3A_62, %dma_wait3A_63] : memref<10008x128xf32, #tpu.memory_space<vmem_shared>> -> memref<10008x128xf32, #tpu.memory_space<vmem_shared>>
    tpu.wait_indirect_dma semaphore(%arg14 : memref<!tpu.dma_semaphore, #tpu.memory_space<semaphore_mem>>) src(%arg9 : memref<128x128xf32, #tpu.memory_space<vmem>>) dst(%dma_wait3A_64 : memref<10008x128xf32, #tpu.memory_space<vmem_shared>>)
    %barrier3A_65 = arith.constant 0 : index
    tpu.barrier barrier_id(%barrier3A_65)
    %add3A_66 = arith.constant 0 : i32
    %add3A_67 = arith.addi %mul3A_6, %add3A_66 : i32
    %dma_start3A_68 = arith.constant 0 : i32
    %dma_start3A_69 = arith.constant 0 : i32
    %dma_start3A_70 = tpu.memref_slice %arg8[%dma_start3A_68, %dma_start3A_69] : memref<128x128xf32, #tpu.memory_space<vmem>> -> memref<128x128xf32, #tpu.memory_space<vmem>>
    %dma_start3A_71 = arith.constant 0 : i32
    %dma_start3A_72 = tpu.memref_slice %arg10[%add3A_67, %dma_start3A_71] : memref<10008x128xf32, #tpu.memory_space<vmem_shared>> -> memref<128x128xf32, #tpu.memory_space<vmem_shared>>
    %dma_start3A_73 = arith.constant 0 : i32
    %dma_start3A_74 = arith.constant 0 : i32
    %dma_start3A_75 = tpu.memref_slice %arg8[%dma_start3A_73, %dma_start3A_74] : memref<128x128xf32, #tpu.memory_space<vmem>> -> memref<128x128xf32, #tpu.memory_space<vmem>>
    %dma_start3A_76 = arith.constant 0 : i32
    %dma_start3A_77 = tpu.memref_slice %arg10[%add3A_67, %dma_start3A_76] : memref<10008x128xf32, #tpu.memory_space<vmem_shared>> -> memref<128x128xf32, #tpu.memory_space<vmem_shared>>
    tpu.enqueue_dma source(%dma_start3A_77 : memref<128x128xf32, #tpu.memory_space<vmem_shared>>) target(%dma_start3A_75 : memref<128x128xf32, #tpu.memory_space<vmem>>) target_semaphore(%arg11 : memref<!tpu.dma_semaphore, #tpu.memory_space<semaphore_mem>>)
    %add3A_78 = arith.constant 0 : i32
    %add3A_79 = arith.addi %mul3A_6, %add3A_78 : i32
    %dma_wait3A_80 = arith.constant 0 : i32
    %dma_wait3A_81 = arith.constant 0 : i32
    %dma_wait3A_82 = tpu.memref_slice %arg8[%dma_wait3A_80, %dma_wait3A_81] : memref<128x128xf32, #tpu.memory_space<vmem>> -> memref<128x128xf32, #tpu.memory_space<vmem>>
    %dma_wait3A_83 = arith.constant 0 : i32
    %dma_wait3A_84 = tpu.memref_slice %arg10[%add3A_79, %dma_wait3A_83] : memref<10008x128xf32, #tpu.memory_space<vmem_shared>> -> memref<128x128xf32, #tpu.memory_space<vmem_shared>>
    %dma_wait3A_85 = arith.constant 0 : i32
    %dma_wait3A_86 = arith.constant 0 : i32
    %dma_wait3A_87 = tpu.memref_slice %arg8[%dma_wait3A_85, %dma_wait3A_86] : memref<128x128xf32, #tpu.memory_space<vmem>> -> memref<128x128xf32, #tpu.memory_space<vmem>>
    %dma_wait3A_88 = arith.constant 0 : i32
    %dma_wait3A_89 = tpu.memref_slice %arg10[%add3A_79, %dma_wait3A_88] : memref<10008x128xf32, #tpu.memory_space<vmem_shared>> -> memref<128x128xf32, #tpu.memory_space<vmem_shared>>
    tpu.wait_dma2 semaphore(%arg11 : memref<!tpu.dma_semaphore, #tpu.memory_space<semaphore_mem>>) src(%dma_wait3A_89 : memref<128x128xf32, #tpu.memory_space<vmem_shared>>) dst(%dma_wait3A_87 : memref<128x128xf32, #tpu.memory_space<vmem>>)
    %add3A_90 = arith.constant 128 : i32
    %add3A_91 = arith.addi %mul3A_6, %add3A_90 : i32
    %dma_start3A_92 = arith.constant 0 : i32
    %dma_start3A_93 = arith.constant 0 : i32
    %dma_start3A_94 = tpu.memref_slice %arg9[%dma_start3A_92, %dma_start3A_93] : memref<128x128xf32, #tpu.memory_space<vmem>> -> memref<128x128xf32, #tpu.memory_space<vmem>>
    %dma_start3A_95 = arith.constant 0 : i32
    %dma_start3A_96 = tpu.memref_slice %arg10[%add3A_91, %dma_start3A_95] : memref<10008x128xf32, #tpu.memory_space<vmem_shared>> -> memref<128x128xf32, #tpu.memory_space<vmem_shared>>
    %dma_start3A_97 = arith.constant 0 : i32
    %dma_start3A_98 = arith.constant 0 : i32
    %dma_start3A_99 = tpu.memref_slice %arg9[%dma_start3A_97, %dma_start3A_98] : memref<128x128xf32, #tpu.memory_space<vmem>> -> memref<128x128xf32, #tpu.memory_space<vmem>>
    %dma_start3A_100 = arith.constant 0 : i32
    %dma_start3A_101 = tpu.memref_slice %arg10[%add3A_91, %dma_start3A_100] : memref<10008x128xf32, #tpu.memory_space<vmem_shared>> -> memref<128x128xf32, #tpu.memory_space<vmem_shared>>
    tpu.enqueue_dma source(%dma_start3A_101 : memref<128x128xf32, #tpu.memory_space<vmem_shared>>) target(%dma_start3A_99 : memref<128x128xf32, #tpu.memory_space<vmem>>) target_semaphore(%arg12 : memref<!tpu.dma_semaphore, #tpu.memory_space<semaphore_mem>>)
    %add3A_102 = arith.constant 0 : i32
    %add3A_103 = arith.addi %mul3A_6, %add3A_102 : i32
    %dma_start3A_104 = arith.constant 0 : i32
    %dma_start3A_105 = arith.constant 0 : i32
    %dma_start3A_106 = tpu.memref_slice %arg8[%dma_start3A_104, %dma_start3A_105] : memref<128x128xf32, #tpu.memory_space<vmem>> -> memref<128x128xf32, #tpu.memory_space<vmem>>
    %dma_start3A_107 = arith.constant 0 : i32
    %dma_start3A_108 = tpu.memref_slice %arg5[%arg0, %add3A_103, %dma_start3A_107] : memref<2x10000x128xf32, #tpu.memory_space<hbm>> -> memref<1x128x128xf32, #tpu.memory_space<hbm>>
    %dma_start3A_109 = tpu.memref_squeeze %dma_start3A_108 : memref<1x128x128xf32, #tpu.memory_space<hbm>> -> memref<128x128xf32, #tpu.memory_space<hbm>>
    %dma_start3A_110 = arith.constant 0 : i32
    %dma_start3A_111 = tpu.memref_slice %arg5[%arg0, %add3A_103, %dma_start3A_110] : memref<2x10000x128xf32, #tpu.memory_space<hbm>> -> memref<1x128x128xf32, #tpu.memory_space<hbm>>
    %dma_start3A_112 = tpu.memref_squeeze %dma_start3A_111 : memref<1x128x128xf32, #tpu.memory_space<hbm>> -> memref<128x128xf32, #tpu.memory_space<hbm>>
    %dma_start3A_113 = arith.constant 0 : i32
    %dma_start3A_114 = arith.constant 0 : i32
    %dma_start3A_115 = tpu.memref_slice %arg8[%dma_start3A_113, %dma_start3A_114] : memref<128x128xf32, #tpu.memory_space<vmem>> -> memref<128x128xf32, #tpu.memory_space<vmem>>
    tpu.enqueue_dma source(%dma_start3A_115 : memref<128x128xf32, #tpu.memory_space<vmem>>) target(%dma_start3A_112 : memref<128x128xf32, #tpu.memory_space<hbm>>) target_semaphore(%arg13 : memref<!tpu.dma_semaphore, #tpu.memory_space<semaphore_mem>>)
    %add3A_116 = arith.constant 128 : i32
    %add3A_117 = arith.addi %mul3A_6, %add3A_116 : i32
    %dma_wait3A_118 = arith.constant 0 : i32
    %dma_wait3A_119 = arith.constant 0 : i32
    %dma_wait3A_120 = tpu.memref_slice %arg9[%dma_wait3A_118, %dma_wait3A_119] : memref<128x128xf32, #tpu.memory_space<vmem>> -> memref<128x128xf32, #tpu.memory_space<vmem>>
    %dma_wait3A_121 = arith.constant 0 : i32
    %dma_wait3A_122 = tpu.memref_slice %arg10[%add3A_117, %dma_wait3A_121] : memref<10008x128xf32, #tpu.memory_space<vmem_shared>> -> memref<128x128xf32, #tpu.memory_space<vmem_shared>>
    %dma_wait3A_123 = arith.constant 0 : i32
    %dma_wait3A_124 = arith.constant 0 : i32
    %dma_wait3A_125 = tpu.memref_slice %arg9[%dma_wait3A_123, %dma_wait3A_124] : memref<128x128xf32, #tpu.memory_space<vmem>> -> memref<128x128xf32, #tpu.memory_space<vmem>>
    %dma_wait3A_126 = arith.constant 0 : i32
    %dma_wait3A_127 = tpu.memref_slice %arg10[%add3A_117, %dma_wait3A_126] : memref<10008x128xf32, #tpu.memory_space<vmem_shared>> -> memref<128x128xf32, #tpu.memory_space<vmem_shared>>
    tpu.wait_dma2 semaphore(%arg12 : memref<!tpu.dma_semaphore, #tpu.memory_space<semaphore_mem>>) src(%dma_wait3A_127 : memref<128x128xf32, #tpu.memory_space<vmem_shared>>) dst(%dma_wait3A_125 : memref<128x128xf32, #tpu.memory_space<vmem>>)
    %add3A_128 = arith.constant 0 : i32
    %add3A_129 = arith.addi %mul3A_6, %add3A_128 : i32
    %dma_wait3A_130 = arith.constant 0 : i32
    %dma_wait3A_131 = arith.constant 0 : i32
    %dma_wait3A_132 = tpu.memref_slice %arg8[%dma_wait3A_130, %dma_wait3A_131] : memref<128x128xf32, #tpu.memory_space<vmem>> -> memref<128x128xf32, #tpu.memory_space<vmem>>
    %dma_wait3A_133 = arith.constant 0 : i32
    %dma_wait3A_134 = tpu.memref_slice %arg5[%arg0, %add3A_129, %dma_wait3A_133] : memref<2x10000x128xf32, #tpu.memory_space<hbm>> -> memref<1x128x128xf32, #tpu.memory_space<hbm>>
    %dma_wait3A_135 = tpu.memref_squeeze %dma_wait3A_134 : memref<1x128x128xf32, #tpu.memory_space<hbm>> -> memref<128x128xf32, #tpu.memory_space<hbm>>
    %dma_wait3A_136 = arith.constant 0 : i32
    %dma_wait3A_137 = tpu.memref_slice %arg5[%arg0, %add3A_129, %dma_wait3A_136] : memref<2x10000x128xf32, #tpu.memory_space<hbm>> -> memref<1x128x128xf32, #tpu.memory_space<hbm>>
    %dma_wait3A_138 = tpu.memref_squeeze %dma_wait3A_137 : memref<1x128x128xf32, #tpu.memory_space<hbm>> -> memref<128x128xf32, #tpu.memory_space<hbm>>
    %dma_wait3A_139 = arith.constant 0 : i32
    %dma_wait3A_140 = arith.constant 0 : i32
    %dma_wait3A_141 = tpu.memref_slice %arg8[%dma_wait3A_139, %dma_wait3A_140] : memref<128x128xf32, #tpu.memory_space<vmem>> -> memref<128x128xf32, #tpu.memory_space<vmem>>
    tpu.wait_dma2 semaphore(%arg13 : memref<!tpu.dma_semaphore, #tpu.memory_space<semaphore_mem>>) src(%dma_wait3A_141 : memref<128x128xf32, #tpu.memory_space<vmem>>) dst(%dma_wait3A_138 : memref<128x128xf32, #tpu.memory_space<hbm>>)
    %add3A_142 = arith.constant 256 : i32
    %add3A_143 = arith.addi %mul3A_6, %add3A_142 : i32
    %dma_start3A_144 = arith.constant 0 : i32
    %dma_start3A_145 = arith.constant 0 : i32
    %dma_start3A_146 = tpu.memref_slice %arg8[%dma_start3A_144, %dma_start3A_145] : memref<128x128xf32, #tpu.memory_space<vmem>> -> memref<128x128xf32, #tpu.memory_space<vmem>>
    %dma_start3A_147 = arith.constant 0 : i32
    %dma_start3A_148 = tpu.memref_slice %arg10[%add3A_143, %dma_start3A_147] : memref<10008x128xf32, #tpu.memory_space<vmem_shared>> -> memref<128x128xf32, #tpu.memory_space<vmem_shared>>
    %dma_start3A_149 = arith.constant 0 : i32
    %dma_start3A_150 = arith.constant 0 : i32
    %dma_start3A_151 = tpu.memref_slice %arg8[%dma_start3A_149, %dma_start3A_150] : memref<128x128xf32, #tpu.memory_space<vmem>> -> memref<128x128xf32, #tpu.memory_space<vmem>>
    %dma_start3A_152 = arith.constant 0 : i32
    %dma_start3A_153 = tpu.memref_slice %arg10[%add3A_143, %dma_start3A_152] : memref<10008x128xf32, #tpu.memory_space<vmem_shared>> -> memref<128x128xf32, #tpu.memory_space<vmem_shared>>
    tpu.enqueue_dma source(%dma_start3A_153 : memref<128x128xf32, #tpu.memory_space<vmem_shared>>) target(%dma_start3A_151 : memref<128x128xf32, #tpu.memory_space<vmem>>) target_semaphore(%arg11 : memref<!tpu.dma_semaphore, #tpu.memory_space<semaphore_mem>>)
    %add3A_154 = arith.constant 128 : i32
    %add3A_155 = arith.addi %mul3A_6, %add3A_154 : i32
    %dma_start3A_156 = arith.constant 0 : i32
    %dma_start3A_157 = arith.constant 0 : i32
    %dma_start3A_158 = tpu.memref_slice %arg9[%dma_start3A_156, %dma_start3A_157] : memref<128x128xf32, #tpu.memory_space<vmem>> -> memref<128x128xf32, #tpu.memory_space<vmem>>
    %dma_start3A_159 = arith.constant 0 : i32
    %dma_start3A_160 = tpu.memref_slice %arg5[%arg0, %add3A_155, %dma_start3A_159] : memref<2x10000x128xf32, #tpu.memory_space<hbm>> -> memref<1x128x128xf32, #tpu.memory_space<hbm>>
    %dma_start3A_161 = tpu.memref_squeeze %dma_start3A_160 : memref<1x128x128xf32, #tpu.memory_space<hbm>> -> memref<128x128xf32, #tpu.memory_space<hbm>>
    %dma_start3A_162 = arith.constant 0 : i32
    %dma_start3A_163 = tpu.memref_slice %arg5[%arg0, %add3A_155, %dma_start3A_162] : memref<2x10000x128xf32, #tpu.memory_space<hbm>> -> memref<1x128x128xf32, #tpu.memory_space<hbm>>
    %dma_start3A_164 = tpu.memref_squeeze %dma_start3A_163 : memref<1x128x128xf32, #tpu.memory_space<hbm>> -> memref<128x128xf32, #tpu.memory_space<hbm>>
    %dma_start3A_165 = arith.constant 0 : i32
    %dma_start3A_166 = arith.constant 0 : i32
    %dma_start3A_167 = tpu.memref_slice %arg9[%dma_start3A_165, %dma_start3A_166] : memref<128x128xf32, #tpu.memory_space<vmem>> -> memref<128x128xf32, #tpu.memory_space<vmem>>
    tpu.enqueue_dma source(%dma_start3A_167 : memref<128x128xf32, #tpu.memory_space<vmem>>) target(%dma_start3A_164 : memref<128x128xf32, #tpu.memory_space<hbm>>) target_semaphore(%arg14 : memref<!tpu.dma_semaphore, #tpu.memory_space<semaphore_mem>>)
    %add3A_168 = arith.constant 256 : i32
    %add3A_169 = arith.addi %mul3A_6, %add3A_168 : i32
    %dma_wait3A_170 = arith.constant 0 : i32
    %dma_wait3A_171 = arith.constant 0 : i32
    %dma_wait3A_172 = tpu.memref_slice %arg8[%dma_wait3A_170, %dma_wait3A_171] : memref<128x128xf32, #tpu.memory_space<vmem>> -> memref<128x128xf32, #tpu.memory_space<vmem>>
    %dma_wait3A_173 = arith.constant 0 : i32
    %dma_wait3A_174 = tpu.memref_slice %arg10[%add3A_169, %dma_wait3A_173] : memref<10008x128xf32, #tpu.memory_space<vmem_shared>> -> memref<128x128xf32, #tpu.memory_space<vmem_shared>>
    %dma_wait3A_175 = arith.constant 0 : i32
    %dma_wait3A_176 = arith.constant 0 : i32
    %dma_wait3A_177 = tpu.memref_slice %arg8[%dma_wait3A_175, %dma_wait3A_176] : memref<128x128xf32, #tpu.memory_space<vmem>> -> memref<128x128xf32, #tpu.memory_space<vmem>>
    %dma_wait3A_178 = arith.constant 0 : i32
    %dma_wait3A_179 = tpu.memref_slice %arg10[%add3A_169, %dma_wait3A_178] : memref<10008x128xf32, #tpu.memory_space<vmem_shared>> -> memref<128x128xf32, #tpu.memory_space<vmem_shared>>
    tpu.wait_dma2 semaphore(%arg11 : memref<!tpu.dma_semaphore, #tpu.memory_space<semaphore_mem>>) src(%dma_wait3A_179 : memref<128x128xf32, #tpu.memory_space<vmem_shared>>) dst(%dma_wait3A_177 : memref<128x128xf32, #tpu.memory_space<vmem>>)
    %add3A_180 = arith.constant 128 : i32
    %add3A_181 = arith.addi %mul3A_6, %add3A_180 : i32
    %dma_wait3A_182 = arith.constant 0 : i32
    %dma_wait3A_183 = arith.constant 0 : i32
    %dma_wait3A_184 = tpu.memref_slice %arg9[%dma_wait3A_182, %dma_wait3A_183] : memref<128x128xf32, #tpu.memory_space<vmem>> -> memref<128x128xf32, #tpu.memory_space<vmem>>
    %dma_wait3A_185 = arith.constant 0 : i32
    %dma_wait3A_186 = tpu.memref_slice %arg5[%arg0, %add3A_181, %dma_wait3A_185] : memref<2x10000x128xf32, #tpu.memory_space<hbm>> -> memref<1x128x128xf32, #tpu.memory_space<hbm>>
    %dma_wait3A_187 = tpu.memref_squeeze %dma_wait3A_186 : memref<1x128x128xf32, #tpu.memory_space<hbm>> -> memref<128x128xf32, #tpu.memory_space<hbm>>
    %dma_wait3A_188 = arith.constant 0 : i32
    %dma_wait3A_189 = tpu.memref_slice %arg5[%arg0, %add3A_181, %dma_wait3A_188] : memref<2x10000x128xf32, #tpu.memory_space<hbm>> -> memref<1x128x128xf32, #tpu.memory_space<hbm>>
    %dma_wait3A_190 = tpu.memref_squeeze %dma_wait3A_189 : memref<1x128x128xf32, #tpu.memory_space<hbm>> -> memref<128x128xf32, #tpu.memory_space<hbm>>
    %dma_wait3A_191 = arith.constant 0 : i32
    %dma_wait3A_192 = arith.constant 0 : i32
    %dma_wait3A_193 = tpu.memref_slice %arg9[%dma_wait3A_191, %dma_wait3A_192] : memref<128x128xf32, #tpu.memory_space<vmem>> -> memref<128x128xf32, #tpu.memory_space<vmem>>
    tpu.wait_dma2 semaphore(%arg14 : memref<!tpu.dma_semaphore, #tpu.memory_space<semaphore_mem>>) src(%dma_wait3A_193 : memref<128x128xf32, #tpu.memory_space<vmem>>) dst(%dma_wait3A_190 : memref<128x128xf32, #tpu.memory_space<hbm>>)
    %add3A_194 = arith.constant 384 : i32
    %add3A_195 = arith.addi %mul3A_6, %add3A_194 : i32
    %dma_start3A_196 = arith.constant 0 : i32
    %dma_start3A_197 = arith.constant 0 : i32
    %dma_start3A_198 = tpu.memref_slice %arg9[%dma_start3A_196, %dma_start3A_197] : memref<128x128xf32, #tpu.memory_space<vmem>> -> memref<128x128xf32, #tpu.memory_space<vmem>>
    %dma_start3A_199 = arith.constant 0 : i32
    %dma_start3A_200 = tpu.memref_slice %arg10[%add3A_195, %dma_start3A_199] : memref<10008x128xf32, #tpu.memory_space<vmem_shared>> -> memref<128x128xf32, #tpu.memory_space<vmem_shared>>
    %dma_start3A_201 = arith.constant 0 : i32
    %dma_start3A_202 = arith.constant 0 : i32
    %dma_start3A_203 = tpu.memref_slice %arg9[%dma_start3A_201, %dma_start3A_202] : memref<128x128xf32, #tpu.memory_space<vmem>> -> memref<128x128xf32, #tpu.memory_space<vmem>>
    %dma_start3A_204 = arith.constant 0 : i32
    %dma_start3A_205 = tpu.memref_slice %arg10[%add3A_195, %dma_start3A_204] : memref<10008x128xf32, #tpu.memory_space<vmem_shared>> -> memref<128x128xf32, #tpu.memory_space<vmem_shared>>
    tpu.enqueue_dma source(%dma_start3A_205 : memref<128x128xf32, #tpu.memory_space<vmem_shared>>) target(%dma_start3A_203 : memref<128x128xf32, #tpu.memory_space<vmem>>) target_semaphore(%arg12 : memref<!tpu.dma_semaphore, #tpu.memory_space<semaphore_mem>>)
    %add3A_206 = arith.constant 256 : i32
    %add3A_207 = arith.addi %mul3A_6, %add3A_206 : i32
    %dma_start3A_208 = arith.constant 0 : i32
    %dma_start3A_209 = arith.constant 0 : i32
    %dma_start3A_210 = tpu.memref_slice %arg8[%dma_start3A_208, %dma_start3A_209] : memref<128x128xf32, #tpu.memory_space<vmem>> -> memref<128x128xf32, #tpu.memory_space<vmem>>
    %dma_start3A_211 = arith.constant 0 : i32
    %dma_start3A_212 = tpu.memref_slice %arg5[%arg0, %add3A_207, %dma_start3A_211] : memref<2x10000x128xf32, #tpu.memory_space<hbm>> -> memref<1x128x128xf32, #tpu.memory_space<hbm>>
    %dma_start3A_213 = tpu.memref_squeeze %dma_start3A_212 : memref<1x128x128xf32, #tpu.memory_space<hbm>> -> memref<128x128xf32, #tpu.memory_space<hbm>>
    %dma_start3A_214 = arith.constant 0 : i32
    %dma_start3A_215 = tpu.memref_slice %arg5[%arg0, %add3A_207, %dma_start3A_214] : memref<2x10000x128xf32, #tpu.memory_space<hbm>> -> memref<1x128x128xf32, #tpu.memory_space<hbm>>
    %dma_start3A_216 = tpu.memref_squeeze %dma_start3A_215 : memref<1x128x128xf32, #tpu.memory_space<hbm>> -> memref<128x128xf32, #tpu.memory_space<hbm>>
    %dma_start3A_217 = arith.constant 0 : i32
    %dma_start3A_218 = arith.constant 0 : i32
    %dma_start3A_219 = tpu.memref_slice %arg8[%dma_start3A_217, %dma_start3A_218] : memref<128x128xf32, #tpu.memory_space<vmem>> -> memref<128x128xf32, #tpu.memory_space<vmem>>
    tpu.enqueue_dma source(%dma_start3A_219 : memref<128x128xf32, #tpu.memory_space<vmem>>) target(%dma_start3A_216 : memref<128x128xf32, #tpu.memory_space<hbm>>) target_semaphore(%arg13 : memref<!tpu.dma_semaphore, #tpu.memory_space<semaphore_mem>>)
    %add3A_220 = arith.constant 384 : i32
    %add3A_221 = arith.addi %mul3A_6, %add3A_220 : i32
    %dma_wait3A_222 = arith.constant 0 : i32
    %dma_wait3A_223 = arith.constant 0 : i32
    %dma_wait3A_224 = tpu.memref_slice %arg9[%dma_wait3A_222, %dma_wait3A_223] : memref<128x128xf32, #tpu.memory_space<vmem>> -> memref<128x128xf32, #tpu.memory_space<vmem>>
    %dma_wait3A_225 = arith.constant 0 : i32
    %dma_wait3A_226 = tpu.memref_slice %arg10[%add3A_221, %dma_wait3A_225] : memref<10008x128xf32, #tpu.memory_space<vmem_shared>> -> memref<128x128xf32, #tpu.memory_space<vmem_shared>>
    %dma_wait3A_227 = arith.constant 0 : i32
    %dma_wait3A_228 = arith.constant 0 : i32
    %dma_wait3A_229 = tpu.memref_slice %arg9[%dma_wait3A_227, %dma_wait3A_228] : memref<128x128xf32, #tpu.memory_space<vmem>> -> memref<128x128xf32, #tpu.memory_space<vmem>>
    %dma_wait3A_230 = arith.constant 0 : i32
    %dma_wait3A_231 = tpu.memref_slice %arg10[%add3A_221, %dma_wait3A_230] : memref<10008x128xf32, #tpu.memory_space<vmem_shared>> -> memref<128x128xf32, #tpu.memory_space<vmem_shared>>
    tpu.wait_dma2 semaphore(%arg12 : memref<!tpu.dma_semaphore, #tpu.memory_space<semaphore_mem>>) src(%dma_wait3A_231 : memref<128x128xf32, #tpu.memory_space<vmem_shared>>) dst(%dma_wait3A_229 : memref<128x128xf32, #tpu.memory_space<vmem>>)
    %add3A_232 = arith.constant 256 : i32
    %add3A_233 = arith.addi %mul3A_6, %add3A_232 : i32
    %dma_wait3A_234 = arith.constant 0 : i32
    %dma_wait3A_235 = arith.constant 0 : i32
    %dma_wait3A_236 = tpu.memref_slice %arg8[%dma_wait3A_234, %dma_wait3A_235] : memref<128x128xf32, #tpu.memory_space<vmem>> -> memref<128x128xf32, #tpu.memory_space<vmem>>
    %dma_wait3A_237 = arith.constant 0 : i32
    %dma_wait3A_238 = tpu.memref_slice %arg5[%arg0, %add3A_233, %dma_wait3A_237] : memref<2x10000x128xf32, #tpu.memory_space<hbm>> -> memref<1x128x128xf32, #tpu.memory_space<hbm>>
    %dma_wait3A_239 = tpu.memref_squeeze %dma_wait3A_238 : memref<1x128x128xf32, #tpu.memory_space<hbm>> -> memref<128x128xf32, #tpu.memory_space<hbm>>
    %dma_wait3A_240 = arith.constant 0 : i32
    %dma_wait3A_241 = tpu.memref_slice %arg5[%arg0, %add3A_233, %dma_wait3A_240] : memref<2x10000x128xf32, #tpu.memory_space<hbm>> -> memref<1x128x128xf32, #tpu.memory_space<hbm>>
    %dma_wait3A_242 = tpu.memref_squeeze %dma_wait3A_241 : memref<1x128x128xf32, #tpu.memory_space<hbm>> -> memref<128x128xf32, #tpu.memory_space<hbm>>
    %dma_wait3A_243 = arith.constant 0 : i32
    %dma_wait3A_244 = arith.constant 0 : i32
    %dma_wait3A_245 = tpu.memref_slice %arg8[%dma_wait3A_243, %dma_wait3A_244] : memref<128x128xf32, #tpu.memory_space<vmem>> -> memref<128x128xf32, #tpu.memory_space<vmem>>
    tpu.wait_dma2 semaphore(%arg13 : memref<!tpu.dma_semaphore, #tpu.memory_space<semaphore_mem>>) src(%dma_wait3A_245 : memref<128x128xf32, #tpu.memory_space<vmem>>) dst(%dma_wait3A_242 : memref<128x128xf32, #tpu.memory_space<hbm>>)
    %add3A_246 = arith.constant 512 : i32
    %add3A_247 = arith.addi %mul3A_6, %add3A_246 : i32
    %dma_start3A_248 = arith.constant 0 : i32
    %dma_start3A_249 = arith.constant 0 : i32
    %dma_start3A_250 = tpu.memref_slice %arg8[%dma_start3A_248, %dma_start3A_249] : memref<128x128xf32, #tpu.memory_space<vmem>> -> memref<112x128xf32, #tpu.memory_space<vmem>>
    %dma_start3A_251 = arith.constant 0 : i32
    %dma_start3A_252 = tpu.memref_slice %arg10[%add3A_247, %dma_start3A_251] : memref<10008x128xf32, #tpu.memory_space<vmem_shared>> -> memref<112x128xf32, #tpu.memory_space<vmem_shared>>
    %dma_start3A_253 = arith.constant 0 : i32
    %dma_start3A_254 = arith.constant 0 : i32
    %dma_start3A_255 = tpu.memref_slice %arg8[%dma_start3A_253, %dma_start3A_254] : memref<128x128xf32, #tpu.memory_space<vmem>> -> memref<112x128xf32, #tpu.memory_space<vmem>>
    %dma_start3A_256 = arith.constant 0 : i32
    %dma_start3A_257 = tpu.memref_slice %arg10[%add3A_247, %dma_start3A_256] : memref<10008x128xf32, #tpu.memory_space<vmem_shared>> -> memref<112x128xf32, #tpu.memory_space<vmem_shared>>
    tpu.enqueue_dma source(%dma_start3A_257 : memref<112x128xf32, #tpu.memory_space<vmem_shared>>) target(%dma_start3A_255 : memref<112x128xf32, #tpu.memory_space<vmem>>) target_semaphore(%arg11 : memref<!tpu.dma_semaphore, #tpu.memory_space<semaphore_mem>>)
    %add3A_258 = arith.constant 384 : i32
    %add3A_259 = arith.addi %mul3A_6, %add3A_258 : i32
    %dma_start3A_260 = arith.constant 0 : i32
    %dma_start3A_261 = arith.constant 0 : i32
    %dma_start3A_262 = tpu.memref_slice %arg9[%dma_start3A_260, %dma_start3A_261] : memref<128x128xf32, #tpu.memory_space<vmem>> -> memref<128x128xf32, #tpu.memory_space<vmem>>
    %dma_start3A_263 = arith.constant 0 : i32
    %dma_start3A_264 = tpu.memref_slice %arg5[%arg0, %add3A_259, %dma_start3A_263] : memref<2x10000x128xf32, #tpu.memory_space<hbm>> -> memref<1x128x128xf32, #tpu.memory_space<hbm>>
    %dma_start3A_265 = tpu.memref_squeeze %dma_start3A_264 : memref<1x128x128xf32, #tpu.memory_space<hbm>> -> memref<128x128xf32, #tpu.memory_space<hbm>>
    %dma_start3A_266 = arith.constant 0 : i32
    %dma_start3A_267 = tpu.memref_slice %arg5[%arg0, %add3A_259, %dma_start3A_266] : memref<2x10000x128xf32, #tpu.memory_space<hbm>> -> memref<1x128x128xf32, #tpu.memory_space<hbm>>
    %dma_start3A_268 = tpu.memref_squeeze %dma_start3A_267 : memref<1x128x128xf32, #tpu.memory_space<hbm>> -> memref<128x128xf32, #tpu.memory_space<hbm>>
    %dma_start3A_269 = arith.constant 0 : i32
    %dma_start3A_270 = arith.constant 0 : i32
    %dma_start3A_271 = tpu.memref_slice %arg9[%dma_start3A_269, %dma_start3A_270] : memref<128x128xf32, #tpu.memory_space<vmem>> -> memref<128x128xf32, #tpu.memory_space<vmem>>
    tpu.enqueue_dma source(%dma_start3A_271 : memref<128x128xf32, #tpu.memory_space<vmem>>) target(%dma_start3A_268 : memref<128x128xf32, #tpu.memory_space<hbm>>) target_semaphore(%arg14 : memref<!tpu.dma_semaphore, #tpu.memory_space<semaphore_mem>>)
    %add3A_272 = arith.constant 512 : i32
    %add3A_273 = arith.addi %mul3A_6, %add3A_272 : i32
    %dma_wait3A_274 = arith.constant 0 : i32
    %dma_wait3A_275 = arith.constant 0 : i32
    %dma_wait3A_276 = tpu.memref_slice %arg8[%dma_wait3A_274, %dma_wait3A_275] : memref<128x128xf32, #tpu.memory_space<vmem>> -> memref<112x128xf32, #tpu.memory_space<vmem>>
    %dma_wait3A_277 = arith.constant 0 : i32
    %dma_wait3A_278 = tpu.memref_slice %arg10[%add3A_273, %dma_wait3A_277] : memref<10008x128xf32, #tpu.memory_space<vmem_shared>> -> memref<112x128xf32, #tpu.memory_space<vmem_shared>>
    %dma_wait3A_279 = arith.constant 0 : i32
    %dma_wait3A_280 = arith.constant 0 : i32
    %dma_wait3A_281 = tpu.memref_slice %arg8[%dma_wait3A_279, %dma_wait3A_280] : memref<128x128xf32, #tpu.memory_space<vmem>> -> memref<112x128xf32, #tpu.memory_space<vmem>>
    %dma_wait3A_282 = arith.constant 0 : i32
    %dma_wait3A_283 = tpu.memref_slice %arg10[%add3A_273, %dma_wait3A_282] : memref<10008x128xf32, #tpu.memory_space<vmem_shared>> -> memref<112x128xf32, #tpu.memory_space<vmem_shared>>
    tpu.wait_dma2 semaphore(%arg11 : memref<!tpu.dma_semaphore, #tpu.memory_space<semaphore_mem>>) src(%dma_wait3A_283 : memref<112x128xf32, #tpu.memory_space<vmem_shared>>) dst(%dma_wait3A_281 : memref<112x128xf32, #tpu.memory_space<vmem>>)
    %add3A_284 = arith.constant 512 : i32
    %add3A_285 = arith.addi %mul3A_6, %add3A_284 : i32
    %dma_start3A_286 = arith.constant 0 : i32
    %dma_start3A_287 = arith.constant 0 : i32
    %dma_start3A_288 = tpu.memref_slice %arg8[%dma_start3A_286, %dma_start3A_287] : memref<128x128xf32, #tpu.memory_space<vmem>> -> memref<112x128xf32, #tpu.memory_space<vmem>>
    %dma_start3A_289 = arith.constant 0 : i32
    %dma_start3A_290 = tpu.memref_slice %arg5[%arg0, %add3A_285, %dma_start3A_289] : memref<2x10000x128xf32, #tpu.memory_space<hbm>> -> memref<1x112x128xf32, #tpu.memory_space<hbm>>
    %dma_start3A_291 = tpu.memref_squeeze %dma_start3A_290 : memref<1x112x128xf32, #tpu.memory_space<hbm>> -> memref<112x128xf32, #tpu.memory_space<hbm>>
    %dma_start3A_292 = arith.constant 0 : i32
    %dma_start3A_293 = tpu.memref_slice %arg5[%arg0, %add3A_285, %dma_start3A_292] : memref<2x10000x128xf32, #tpu.memory_space<hbm>> -> memref<1x112x128xf32, #tpu.memory_space<hbm>>
    %dma_start3A_294 = tpu.memref_squeeze %dma_start3A_293 : memref<1x112x128xf32, #tpu.memory_space<hbm>> -> memref<112x128xf32, #tpu.memory_space<hbm>>
    %dma_start3A_295 = arith.constant 0 : i32
    %dma_start3A_296 = arith.constant 0 : i32
    %dma_start3A_297 = tpu.memref_slice %arg8[%dma_start3A_295, %dma_start3A_296] : memref<128x128xf32, #tpu.memory_space<vmem>> -> memref<112x128xf32, #tpu.memory_space<vmem>>
    tpu.enqueue_dma source(%dma_start3A_297 : memref<112x128xf32, #tpu.memory_space<vmem>>) target(%dma_start3A_294 : memref<112x128xf32, #tpu.memory_space<hbm>>) target_semaphore(%arg13 : memref<!tpu.dma_semaphore, #tpu.memory_space<semaphore_mem>>)
    %add3A_298 = arith.constant 384 : i32
    %add3A_299 = arith.addi %mul3A_6, %add3A_298 : i32
    %dma_wait3A_300 = arith.constant 0 : i32
    %dma_wait3A_301 = arith.constant 0 : i32
    %dma_wait3A_302 = tpu.memref_slice %arg9[%dma_wait3A_300, %dma_wait3A_301] : memref<128x128xf32, #tpu.memory_space<vmem>> -> memref<128x128xf32, #tpu.memory_space<vmem>>
    %dma_wait3A_303 = arith.constant 0 : i32
    %dma_wait3A_304 = tpu.memref_slice %arg5[%arg0, %add3A_299, %dma_wait3A_303] : memref<2x10000x128xf32, #tpu.memory_space<hbm>> -> memref<1x128x128xf32, #tpu.memory_space<hbm>>
    %dma_wait3A_305 = tpu.memref_squeeze %dma_wait3A_304 : memref<1x128x128xf32, #tpu.memory_space<hbm>> -> memref<128x128xf32, #tpu.memory_space<hbm>>
    %dma_wait3A_306 = arith.constant 0 : i32
    %dma_wait3A_307 = tpu.memref_slice %arg5[%arg0, %add3A_299, %dma_wait3A_306] : memref<2x10000x128xf32, #tpu.memory_space<hbm>> -> memref<1x128x128xf32, #tpu.memory_space<hbm>>
    %dma_wait3A_308 = tpu.memref_squeeze %dma_wait3A_307 : memref<1x128x128xf32, #tpu.memory_space<hbm>> -> memref<128x128xf32, #tpu.memory_space<hbm>>
    %dma_wait3A_309 = arith.constant 0 : i32
    %dma_wait3A_310 = arith.constant 0 : i32
    %dma_wait3A_311 = tpu.memref_slice %arg9[%dma_wait3A_309, %dma_wait3A_310] : memref<128x128xf32, #tpu.memory_space<vmem>> -> memref<128x128xf32, #tpu.memory_space<vmem>>
    tpu.wait_dma2 semaphore(%arg14 : memref<!tpu.dma_semaphore, #tpu.memory_space<semaphore_mem>>) src(%dma_wait3A_311 : memref<128x128xf32, #tpu.memory_space<vmem>>) dst(%dma_wait3A_308 : memref<128x128xf32, #tpu.memory_space<hbm>>)
    %add3A_312 = arith.constant 512 : i32
    %add3A_313 = arith.addi %mul3A_6, %add3A_312 : i32
    %dma_wait3A_314 = arith.constant 0 : i32
    %dma_wait3A_315 = arith.constant 0 : i32
    %dma_wait3A_316 = tpu.memref_slice %arg8[%dma_wait3A_314, %dma_wait3A_315] : memref<128x128xf32, #tpu.memory_space<vmem>> -> memref<112x128xf32, #tpu.memory_space<vmem>>
    %dma_wait3A_317 = arith.constant 0 : i32
    %dma_wait3A_318 = tpu.memref_slice %arg5[%arg0, %add3A_313, %dma_wait3A_317] : memref<2x10000x128xf32, #tpu.memory_space<hbm>> -> memref<1x112x128xf32, #tpu.memory_space<hbm>>
    %dma_wait3A_319 = tpu.memref_squeeze %dma_wait3A_318 : memref<1x112x128xf32, #tpu.memory_space<hbm>> -> memref<112x128xf32, #tpu.memory_space<hbm>>
    %dma_wait3A_320 = arith.constant 0 : i32
    %dma_wait3A_321 = tpu.memref_slice %arg5[%arg0, %add3A_313, %dma_wait3A_320] : memref<2x10000x128xf32, #tpu.memory_space<hbm>> -> memref<1x112x128xf32, #tpu.memory_space<hbm>>
    %dma_wait3A_322 = tpu.memref_squeeze %dma_wait3A_321 : memref<1x112x128xf32, #tpu.memory_space<hbm>> -> memref<112x128xf32, #tpu.memory_space<hbm>>
    %dma_wait3A_323 = arith.constant 0 : i32
    %dma_wait3A_324 = arith.constant 0 : i32
    %dma_wait3A_325 = tpu.memref_slice %arg8[%dma_wait3A_323, %dma_wait3A_324] : memref<128x128xf32, #tpu.memory_space<vmem>> -> memref<112x128xf32, #tpu.memory_space<vmem>>
    tpu.wait_dma2 semaphore(%arg13 : memref<!tpu.dma_semaphore, #tpu.memory_space<semaphore_mem>>) src(%dma_wait3A_325 : memref<112x128xf32, #tpu.memory_space<vmem>>) dst(%dma_wait3A_322 : memref<112x128xf32, #tpu.memory_space<hbm>>)
    %eq3A_326 = arith.constant 0 : i32
    %eq3A_327 = arith.cmpi eq, %arg1, %eq3A_326 : i32
    %convert_element_type3A_328 = arith.extui %eq3A_327 : i1 to i32
    %cond3A_329 = arith.constant 0 : i32
    %cond3A_330 = arith.cmpi ne, %convert_element_type3A_328, %cond3A_329 : i32
    scf.if %cond3A_330 {
      "tpu.region"() ({
        %run_scoped3A = tpu.sem_alloc : memref<!tpu.dma_semaphore, #tpu.memory_space<semaphore_mem>>
        %dma_start3A_331 = arith.constant 0 : i32
        %dma_start3A_332 = arith.constant 0 : i32
        %dma_start3A_333 = tpu.memref_slice %arg8[%dma_start3A_331, %dma_start3A_332] : memref<128x128xf32, #tpu.memory_space<vmem>> -> memref<16x128xf32, #tpu.memory_space<vmem>>
        %dma_start3A_334 = arith.constant 9984 : i32
        %dma_start3A_335 = arith.constant 0 : i32
        %dma_start3A_336 = tpu.memref_slice %arg10[%dma_start3A_334, %dma_start3A_335] : memref<10008x128xf32, #tpu.memory_space<vmem_shared>> -> memref<16x128xf32, #tpu.memory_space<vmem_shared>>
        %dma_start3A_337 = arith.constant 0 : i32
        %dma_start3A_338 = arith.constant 0 : i32
        %dma_start3A_339 = tpu.memref_slice %arg8[%dma_start3A_337, %dma_start3A_338] : memref<128x128xf32, #tpu.memory_space<vmem>> -> memref<16x128xf32, #tpu.memory_space<vmem>>
        %dma_start3A_340 = arith.constant 9984 : i32
        %dma_start3A_341 = arith.constant 0 : i32
        %dma_start3A_342 = tpu.memref_slice %arg10[%dma_start3A_340, %dma_start3A_341] : memref<10008x128xf32, #tpu.memory_space<vmem_shared>> -> memref<16x128xf32, #tpu.memory_space<vmem_shared>>
        tpu.enqueue_dma source(%dma_start3A_342 : memref<16x128xf32, #tpu.memory_space<vmem_shared>>) target(%dma_start3A_339 : memref<16x128xf32, #tpu.memory_space<vmem>>) target_semaphore(%run_scoped3A : memref<!tpu.dma_semaphore, #tpu.memory_space<semaphore_mem>>)
        %dma_wait3A_343 = arith.constant 0 : i32
        %dma_wait3A_344 = arith.constant 0 : i32
        %dma_wait3A_345 = tpu.memref_slice %arg8[%dma_wait3A_343, %dma_wait3A_344] : memref<128x128xf32, #tpu.memory_space<vmem>> -> memref<16x128xf32, #tpu.memory_space<vmem>>
        %dma_wait3A_346 = arith.constant 9984 : i32
        %dma_wait3A_347 = arith.constant 0 : i32
        %dma_wait3A_348 = tpu.memref_slice %arg10[%dma_wait3A_346, %dma_wait3A_347] : memref<10008x128xf32, #tpu.memory_space<vmem_shared>> -> memref<16x128xf32, #tpu.memory_space<vmem_shared>>
        %dma_wait3A_349 = arith.constant 0 : i32
        %dma_wait3A_350 = arith.constant 0 : i32
        %dma_wait3A_351 = tpu.memref_slice %arg8[%dma_wait3A_349, %dma_wait3A_350] : memref<128x128xf32, #tpu.memory_space<vmem>> -> memref<16x128xf32, #tpu.memory_space<vmem>>
        %dma_wait3A_352 = arith.constant 9984 : i32
        %dma_wait3A_353 = arith.constant 0 : i32
        %dma_wait3A_354 = tpu.memref_slice %arg10[%dma_wait3A_352, %dma_wait3A_353] : memref<10008x128xf32, #tpu.memory_space<vmem_shared>> -> memref<16x128xf32, #tpu.memory_space<vmem_shared>>
        tpu.wait_dma2 semaphore(%run_scoped3A : memref<!tpu.dma_semaphore, #tpu.memory_space<semaphore_mem>>) src(%dma_wait3A_354 : memref<16x128xf32, #tpu.memory_space<vmem_shared>>) dst(%dma_wait3A_351 : memref<16x128xf32, #tpu.memory_space<vmem>>)
        tpu.yield
      }) : () -> ()
      "tpu.region"() ({
        %run_scoped3A = tpu.sem_alloc : memref<!tpu.dma_semaphore, #tpu.memory_space<semaphore_mem>>
        %dma_start3A_331 = arith.constant 0 : i32
        %dma_start3A_332 = arith.constant 0 : i32
        %dma_start3A_333 = tpu.memref_slice %arg8[%dma_start3A_331, %dma_start3A_332] : memref<128x128xf32, #tpu.memory_space<vmem>> -> memref<16x128xf32, #tpu.memory_space<vmem>>
        %dma_start3A_334 = arith.constant 9984 : i32
        %dma_start3A_335 = arith.constant 0 : i32
        %dma_start3A_336 = tpu.memref_slice %arg5[%arg0, %dma_start3A_334, %dma_start3A_335] : memref<2x10000x128xf32, #tpu.memory_space<hbm>> -> memref<1x16x128xf32, #tpu.memory_space<hbm>>
        %dma_start3A_337 = tpu.memref_squeeze %dma_start3A_336 : memref<1x16x128xf32, #tpu.memory_space<hbm>> -> memref<16x128xf32, #tpu.memory_space<hbm>>
        %dma_start3A_338 = arith.constant 9984 : i32
        %dma_start3A_339 = arith.constant 0 : i32
        %dma_start3A_340 = tpu.memref_slice %arg5[%arg0, %dma_start3A_338, %dma_start3A_339] : memref<2x10000x128xf32, #tpu.memory_space<hbm>> -> memref<1x16x128xf32, #tpu.memory_space<hbm>>
        %dma_start3A_341 = tpu.memref_squeeze %dma_start3A_340 : memref<1x16x128xf32, #tpu.memory_space<hbm>> -> memref<16x128xf32, #tpu.memory_space<hbm>>
        %dma_start3A_342 = arith.constant 0 : i32
        %dma_start3A_343 = arith.constant 0 : i32
        %dma_start3A_344 = tpu.memref_slice %arg8[%dma_start3A_342, %dma_start3A_343] : memref<128x128xf32, #tpu.memory_space<vmem>> -> memref<16x128xf32, #tpu.memory_space<vmem>>
        tpu.enqueue_dma source(%dma_start3A_344 : memref<16x128xf32, #tpu.memory_space<vmem>>) target(%dma_start3A_341 : memref<16x128xf32, #tpu.memory_space<hbm>>) target_semaphore(%run_scoped3A : memref<!tpu.dma_semaphore, #tpu.memory_space<semaphore_mem>>)
        %dma_wait3A_345 = arith.constant 0 : i32
        %dma_wait3A_346 = arith.constant 0 : i32
        %dma_wait3A_347 = tpu.memref_slice %arg8[%dma_wait3A_345, %dma_wait3A_346] : memref<128x128xf32, #tpu.memory_space<vmem>> -> memref<16x128xf32, #tpu.memory_space<vmem>>
        %dma_wait3A_348 = arith.constant 9984 : i32
        %dma_wait3A_349 = arith.constant 0 : i32
        %dma_wait3A_350 = tpu.memref_slice %arg5[%arg0, %dma_wait3A_348, %dma_wait3A_349] : memref<2x10000x128xf32, #tpu.memory_space<hbm>> -> memref<1x16x128xf32, #tpu.memory_space<hbm>>
        %dma_wait3A_351 = tpu.memref_squeeze %dma_wait3A_350 : memref<1x16x128xf32, #tpu.memory_space<hbm>> -> memref<16x128xf32, #tpu.memory_space<hbm>>
        %dma_wait3A_352 = arith.constant 9984 : i32
        %dma_wait3A_353 = arith.constant 0 : i32
        %dma_wait3A_354 = tpu.memref_slice %arg5[%arg0, %dma_wait3A_352, %dma_wait3A_353] : memref<2x10000x128xf32, #tpu.memory_space<hbm>> -> memref<1x16x128xf32, #tpu.memory_space<hbm>>
        %dma_wait3A_355 = tpu.memref_squeeze %dma_wait3A_354 : memref<1x16x128xf32, #tpu.memory_space<hbm>> -> memref<16x128xf32, #tpu.memory_space<hbm>>
        %dma_wait3A_356 = arith.constant 0 : i32
        %dma_wait3A_357 = arith.constant 0 : i32
        %dma_wait3A_358 = tpu.memref_slice %arg8[%dma_wait3A_356, %dma_wait3A_357] : memref<128x128xf32, #tpu.memory_space<vmem>> -> memref<16x128xf32, #tpu.memory_space<vmem>>
        tpu.wait_dma2 semaphore(%run_scoped3A : memref<!tpu.dma_semaphore, #tpu.memory_space<semaphore_mem>>) src(%dma_wait3A_358 : memref<16x128xf32, #tpu.memory_space<vmem>>) dst(%dma_wait3A_355 : memref<16x128xf32, #tpu.memory_space<hbm>>)
        tpu.yield
      }) : () -> ()
    } else {
    }
    return
  }
}

#map = affine_map<(d0, d1) -> (0, 0)>
#map1 = affine_map<(d0, d1) -> (0)>
module attributes {stable_mosaic.version = 14 : i64} {
  func.func @_sc_degrees(%arg0: i32, %arg1: i32, %arg2: memref<2560x128xi32, #tpu.memory_space<hbm>>, %arg3: memref<2560x128xi32, #tpu.memory_space<hbm>>, %arg4: memref<2560x128xi32, #tpu.memory_space<hbm>>, %arg5: memref<2560x128xi32, #tpu.memory_space<hbm>>, %arg6: memref<81920xf32, #tpu.memory_space<hbm>>, %arg7: memref<80x128xi32, #tpu.memory_space<vmem>>, %arg8: memref<80x128xi32, #tpu.memory_space<vmem>>, %arg9: memref<80x128xi32, #tpu.memory_space<vmem>>, %arg10: memref<80x128xi32, #tpu.memory_space<vmem>>, %arg11: memref<1x128xf32, #tpu.memory_space<vmem>>, %arg12: memref<1024xf32, #tpu.memory_space<vmem>>, %arg13: memref<10008xf32, #tpu.memory_space<vmem_shared>>, %arg14: memref<10008xf32, #tpu.memory_space<vmem_shared>>, %arg15: memref<10008xf32, #tpu.memory_space<vmem_shared>>, %arg16: memref<10008xf32, #tpu.memory_space<vmem_shared>>, %arg17: memref<!tpu.dma_semaphore, #tpu.memory_space<semaphore_mem>>, %arg18: memref<!tpu.dma_semaphore, #tpu.memory_space<semaphore_mem>>, %arg19: memref<!tpu.dma_semaphore, #tpu.memory_space<semaphore_mem>>, %arg20: memref<!tpu.dma_semaphore, #tpu.memory_space<semaphore_mem>>) attributes {dimension_semantics = [#tpu.dimension_semantics<core_parallel>, #tpu.dimension_semantics<subcore_parallel>], iteration_bounds = array<i64: 2, 16>, scalar_prefetch = 0 : i64, scratch_operands = 14 : i64, tpu.core_type = #tpu.core_type<sc_vector_subcore>, window_params = [{transform_indices = #map}, {transform_indices = #map}, {transform_indices = #map}, {transform_indices = #map}, {transform_indices = #map1}]} {
    %broadcast_in_dim3A = arith.constant 0.000000e+00 : f32
    %broadcast_in_dim3A_0 = vector.broadcast %broadcast_in_dim3A : f32 to vector<16xf32>
    %broadcast_in_dim3A_1 = arith.constant 1.000000e+00 : f32
    %broadcast_in_dim3A_2 = vector.broadcast %broadcast_in_dim3A_1 : f32 to vector<16xf32>
    %scan3A = arith.constant 0 : i32
    %scan3A_3 = arith.constant 0 : i32
    %scan3A_4 = arith.constant 64 : i32
    %scan3A_5 = arith.addi %scan3A_3, %scan3A_4 : i32
    %scan3A_6 = arith.constant 1 : i32
    scf.for %scan3A_109 = %scan3A_3 to %scan3A_5 step %scan3A_6  : i32 {
      %mul3A_110 = arith.constant 16 : i32
      %mul3A_111 = arith.muli %scan3A_109, %mul3A_110 : i32
      %swap3A = arith.index_cast %mul3A_111 : i32 to index
      %swap3A_112 = tpu.vector_load %arg12[%swap3A] {strides = array<i32>} : memref<1024xf32, #tpu.memory_space<vmem>>, vector<16xf32>,
      %swap3A_113 = vector.shape_cast %swap3A_112 : vector<16xf32> to vector<16xf32>
      %swap3A_114 = vector.shape_cast %broadcast_in_dim3A_0 : vector<16xf32> to vector<16xf32>
      tpu.vector_store %arg12[%swap3A], %swap3A_114 {strides = array<i32>} : memref<1024xf32, #tpu.memory_space<vmem>>, vector<16xf32>,
    }
    %scan3A_7 = arith.constant 64 : i32
    %scan3A_8 = arith.constant 0 : i32
    %scan3A_9 = arith.constant 0 : i32
    %scan3A_10 = arith.constant 8 : i32
    %scan3A_11 = arith.addi %scan3A_9, %scan3A_10 : i32
    %scan3A_12 = arith.constant 1 : i32
    scf.for %scan3A_109 = %scan3A_9 to %scan3A_11 step %scan3A_12  : i32 {
      %mul3A_110 = arith.constant 16 : i32
      %mul3A_111 = arith.muli %scan3A_109, %mul3A_110 : i32
      %swap3A = arith.constant 0 : i32
      %swap3A_112 = arith.index_cast %swap3A : i32 to index
      %swap3A_113 = arith.index_cast %mul3A_111 : i32 to index
      %swap3A_114 = tpu.vector_load %arg11[%swap3A_112, %swap3A_113] {strides = array<i32>} : memref<1x128xf32, #tpu.memory_space<vmem>>, vector<1x16xf32>,
      %swap3A_115 = vector.shape_cast %swap3A_114 : vector<1x16xf32> to vector<16xf32>
      %swap3A_116 = vector.shape_cast %broadcast_in_dim3A_2 : vector<16xf32> to vector<1x16xf32>
      tpu.vector_store %arg11[%swap3A_112, %swap3A_113], %swap3A_116 {strides = array<i32>} : memref<1x128xf32, #tpu.memory_space<vmem>>, vector<1x16xf32>,
    }
    %scan3A_13 = arith.constant 8 : i32
    %lt3A = arith.constant 10 : i32
    %lt3A_14 = arith.cmpi slt, %arg1, %lt3A : i32
    %convert_element_type3A = arith.extui %lt3A_14 : i1 to i32
    %cond3A = arith.constant 0 : i32
    %cond3A_15 = arith.cmpi ne, %convert_element_type3A, %cond3A : i32
    scf.if %cond3A_15 {
      %mul3A_109 = arith.constant 1000 : i32
      %mul3A_110 = arith.muli %arg1, %mul3A_109 : i32
      "tpu.region"() ({
        %run_scoped3A = tpu.sem_alloc : memref<!tpu.dma_semaphore, #tpu.memory_space<semaphore_mem>>
        %dma_start3A_117 = arith.constant 0 : i32
        %dma_start3A_118 = tpu.memref_slice %arg12[%dma_start3A_117] : memref<1024xf32, #tpu.memory_space<vmem>> -> memref<1000xf32, #tpu.memory_space<vmem>>
        %dma_start3A_119 = tpu.memref_slice %arg13[%mul3A_110] : memref<10008xf32, #tpu.memory_space<vmem_shared>> -> memref<1000xf32, #tpu.memory_space<vmem_shared>>
        %dma_start3A_120 = tpu.memref_slice %arg13[%mul3A_110] : memref<10008xf32, #tpu.memory_space<vmem_shared>> -> memref<1000xf32, #tpu.memory_space<vmem_shared>>
        %dma_start3A_121 = arith.constant 0 : i32
        %dma_start3A_122 = tpu.memref_slice %arg12[%dma_start3A_121] : memref<1024xf32, #tpu.memory_space<vmem>> -> memref<1000xf32, #tpu.memory_space<vmem>>
        tpu.enqueue_dma source(%dma_start3A_122 : memref<1000xf32, #tpu.memory_space<vmem>>) target(%dma_start3A_120 : memref<1000xf32, #tpu.memory_space<vmem_shared>>) target_semaphore(%run_scoped3A : memref<!tpu.dma_semaphore, #tpu.memory_space<semaphore_mem>>)
        %dma_wait3A_123 = arith.constant 0 : i32
        %dma_wait3A_124 = tpu.memref_slice %arg12[%dma_wait3A_123] : memref<1024xf32, #tpu.memory_space<vmem>> -> memref<1000xf32, #tpu.memory_space<vmem>>
        %dma_wait3A_125 = tpu.memref_slice %arg13[%mul3A_110] : memref<10008xf32, #tpu.memory_space<vmem_shared>> -> memref<1000xf32, #tpu.memory_space<vmem_shared>>
        %dma_wait3A_126 = tpu.memref_slice %arg13[%mul3A_110] : memref<10008xf32, #tpu.memory_space<vmem_shared>> -> memref<1000xf32, #tpu.memory_space<vmem_shared>>
        %dma_wait3A_127 = arith.constant 0 : i32
        %dma_wait3A_128 = tpu.memref_slice %arg12[%dma_wait3A_127] : memref<1024xf32, #tpu.memory_space<vmem>> -> memref<1000xf32, #tpu.memory_space<vmem>>
        tpu.wait_dma2 semaphore(%run_scoped3A : memref<!tpu.dma_semaphore, #tpu.memory_space<semaphore_mem>>) src(%dma_wait3A_128 : memref<1000xf32, #tpu.memory_space<vmem>>) dst(%dma_wait3A_126 : memref<1000xf32, #tpu.memory_space<vmem_shared>>)
        tpu.yield
      }) : () -> ()
      %mul3A_111 = arith.constant 1000 : i32
      %mul3A_112 = arith.muli %arg1, %mul3A_111 : i32
      "tpu.region"() ({
        %run_scoped3A = tpu.sem_alloc : memref<!tpu.dma_semaphore, #tpu.memory_space<semaphore_mem>>
        %dma_start3A_117 = arith.constant 0 : i32
        %dma_start3A_118 = tpu.memref_slice %arg12[%dma_start3A_117] : memref<1024xf32, #tpu.memory_space<vmem>> -> memref<1000xf32, #tpu.memory_space<vmem>>
        %dma_start3A_119 = tpu.memref_slice %arg14[%mul3A_112] : memref<10008xf32, #tpu.memory_space<vmem_shared>> -> memref<1000xf32, #tpu.memory_space<vmem_shared>>
        %dma_start3A_120 = tpu.memref_slice %arg14[%mul3A_112] : memref<10008xf32, #tpu.memory_space<vmem_shared>> -> memref<1000xf32, #tpu.memory_space<vmem_shared>>
        %dma_start3A_121 = arith.constant 0 : i32
        %dma_start3A_122 = tpu.memref_slice %arg12[%dma_start3A_121] : memref<1024xf32, #tpu.memory_space<vmem>> -> memref<1000xf32, #tpu.memory_space<vmem>>
        tpu.enqueue_dma source(%dma_start3A_122 : memref<1000xf32, #tpu.memory_space<vmem>>) target(%dma_start3A_120 : memref<1000xf32, #tpu.memory_space<vmem_shared>>) target_semaphore(%run_scoped3A : memref<!tpu.dma_semaphore, #tpu.memory_space<semaphore_mem>>)
        %dma_wait3A_123 = arith.constant 0 : i32
        %dma_wait3A_124 = tpu.memref_slice %arg12[%dma_wait3A_123] : memref<1024xf32, #tpu.memory_space<vmem>> -> memref<1000xf32, #tpu.memory_space<vmem>>
        %dma_wait3A_125 = tpu.memref_slice %arg14[%mul3A_112] : memref<10008xf32, #tpu.memory_space<vmem_shared>> -> memref<1000xf32, #tpu.memory_space<vmem_shared>>
        %dma_wait3A_126 = tpu.memref_slice %arg14[%mul3A_112] : memref<10008xf32, #tpu.memory_space<vmem_shared>> -> memref<1000xf32, #tpu.memory_space<vmem_shared>>
        %dma_wait3A_127 = arith.constant 0 : i32
        %dma_wait3A_128 = tpu.memref_slice %arg12[%dma_wait3A_127] : memref<1024xf32, #tpu.memory_space<vmem>> -> memref<1000xf32, #tpu.memory_space<vmem>>
        tpu.wait_dma2 semaphore(%run_scoped3A : memref<!tpu.dma_semaphore, #tpu.memory_space<semaphore_mem>>) src(%dma_wait3A_128 : memref<1000xf32, #tpu.memory_space<vmem>>) dst(%dma_wait3A_126 : memref<1000xf32, #tpu.memory_space<vmem_shared>>)
        tpu.yield
      }) : () -> ()
      %mul3A_113 = arith.constant 1000 : i32
      %mul3A_114 = arith.muli %arg1, %mul3A_113 : i32
      "tpu.region"() ({
        %run_scoped3A = tpu.sem_alloc : memref<!tpu.dma_semaphore, #tpu.memory_space<semaphore_mem>>
        %dma_start3A_117 = arith.constant 0 : i32
        %dma_start3A_118 = tpu.memref_slice %arg12[%dma_start3A_117] : memref<1024xf32, #tpu.memory_space<vmem>> -> memref<1000xf32, #tpu.memory_space<vmem>>
        %dma_start3A_119 = tpu.memref_slice %arg15[%mul3A_114] : memref<10008xf32, #tpu.memory_space<vmem_shared>> -> memref<1000xf32, #tpu.memory_space<vmem_shared>>
        %dma_start3A_120 = tpu.memref_slice %arg15[%mul3A_114] : memref<10008xf32, #tpu.memory_space<vmem_shared>> -> memref<1000xf32, #tpu.memory_space<vmem_shared>>
        %dma_start3A_121 = arith.constant 0 : i32
        %dma_start3A_122 = tpu.memref_slice %arg12[%dma_start3A_121] : memref<1024xf32, #tpu.memory_space<vmem>> -> memref<1000xf32, #tpu.memory_space<vmem>>
        tpu.enqueue_dma source(%dma_start3A_122 : memref<1000xf32, #tpu.memory_space<vmem>>) target(%dma_start3A_120 : memref<1000xf32, #tpu.memory_space<vmem_shared>>) target_semaphore(%run_scoped3A : memref<!tpu.dma_semaphore, #tpu.memory_space<semaphore_mem>>)
        %dma_wait3A_123 = arith.constant 0 : i32
        %dma_wait3A_124 = tpu.memref_slice %arg12[%dma_wait3A_123] : memref<1024xf32, #tpu.memory_space<vmem>> -> memref<1000xf32, #tpu.memory_space<vmem>>
        %dma_wait3A_125 = tpu.memref_slice %arg15[%mul3A_114] : memref<10008xf32, #tpu.memory_space<vmem_shared>> -> memref<1000xf32, #tpu.memory_space<vmem_shared>>
        %dma_wait3A_126 = tpu.memref_slice %arg15[%mul3A_114] : memref<10008xf32, #tpu.memory_space<vmem_shared>> -> memref<1000xf32, #tpu.memory_space<vmem_shared>>
        %dma_wait3A_127 = arith.constant 0 : i32
        %dma_wait3A_128 = tpu.memref_slice %arg12[%dma_wait3A_127] : memref<1024xf32, #tpu.memory_space<vmem>> -> memref<1000xf32, #tpu.memory_space<vmem>>
        tpu.wait_dma2 semaphore(%run_scoped3A : memref<!tpu.dma_semaphore, #tpu.memory_space<semaphore_mem>>) src(%dma_wait3A_128 : memref<1000xf32, #tpu.memory_space<vmem>>) dst(%dma_wait3A_126 : memref<1000xf32, #tpu.memory_space<vmem_shared>>)
        tpu.yield
      }) : () -> ()
      %mul3A_115 = arith.constant 1000 : i32
      %mul3A_116 = arith.muli %arg1, %mul3A_115 : i32
      "tpu.region"() ({
        %run_scoped3A = tpu.sem_alloc : memref<!tpu.dma_semaphore, #tpu.memory_space<semaphore_mem>>
        %dma_start3A_117 = arith.constant 0 : i32
        %dma_start3A_118 = tpu.memref_slice %arg12[%dma_start3A_117] : memref<1024xf32, #tpu.memory_space<vmem>> -> memref<1000xf32, #tpu.memory_space<vmem>>
        %dma_start3A_119 = tpu.memref_slice %arg16[%mul3A_116] : memref<10008xf32, #tpu.memory_space<vmem_shared>> -> memref<1000xf32, #tpu.memory_space<vmem_shared>>
        %dma_start3A_120 = tpu.memref_slice %arg16[%mul3A_116] : memref<10008xf32, #tpu.memory_space<vmem_shared>> -> memref<1000xf32, #tpu.memory_space<vmem_shared>>
        %dma_start3A_121 = arith.constant 0 : i32
        %dma_start3A_122 = tpu.memref_slice %arg12[%dma_start3A_121] : memref<1024xf32, #tpu.memory_space<vmem>> -> memref<1000xf32, #tpu.memory_space<vmem>>
        tpu.enqueue_dma source(%dma_start3A_122 : memref<1000xf32, #tpu.memory_space<vmem>>) target(%dma_start3A_120 : memref<1000xf32, #tpu.memory_space<vmem_shared>>) target_semaphore(%run_scoped3A : memref<!tpu.dma_semaphore, #tpu.memory_space<semaphore_mem>>)
        %dma_wait3A_123 = arith.constant 0 : i32
        %dma_wait3A_124 = tpu.memref_slice %arg12[%dma_wait3A_123] : memref<1024xf32, #tpu.memory_space<vmem>> -> memref<1000xf32, #tpu.memory_space<vmem>>
        %dma_wait3A_125 = tpu.memref_slice %arg16[%mul3A_116] : memref<10008xf32, #tpu.memory_space<vmem_shared>> -> memref<1000xf32, #tpu.memory_space<vmem_shared>>
        %dma_wait3A_126 = tpu.memref_slice %arg16[%mul3A_116] : memref<10008xf32, #tpu.memory_space<vmem_shared>> -> memref<1000xf32, #tpu.memory_space<vmem_shared>>
        %dma_wait3A_127 = arith.constant 0 : i32
        %dma_wait3A_128 = tpu.memref_slice %arg12[%dma_wait3A_127] : memref<1024xf32, #tpu.memory_space<vmem>> -> memref<1000xf32, #tpu.memory_space<vmem>>
        tpu.wait_dma2 semaphore(%run_scoped3A : memref<!tpu.dma_semaphore, #tpu.memory_space<semaphore_mem>>) src(%dma_wait3A_128 : memref<1000xf32, #tpu.memory_space<vmem>>) dst(%dma_wait3A_126 : memref<1000xf32, #tpu.memory_space<vmem_shared>>)
        tpu.yield
      }) : () -> ()
    } else {
    }
    %barrier3A = arith.constant 0 : index
    tpu.barrier barrier_id(%barrier3A)
    %mul3A = arith.constant 1280 : i32
    %mul3A_16 = arith.muli %arg0, %mul3A : i32
    %mul3A_17 = arith.constant 80 : i32
    %mul3A_18 = arith.muli %arg1, %mul3A_17 : i32
    %add3A = arith.addi %mul3A_16, %mul3A_18 : i32
    "tpu.region"() ({
      %run_scoped3A = tpu.sem_alloc : memref<!tpu.dma_semaphore, #tpu.memory_space<semaphore_mem>>
      %dma_start3A_109 = arith.constant 0 : i32
      %dma_start3A_110 = tpu.memref_slice %arg2[%add3A, %dma_start3A_109] : memref<2560x128xi32, #tpu.memory_space<hbm>> -> memref<80x128xi32, #tpu.memory_space<hbm>>
      %dma_start3A_111 = arith.constant 0 : i32
      %dma_start3A_112 = tpu.memref_slice %arg2[%add3A, %dma_start3A_111] : memref<2560x128xi32, #tpu.memory_space<hbm>> -> memref<80x128xi32, #tpu.memory_space<hbm>>
      tpu.enqueue_dma source(%dma_start3A_112 : memref<80x128xi32, #tpu.memory_space<hbm>>) target(%arg7 : memref<80x128xi32, #tpu.memory_space<vmem>>) target_semaphore(%run_scoped3A : memref<!tpu.dma_semaphore, #tpu.memory_space<semaphore_mem>>)
      %dma_wait3A_113 = arith.constant 0 : i32
      %dma_wait3A_114 = tpu.memref_slice %arg2[%add3A, %dma_wait3A_113] : memref<2560x128xi32, #tpu.memory_space<hbm>> -> memref<80x128xi32, #tpu.memory_space<hbm>>
      %dma_wait3A_115 = arith.constant 0 : i32
      %dma_wait3A_116 = tpu.memref_slice %arg2[%add3A, %dma_wait3A_115] : memref<2560x128xi32, #tpu.memory_space<hbm>> -> memref<80x128xi32, #tpu.memory_space<hbm>>
      tpu.wait_dma2 semaphore(%run_scoped3A : memref<!tpu.dma_semaphore, #tpu.memory_space<semaphore_mem>>) src(%dma_wait3A_116 : memref<80x128xi32, #tpu.memory_space<hbm>>) dst(%arg7 : memref<80x128xi32, #tpu.memory_space<vmem>>)
      tpu.yield
    }) : () -> ()
    "tpu.region"() ({
      %run_scoped3A = tpu.sem_alloc : memref<!tpu.dma_semaphore, #tpu.memory_space<semaphore_mem>>
      %dma_start3A_109 = arith.constant 0 : i32
      %dma_start3A_110 = tpu.memref_slice %arg3[%add3A, %dma_start3A_109] : memref<2560x128xi32, #tpu.memory_space<hbm>> -> memref<80x128xi32, #tpu.memory_space<hbm>>
      %dma_start3A_111 = arith.constant 0 : i32
      %dma_start3A_112 = tpu.memref_slice %arg3[%add3A, %dma_start3A_111] : memref<2560x128xi32, #tpu.memory_space<hbm>> -> memref<80x128xi32, #tpu.memory_space<hbm>>
      tpu.enqueue_dma source(%dma_start3A_112 : memref<80x128xi32, #tpu.memory_space<hbm>>) target(%arg8 : memref<80x128xi32, #tpu.memory_space<vmem>>) target_semaphore(%run_scoped3A : memref<!tpu.dma_semaphore, #tpu.memory_space<semaphore_mem>>)
      %dma_wait3A_113 = arith.constant 0 : i32
      %dma_wait3A_114 = tpu.memref_slice %arg3[%add3A, %dma_wait3A_113] : memref<2560x128xi32, #tpu.memory_space<hbm>> -> memref<80x128xi32, #tpu.memory_space<hbm>>
      %dma_wait3A_115 = arith.constant 0 : i32
      %dma_wait3A_116 = tpu.memref_slice %arg3[%add3A, %dma_wait3A_115] : memref<2560x128xi32, #tpu.memory_space<hbm>> -> memref<80x128xi32, #tpu.memory_space<hbm>>
      tpu.wait_dma2 semaphore(%run_scoped3A : memref<!tpu.dma_semaphore, #tpu.memory_space<semaphore_mem>>) src(%dma_wait3A_116 : memref<80x128xi32, #tpu.memory_space<hbm>>) dst(%arg8 : memref<80x128xi32, #tpu.memory_space<vmem>>)
      tpu.yield
    }) : () -> ()
    "tpu.region"() ({
      %run_scoped3A = tpu.sem_alloc : memref<!tpu.dma_semaphore, #tpu.memory_space<semaphore_mem>>
      %dma_start3A_109 = arith.constant 0 : i32
      %dma_start3A_110 = tpu.memref_slice %arg4[%add3A, %dma_start3A_109] : memref<2560x128xi32, #tpu.memory_space<hbm>> -> memref<80x128xi32, #tpu.memory_space<hbm>>
      %dma_start3A_111 = arith.constant 0 : i32
      %dma_start3A_112 = tpu.memref_slice %arg4[%add3A, %dma_start3A_111] : memref<2560x128xi32, #tpu.memory_space<hbm>> -> memref<80x128xi32, #tpu.memory_space<hbm>>
      tpu.enqueue_dma source(%dma_start3A_112 : memref<80x128xi32, #tpu.memory_space<hbm>>) target(%arg9 : memref<80x128xi32, #tpu.memory_space<vmem>>) target_semaphore(%run_scoped3A : memref<!tpu.dma_semaphore, #tpu.memory_space<semaphore_mem>>)
      %dma_wait3A_113 = arith.constant 0 : i32
      %dma_wait3A_114 = tpu.memref_slice %arg4[%add3A, %dma_wait3A_113] : memref<2560x128xi32, #tpu.memory_space<hbm>> -> memref<80x128xi32, #tpu.memory_space<hbm>>
      %dma_wait3A_115 = arith.constant 0 : i32
      %dma_wait3A_116 = tpu.memref_slice %arg4[%add3A, %dma_wait3A_115] : memref<2560x128xi32, #tpu.memory_space<hbm>> -> memref<80x128xi32, #tpu.memory_space<hbm>>
      tpu.wait_dma2 semaphore(%run_scoped3A : memref<!tpu.dma_semaphore, #tpu.memory_space<semaphore_mem>>) src(%dma_wait3A_116 : memref<80x128xi32, #tpu.memory_space<hbm>>) dst(%arg9 : memref<80x128xi32, #tpu.memory_space<vmem>>)
      tpu.yield
    }) : () -> ()
    "tpu.region"() ({
      %run_scoped3A = tpu.sem_alloc : memref<!tpu.dma_semaphore, #tpu.memory_space<semaphore_mem>>
      %dma_start3A_109 = arith.constant 0 : i32
      %dma_start3A_110 = tpu.memref_slice %arg5[%add3A, %dma_start3A_109] : memref<2560x128xi32, #tpu.memory_space<hbm>> -> memref<80x128xi32, #tpu.memory_space<hbm>>
      %dma_start3A_111 = arith.constant 0 : i32
      %dma_start3A_112 = tpu.memref_slice %arg5[%add3A, %dma_start3A_111] : memref<2560x128xi32, #tpu.memory_space<hbm>> -> memref<80x128xi32, #tpu.memory_space<hbm>>
      tpu.enqueue_dma source(%dma_start3A_112 : memref<80x128xi32, #tpu.memory_space<hbm>>) target(%arg10 : memref<80x128xi32, #tpu.memory_space<vmem>>) target_semaphore(%run_scoped3A : memref<!tpu.dma_semaphore, #tpu.memory_space<semaphore_mem>>)
      %dma_wait3A_113 = arith.constant 0 : i32
      %dma_wait3A_114 = tpu.memref_slice %arg5[%add3A, %dma_wait3A_113] : memref<2560x128xi32, #tpu.memory_space<hbm>> -> memref<80x128xi32, #tpu.memory_space<hbm>>
      %dma_wait3A_115 = arith.constant 0 : i32
      %dma_wait3A_116 = tpu.memref_slice %arg5[%add3A, %dma_wait3A_115] : memref<2560x128xi32, #tpu.memory_space<hbm>> -> memref<80x128xi32, #tpu.memory_space<hbm>>
      tpu.wait_dma2 semaphore(%run_scoped3A : memref<!tpu.dma_semaphore, #tpu.memory_space<semaphore_mem>>) src(%dma_wait3A_116 : memref<80x128xi32, #tpu.memory_space<hbm>>) dst(%arg10 : memref<80x128xi32, #tpu.memory_space<vmem>>)
      tpu.yield
    }) : () -> ()
    %dma_start3A = arith.constant 0 : i32
    %dma_start3A_19 = arith.constant 0 : i32
    %dma_start3A_20 = arith.constant 0 : i32
    %dma_start3A_21 = tpu.memref_slice %arg11[%dma_start3A, %dma_start3A_20] : memref<1x128xf32, #tpu.memory_space<vmem>> -> memref<1x128xf32, #tpu.memory_space<vmem>>
    %dma_start3A_22 = tpu.memref_squeeze %dma_start3A_21 : memref<1x128xf32, #tpu.memory_space<vmem>> -> memref<128xf32, #tpu.memory_space<vmem>>
    %dma_start3A_23 = arith.constant 0 : i32
    %dma_start3A_24 = tpu.memref_slice %arg7[%dma_start3A_19, %dma_start3A_23] : memref<80x128xi32, #tpu.memory_space<vmem>> -> memref<1x128xi32, #tpu.memory_space<vmem>>
    %dma_start3A_25 = tpu.memref_squeeze %dma_start3A_24 : memref<1x128xi32, #tpu.memory_space<vmem>> -> memref<128xi32, #tpu.memory_space<vmem>>
    %dma_start3A_26 = arith.constant 0 : i32
    %dma_start3A_27 = tpu.memref_slice %arg13[%dma_start3A_26] : memref<10008xf32, #tpu.memory_space<vmem_shared>> -> memref<10008xf32, #tpu.memory_space<vmem_shared>>
    tpu.enqueue_indirect_dma source(%dma_start3A_22 : memref<128xf32, #tpu.memory_space<vmem>>) target(%dma_start3A_27 : memref<10008xf32, #tpu.memory_space<vmem_shared>>) offsets(%dma_start3A_25 : memref<128xi32, #tpu.memory_space<vmem>>) semaphore(%arg17 : memref<!tpu.dma_semaphore, #tpu.memory_space<semaphore_mem>>) {add = true}
    %dma_start3A_28 = arith.constant 0 : i32
    %dma_start3A_29 = arith.constant 0 : i32
    %dma_start3A_30 = arith.constant 0 : i32
    %dma_start3A_31 = tpu.memref_slice %arg11[%dma_start3A_28, %dma_start3A_30] : memref<1x128xf32, #tpu.memory_space<vmem>> -> memref<1x128xf32, #tpu.memory_space<vmem>>
    %dma_start3A_32 = tpu.memref_squeeze %dma_start3A_31 : memref<1x128xf32, #tpu.memory_space<vmem>> -> memref<128xf32, #tpu.memory_space<vmem>>
    %dma_start3A_33 = arith.constant 0 : i32
    %dma_start3A_34 = tpu.memref_slice %arg8[%dma_start3A_29, %dma_start3A_33] : memref<80x128xi32, #tpu.memory_space<vmem>> -> memref<1x128xi32, #tpu.memory_space<vmem>>
    %dma_start3A_35 = tpu.memref_squeeze %dma_start3A_34 : memref<1x128xi32, #tpu.memory_space<vmem>> -> memref<128xi32, #tpu.memory_space<vmem>>
    %dma_start3A_36 = arith.constant 0 : i32
    %dma_start3A_37 = tpu.memref_slice %arg14[%dma_start3A_36] : memref<10008xf32, #tpu.memory_space<vmem_shared>> -> memref<10008xf32, #tpu.memory_space<vmem_shared>>
    tpu.enqueue_indirect_dma source(%dma_start3A_32 : memref<128xf32, #tpu.memory_space<vmem>>) target(%dma_start3A_37 : memref<10008xf32, #tpu.memory_space<vmem_shared>>) offsets(%dma_start3A_35 : memref<128xi32, #tpu.memory_space<vmem>>) semaphore(%arg18 : memref<!tpu.dma_semaphore, #tpu.memory_space<semaphore_mem>>) {add = true}
    %dma_start3A_38 = arith.constant 0 : i32
    %dma_start3A_39 = arith.constant 0 : i32
    %dma_start3A_40 = arith.constant 0 : i32
    %dma_start3A_41 = tpu.memref_slice %arg11[%dma_start3A_38, %dma_start3A_40] : memref<1x128xf32, #tpu.memory_space<vmem>> -> memref<1x128xf32, #tpu.memory_space<vmem>>
    %dma_start3A_42 = tpu.memref_squeeze %dma_start3A_41 : memref<1x128xf32, #tpu.memory_space<vmem>> -> memref<128xf32, #tpu.memory_space<vmem>>
    %dma_start3A_43 = arith.constant 0 : i32
    %dma_start3A_44 = tpu.memref_slice %arg9[%dma_start3A_39, %dma_start3A_43] : memref<80x128xi32, #tpu.memory_space<vmem>> -> memref<1x128xi32, #tpu.memory_space<vmem>>
    %dma_start3A_45 = tpu.memref_squeeze %dma_start3A_44 : memref<1x128xi32, #tpu.memory_space<vmem>> -> memref<128xi32, #tpu.memory_space<vmem>>
    %dma_start3A_46 = arith.constant 0 : i32
    %dma_start3A_47 = tpu.memref_slice %arg15[%dma_start3A_46] : memref<10008xf32, #tpu.memory_space<vmem_shared>> -> memref<10008xf32, #tpu.memory_space<vmem_shared>>
    tpu.enqueue_indirect_dma source(%dma_start3A_42 : memref<128xf32, #tpu.memory_space<vmem>>) target(%dma_start3A_47 : memref<10008xf32, #tpu.memory_space<vmem_shared>>) offsets(%dma_start3A_45 : memref<128xi32, #tpu.memory_space<vmem>>) semaphore(%arg19 : memref<!tpu.dma_semaphore, #tpu.memory_space<semaphore_mem>>) {add = true}
    %dma_start3A_48 = arith.constant 0 : i32
    %dma_start3A_49 = arith.constant 0 : i32
    %dma_start3A_50 = arith.constant 0 : i32
    %dma_start3A_51 = tpu.memref_slice %arg11[%dma_start3A_48, %dma_start3A_50] : memref<1x128xf32, #tpu.memory_space<vmem>> -> memref<1x128xf32, #tpu.memory_space<vmem>>
    %dma_start3A_52 = tpu.memref_squeeze %dma_start3A_51 : memref<1x128xf32, #tpu.memory_space<vmem>> -> memref<128xf32, #tpu.memory_space<vmem>>
    %dma_start3A_53 = arith.constant 0 : i32
    %dma_start3A_54 = tpu.memref_slice %arg10[%dma_start3A_49, %dma_start3A_53] : memref<80x128xi32, #tpu.memory_space<vmem>> -> memref<1x128xi32, #tpu.memory_space<vmem>>
    %dma_start3A_55 = tpu.memref_squeeze %dma_start3A_54 : memref<1x128xi32, #tpu.memory_space<vmem>> -> memref<128xi32, #tpu.memory_space<vmem>>
    %dma_start3A_56 = arith.constant 0 : i32
    %dma_start3A_57 = tpu.memref_slice %arg16[%dma_start3A_56] : memref<10008xf32, #tpu.memory_space<vmem_shared>> -> memref<10008xf32, #tpu.memory_space<vmem_shared>>
    tpu.enqueue_indirect_dma source(%dma_start3A_52 : memref<128xf32, #tpu.memory_space<vmem>>) target(%dma_start3A_57 : memref<10008xf32, #tpu.memory_space<vmem_shared>>) offsets(%dma_start3A_55 : memref<128xi32, #tpu.memory_space<vmem>>) semaphore(%arg20 : memref<!tpu.dma_semaphore, #tpu.memory_space<semaphore_mem>>) {add = true}
    %scan3A_58 = arith.constant 0 : i32
    %scan3A_59 = arith.constant 0 : i32
    %scan3A_60 = arith.constant 79 : i32
    %scan3A_61 = arith.addi %scan3A_59, %scan3A_60 : i32
    %scan3A_62 = arith.constant 1 : i32
    scf.for %scan3A_109 = %scan3A_59 to %scan3A_61 step %scan3A_62  : i32 {
      %add3A_110 = arith.constant 1 : i32
      %add3A_111 = arith.addi %scan3A_109, %add3A_110 : i32
      %dma_start3A_112 = arith.constant 0 : i32
      %dma_start3A_113 = arith.constant 0 : i32
      %dma_start3A_114 = tpu.memref_slice %arg11[%dma_start3A_112, %dma_start3A_113] : memref<1x128xf32, #tpu.memory_space<vmem>> -> memref<1x128xf32, #tpu.memory_space<vmem>>
      %dma_start3A_115 = tpu.memref_squeeze %dma_start3A_114 : memref<1x128xf32, #tpu.memory_space<vmem>> -> memref<128xf32, #tpu.memory_space<vmem>>
      %dma_start3A_116 = arith.constant 0 : i32
      %dma_start3A_117 = tpu.memref_slice %arg7[%add3A_111, %dma_start3A_116] : memref<80x128xi32, #tpu.memory_space<vmem>> -> memref<1x128xi32, #tpu.memory_space<vmem>>
      %dma_start3A_118 = tpu.memref_squeeze %dma_start3A_117 : memref<1x128xi32, #tpu.memory_space<vmem>> -> memref<128xi32, #tpu.memory_space<vmem>>
      %dma_start3A_119 = arith.constant 0 : i32
      %dma_start3A_120 = tpu.memref_slice %arg13[%dma_start3A_119] : memref<10008xf32, #tpu.memory_space<vmem_shared>> -> memref<10008xf32, #tpu.memory_space<vmem_shared>>
      tpu.enqueue_indirect_dma source(%dma_start3A_115 : memref<128xf32, #tpu.memory_space<vmem>>) target(%dma_start3A_120 : memref<10008xf32, #tpu.memory_space<vmem_shared>>) offsets(%dma_start3A_118 : memref<128xi32, #tpu.memory_space<vmem>>) semaphore(%arg17 : memref<!tpu.dma_semaphore, #tpu.memory_space<semaphore_mem>>) {add = true}
      %add3A_121 = arith.constant 1 : i32
      %add3A_122 = arith.addi %scan3A_109, %add3A_121 : i32
      %dma_start3A_123 = arith.constant 0 : i32
      %dma_start3A_124 = arith.constant 0 : i32
      %dma_start3A_125 = tpu.memref_slice %arg11[%dma_start3A_123, %dma_start3A_124] : memref<1x128xf32, #tpu.memory_space<vmem>> -> memref<1x128xf32, #tpu.memory_space<vmem>>
      %dma_start3A_126 = tpu.memref_squeeze %dma_start3A_125 : memref<1x128xf32, #tpu.memory_space<vmem>> -> memref<128xf32, #tpu.memory_space<vmem>>
      %dma_start3A_127 = arith.constant 0 : i32
      %dma_start3A_128 = tpu.memref_slice %arg8[%add3A_122, %dma_start3A_127] : memref<80x128xi32, #tpu.memory_space<vmem>> -> memref<1x128xi32, #tpu.memory_space<vmem>>
      %dma_start3A_129 = tpu.memref_squeeze %dma_start3A_128 : memref<1x128xi32, #tpu.memory_space<vmem>> -> memref<128xi32, #tpu.memory_space<vmem>>
      %dma_start3A_130 = arith.constant 0 : i32
      %dma_start3A_131 = tpu.memref_slice %arg14[%dma_start3A_130] : memref<10008xf32, #tpu.memory_space<vmem_shared>> -> memref<10008xf32, #tpu.memory_space<vmem_shared>>
      tpu.enqueue_indirect_dma source(%dma_start3A_126 : memref<128xf32, #tpu.memory_space<vmem>>) target(%dma_start3A_131 : memref<10008xf32, #tpu.memory_space<vmem_shared>>) offsets(%dma_start3A_129 : memref<128xi32, #tpu.memory_space<vmem>>) semaphore(%arg18 : memref<!tpu.dma_semaphore, #tpu.memory_space<semaphore_mem>>) {add = true}
      %add3A_132 = arith.constant 1 : i32
      %add3A_133 = arith.addi %scan3A_109, %add3A_132 : i32
      %dma_start3A_134 = arith.constant 0 : i32
      %dma_start3A_135 = arith.constant 0 : i32
      %dma_start3A_136 = tpu.memref_slice %arg11[%dma_start3A_134, %dma_start3A_135] : memref<1x128xf32, #tpu.memory_space<vmem>> -> memref<1x128xf32, #tpu.memory_space<vmem>>
      %dma_start3A_137 = tpu.memref_squeeze %dma_start3A_136 : memref<1x128xf32, #tpu.memory_space<vmem>> -> memref<128xf32, #tpu.memory_space<vmem>>
      %dma_start3A_138 = arith.constant 0 : i32
      %dma_start3A_139 = tpu.memref_slice %arg9[%add3A_133, %dma_start3A_138] : memref<80x128xi32, #tpu.memory_space<vmem>> -> memref<1x128xi32, #tpu.memory_space<vmem>>
      %dma_start3A_140 = tpu.memref_squeeze %dma_start3A_139 : memref<1x128xi32, #tpu.memory_space<vmem>> -> memref<128xi32, #tpu.memory_space<vmem>>
      %dma_start3A_141 = arith.constant 0 : i32
      %dma_start3A_142 = tpu.memref_slice %arg15[%dma_start3A_141] : memref<10008xf32, #tpu.memory_space<vmem_shared>> -> memref<10008xf32, #tpu.memory_space<vmem_shared>>
      tpu.enqueue_indirect_dma source(%dma_start3A_137 : memref<128xf32, #tpu.memory_space<vmem>>) target(%dma_start3A_142 : memref<10008xf32, #tpu.memory_space<vmem_shared>>) offsets(%dma_start3A_140 : memref<128xi32, #tpu.memory_space<vmem>>) semaphore(%arg19 : memref<!tpu.dma_semaphore, #tpu.memory_space<semaphore_mem>>) {add = true}
      %add3A_143 = arith.constant 1 : i32
      %add3A_144 = arith.addi %scan3A_109, %add3A_143 : i32
      %dma_start3A_145 = arith.constant 0 : i32
      %dma_start3A_146 = arith.constant 0 : i32
      %dma_start3A_147 = tpu.memref_slice %arg11[%dma_start3A_145, %dma_start3A_146] : memref<1x128xf32, #tpu.memory_space<vmem>> -> memref<1x128xf32, #tpu.memory_space<vmem>>
      %dma_start3A_148 = tpu.memref_squeeze %dma_start3A_147 : memref<1x128xf32, #tpu.memory_space<vmem>> -> memref<128xf32, #tpu.memory_space<vmem>>
      %dma_start3A_149 = arith.constant 0 : i32
      %dma_start3A_150 = tpu.memref_slice %arg10[%add3A_144, %dma_start3A_149] : memref<80x128xi32, #tpu.memory_space<vmem>> -> memref<1x128xi32, #tpu.memory_space<vmem>>
      %dma_start3A_151 = tpu.memref_squeeze %dma_start3A_150 : memref<1x128xi32, #tpu.memory_space<vmem>> -> memref<128xi32, #tpu.memory_space<vmem>>
      %dma_start3A_152 = arith.constant 0 : i32
      %dma_start3A_153 = tpu.memref_slice %arg16[%dma_start3A_152] : memref<10008xf32, #tpu.memory_space<vmem_shared>> -> memref<10008xf32, #tpu.memory_space<vmem_shared>>
      tpu.enqueue_indirect_dma source(%dma_start3A_148 : memref<128xf32, #tpu.memory_space<vmem>>) target(%dma_start3A_153 : memref<10008xf32, #tpu.memory_space<vmem_shared>>) offsets(%dma_start3A_151 : memref<128xi32, #tpu.memory_space<vmem>>) semaphore(%arg20 : memref<!tpu.dma_semaphore, #tpu.memory_space<semaphore_mem>>) {add = true}
      %dma_wait3A_154 = arith.constant 0 : i32
      %dma_wait3A_155 = arith.constant 0 : i32
      %dma_wait3A_156 = arith.constant 0 : i32
      %dma_wait3A_157 = tpu.memref_slice %arg11[%dma_wait3A_154, %dma_wait3A_156] : memref<1x128xf32, #tpu.memory_space<vmem>> -> memref<1x128xf32, #tpu.memory_space<vmem>>
      %dma_wait3A_158 = tpu.memref_squeeze %dma_wait3A_157 : memref<1x128xf32, #tpu.memory_space<vmem>> -> memref<128xf32, #tpu.memory_space<vmem>>
      %dma_wait3A_159 = arith.constant 0 : i32
      %dma_wait3A_160 = tpu.memref_slice %arg7[%dma_wait3A_155, %dma_wait3A_159] : memref<80x128xi32, #tpu.memory_space<vmem>> -> memref<1x128xi32, #tpu.memory_space<vmem>>
      %dma_wait3A_161 = tpu.memref_squeeze %dma_wait3A_160 : memref<1x128xi32, #tpu.memory_space<vmem>> -> memref<128xi32, #tpu.memory_space<vmem>>
      %dma_wait3A_162 = arith.constant 0 : i32
      %dma_wait3A_163 = tpu.memref_slice %arg13[%dma_wait3A_162] : memref<10008xf32, #tpu.memory_space<vmem_shared>> -> memref<10008xf32, #tpu.memory_space<vmem_shared>>
      tpu.wait_indirect_dma semaphore(%arg17 : memref<!tpu.dma_semaphore, #tpu.memory_space<semaphore_mem>>) src(%dma_wait3A_158 : memref<128xf32, #tpu.memory_space<vmem>>) dst(%dma_wait3A_163 : memref<10008xf32, #tpu.memory_space<vmem_shared>>)
      %dma_wait3A_164 = arith.constant 0 : i32
      %dma_wait3A_165 = arith.constant 0 : i32
      %dma_wait3A_166 = arith.constant 0 : i32
      %dma_wait3A_167 = tpu.memref_slice %arg11[%dma_wait3A_164, %dma_wait3A_166] : memref<1x128xf32, #tpu.memory_space<vmem>> -> memref<1x128xf32, #tpu.memory_space<vmem>>
      %dma_wait3A_168 = tpu.memref_squeeze %dma_wait3A_167 : memref<1x128xf32, #tpu.memory_space<vmem>> -> memref<128xf32, #tpu.memory_space<vmem>>
      %dma_wait3A_169 = arith.constant 0 : i32
      %dma_wait3A_170 = tpu.memref_slice %arg8[%dma_wait3A_165, %dma_wait3A_169] : memref<80x128xi32, #tpu.memory_space<vmem>> -> memref<1x128xi32, #tpu.memory_space<vmem>>
      %dma_wait3A_171 = tpu.memref_squeeze %dma_wait3A_170 : memref<1x128xi32, #tpu.memory_space<vmem>> -> memref<128xi32, #tpu.memory_space<vmem>>
      %dma_wait3A_172 = arith.constant 0 : i32
      %dma_wait3A_173 = tpu.memref_slice %arg14[%dma_wait3A_172] : memref<10008xf32, #tpu.memory_space<vmem_shared>> -> memref<10008xf32, #tpu.memory_space<vmem_shared>>
      tpu.wait_indirect_dma semaphore(%arg18 : memref<!tpu.dma_semaphore, #tpu.memory_space<semaphore_mem>>) src(%dma_wait3A_168 : memref<128xf32, #tpu.memory_space<vmem>>) dst(%dma_wait3A_173 : memref<10008xf32, #tpu.memory_space<vmem_shared>>)
      %dma_wait3A_174 = arith.constant 0 : i32
      %dma_wait3A_175 = arith.constant 0 : i32
      %dma_wait3A_176 = arith.constant 0 : i32
      %dma_wait3A_177 = tpu.memref_slice %arg11[%dma_wait3A_174, %dma_wait3A_176] : memref<1x128xf32, #tpu.memory_space<vmem>> -> memref<1x128xf32, #tpu.memory_space<vmem>>
      %dma_wait3A_178 = tpu.memref_squeeze %dma_wait3A_177 : memref<1x128xf32, #tpu.memory_space<vmem>> -> memref<128xf32, #tpu.memory_space<vmem>>
      %dma_wait3A_179 = arith.constant 0 : i32
      %dma_wait3A_180 = tpu.memref_slice %arg9[%dma_wait3A_175, %dma_wait3A_179] : memref<80x128xi32, #tpu.memory_space<vmem>> -> memref<1x128xi32, #tpu.memory_space<vmem>>
      %dma_wait3A_181 = tpu.memref_squeeze %dma_wait3A_180 : memref<1x128xi32, #tpu.memory_space<vmem>> -> memref<128xi32, #tpu.memory_space<vmem>>
      %dma_wait3A_182 = arith.constant 0 : i32
      %dma_wait3A_183 = tpu.memref_slice %arg15[%dma_wait3A_182] : memref<10008xf32, #tpu.memory_space<vmem_shared>> -> memref<10008xf32, #tpu.memory_space<vmem_shared>>
      tpu.wait_indirect_dma semaphore(%arg19 : memref<!tpu.dma_semaphore, #tpu.memory_space<semaphore_mem>>) src(%dma_wait3A_178 : memref<128xf32, #tpu.memory_space<vmem>>) dst(%dma_wait3A_183 : memref<10008xf32, #tpu.memory_space<vmem_shared>>)
      %dma_wait3A_184 = arith.constant 0 : i32
      %dma_wait3A_185 = arith.constant 0 : i32
      %dma_wait3A_186 = arith.constant 0 : i32
      %dma_wait3A_187 = tpu.memref_slice %arg11[%dma_wait3A_184, %dma_wait3A_186] : memref<1x128xf32, #tpu.memory_space<vmem>> -> memref<1x128xf32, #tpu.memory_space<vmem>>
      %dma_wait3A_188 = tpu.memref_squeeze %dma_wait3A_187 : memref<1x128xf32, #tpu.memory_space<vmem>> -> memref<128xf32, #tpu.memory_space<vmem>>
      %dma_wait3A_189 = arith.constant 0 : i32
      %dma_wait3A_190 = tpu.memref_slice %arg10[%dma_wait3A_185, %dma_wait3A_189] : memref<80x128xi32, #tpu.memory_space<vmem>> -> memref<1x128xi32, #tpu.memory_space<vmem>>
      %dma_wait3A_191 = tpu.memref_squeeze %dma_wait3A_190 : memref<1x128xi32, #tpu.memory_space<vmem>> -> memref<128xi32, #tpu.memory_space<vmem>>
      %dma_wait3A_192 = arith.constant 0 : i32
      %dma_wait3A_193 = tpu.memref_slice %arg16[%dma_wait3A_192] : memref<10008xf32, #tpu.memory_space<vmem_shared>> -> memref<10008xf32, #tpu.memory_space<vmem_shared>>
      tpu.wait_indirect_dma semaphore(%arg20 : memref<!tpu.dma_semaphore, #tpu.memory_space<semaphore_mem>>) src(%dma_wait3A_188 : memref<128xf32, #tpu.memory_space<vmem>>) dst(%dma_wait3A_193 : memref<10008xf32, #tpu.memory_space<vmem_shared>>)
    }
    %scan3A_63 = arith.constant 79 : i32
    %dma_wait3A = arith.constant 0 : i32
    %dma_wait3A_64 = arith.constant 0 : i32
    %dma_wait3A_65 = arith.constant 0 : i32
    %dma_wait3A_66 = tpu.memref_slice %arg11[%dma_wait3A, %dma_wait3A_65] : memref<1x128xf32, #tpu.memory_space<vmem>> -> memref<1x128xf32, #tpu.memory_space<vmem>>
    %dma_wait3A_67 = tpu.memref_squeeze %dma_wait3A_66 : memref<1x128xf32, #tpu.memory_space<vmem>> -> memref<128xf32, #tpu.memory_space<vmem>>
    %dma_wait3A_68 = arith.constant 0 : i32
    %dma_wait3A_69 = tpu.memref_slice %arg7[%dma_wait3A_64, %dma_wait3A_68] : memref<80x128xi32, #tpu.memory_space<vmem>> -> memref<1x128xi32, #tpu.memory_space<vmem>>
    %dma_wait3A_70 = tpu.memref_squeeze %dma_wait3A_69 : memref<1x128xi32, #tpu.memory_space<vmem>> -> memref<128xi32, #tpu.memory_space<vmem>>
    %dma_wait3A_71 = arith.constant 0 : i32
    %dma_wait3A_72 = tpu.memref_slice %arg13[%dma_wait3A_71] : memref<10008xf32, #tpu.memory_space<vmem_shared>> -> memref<10008xf32, #tpu.memory_space<vmem_shared>>
    tpu.wait_indirect_dma semaphore(%arg17 : memref<!tpu.dma_semaphore, #tpu.memory_space<semaphore_mem>>) src(%dma_wait3A_67 : memref<128xf32, #tpu.memory_space<vmem>>) dst(%dma_wait3A_72 : memref<10008xf32, #tpu.memory_space<vmem_shared>>)
    %dma_wait3A_73 = arith.constant 0 : i32
    %dma_wait3A_74 = arith.constant 0 : i32
    %dma_wait3A_75 = arith.constant 0 : i32
    %dma_wait3A_76 = tpu.memref_slice %arg11[%dma_wait3A_73, %dma_wait3A_75] : memref<1x128xf32, #tpu.memory_space<vmem>> -> memref<1x128xf32, #tpu.memory_space<vmem>>
    %dma_wait3A_77 = tpu.memref_squeeze %dma_wait3A_76 : memref<1x128xf32, #tpu.memory_space<vmem>> -> memref<128xf32, #tpu.memory_space<vmem>>
    %dma_wait3A_78 = arith.constant 0 : i32
    %dma_wait3A_79 = tpu.memref_slice %arg8[%dma_wait3A_74, %dma_wait3A_78] : memref<80x128xi32, #tpu.memory_space<vmem>> -> memref<1x128xi32, #tpu.memory_space<vmem>>
    %dma_wait3A_80 = tpu.memref_squeeze %dma_wait3A_79 : memref<1x128xi32, #tpu.memory_space<vmem>> -> memref<128xi32, #tpu.memory_space<vmem>>
    %dma_wait3A_81 = arith.constant 0 : i32
    %dma_wait3A_82 = tpu.memref_slice %arg14[%dma_wait3A_81] : memref<10008xf32, #tpu.memory_space<vmem_shared>> -> memref<10008xf32, #tpu.memory_space<vmem_shared>>
    tpu.wait_indirect_dma semaphore(%arg18 : memref<!tpu.dma_semaphore, #tpu.memory_space<semaphore_mem>>) src(%dma_wait3A_77 : memref<128xf32, #tpu.memory_space<vmem>>) dst(%dma_wait3A_82 : memref<10008xf32, #tpu.memory_space<vmem_shared>>)
    %dma_wait3A_83 = arith.constant 0 : i32
    %dma_wait3A_84 = arith.constant 0 : i32
    %dma_wait3A_85 = arith.constant 0 : i32
    %dma_wait3A_86 = tpu.memref_slice %arg11[%dma_wait3A_83, %dma_wait3A_85] : memref<1x128xf32, #tpu.memory_space<vmem>> -> memref<1x128xf32, #tpu.memory_space<vmem>>
    %dma_wait3A_87 = tpu.memref_squeeze %dma_wait3A_86 : memref<1x128xf32, #tpu.memory_space<vmem>> -> memref<128xf32, #tpu.memory_space<vmem>>
    %dma_wait3A_88 = arith.constant 0 : i32
    %dma_wait3A_89 = tpu.memref_slice %arg9[%dma_wait3A_84, %dma_wait3A_88] : memref<80x128xi32, #tpu.memory_space<vmem>> -> memref<1x128xi32, #tpu.memory_space<vmem>>
    %dma_wait3A_90 = tpu.memref_squeeze %dma_wait3A_89 : memref<1x128xi32, #tpu.memory_space<vmem>> -> memref<128xi32, #tpu.memory_space<vmem>>
    %dma_wait3A_91 = arith.constant 0 : i32
    %dma_wait3A_92 = tpu.memref_slice %arg15[%dma_wait3A_91] : memref<10008xf32, #tpu.memory_space<vmem_shared>> -> memref<10008xf32, #tpu.memory_space<vmem_shared>>
    tpu.wait_indirect_dma semaphore(%arg19 : memref<!tpu.dma_semaphore, #tpu.memory_space<semaphore_mem>>) src(%dma_wait3A_87 : memref<128xf32, #tpu.memory_space<vmem>>) dst(%dma_wait3A_92 : memref<10008xf32, #tpu.memory_space<vmem_shared>>)
    %dma_wait3A_93 = arith.constant 0 : i32
    %dma_wait3A_94 = arith.constant 0 : i32
    %dma_wait3A_95 = arith.constant 0 : i32
    %dma_wait3A_96 = tpu.memref_slice %arg11[%dma_wait3A_93, %dma_wait3A_95] : memref<1x128xf32, #tpu.memory_space<vmem>> -> memref<1x128xf32, #tpu.memory_space<vmem>>
    %dma_wait3A_97 = tpu.memref_squeeze %dma_wait3A_96 : memref<1x128xf32, #tpu.memory_space<vmem>> -> memref<128xf32, #tpu.memory_space<vmem>>
    %dma_wait3A_98 = arith.constant 0 : i32
    %dma_wait3A_99 = tpu.memref_slice %arg10[%dma_wait3A_94, %dma_wait3A_98] : memref<80x128xi32, #tpu.memory_space<vmem>> -> memref<1x128xi32, #tpu.memory_space<vmem>>
    %dma_wait3A_100 = tpu.memref_squeeze %dma_wait3A_99 : memref<1x128xi32, #tpu.memory_space<vmem>> -> memref<128xi32, #tpu.memory_space<vmem>>
    %dma_wait3A_101 = arith.constant 0 : i32
    %dma_wait3A_102 = tpu.memref_slice %arg16[%dma_wait3A_101] : memref<10008xf32, #tpu.memory_space<vmem_shared>> -> memref<10008xf32, #tpu.memory_space<vmem_shared>>
    tpu.wait_indirect_dma semaphore(%arg20 : memref<!tpu.dma_semaphore, #tpu.memory_space<semaphore_mem>>) src(%dma_wait3A_97 : memref<128xf32, #tpu.memory_space<vmem>>) dst(%dma_wait3A_102 : memref<10008xf32, #tpu.memory_space<vmem_shared>>)
    %barrier3A_103 = arith.constant 0 : index
    tpu.barrier barrier_id(%barrier3A_103)
    %lt3A_104 = arith.constant 10 : i32
    %lt3A_105 = arith.cmpi slt, %arg1, %lt3A_104 : i32
    %convert_element_type3A_106 = arith.extui %lt3A_105 : i1 to i32
    %cond3A_107 = arith.constant 0 : i32
    %cond3A_108 = arith.cmpi ne, %convert_element_type3A_106, %cond3A_107 : i32
    scf.if %cond3A_108 {
      %mul3A_109 = arith.constant 1000 : i32
      %mul3A_110 = arith.muli %arg1, %mul3A_109 : i32
      "tpu.region"() ({
        %run_scoped3A = tpu.sem_alloc : memref<!tpu.dma_semaphore, #tpu.memory_space<semaphore_mem>>
        %dma_start3A_153 = arith.constant 0 : i32
        %dma_start3A_154 = tpu.memref_slice %arg12[%dma_start3A_153] : memref<1024xf32, #tpu.memory_space<vmem>> -> memref<1000xf32, #tpu.memory_space<vmem>>
        %dma_start3A_155 = tpu.memref_slice %arg13[%mul3A_110] : memref<10008xf32, #tpu.memory_space<vmem_shared>> -> memref<1000xf32, #tpu.memory_space<vmem_shared>>
        %dma_start3A_156 = arith.constant 0 : i32
        %dma_start3A_157 = tpu.memref_slice %arg12[%dma_start3A_156] : memref<1024xf32, #tpu.memory_space<vmem>> -> memref<1000xf32, #tpu.memory_space<vmem>>
        %dma_start3A_158 = tpu.memref_slice %arg13[%mul3A_110] : memref<10008xf32, #tpu.memory_space<vmem_shared>> -> memref<1000xf32, #tpu.memory_space<vmem_shared>>
        tpu.enqueue_dma source(%dma_start3A_158 : memref<1000xf32, #tpu.memory_space<vmem_shared>>) target(%dma_start3A_157 : memref<1000xf32, #tpu.memory_space<vmem>>) target_semaphore(%run_scoped3A : memref<!tpu.dma_semaphore, #tpu.memory_space<semaphore_mem>>)
        %dma_wait3A_159 = arith.constant 0 : i32
        %dma_wait3A_160 = tpu.memref_slice %arg12[%dma_wait3A_159] : memref<1024xf32, #tpu.memory_space<vmem>> -> memref<1000xf32, #tpu.memory_space<vmem>>
        %dma_wait3A_161 = tpu.memref_slice %arg13[%mul3A_110] : memref<10008xf32, #tpu.memory_space<vmem_shared>> -> memref<1000xf32, #tpu.memory_space<vmem_shared>>
        %dma_wait3A_162 = arith.constant 0 : i32
        %dma_wait3A_163 = tpu.memref_slice %arg12[%dma_wait3A_162] : memref<1024xf32, #tpu.memory_space<vmem>> -> memref<1000xf32, #tpu.memory_space<vmem>>
        %dma_wait3A_164 = tpu.memref_slice %arg13[%mul3A_110] : memref<10008xf32, #tpu.memory_space<vmem_shared>> -> memref<1000xf32, #tpu.memory_space<vmem_shared>>
        tpu.wait_dma2 semaphore(%run_scoped3A : memref<!tpu.dma_semaphore, #tpu.memory_space<semaphore_mem>>) src(%dma_wait3A_164 : memref<1000xf32, #tpu.memory_space<vmem_shared>>) dst(%dma_wait3A_163 : memref<1000xf32, #tpu.memory_space<vmem>>)
        tpu.yield
      }) : () -> ()
      %mul3A_111 = arith.constant 4 : i32
      %mul3A_112 = arith.muli %arg0, %mul3A_111 : i32
      %add3A_113 = arith.constant 0 : i32
      %add3A_114 = arith.addi %mul3A_112, %add3A_113 : i32
      %mul3A_115 = arith.constant 10240 : i32
      %mul3A_116 = arith.muli %add3A_114, %mul3A_115 : i32
      %mul3A_117 = arith.constant 1000 : i32
      %mul3A_118 = arith.muli %arg1, %mul3A_117 : i32
      %add3A_119 = arith.addi %mul3A_116, %mul3A_118 : i32
      "tpu.region"() ({
        %run_scoped3A = tpu.sem_alloc : memref<!tpu.dma_semaphore, #tpu.memory_space<semaphore_mem>>
        %dma_start3A_153 = arith.constant 0 : i32
        %dma_start3A_154 = tpu.memref_slice %arg12[%dma_start3A_153] : memref<1024xf32, #tpu.memory_space<vmem>> -> memref<1000xf32, #tpu.memory_space<vmem>>
        %dma_start3A_155 = tpu.memref_slice %arg6[%add3A_119] : memref<81920xf32, #tpu.memory_space<hbm>> -> memref<1000xf32, #tpu.memory_space<hbm>>
        %dma_start3A_156 = tpu.memref_slice %arg6[%add3A_119] : memref<81920xf32, #tpu.memory_space<hbm>> -> memref<1000xf32, #tpu.memory_space<hbm>>
        %dma_start3A_157 = arith.constant 0 : i32
        %dma_start3A_158 = tpu.memref_slice %arg12[%dma_start3A_157] : memref<1024xf32, #tpu.memory_space<vmem>> -> memref<1000xf32, #tpu.memory_space<vmem>>
        tpu.enqueue_dma source(%dma_start3A_158 : memref<1000xf32, #tpu.memory_space<vmem>>) target(%dma_start3A_156 : memref<1000xf32, #tpu.memory_space<hbm>>) target_semaphore(%run_scoped3A : memref<!tpu.dma_semaphore, #tpu.memory_space<semaphore_mem>>)
        %dma_wait3A_159 = arith.constant 0 : i32
        %dma_wait3A_160 = tpu.memref_slice %arg12[%dma_wait3A_159] : memref<1024xf32, #tpu.memory_space<vmem>> -> memref<1000xf32, #tpu.memory_space<vmem>>
        %dma_wait3A_161 = tpu.memref_slice %arg6[%add3A_119] : memref<81920xf32, #tpu.memory_space<hbm>> -> memref<1000xf32, #tpu.memory_space<hbm>>
        %dma_wait3A_162 = tpu.memref_slice %arg6[%add3A_119] : memref<81920xf32, #tpu.memory_space<hbm>> -> memref<1000xf32, #tpu.memory_space<hbm>>
        %dma_wait3A_163 = arith.constant 0 : i32
        %dma_wait3A_164 = tpu.memref_slice %arg12[%dma_wait3A_163] : memref<1024xf32, #tpu.memory_space<vmem>> -> memref<1000xf32, #tpu.memory_space<vmem>>
        tpu.wait_dma2 semaphore(%run_scoped3A : memref<!tpu.dma_semaphore, #tpu.memory_space<semaphore_mem>>) src(%dma_wait3A_164 : memref<1000xf32, #tpu.memory_space<vmem>>) dst(%dma_wait3A_162 : memref<1000xf32, #tpu.memory_space<hbm>>)
        tpu.yield
      }) : () -> ()
      %mul3A_120 = arith.constant 1000 : i32
      %mul3A_121 = arith.muli %arg1, %mul3A_120 : i32
      "tpu.region"() ({
        %run_scoped3A = tpu.sem_alloc : memref<!tpu.dma_semaphore, #tpu.memory_space<semaphore_mem>>
        %dma_start3A_153 = arith.constant 0 : i32
        %dma_start3A_154 = tpu.memref_slice %arg12[%dma_start3A_153] : memref<1024xf32, #tpu.memory_space<vmem>> -> memref<1000xf32, #tpu.memory_space<vmem>>
        %dma_start3A_155 = tpu.memref_slice %arg14[%mul3A_121] : memref<10008xf32, #tpu.memory_space<vmem_shared>> -> memref<1000xf32, #tpu.memory_space<vmem_shared>>
        %dma_start3A_156 = arith.constant 0 : i32
        %dma_start3A_157 = tpu.memref_slice %arg12[%dma_start3A_156] : memref<1024xf32, #tpu.memory_space<vmem>> -> memref<1000xf32, #tpu.memory_space<vmem>>
        %dma_start3A_158 = tpu.memref_slice %arg14[%mul3A_121] : memref<10008xf32, #tpu.memory_space<vmem_shared>> -> memref<1000xf32, #tpu.memory_space<vmem_shared>>
        tpu.enqueue_dma source(%dma_start3A_158 : memref<1000xf32, #tpu.memory_space<vmem_shared>>) target(%dma_start3A_157 : memref<1000xf32, #tpu.memory_space<vmem>>) target_semaphore(%run_scoped3A : memref<!tpu.dma_semaphore, #tpu.memory_space<semaphore_mem>>)
        %dma_wait3A_159 = arith.constant 0 : i32
        %dma_wait3A_160 = tpu.memref_slice %arg12[%dma_wait3A_159] : memref<1024xf32, #tpu.memory_space<vmem>> -> memref<1000xf32, #tpu.memory_space<vmem>>
        %dma_wait3A_161 = tpu.memref_slice %arg14[%mul3A_121] : memref<10008xf32, #tpu.memory_space<vmem_shared>> -> memref<1000xf32, #tpu.memory_space<vmem_shared>>
        %dma_wait3A_162 = arith.constant 0 : i32
        %dma_wait3A_163 = tpu.memref_slice %arg12[%dma_wait3A_162] : memref<1024xf32, #tpu.memory_space<vmem>> -> memref<1000xf32, #tpu.memory_space<vmem>>
        %dma_wait3A_164 = tpu.memref_slice %arg14[%mul3A_121] : memref<10008xf32, #tpu.memory_space<vmem_shared>> -> memref<1000xf32, #tpu.memory_space<vmem_shared>>
        tpu.wait_dma2 semaphore(%run_scoped3A : memref<!tpu.dma_semaphore, #tpu.memory_space<semaphore_mem>>) src(%dma_wait3A_164 : memref<1000xf32, #tpu.memory_space<vmem_shared>>) dst(%dma_wait3A_163 : memref<1000xf32, #tpu.memory_space<vmem>>)
        tpu.yield
      }) : () -> ()
      %mul3A_122 = arith.constant 4 : i32
      %mul3A_123 = arith.muli %arg0, %mul3A_122 : i32
      %add3A_124 = arith.constant 1 : i32
      %add3A_125 = arith.addi %mul3A_123, %add3A_124 : i32
      %mul3A_126 = arith.constant 10240 : i32
      %mul3A_127 = arith.muli %add3A_125, %mul3A_126 : i32
      %mul3A_128 = arith.constant 1000 : i32
      %mul3A_129 = arith.muli %arg1, %mul3A_128 : i32
      %add3A_130 = arith.addi %mul3A_127, %mul3A_129 : i32
      "tpu.region"() ({
        %run_scoped3A = tpu.sem_alloc : memref<!tpu.dma_semaphore, #tpu.memory_space<semaphore_mem>>
        %dma_start3A_153 = arith.constant 0 : i32
        %dma_start3A_154 = tpu.memref_slice %arg12[%dma_start3A_153] : memref<1024xf32, #tpu.memory_space<vmem>> -> memref<1000xf32, #tpu.memory_space<vmem>>
        %dma_start3A_155 = tpu.memref_slice %arg6[%add3A_130] : memref<81920xf32, #tpu.memory_space<hbm>> -> memref<1000xf32, #tpu.memory_space<hbm>>
        %dma_start3A_156 = tpu.memref_slice %arg6[%add3A_130] : memref<81920xf32, #tpu.memory_space<hbm>> -> memref<1000xf32, #tpu.memory_space<hbm>>
        %dma_start3A_157 = arith.constant 0 : i32
        %dma_start3A_158 = tpu.memref_slice %arg12[%dma_start3A_157] : memref<1024xf32, #tpu.memory_space<vmem>> -> memref<1000xf32, #tpu.memory_space<vmem>>
        tpu.enqueue_dma source(%dma_start3A_158 : memref<1000xf32, #tpu.memory_space<vmem>>) target(%dma_start3A_156 : memref<1000xf32, #tpu.memory_space<hbm>>) target_semaphore(%run_scoped3A : memref<!tpu.dma_semaphore, #tpu.memory_space<semaphore_mem>>)
        %dma_wait3A_159 = arith.constant 0 : i32
        %dma_wait3A_160 = tpu.memref_slice %arg12[%dma_wait3A_159] : memref<1024xf32, #tpu.memory_space<vmem>> -> memref<1000xf32, #tpu.memory_space<vmem>>
        %dma_wait3A_161 = tpu.memref_slice %arg6[%add3A_130] : memref<81920xf32, #tpu.memory_space<hbm>> -> memref<1000xf32, #tpu.memory_space<hbm>>
        %dma_wait3A_162 = tpu.memref_slice %arg6[%add3A_130] : memref<81920xf32, #tpu.memory_space<hbm>> -> memref<1000xf32, #tpu.memory_space<hbm>>
        %dma_wait3A_163 = arith.constant 0 : i32
        %dma_wait3A_164 = tpu.memref_slice %arg12[%dma_wait3A_163] : memref<1024xf32, #tpu.memory_space<vmem>> -> memref<1000xf32, #tpu.memory_space<vmem>>
        tpu.wait_dma2 semaphore(%run_scoped3A : memref<!tpu.dma_semaphore, #tpu.memory_space<semaphore_mem>>) src(%dma_wait3A_164 : memref<1000xf32, #tpu.memory_space<vmem>>) dst(%dma_wait3A_162 : memref<1000xf32, #tpu.memory_space<hbm>>)
        tpu.yield
      }) : () -> ()
      %mul3A_131 = arith.constant 1000 : i32
      %mul3A_132 = arith.muli %arg1, %mul3A_131 : i32
      "tpu.region"() ({
        %run_scoped3A = tpu.sem_alloc : memref<!tpu.dma_semaphore, #tpu.memory_space<semaphore_mem>>
        %dma_start3A_153 = arith.constant 0 : i32
        %dma_start3A_154 = tpu.memref_slice %arg12[%dma_start3A_153] : memref<1024xf32, #tpu.memory_space<vmem>> -> memref<1000xf32, #tpu.memory_space<vmem>>
        %dma_start3A_155 = tpu.memref_slice %arg15[%mul3A_132] : memref<10008xf32, #tpu.memory_space<vmem_shared>> -> memref<1000xf32, #tpu.memory_space<vmem_shared>>
        %dma_start3A_156 = arith.constant 0 : i32
        %dma_start3A_157 = tpu.memref_slice %arg12[%dma_start3A_156] : memref<1024xf32, #tpu.memory_space<vmem>> -> memref<1000xf32, #tpu.memory_space<vmem>>
        %dma_start3A_158 = tpu.memref_slice %arg15[%mul3A_132] : memref<10008xf32, #tpu.memory_space<vmem_shared>> -> memref<1000xf32, #tpu.memory_space<vmem_shared>>
        tpu.enqueue_dma source(%dma_start3A_158 : memref<1000xf32, #tpu.memory_space<vmem_shared>>) target(%dma_start3A_157 : memref<1000xf32, #tpu.memory_space<vmem>>) target_semaphore(%run_scoped3A : memref<!tpu.dma_semaphore, #tpu.memory_space<semaphore_mem>>)
        %dma_wait3A_159 = arith.constant 0 : i32
        %dma_wait3A_160 = tpu.memref_slice %arg12[%dma_wait3A_159] : memref<1024xf32, #tpu.memory_space<vmem>> -> memref<1000xf32, #tpu.memory_space<vmem>>
        %dma_wait3A_161 = tpu.memref_slice %arg15[%mul3A_132] : memref<10008xf32, #tpu.memory_space<vmem_shared>> -> memref<1000xf32, #tpu.memory_space<vmem_shared>>
        %dma_wait3A_162 = arith.constant 0 : i32
        %dma_wait3A_163 = tpu.memref_slice %arg12[%dma_wait3A_162] : memref<1024xf32, #tpu.memory_space<vmem>> -> memref<1000xf32, #tpu.memory_space<vmem>>
        %dma_wait3A_164 = tpu.memref_slice %arg15[%mul3A_132] : memref<10008xf32, #tpu.memory_space<vmem_shared>> -> memref<1000xf32, #tpu.memory_space<vmem_shared>>
        tpu.wait_dma2 semaphore(%run_scoped3A : memref<!tpu.dma_semaphore, #tpu.memory_space<semaphore_mem>>) src(%dma_wait3A_164 : memref<1000xf32, #tpu.memory_space<vmem_shared>>) dst(%dma_wait3A_163 : memref<1000xf32, #tpu.memory_space<vmem>>)
        tpu.yield
      }) : () -> ()
      %mul3A_133 = arith.constant 4 : i32
      %mul3A_134 = arith.muli %arg0, %mul3A_133 : i32
      %add3A_135 = arith.constant 2 : i32
      %add3A_136 = arith.addi %mul3A_134, %add3A_135 : i32
      %mul3A_137 = arith.constant 10240 : i32
      %mul3A_138 = arith.muli %add3A_136, %mul3A_137 : i32
      %mul3A_139 = arith.constant 1000 : i32
      %mul3A_140 = arith.muli %arg1, %mul3A_139 : i32
      %add3A_141 = arith.addi %mul3A_138, %mul3A_140 : i32
      "tpu.region"() ({
        %run_scoped3A = tpu.sem_alloc : memref<!tpu.dma_semaphore, #tpu.memory_space<semaphore_mem>>
        %dma_start3A_153 = arith.constant 0 : i32
        %dma_start3A_154 = tpu.memref_slice %arg12[%dma_start3A_153] : memref<1024xf32, #tpu.memory_space<vmem>> -> memref<1000xf32, #tpu.memory_space<vmem>>
        %dma_start3A_155 = tpu.memref_slice %arg6[%add3A_141] : memref<81920xf32, #tpu.memory_space<hbm>> -> memref<1000xf32, #tpu.memory_space<hbm>>
        %dma_start3A_156 = tpu.memref_slice %arg6[%add3A_141] : memref<81920xf32, #tpu.memory_space<hbm>> -> memref<1000xf32, #tpu.memory_space<hbm>>
        %dma_start3A_157 = arith.constant 0 : i32
        %dma_start3A_158 = tpu.memref_slice %arg12[%dma_start3A_157] : memref<1024xf32, #tpu.memory_space<vmem>> -> memref<1000xf32, #tpu.memory_space<vmem>>
        tpu.enqueue_dma source(%dma_start3A_158 : memref<1000xf32, #tpu.memory_space<vmem>>) target(%dma_start3A_156 : memref<1000xf32, #tpu.memory_space<hbm>>) target_semaphore(%run_scoped3A : memref<!tpu.dma_semaphore, #tpu.memory_space<semaphore_mem>>)
        %dma_wait3A_159 = arith.constant 0 : i32
        %dma_wait3A_160 = tpu.memref_slice %arg12[%dma_wait3A_159] : memref<1024xf32, #tpu.memory_space<vmem>> -> memref<1000xf32, #tpu.memory_space<vmem>>
        %dma_wait3A_161 = tpu.memref_slice %arg6[%add3A_141] : memref<81920xf32, #tpu.memory_space<hbm>> -> memref<1000xf32, #tpu.memory_space<hbm>>
        %dma_wait3A_162 = tpu.memref_slice %arg6[%add3A_141] : memref<81920xf32, #tpu.memory_space<hbm>> -> memref<1000xf32, #tpu.memory_space<hbm>>
        %dma_wait3A_163 = arith.constant 0 : i32
        %dma_wait3A_164 = tpu.memref_slice %arg12[%dma_wait3A_163] : memref<1024xf32, #tpu.memory_space<vmem>> -> memref<1000xf32, #tpu.memory_space<vmem>>
        tpu.wait_dma2 semaphore(%run_scoped3A : memref<!tpu.dma_semaphore, #tpu.memory_space<semaphore_mem>>) src(%dma_wait3A_164 : memref<1000xf32, #tpu.memory_space<vmem>>) dst(%dma_wait3A_162 : memref<1000xf32, #tpu.memory_space<hbm>>)
        tpu.yield
      }) : () -> ()
      %mul3A_142 = arith.constant 1000 : i32
      %mul3A_143 = arith.muli %arg1, %mul3A_142 : i32
      "tpu.region"() ({
        %run_scoped3A = tpu.sem_alloc : memref<!tpu.dma_semaphore, #tpu.memory_space<semaphore_mem>>
        %dma_start3A_153 = arith.constant 0 : i32
        %dma_start3A_154 = tpu.memref_slice %arg12[%dma_start3A_153] : memref<1024xf32, #tpu.memory_space<vmem>> -> memref<1000xf32, #tpu.memory_space<vmem>>
        %dma_start3A_155 = tpu.memref_slice %arg16[%mul3A_143] : memref<10008xf32, #tpu.memory_space<vmem_shared>> -> memref<1000xf32, #tpu.memory_space<vmem_shared>>
        %dma_start3A_156 = arith.constant 0 : i32
        %dma_start3A_157 = tpu.memref_slice %arg12[%dma_start3A_156] : memref<1024xf32, #tpu.memory_space<vmem>> -> memref<1000xf32, #tpu.memory_space<vmem>>
        %dma_start3A_158 = tpu.memref_slice %arg16[%mul3A_143] : memref<10008xf32, #tpu.memory_space<vmem_shared>> -> memref<1000xf32, #tpu.memory_space<vmem_shared>>
        tpu.enqueue_dma source(%dma_start3A_158 : memref<1000xf32, #tpu.memory_space<vmem_shared>>) target(%dma_start3A_157 : memref<1000xf32, #tpu.memory_space<vmem>>) target_semaphore(%run_scoped3A : memref<!tpu.dma_semaphore, #tpu.memory_space<semaphore_mem>>)
        %dma_wait3A_159 = arith.constant 0 : i32
        %dma_wait3A_160 = tpu.memref_slice %arg12[%dma_wait3A_159] : memref<1024xf32, #tpu.memory_space<vmem>> -> memref<1000xf32, #tpu.memory_space<vmem>>
        %dma_wait3A_161 = tpu.memref_slice %arg16[%mul3A_143] : memref<10008xf32, #tpu.memory_space<vmem_shared>> -> memref<1000xf32, #tpu.memory_space<vmem_shared>>
        %dma_wait3A_162 = arith.constant 0 : i32
        %dma_wait3A_163 = tpu.memref_slice %arg12[%dma_wait3A_162] : memref<1024xf32, #tpu.memory_space<vmem>> -> memref<1000xf32, #tpu.memory_space<vmem>>
        %dma_wait3A_164 = tpu.memref_slice %arg16[%mul3A_143] : memref<10008xf32, #tpu.memory_space<vmem_shared>> -> memref<1000xf32, #tpu.memory_space<vmem_shared>>
        tpu.wait_dma2 semaphore(%run_scoped3A : memref<!tpu.dma_semaphore, #tpu.memory_space<semaphore_mem>>) src(%dma_wait3A_164 : memref<1000xf32, #tpu.memory_space<vmem_shared>>) dst(%dma_wait3A_163 : memref<1000xf32, #tpu.memory_space<vmem>>)
        tpu.yield
      }) : () -> ()
      %mul3A_144 = arith.constant 4 : i32
      %mul3A_145 = arith.muli %arg0, %mul3A_144 : i32
      %add3A_146 = arith.constant 3 : i32
      %add3A_147 = arith.addi %mul3A_145, %add3A_146 : i32
      %mul3A_148 = arith.constant 10240 : i32
      %mul3A_149 = arith.muli %add3A_147, %mul3A_148 : i32
      %mul3A_150 = arith.constant 1000 : i32
      %mul3A_151 = arith.muli %arg1, %mul3A_150 : i32
      %add3A_152 = arith.addi %mul3A_149, %mul3A_151 : i32
      "tpu.region"() ({
        %run_scoped3A = tpu.sem_alloc : memref<!tpu.dma_semaphore, #tpu.memory_space<semaphore_mem>>
        %dma_start3A_153 = arith.constant 0 : i32
        %dma_start3A_154 = tpu.memref_slice %arg12[%dma_start3A_153] : memref<1024xf32, #tpu.memory_space<vmem>> -> memref<1000xf32, #tpu.memory_space<vmem>>
        %dma_start3A_155 = tpu.memref_slice %arg6[%add3A_152] : memref<81920xf32, #tpu.memory_space<hbm>> -> memref<1000xf32, #tpu.memory_space<hbm>>
        %dma_start3A_156 = tpu.memref_slice %arg6[%add3A_152] : memref<81920xf32, #tpu.memory_space<hbm>> -> memref<1000xf32, #tpu.memory_space<hbm>>
        %dma_start3A_157 = arith.constant 0 : i32
        %dma_start3A_158 = tpu.memref_slice %arg12[%dma_start3A_157] : memref<1024xf32, #tpu.memory_space<vmem>> -> memref<1000xf32, #tpu.memory_space<vmem>>
        tpu.enqueue_dma source(%dma_start3A_158 : memref<1000xf32, #tpu.memory_space<vmem>>) target(%dma_start3A_156 : memref<1000xf32, #tpu.memory_space<hbm>>) target_semaphore(%run_scoped3A : memref<!tpu.dma_semaphore, #tpu.memory_space<semaphore_mem>>)
        %dma_wait3A_159 = arith.constant 0 : i32
        %dma_wait3A_160 = tpu.memref_slice %arg12[%dma_wait3A_159] : memref<1024xf32, #tpu.memory_space<vmem>> -> memref<1000xf32, #tpu.memory_space<vmem>>
        %dma_wait3A_161 = tpu.memref_slice %arg6[%add3A_152] : memref<81920xf32, #tpu.memory_space<hbm>> -> memref<1000xf32, #tpu.memory_space<hbm>>
        %dma_wait3A_162 = tpu.memref_slice %arg6[%add3A_152] : memref<81920xf32, #tpu.memory_space<hbm>> -> memref<1000xf32, #tpu.memory_space<hbm>>
        %dma_wait3A_163 = arith.constant 0 : i32
        %dma_wait3A_164 = tpu.memref_slice %arg12[%dma_wait3A_163] : memref<1024xf32, #tpu.memory_space<vmem>> -> memref<1000xf32, #tpu.memory_space<vmem>>
        tpu.wait_dma2 semaphore(%run_scoped3A : memref<!tpu.dma_semaphore, #tpu.memory_space<semaphore_mem>>) src(%dma_wait3A_164 : memref<1000xf32, #tpu.memory_space<vmem>>) dst(%dma_wait3A_162 : memref<1000xf32, #tpu.memory_space<hbm>>)
        tpu.yield
      }) : () -> ()
    } else {
    }
    return
  }
}

#map = affine_map<(d0, d1) -> (0, 0)>
#map1 = affine_map<(d0, d1) -> (0, 0, 0)>
module attributes {stable_mosaic.version = 14 : i64} {
  func.func @_sc_message_pass(%arg0: i32, %arg1: i32, %arg2: memref<10000x128xf32, #tpu.memory_space<hbm>>, %arg3: memref<2560x128xi32, #tpu.memory_space<hbm>>, %arg4: memref<2560x128xi32, #tpu.memory_space<hbm>>, %arg5: memref<2x10000x128xf32, #tpu.memory_space<hbm>>, %arg6: memref<40x128xi32, #tpu.memory_space<vmem>>, %arg7: memref<40x128xi32, #tpu.memory_space<vmem>>, %arg8: memref<128x128xf32, #tpu.memory_space<vmem>>, %arg9: memref<128x128xf32, #tpu.memory_space<vmem>>, %arg10: memref<10008x128xf32, #tpu.memory_space<vmem_shared>>, %arg11: memref<!tpu.dma_semaphore, #tpu.memory_space<semaphore_mem>>, %arg12: memref<!tpu.dma_semaphore, #tpu.memory_space<semaphore_mem>>, %arg13: memref<!tpu.dma_semaphore, #tpu.memory_space<semaphore_mem>>, %arg14: memref<!tpu.dma_semaphore, #tpu.memory_space<semaphore_mem>>) attributes {dimension_semantics = [#tpu.dimension_semantics<core_parallel>, #tpu.dimension_semantics<subcore_parallel>], iteration_bounds = array<i64: 2, 16>, scalar_prefetch = 0 : i64, scratch_operands = 9 : i64, tpu.core_type = #tpu.core_type<sc_vector_subcore>, window_params = [{transform_indices = #map}, {transform_indices = #map}, {transform_indices = #map}, {transform_indices = #map1}]} {
    %broadcast_in_dim3A = arith.constant 0.000000e+00 : f32
    %broadcast_in_dim3A_0 = vector.broadcast %broadcast_in_dim3A : f32 to vector<16xf32>
    %scan3A = arith.constant 0 : i32
    %scan3A_1 = arith.constant 0 : i32
    %scan3A_2 = arith.constant 128 : i32
    %scan3A_3 = arith.addi %scan3A_1, %scan3A_2 : i32
    %scan3A_4 = arith.constant 1 : i32
    scf.for %scan3A_331 = %scan3A_1 to %scan3A_3 step %scan3A_4  : i32 {
      %scan3A_332 = arith.constant 0 : i32
      %scan3A_333 = arith.constant 8 : i32
      %scan3A_334 = arith.addi %scan3A_332, %scan3A_333 : i32
      %scan3A_335 = arith.constant 1 : i32
      scf.for %scan3A_337 = %scan3A_332 to %scan3A_334 step %scan3A_335  : i32 {
        %mul3A_338 = arith.constant 16 : i32
        %mul3A_339 = arith.muli %scan3A_337, %mul3A_338 : i32
        %swap3A = arith.index_cast %scan3A_331 : i32 to index
        %swap3A_340 = arith.index_cast %mul3A_339 : i32 to index
        %swap3A_341 = tpu.vector_load %arg8[%swap3A, %swap3A_340] {strides = array<i32>} : memref<128x128xf32, #tpu.memory_space<vmem>>, vector<1x16xf32>,
        %swap3A_342 = vector.shape_cast %swap3A_341 : vector<1x16xf32> to vector<16xf32>
        %swap3A_343 = vector.shape_cast %broadcast_in_dim3A_0 : vector<16xf32> to vector<1x16xf32>
        tpu.vector_store %arg8[%swap3A, %swap3A_340], %swap3A_343 {strides = array<i32>} : memref<128x128xf32, #tpu.memory_space<vmem>>, vector<1x16xf32>,
      }
      %scan3A_336 = arith.constant 8 : i32
    }
    %scan3A_5 = arith.constant 128 : i32
    %mul3A = arith.constant 624 : i32
    %mul3A_6 = arith.muli %arg1, %mul3A : i32
    %add3A = arith.constant 0 : i32
    %add3A_7 = arith.addi %mul3A_6, %add3A : i32
    "tpu.region"() ({
      %run_scoped3A = tpu.sem_alloc : memref<!tpu.dma_semaphore, #tpu.memory_space<semaphore_mem>>
      %dma_start3A_331 = arith.constant 0 : i32
      %dma_start3A_332 = arith.constant 0 : i32
      %dma_start3A_333 = tpu.memref_slice %arg8[%dma_start3A_331, %dma_start3A_332] : memref<128x128xf32, #tpu.memory_space<vmem>> -> memref<128x128xf32, #tpu.memory_space<vmem>>
      %dma_start3A_334 = arith.constant 0 : i32
      %dma_start3A_335 = tpu.memref_slice %arg10[%add3A_7, %dma_start3A_334] : memref<10008x128xf32, #tpu.memory_space<vmem_shared>> -> memref<128x128xf32, #tpu.memory_space<vmem_shared>>
      %dma_start3A_336 = arith.constant 0 : i32
      %dma_start3A_337 = tpu.memref_slice %arg10[%add3A_7, %dma_start3A_336] : memref<10008x128xf32, #tpu.memory_space<vmem_shared>> -> memref<128x128xf32, #tpu.memory_space<vmem_shared>>
      %dma_start3A_338 = arith.constant 0 : i32
      %dma_start3A_339 = arith.constant 0 : i32
      %dma_start3A_340 = tpu.memref_slice %arg8[%dma_start3A_338, %dma_start3A_339] : memref<128x128xf32, #tpu.memory_space<vmem>> -> memref<128x128xf32, #tpu.memory_space<vmem>>
      tpu.enqueue_dma source(%dma_start3A_340 : memref<128x128xf32, #tpu.memory_space<vmem>>) target(%dma_start3A_337 : memref<128x128xf32, #tpu.memory_space<vmem_shared>>) target_semaphore(%run_scoped3A : memref<!tpu.dma_semaphore, #tpu.memory_space<semaphore_mem>>)
      %dma_wait3A_341 = arith.constant 0 : i32
      %dma_wait3A_342 = arith.constant 0 : i32
      %dma_wait3A_343 = tpu.memref_slice %arg8[%dma_wait3A_341, %dma_wait3A_342] : memref<128x128xf32, #tpu.memory_space<vmem>> -> memref<128x128xf32, #tpu.memory_space<vmem>>
      %dma_wait3A_344 = arith.constant 0 : i32
      %dma_wait3A_345 = tpu.memref_slice %arg10[%add3A_7, %dma_wait3A_344] : memref<10008x128xf32, #tpu.memory_space<vmem_shared>> -> memref<128x128xf32, #tpu.memory_space<vmem_shared>>
      %dma_wait3A_346 = arith.constant 0 : i32
      %dma_wait3A_347 = tpu.memref_slice %arg10[%add3A_7, %dma_wait3A_346] : memref<10008x128xf32, #tpu.memory_space<vmem_shared>> -> memref<128x128xf32, #tpu.memory_space<vmem_shared>>
      %dma_wait3A_348 = arith.constant 0 : i32
      %dma_wait3A_349 = arith.constant 0 : i32
      %dma_wait3A_350 = tpu.memref_slice %arg8[%dma_wait3A_348, %dma_wait3A_349] : memref<128x128xf32, #tpu.memory_space<vmem>> -> memref<128x128xf32, #tpu.memory_space<vmem>>
      tpu.wait_dma2 semaphore(%run_scoped3A : memref<!tpu.dma_semaphore, #tpu.memory_space<semaphore_mem>>) src(%dma_wait3A_350 : memref<128x128xf32, #tpu.memory_space<vmem>>) dst(%dma_wait3A_347 : memref<128x128xf32, #tpu.memory_space<vmem_shared>>)
      tpu.yield
    }) : () -> ()
    %add3A_8 = arith.constant 128 : i32
    %add3A_9 = arith.addi %mul3A_6, %add3A_8 : i32
    "tpu.region"() ({
      %run_scoped3A = tpu.sem_alloc : memref<!tpu.dma_semaphore, #tpu.memory_space<semaphore_mem>>
      %dma_start3A_331 = arith.constant 0 : i32
      %dma_start3A_332 = arith.constant 0 : i32
      %dma_start3A_333 = tpu.memref_slice %arg8[%dma_start3A_331, %dma_start3A_332] : memref<128x128xf32, #tpu.memory_space<vmem>> -> memref<128x128xf32, #tpu.memory_space<vmem>>
      %dma_start3A_334 = arith.constant 0 : i32
      %dma_start3A_335 = tpu.memref_slice %arg10[%add3A_9, %dma_start3A_334] : memref<10008x128xf32, #tpu.memory_space<vmem_shared>> -> memref<128x128xf32, #tpu.memory_space<vmem_shared>>
      %dma_start3A_336 = arith.constant 0 : i32
      %dma_start3A_337 = tpu.memref_slice %arg10[%add3A_9, %dma_start3A_336] : memref<10008x128xf32, #tpu.memory_space<vmem_shared>> -> memref<128x128xf32, #tpu.memory_space<vmem_shared>>
      %dma_start3A_338 = arith.constant 0 : i32
      %dma_start3A_339 = arith.constant 0 : i32
      %dma_start3A_340 = tpu.memref_slice %arg8[%dma_start3A_338, %dma_start3A_339] : memref<128x128xf32, #tpu.memory_space<vmem>> -> memref<128x128xf32, #tpu.memory_space<vmem>>
      tpu.enqueue_dma source(%dma_start3A_340 : memref<128x128xf32, #tpu.memory_space<vmem>>) target(%dma_start3A_337 : memref<128x128xf32, #tpu.memory_space<vmem_shared>>) target_semaphore(%run_scoped3A : memref<!tpu.dma_semaphore, #tpu.memory_space<semaphore_mem>>)
      %dma_wait3A_341 = arith.constant 0 : i32
      %dma_wait3A_342 = arith.constant 0 : i32
      %dma_wait3A_343 = tpu.memref_slice %arg8[%dma_wait3A_341, %dma_wait3A_342] : memref<128x128xf32, #tpu.memory_space<vmem>> -> memref<128x128xf32, #tpu.memory_space<vmem>>
      %dma_wait3A_344 = arith.constant 0 : i32
      %dma_wait3A_345 = tpu.memref_slice %arg10[%add3A_9, %dma_wait3A_344] : memref<10008x128xf32, #tpu.memory_space<vmem_shared>> -> memref<128x128xf32, #tpu.memory_space<vmem_shared>>
      %dma_wait3A_346 = arith.constant 0 : i32
      %dma_wait3A_347 = tpu.memref_slice %arg10[%add3A_9, %dma_wait3A_346] : memref<10008x128xf32, #tpu.memory_space<vmem_shared>> -> memref<128x128xf32, #tpu.memory_space<vmem_shared>>
      %dma_wait3A_348 = arith.constant 0 : i32
      %dma_wait3A_349 = arith.constant 0 : i32
      %dma_wait3A_350 = tpu.memref_slice %arg8[%dma_wait3A_348, %dma_wait3A_349] : memref<128x128xf32, #tpu.memory_space<vmem>> -> memref<128x128xf32, #tpu.memory_space<vmem>>
      tpu.wait_dma2 semaphore(%run_scoped3A : memref<!tpu.dma_semaphore, #tpu.memory_space<semaphore_mem>>) src(%dma_wait3A_350 : memref<128x128xf32, #tpu.memory_space<vmem>>) dst(%dma_wait3A_347 : memref<128x128xf32, #tpu.memory_space<vmem_shared>>)
      tpu.yield
    }) : () -> ()
    %add3A_10 = arith.constant 256 : i32
    %add3A_11 = arith.addi %mul3A_6, %add3A_10 : i32
    "tpu.region"() ({
      %run_scoped3A = tpu.sem_alloc : memref<!tpu.dma_semaphore, #tpu.memory_space<semaphore_mem>>
      %dma_start3A_331 = arith.constant 0 : i32
      %dma_start3A_332 = arith.constant 0 : i32
      %dma_start3A_333 = tpu.memref_slice %arg8[%dma_start3A_331, %dma_start3A_332] : memref<128x128xf32, #tpu.memory_space<vmem>> -> memref<128x128xf32, #tpu.memory_space<vmem>>
      %dma_start3A_334 = arith.constant 0 : i32
      %dma_start3A_335 = tpu.memref_slice %arg10[%add3A_11, %dma_start3A_334] : memref<10008x128xf32, #tpu.memory_space<vmem_shared>> -> memref<128x128xf32, #tpu.memory_space<vmem_shared>>
      %dma_start3A_336 = arith.constant 0 : i32
      %dma_start3A_337 = tpu.memref_slice %arg10[%add3A_11, %dma_start3A_336] : memref<10008x128xf32, #tpu.memory_space<vmem_shared>> -> memref<128x128xf32, #tpu.memory_space<vmem_shared>>
      %dma_start3A_338 = arith.constant 0 : i32
      %dma_start3A_339 = arith.constant 0 : i32
      %dma_start3A_340 = tpu.memref_slice %arg8[%dma_start3A_338, %dma_start3A_339] : memref<128x128xf32, #tpu.memory_space<vmem>> -> memref<128x128xf32, #tpu.memory_space<vmem>>
      tpu.enqueue_dma source(%dma_start3A_340 : memref<128x128xf32, #tpu.memory_space<vmem>>) target(%dma_start3A_337 : memref<128x128xf32, #tpu.memory_space<vmem_shared>>) target_semaphore(%run_scoped3A : memref<!tpu.dma_semaphore, #tpu.memory_space<semaphore_mem>>)
      %dma_wait3A_341 = arith.constant 0 : i32
      %dma_wait3A_342 = arith.constant 0 : i32
      %dma_wait3A_343 = tpu.memref_slice %arg8[%dma_wait3A_341, %dma_wait3A_342] : memref<128x128xf32, #tpu.memory_space<vmem>> -> memref<128x128xf32, #tpu.memory_space<vmem>>
      %dma_wait3A_344 = arith.constant 0 : i32
      %dma_wait3A_345 = tpu.memref_slice %arg10[%add3A_11, %dma_wait3A_344] : memref<10008x128xf32, #tpu.memory_space<vmem_shared>> -> memref<128x128xf32, #tpu.memory_space<vmem_shared>>
      %dma_wait3A_346 = arith.constant 0 : i32
      %dma_wait3A_347 = tpu.memref_slice %arg10[%add3A_11, %dma_wait3A_346] : memref<10008x128xf32, #tpu.memory_space<vmem_shared>> -> memref<128x128xf32, #tpu.memory_space<vmem_shared>>
      %dma_wait3A_348 = arith.constant 0 : i32
      %dma_wait3A_349 = arith.constant 0 : i32
      %dma_wait3A_350 = tpu.memref_slice %arg8[%dma_wait3A_348, %dma_wait3A_349] : memref<128x128xf32, #tpu.memory_space<vmem>> -> memref<128x128xf32, #tpu.memory_space<vmem>>
      tpu.wait_dma2 semaphore(%run_scoped3A : memref<!tpu.dma_semaphore, #tpu.memory_space<semaphore_mem>>) src(%dma_wait3A_350 : memref<128x128xf32, #tpu.memory_space<vmem>>) dst(%dma_wait3A_347 : memref<128x128xf32, #tpu.memory_space<vmem_shared>>)
      tpu.yield
    }) : () -> ()
    %add3A_12 = arith.constant 384 : i32
    %add3A_13 = arith.addi %mul3A_6, %add3A_12 : i32
    "tpu.region"() ({
      %run_scoped3A = tpu.sem_alloc : memref<!tpu.dma_semaphore, #tpu.memory_space<semaphore_mem>>
      %dma_start3A_331 = arith.constant 0 : i32
      %dma_start3A_332 = arith.constant 0 : i32
      %dma_start3A_333 = tpu.memref_slice %arg8[%dma_start3A_331, %dma_start3A_332] : memref<128x128xf32, #tpu.memory_space<vmem>> -> memref<128x128xf32, #tpu.memory_space<vmem>>
      %dma_start3A_334 = arith.constant 0 : i32
      %dma_start3A_335 = tpu.memref_slice %arg10[%add3A_13, %dma_start3A_334] : memref<10008x128xf32, #tpu.memory_space<vmem_shared>> -> memref<128x128xf32, #tpu.memory_space<vmem_shared>>
      %dma_start3A_336 = arith.constant 0 : i32
      %dma_start3A_337 = tpu.memref_slice %arg10[%add3A_13, %dma_start3A_336] : memref<10008x128xf32, #tpu.memory_space<vmem_shared>> -> memref<128x128xf32, #tpu.memory_space<vmem_shared>>
      %dma_start3A_338 = arith.constant 0 : i32
      %dma_start3A_339 = arith.constant 0 : i32
      %dma_start3A_340 = tpu.memref_slice %arg8[%dma_start3A_338, %dma_start3A_339] : memref<128x128xf32, #tpu.memory_space<vmem>> -> memref<128x128xf32, #tpu.memory_space<vmem>>
      tpu.enqueue_dma source(%dma_start3A_340 : memref<128x128xf32, #tpu.memory_space<vmem>>) target(%dma_start3A_337 : memref<128x128xf32, #tpu.memory_space<vmem_shared>>) target_semaphore(%run_scoped3A : memref<!tpu.dma_semaphore, #tpu.memory_space<semaphore_mem>>)
      %dma_wait3A_341 = arith.constant 0 : i32
      %dma_wait3A_342 = arith.constant 0 : i32
      %dma_wait3A_343 = tpu.memref_slice %arg8[%dma_wait3A_341, %dma_wait3A_342] : memref<128x128xf32, #tpu.memory_space<vmem>> -> memref<128x128xf32, #tpu.memory_space<vmem>>
      %dma_wait3A_344 = arith.constant 0 : i32
      %dma_wait3A_345 = tpu.memref_slice %arg10[%add3A_13, %dma_wait3A_344] : memref<10008x128xf32, #tpu.memory_space<vmem_shared>> -> memref<128x128xf32, #tpu.memory_space<vmem_shared>>
      %dma_wait3A_346 = arith.constant 0 : i32
      %dma_wait3A_347 = tpu.memref_slice %arg10[%add3A_13, %dma_wait3A_346] : memref<10008x128xf32, #tpu.memory_space<vmem_shared>> -> memref<128x128xf32, #tpu.memory_space<vmem_shared>>
      %dma_wait3A_348 = arith.constant 0 : i32
      %dma_wait3A_349 = arith.constant 0 : i32
      %dma_wait3A_350 = tpu.memref_slice %arg8[%dma_wait3A_348, %dma_wait3A_349] : memref<128x128xf32, #tpu.memory_space<vmem>> -> memref<128x128xf32, #tpu.memory_space<vmem>>
      tpu.wait_dma2 semaphore(%run_scoped3A : memref<!tpu.dma_semaphore, #tpu.memory_space<semaphore_mem>>) src(%dma_wait3A_350 : memref<128x128xf32, #tpu.memory_space<vmem>>) dst(%dma_wait3A_347 : memref<128x128xf32, #tpu.memory_space<vmem_shared>>)
      tpu.yield
    }) : () -> ()
    %add3A_14 = arith.constant 512 : i32
    %add3A_15 = arith.addi %mul3A_6, %add3A_14 : i32
    "tpu.region"() ({
      %run_scoped3A = tpu.sem_alloc : memref<!tpu.dma_semaphore, #tpu.memory_space<semaphore_mem>>
      %dma_start3A_331 = arith.constant 0 : i32
      %dma_start3A_332 = arith.constant 0 : i32
      %dma_start3A_333 = tpu.memref_slice %arg8[%dma_start3A_331, %dma_start3A_332] : memref<128x128xf32, #tpu.memory_space<vmem>> -> memref<112x128xf32, #tpu.memory_space<vmem>>
      %dma_start3A_334 = arith.constant 0 : i32
      %dma_start3A_335 = tpu.memref_slice %arg10[%add3A_15, %dma_start3A_334] : memref<10008x128xf32, #tpu.memory_space<vmem_shared>> -> memref<112x128xf32, #tpu.memory_space<vmem_shared>>
      %dma_start3A_336 = arith.constant 0 : i32
      %dma_start3A_337 = tpu.memref_slice %arg10[%add3A_15, %dma_start3A_336] : memref<10008x128xf32, #tpu.memory_space<vmem_shared>> -> memref<112x128xf32, #tpu.memory_space<vmem_shared>>
      %dma_start3A_338 = arith.constant 0 : i32
      %dma_start3A_339 = arith.constant 0 : i32
      %dma_start3A_340 = tpu.memref_slice %arg8[%dma_start3A_338, %dma_start3A_339] : memref<128x128xf32, #tpu.memory_space<vmem>> -> memref<112x128xf32, #tpu.memory_space<vmem>>
      tpu.enqueue_dma source(%dma_start3A_340 : memref<112x128xf32, #tpu.memory_space<vmem>>) target(%dma_start3A_337 : memref<112x128xf32, #tpu.memory_space<vmem_shared>>) target_semaphore(%run_scoped3A : memref<!tpu.dma_semaphore, #tpu.memory_space<semaphore_mem>>)
      %dma_wait3A_341 = arith.constant 0 : i32
      %dma_wait3A_342 = arith.constant 0 : i32
      %dma_wait3A_343 = tpu.memref_slice %arg8[%dma_wait3A_341, %dma_wait3A_342] : memref<128x128xf32, #tpu.memory_space<vmem>> -> memref<112x128xf32, #tpu.memory_space<vmem>>
      %dma_wait3A_344 = arith.constant 0 : i32
      %dma_wait3A_345 = tpu.memref_slice %arg10[%add3A_15, %dma_wait3A_344] : memref<10008x128xf32, #tpu.memory_space<vmem_shared>> -> memref<112x128xf32, #tpu.memory_space<vmem_shared>>
      %dma_wait3A_346 = arith.constant 0 : i32
      %dma_wait3A_347 = tpu.memref_slice %arg10[%add3A_15, %dma_wait3A_346] : memref<10008x128xf32, #tpu.memory_space<vmem_shared>> -> memref<112x128xf32, #tpu.memory_space<vmem_shared>>
      %dma_wait3A_348 = arith.constant 0 : i32
      %dma_wait3A_349 = arith.constant 0 : i32
      %dma_wait3A_350 = tpu.memref_slice %arg8[%dma_wait3A_348, %dma_wait3A_349] : memref<128x128xf32, #tpu.memory_space<vmem>> -> memref<112x128xf32, #tpu.memory_space<vmem>>
      tpu.wait_dma2 semaphore(%run_scoped3A : memref<!tpu.dma_semaphore, #tpu.memory_space<semaphore_mem>>) src(%dma_wait3A_350 : memref<112x128xf32, #tpu.memory_space<vmem>>) dst(%dma_wait3A_347 : memref<112x128xf32, #tpu.memory_space<vmem_shared>>)
      tpu.yield
    }) : () -> ()
    %eq3A = arith.constant 0 : i32
    %eq3A_16 = arith.cmpi eq, %arg1, %eq3A : i32
    %convert_element_type3A = arith.extui %eq3A_16 : i1 to i32
    %cond3A = arith.constant 0 : i32
    %cond3A_17 = arith.cmpi ne, %convert_element_type3A, %cond3A : i32
    scf.if %cond3A_17 {
      "tpu.region"() ({
        %run_scoped3A = tpu.sem_alloc : memref<!tpu.dma_semaphore, #tpu.memory_space<semaphore_mem>>
        %dma_start3A_331 = arith.constant 0 : i32
        %dma_start3A_332 = arith.constant 0 : i32
        %dma_start3A_333 = tpu.memref_slice %arg8[%dma_start3A_331, %dma_start3A_332] : memref<128x128xf32, #tpu.memory_space<vmem>> -> memref<16x128xf32, #tpu.memory_space<vmem>>
        %dma_start3A_334 = arith.constant 9984 : i32
        %dma_start3A_335 = arith.constant 0 : i32
        %dma_start3A_336 = tpu.memref_slice %arg10[%dma_start3A_334, %dma_start3A_335] : memref<10008x128xf32, #tpu.memory_space<vmem_shared>> -> memref<16x128xf32, #tpu.memory_space<vmem_shared>>
        %dma_start3A_337 = arith.constant 9984 : i32
        %dma_start3A_338 = arith.constant 0 : i32
        %dma_start3A_339 = tpu.memref_slice %arg10[%dma_start3A_337, %dma_start3A_338] : memref<10008x128xf32, #tpu.memory_space<vmem_shared>> -> memref<16x128xf32, #tpu.memory_space<vmem_shared>>
        %dma_start3A_340 = arith.constant 0 : i32
        %dma_start3A_341 = arith.constant 0 : i32
        %dma_start3A_342 = tpu.memref_slice %arg8[%dma_start3A_340, %dma_start3A_341] : memref<128x128xf32, #tpu.memory_space<vmem>> -> memref<16x128xf32, #tpu.memory_space<vmem>>
        tpu.enqueue_dma source(%dma_start3A_342 : memref<16x128xf32, #tpu.memory_space<vmem>>) target(%dma_start3A_339 : memref<16x128xf32, #tpu.memory_space<vmem_shared>>) target_semaphore(%run_scoped3A : memref<!tpu.dma_semaphore, #tpu.memory_space<semaphore_mem>>)
        %dma_wait3A_343 = arith.constant 0 : i32
        %dma_wait3A_344 = arith.constant 0 : i32
        %dma_wait3A_345 = tpu.memref_slice %arg8[%dma_wait3A_343, %dma_wait3A_344] : memref<128x128xf32, #tpu.memory_space<vmem>> -> memref<16x128xf32, #tpu.memory_space<vmem>>
        %dma_wait3A_346 = arith.constant 9984 : i32
        %dma_wait3A_347 = arith.constant 0 : i32
        %dma_wait3A_348 = tpu.memref_slice %arg10[%dma_wait3A_346, %dma_wait3A_347] : memref<10008x128xf32, #tpu.memory_space<vmem_shared>> -> memref<16x128xf32, #tpu.memory_space<vmem_shared>>
        %dma_wait3A_349 = arith.constant 9984 : i32
        %dma_wait3A_350 = arith.constant 0 : i32
        %dma_wait3A_351 = tpu.memref_slice %arg10[%dma_wait3A_349, %dma_wait3A_350] : memref<10008x128xf32, #tpu.memory_space<vmem_shared>> -> memref<16x128xf32, #tpu.memory_space<vmem_shared>>
        %dma_wait3A_352 = arith.constant 0 : i32
        %dma_wait3A_353 = arith.constant 0 : i32
        %dma_wait3A_354 = tpu.memref_slice %arg8[%dma_wait3A_352, %dma_wait3A_353] : memref<128x128xf32, #tpu.memory_space<vmem>> -> memref<16x128xf32, #tpu.memory_space<vmem>>
        tpu.wait_dma2 semaphore(%run_scoped3A : memref<!tpu.dma_semaphore, #tpu.memory_space<semaphore_mem>>) src(%dma_wait3A_354 : memref<16x128xf32, #tpu.memory_space<vmem>>) dst(%dma_wait3A_351 : memref<16x128xf32, #tpu.memory_space<vmem_shared>>)
        tpu.yield
      }) : () -> ()
    } else {
    }
    %barrier3A = arith.constant 0 : index
    tpu.barrier barrier_id(%barrier3A)
    %mul3A_18 = arith.constant 1280 : i32
    %mul3A_19 = arith.muli %arg0, %mul3A_18 : i32
    %mul3A_20 = arith.constant 80 : i32
    %mul3A_21 = arith.muli %arg1, %mul3A_20 : i32
    %add3A_22 = arith.addi %mul3A_19, %mul3A_21 : i32
    %add3A_23 = arith.constant 0 : i32
    %add3A_24 = arith.addi %add3A_22, %add3A_23 : i32
    "tpu.region"() ({
      %run_scoped3A = tpu.sem_alloc : memref<!tpu.dma_semaphore, #tpu.memory_space<semaphore_mem>>
      %dma_start3A_331 = arith.constant 0 : i32
      %dma_start3A_332 = tpu.memref_slice %arg3[%add3A_24, %dma_start3A_331] : memref<2560x128xi32, #tpu.memory_space<hbm>> -> memref<40x128xi32, #tpu.memory_space<hbm>>
      %dma_start3A_333 = arith.constant 0 : i32
      %dma_start3A_334 = tpu.memref_slice %arg3[%add3A_24, %dma_start3A_333] : memref<2560x128xi32, #tpu.memory_space<hbm>> -> memref<40x128xi32, #tpu.memory_space<hbm>>
      tpu.enqueue_dma source(%dma_start3A_334 : memref<40x128xi32, #tpu.memory_space<hbm>>) target(%arg6 : memref<40x128xi32, #tpu.memory_space<vmem>>) target_semaphore(%run_scoped3A : memref<!tpu.dma_semaphore, #tpu.memory_space<semaphore_mem>>)
      %dma_wait3A_335 = arith.constant 0 : i32
      %dma_wait3A_336 = tpu.memref_slice %arg3[%add3A_24, %dma_wait3A_335] : memref<2560x128xi32, #tpu.memory_space<hbm>> -> memref<40x128xi32, #tpu.memory_space<hbm>>
      %dma_wait3A_337 = arith.constant 0 : i32
      %dma_wait3A_338 = tpu.memref_slice %arg3[%add3A_24, %dma_wait3A_337] : memref<2560x128xi32, #tpu.memory_space<hbm>> -> memref<40x128xi32, #tpu.memory_space<hbm>>
      tpu.wait_dma2 semaphore(%run_scoped3A : memref<!tpu.dma_semaphore, #tpu.memory_space<semaphore_mem>>) src(%dma_wait3A_338 : memref<40x128xi32, #tpu.memory_space<hbm>>) dst(%arg6 : memref<40x128xi32, #tpu.memory_space<vmem>>)
      tpu.yield
    }) : () -> ()
    "tpu.region"() ({
      %run_scoped3A = tpu.sem_alloc : memref<!tpu.dma_semaphore, #tpu.memory_space<semaphore_mem>>
      %dma_start3A_331 = arith.constant 0 : i32
      %dma_start3A_332 = tpu.memref_slice %arg4[%add3A_24, %dma_start3A_331] : memref<2560x128xi32, #tpu.memory_space<hbm>> -> memref<40x128xi32, #tpu.memory_space<hbm>>
      %dma_start3A_333 = arith.constant 0 : i32
      %dma_start3A_334 = tpu.memref_slice %arg4[%add3A_24, %dma_start3A_333] : memref<2560x128xi32, #tpu.memory_space<hbm>> -> memref<40x128xi32, #tpu.memory_space<hbm>>
      tpu.enqueue_dma source(%dma_start3A_334 : memref<40x128xi32, #tpu.memory_space<hbm>>) target(%arg7 : memref<40x128xi32, #tpu.memory_space<vmem>>) target_semaphore(%run_scoped3A : memref<!tpu.dma_semaphore, #tpu.memory_space<semaphore_mem>>)
      %dma_wait3A_335 = arith.constant 0 : i32
      %dma_wait3A_336 = tpu.memref_slice %arg4[%add3A_24, %dma_wait3A_335] : memref<2560x128xi32, #tpu.memory_space<hbm>> -> memref<40x128xi32, #tpu.memory_space<hbm>>
      %dma_wait3A_337 = arith.constant 0 : i32
      %dma_wait3A_338 = tpu.memref_slice %arg4[%add3A_24, %dma_wait3A_337] : memref<2560x128xi32, #tpu.memory_space<hbm>> -> memref<40x128xi32, #tpu.memory_space<hbm>>
      tpu.wait_dma2 semaphore(%run_scoped3A : memref<!tpu.dma_semaphore, #tpu.memory_space<semaphore_mem>>) src(%dma_wait3A_338 : memref<40x128xi32, #tpu.memory_space<hbm>>) dst(%arg7 : memref<40x128xi32, #tpu.memory_space<vmem>>)
      tpu.yield
    }) : () -> ()
    %dma_start3A = arith.constant 0 : i32
    %dma_start3A_25 = arith.constant 0 : i32
    %dma_start3A_26 = tpu.memref_slice %arg6[%dma_start3A, %dma_start3A_25] : memref<40x128xi32, #tpu.memory_space<vmem>> -> memref<1x128xi32, #tpu.memory_space<vmem>>
    %dma_start3A_27 = tpu.memref_squeeze %dma_start3A_26 : memref<1x128xi32, #tpu.memory_space<vmem>> -> memref<128xi32, #tpu.memory_space<vmem>>
    %dma_start3A_28 = arith.constant 0 : i32
    %dma_start3A_29 = arith.constant 0 : i32
    %dma_start3A_30 = tpu.memref_slice %arg2[%dma_start3A_28, %dma_start3A_29] : memref<10000x128xf32, #tpu.memory_space<hbm>> -> memref<10000x128xf32, #tpu.memory_space<hbm>>
    tpu.enqueue_indirect_dma source(%dma_start3A_30 : memref<10000x128xf32, #tpu.memory_space<hbm>>) target(%arg8 : memref<128x128xf32, #tpu.memory_space<vmem>>) offsets(%dma_start3A_27 : memref<128xi32, #tpu.memory_space<vmem>>) semaphore(%arg11 : memref<!tpu.dma_semaphore, #tpu.memory_space<semaphore_mem>>)
    %scan3A_31 = arith.constant 0 : i32
    %scan3A_32 = arith.constant 0 : i32
    %scan3A_33 = arith.constant 20 : i32
    %scan3A_34 = arith.addi %scan3A_32, %scan3A_33 : i32
    %scan3A_35 = arith.constant 1 : i32
    scf.for %scan3A_331 = %scan3A_32 to %scan3A_34 step %scan3A_35  : i32 {
      %mul3A_332 = arith.constant 2 : i32
      %mul3A_333 = arith.muli %scan3A_331, %mul3A_332 : i32
      %gt3A = arith.constant 0 : i32
      %gt3A_334 = arith.cmpi sgt, %scan3A_331, %gt3A : i32
      %convert_element_type3A_335 = arith.extui %gt3A_334 : i1 to i32
      %cond3A_336 = arith.constant 0 : i32
      %cond3A_337 = arith.cmpi ne, %convert_element_type3A_335, %cond3A_336 : i32
      scf.if %cond3A_337 {
        %dma_wait3A_385 = arith.constant 0 : i32
        %dma_wait3A_386 = arith.constant 0 : i32
        %dma_wait3A_387 = tpu.memref_slice %arg7[%dma_wait3A_385, %dma_wait3A_386] : memref<40x128xi32, #tpu.memory_space<vmem>> -> memref<1x128xi32, #tpu.memory_space<vmem>>
        %dma_wait3A_388 = tpu.memref_squeeze %dma_wait3A_387 : memref<1x128xi32, #tpu.memory_space<vmem>> -> memref<128xi32, #tpu.memory_space<vmem>>
        %dma_wait3A_389 = arith.constant 0 : i32
        %dma_wait3A_390 = arith.constant 0 : i32
        %dma_wait3A_391 = tpu.memref_slice %arg10[%dma_wait3A_389, %dma_wait3A_390] : memref<10008x128xf32, #tpu.memory_space<vmem_shared>> -> memref<10008x128xf32, #tpu.memory_space<vmem_shared>>
        tpu.wait_indirect_dma semaphore(%arg14 : memref<!tpu.dma_semaphore, #tpu.memory_space<semaphore_mem>>) src(%arg9 : memref<128x128xf32, #tpu.memory_space<vmem>>) dst(%dma_wait3A_391 : memref<10008x128xf32, #tpu.memory_space<vmem_shared>>)
      } else {
      }
      %add3A_338 = arith.constant 1 : i32
      %add3A_339 = arith.addi %mul3A_333, %add3A_338 : i32
      %dma_start3A_340 = arith.constant 0 : i32
      %dma_start3A_341 = tpu.memref_slice %arg6[%add3A_339, %dma_start3A_340] : memref<40x128xi32, #tpu.memory_space<vmem>> -> memref<1x128xi32, #tpu.memory_space<vmem>>
      %dma_start3A_342 = tpu.memref_squeeze %dma_start3A_341 : memref<1x128xi32, #tpu.memory_space<vmem>> -> memref<128xi32, #tpu.memory_space<vmem>>
      %dma_start3A_343 = arith.constant 0 : i32
      %dma_start3A_344 = arith.constant 0 : i32
      %dma_start3A_345 = tpu.memref_slice %arg2[%dma_start3A_343, %dma_start3A_344] : memref<10000x128xf32, #tpu.memory_space<hbm>> -> memref<10000x128xf32, #tpu.memory_space<hbm>>
      tpu.enqueue_indirect_dma source(%dma_start3A_345 : memref<10000x128xf32, #tpu.memory_space<hbm>>) target(%arg9 : memref<128x128xf32, #tpu.memory_space<vmem>>) offsets(%dma_start3A_342 : memref<128xi32, #tpu.memory_space<vmem>>) semaphore(%arg12 : memref<!tpu.dma_semaphore, #tpu.memory_space<semaphore_mem>>)
      %dma_wait3A_346 = arith.constant 0 : i32
      %dma_wait3A_347 = arith.constant 0 : i32
      %dma_wait3A_348 = tpu.memref_slice %arg6[%dma_wait3A_346, %dma_wait3A_347] : memref<40x128xi32, #tpu.memory_space<vmem>> -> memref<1x128xi32, #tpu.memory_space<vmem>>
      %dma_wait3A_349 = tpu.memref_squeeze %dma_wait3A_348 : memref<1x128xi32, #tpu.memory_space<vmem>> -> memref<128xi32, #tpu.memory_space<vmem>>
      %dma_wait3A_350 = arith.constant 0 : i32
      %dma_wait3A_351 = arith.constant 0 : i32
      %dma_wait3A_352 = tpu.memref_slice %arg2[%dma_wait3A_350, %dma_wait3A_351] : memref<10000x128xf32, #tpu.memory_space<hbm>> -> memref<10000x128xf32, #tpu.memory_space<hbm>>
      tpu.wait_indirect_dma semaphore(%arg11 : memref<!tpu.dma_semaphore, #tpu.memory_space<semaphore_mem>>) src(%dma_wait3A_352 : memref<10000x128xf32, #tpu.memory_space<hbm>>) dst(%arg8 : memref<128x128xf32, #tpu.memory_space<vmem>>)
      %dma_start3A_353 = arith.constant 0 : i32
      %dma_start3A_354 = tpu.memref_slice %arg7[%mul3A_333, %dma_start3A_353] : memref<40x128xi32, #tpu.memory_space<vmem>> -> memref<1x128xi32, #tpu.memory_space<vmem>>
      %dma_start3A_355 = tpu.memref_squeeze %dma_start3A_354 : memref<1x128xi32, #tpu.memory_space<vmem>> -> memref<128xi32, #tpu.memory_space<vmem>>
      %dma_start3A_356 = arith.constant 0 : i32
      %dma_start3A_357 = arith.constant 0 : i32
      %dma_start3A_358 = tpu.memref_slice %arg10[%dma_start3A_356, %dma_start3A_357] : memref<10008x128xf32, #tpu.memory_space<vmem_shared>> -> memref<10008x128xf32, #tpu.memory_space<vmem_shared>>
      tpu.enqueue_indirect_dma source(%arg8 : memref<128x128xf32, #tpu.memory_space<vmem>>) target(%dma_start3A_358 : memref<10008x128xf32, #tpu.memory_space<vmem_shared>>) offsets(%dma_start3A_355 : memref<128xi32, #tpu.memory_space<vmem>>) semaphore(%arg13 : memref<!tpu.dma_semaphore, #tpu.memory_space<semaphore_mem>>) {add = true}
      %dma_wait3A_359 = arith.constant 0 : i32
      %dma_wait3A_360 = arith.constant 0 : i32
      %dma_wait3A_361 = tpu.memref_slice %arg7[%dma_wait3A_359, %dma_wait3A_360] : memref<40x128xi32, #tpu.memory_space<vmem>> -> memref<1x128xi32, #tpu.memory_space<vmem>>
      %dma_wait3A_362 = tpu.memref_squeeze %dma_wait3A_361 : memref<1x128xi32, #tpu.memory_space<vmem>> -> memref<128xi32, #tpu.memory_space<vmem>>
      %dma_wait3A_363 = arith.constant 0 : i32
      %dma_wait3A_364 = arith.constant 0 : i32
      %dma_wait3A_365 = tpu.memref_slice %arg10[%dma_wait3A_363, %dma_wait3A_364] : memref<10008x128xf32, #tpu.memory_space<vmem_shared>> -> memref<10008x128xf32, #tpu.memory_space<vmem_shared>>
      tpu.wait_indirect_dma semaphore(%arg13 : memref<!tpu.dma_semaphore, #tpu.memory_space<semaphore_mem>>) src(%arg8 : memref<128x128xf32, #tpu.memory_space<vmem>>) dst(%dma_wait3A_365 : memref<10008x128xf32, #tpu.memory_space<vmem_shared>>)
      %lt3A = arith.constant 19 : i32
      %lt3A_366 = arith.cmpi slt, %scan3A_331, %lt3A : i32
      %convert_element_type3A_367 = arith.extui %lt3A_366 : i1 to i32
      %cond3A_368 = arith.constant 0 : i32
      %cond3A_369 = arith.cmpi ne, %convert_element_type3A_367, %cond3A_368 : i32
      scf.if %cond3A_369 {
        %add3A_385 = arith.constant 2 : i32
        %add3A_386 = arith.addi %mul3A_333, %add3A_385 : i32
        %dma_start3A_387 = arith.constant 0 : i32
        %dma_start3A_388 = tpu.memref_slice %arg6[%add3A_386, %dma_start3A_387] : memref<40x128xi32, #tpu.memory_space<vmem>> -> memref<1x128xi32, #tpu.memory_space<vmem>>
        %dma_start3A_389 = tpu.memref_squeeze %dma_start3A_388 : memref<1x128xi32, #tpu.memory_space<vmem>> -> memref<128xi32, #tpu.memory_space<vmem>>
        %dma_start3A_390 = arith.constant 0 : i32
        %dma_start3A_391 = arith.constant 0 : i32
        %dma_start3A_392 = tpu.memref_slice %arg2[%dma_start3A_390, %dma_start3A_391] : memref<10000x128xf32, #tpu.memory_space<hbm>> -> memref<10000x128xf32, #tpu.memory_space<hbm>>
        tpu.enqueue_indirect_dma source(%dma_start3A_392 : memref<10000x128xf32, #tpu.memory_space<hbm>>) target(%arg8 : memref<128x128xf32, #tpu.memory_space<vmem>>) offsets(%dma_start3A_389 : memref<128xi32, #tpu.memory_space<vmem>>) semaphore(%arg11 : memref<!tpu.dma_semaphore, #tpu.memory_space<semaphore_mem>>)
      } else {
      }
      %dma_wait3A_370 = arith.constant 0 : i32
      %dma_wait3A_371 = arith.constant 0 : i32
      %dma_wait3A_372 = tpu.memref_slice %arg6[%dma_wait3A_370, %dma_wait3A_371] : memref<40x128xi32, #tpu.memory_space<vmem>> -> memref<1x128xi32, #tpu.memory_space<vmem>>
      %dma_wait3A_373 = tpu.memref_squeeze %dma_wait3A_372 : memref<1x128xi32, #tpu.memory_space<vmem>> -> memref<128xi32, #tpu.memory_space<vmem>>
      %dma_wait3A_374 = arith.constant 0 : i32
      %dma_wait3A_375 = arith.constant 0 : i32
      %dma_wait3A_376 = tpu.memref_slice %arg2[%dma_wait3A_374, %dma_wait3A_375] : memref<10000x128xf32, #tpu.memory_space<hbm>> -> memref<10000x128xf32, #tpu.memory_space<hbm>>
      tpu.wait_indirect_dma semaphore(%arg12 : memref<!tpu.dma_semaphore, #tpu.memory_space<semaphore_mem>>) src(%dma_wait3A_376 : memref<10000x128xf32, #tpu.memory_space<hbm>>) dst(%arg9 : memref<128x128xf32, #tpu.memory_space<vmem>>)
      %add3A_377 = arith.constant 1 : i32
      %add3A_378 = arith.addi %mul3A_333, %add3A_377 : i32
      %dma_start3A_379 = arith.constant 0 : i32
      %dma_start3A_380 = tpu.memref_slice %arg7[%add3A_378, %dma_start3A_379] : memref<40x128xi32, #tpu.memory_space<vmem>> -> memref<1x128xi32, #tpu.memory_space<vmem>>
      %dma_start3A_381 = tpu.memref_squeeze %dma_start3A_380 : memref<1x128xi32, #tpu.memory_space<vmem>> -> memref<128xi32, #tpu.memory_space<vmem>>
      %dma_start3A_382 = arith.constant 0 : i32
      %dma_start3A_383 = arith.constant 0 : i32
      %dma_start3A_384 = tpu.memref_slice %arg10[%dma_start3A_382, %dma_start3A_383] : memref<10008x128xf32, #tpu.memory_space<vmem_shared>> -> memref<10008x128xf32, #tpu.memory_space<vmem_shared>>
      tpu.enqueue_indirect_dma source(%arg9 : memref<128x128xf32, #tpu.memory_space<vmem>>) target(%dma_start3A_384 : memref<10008x128xf32, #tpu.memory_space<vmem_shared>>) offsets(%dma_start3A_381 : memref<128xi32, #tpu.memory_space<vmem>>) semaphore(%arg14 : memref<!tpu.dma_semaphore, #tpu.memory_space<semaphore_mem>>) {add = true}
    }
    %scan3A_36 = arith.constant 20 : i32
    %dma_wait3A = arith.constant 0 : i32
    %dma_wait3A_37 = arith.constant 0 : i32
    %dma_wait3A_38 = tpu.memref_slice %arg7[%dma_wait3A, %dma_wait3A_37] : memref<40x128xi32, #tpu.memory_space<vmem>> -> memref<1x128xi32, #tpu.memory_space<vmem>>
    %dma_wait3A_39 = tpu.memref_squeeze %dma_wait3A_38 : memref<1x128xi32, #tpu.memory_space<vmem>> -> memref<128xi32, #tpu.memory_space<vmem>>
    %dma_wait3A_40 = arith.constant 0 : i32
    %dma_wait3A_41 = arith.constant 0 : i32
    %dma_wait3A_42 = tpu.memref_slice %arg10[%dma_wait3A_40, %dma_wait3A_41] : memref<10008x128xf32, #tpu.memory_space<vmem_shared>> -> memref<10008x128xf32, #tpu.memory_space<vmem_shared>>
    tpu.wait_indirect_dma semaphore(%arg14 : memref<!tpu.dma_semaphore, #tpu.memory_space<semaphore_mem>>) src(%arg9 : memref<128x128xf32, #tpu.memory_space<vmem>>) dst(%dma_wait3A_42 : memref<10008x128xf32, #tpu.memory_space<vmem_shared>>)
    %add3A_43 = arith.constant 40 : i32
    %add3A_44 = arith.addi %add3A_22, %add3A_43 : i32
    "tpu.region"() ({
      %run_scoped3A = tpu.sem_alloc : memref<!tpu.dma_semaphore, #tpu.memory_space<semaphore_mem>>
      %dma_start3A_331 = arith.constant 0 : i32
      %dma_start3A_332 = tpu.memref_slice %arg3[%add3A_44, %dma_start3A_331] : memref<2560x128xi32, #tpu.memory_space<hbm>> -> memref<40x128xi32, #tpu.memory_space<hbm>>
      %dma_start3A_333 = arith.constant 0 : i32
      %dma_start3A_334 = tpu.memref_slice %arg3[%add3A_44, %dma_start3A_333] : memref<2560x128xi32, #tpu.memory_space<hbm>> -> memref<40x128xi32, #tpu.memory_space<hbm>>
      tpu.enqueue_dma source(%dma_start3A_334 : memref<40x128xi32, #tpu.memory_space<hbm>>) target(%arg6 : memref<40x128xi32, #tpu.memory_space<vmem>>) target_semaphore(%run_scoped3A : memref<!tpu.dma_semaphore, #tpu.memory_space<semaphore_mem>>)
      %dma_wait3A_335 = arith.constant 0 : i32
      %dma_wait3A_336 = tpu.memref_slice %arg3[%add3A_44, %dma_wait3A_335] : memref<2560x128xi32, #tpu.memory_space<hbm>> -> memref<40x128xi32, #tpu.memory_space<hbm>>
      %dma_wait3A_337 = arith.constant 0 : i32
      %dma_wait3A_338 = tpu.memref_slice %arg3[%add3A_44, %dma_wait3A_337] : memref<2560x128xi32, #tpu.memory_space<hbm>> -> memref<40x128xi32, #tpu.memory_space<hbm>>
      tpu.wait_dma2 semaphore(%run_scoped3A : memref<!tpu.dma_semaphore, #tpu.memory_space<semaphore_mem>>) src(%dma_wait3A_338 : memref<40x128xi32, #tpu.memory_space<hbm>>) dst(%arg6 : memref<40x128xi32, #tpu.memory_space<vmem>>)
      tpu.yield
    }) : () -> ()
    "tpu.region"() ({
      %run_scoped3A = tpu.sem_alloc : memref<!tpu.dma_semaphore, #tpu.memory_space<semaphore_mem>>
      %dma_start3A_331 = arith.constant 0 : i32
      %dma_start3A_332 = tpu.memref_slice %arg4[%add3A_44, %dma_start3A_331] : memref<2560x128xi32, #tpu.memory_space<hbm>> -> memref<40x128xi32, #tpu.memory_space<hbm>>
      %dma_start3A_333 = arith.constant 0 : i32
      %dma_start3A_334 = tpu.memref_slice %arg4[%add3A_44, %dma_start3A_333] : memref<2560x128xi32, #tpu.memory_space<hbm>> -> memref<40x128xi32, #tpu.memory_space<hbm>>
      tpu.enqueue_dma source(%dma_start3A_334 : memref<40x128xi32, #tpu.memory_space<hbm>>) target(%arg7 : memref<40x128xi32, #tpu.memory_space<vmem>>) target_semaphore(%run_scoped3A : memref<!tpu.dma_semaphore, #tpu.memory_space<semaphore_mem>>)
      %dma_wait3A_335 = arith.constant 0 : i32
      %dma_wait3A_336 = tpu.memref_slice %arg4[%add3A_44, %dma_wait3A_335] : memref<2560x128xi32, #tpu.memory_space<hbm>> -> memref<40x128xi32, #tpu.memory_space<hbm>>
      %dma_wait3A_337 = arith.constant 0 : i32
      %dma_wait3A_338 = tpu.memref_slice %arg4[%add3A_44, %dma_wait3A_337] : memref<2560x128xi32, #tpu.memory_space<hbm>> -> memref<40x128xi32, #tpu.memory_space<hbm>>
      tpu.wait_dma2 semaphore(%run_scoped3A : memref<!tpu.dma_semaphore, #tpu.memory_space<semaphore_mem>>) src(%dma_wait3A_338 : memref<40x128xi32, #tpu.memory_space<hbm>>) dst(%arg7 : memref<40x128xi32, #tpu.memory_space<vmem>>)
      tpu.yield
    }) : () -> ()
    %dma_start3A_45 = arith.constant 0 : i32
    %dma_start3A_46 = arith.constant 0 : i32
    %dma_start3A_47 = tpu.memref_slice %arg6[%dma_start3A_45, %dma_start3A_46] : memref<40x128xi32, #tpu.memory_space<vmem>> -> memref<1x128xi32, #tpu.memory_space<vmem>>
    %dma_start3A_48 = tpu.memref_squeeze %dma_start3A_47 : memref<1x128xi32, #tpu.memory_space<vmem>> -> memref<128xi32, #tpu.memory_space<vmem>>
    %dma_start3A_49 = arith.constant 0 : i32
    %dma_start3A_50 = arith.constant 0 : i32
    %dma_start3A_51 = tpu.memref_slice %arg2[%dma_start3A_49, %dma_start3A_50] : memref<10000x128xf32, #tpu.memory_space<hbm>> -> memref<10000x128xf32, #tpu.memory_space<hbm>>
    tpu.enqueue_indirect_dma source(%dma_start3A_51 : memref<10000x128xf32, #tpu.memory_space<hbm>>) target(%arg8 : memref<128x128xf32, #tpu.memory_space<vmem>>) offsets(%dma_start3A_48 : memref<128xi32, #tpu.memory_space<vmem>>) semaphore(%arg11 : memref<!tpu.dma_semaphore, #tpu.memory_space<semaphore_mem>>)
    %scan3A_52 = arith.constant 0 : i32
    %scan3A_53 = arith.constant 0 : i32
    %scan3A_54 = arith.constant 20 : i32
    %scan3A_55 = arith.addi %scan3A_53, %scan3A_54 : i32
    %scan3A_56 = arith.constant 1 : i32
    scf.for %scan3A_331 = %scan3A_53 to %scan3A_55 step %scan3A_56  : i32 {
      %mul3A_332 = arith.constant 2 : i32
      %mul3A_333 = arith.muli %scan3A_331, %mul3A_332 : i32
      %gt3A = arith.constant 0 : i32
      %gt3A_334 = arith.cmpi sgt, %scan3A_331, %gt3A : i32
      %convert_element_type3A_335 = arith.extui %gt3A_334 : i1 to i32
      %cond3A_336 = arith.constant 0 : i32
      %cond3A_337 = arith.cmpi ne, %convert_element_type3A_335, %cond3A_336 : i32
      scf.if %cond3A_337 {
        %dma_wait3A_385 = arith.constant 0 : i32
        %dma_wait3A_386 = arith.constant 0 : i32
        %dma_wait3A_387 = tpu.memref_slice %arg7[%dma_wait3A_385, %dma_wait3A_386] : memref<40x128xi32, #tpu.memory_space<vmem>> -> memref<1x128xi32, #tpu.memory_space<vmem>>
        %dma_wait3A_388 = tpu.memref_squeeze %dma_wait3A_387 : memref<1x128xi32, #tpu.memory_space<vmem>> -> memref<128xi32, #tpu.memory_space<vmem>>
        %dma_wait3A_389 = arith.constant 0 : i32
        %dma_wait3A_390 = arith.constant 0 : i32
        %dma_wait3A_391 = tpu.memref_slice %arg10[%dma_wait3A_389, %dma_wait3A_390] : memref<10008x128xf32, #tpu.memory_space<vmem_shared>> -> memref<10008x128xf32, #tpu.memory_space<vmem_shared>>
        tpu.wait_indirect_dma semaphore(%arg14 : memref<!tpu.dma_semaphore, #tpu.memory_space<semaphore_mem>>) src(%arg9 : memref<128x128xf32, #tpu.memory_space<vmem>>) dst(%dma_wait3A_391 : memref<10008x128xf32, #tpu.memory_space<vmem_shared>>)
      } else {
      }
      %add3A_338 = arith.constant 1 : i32
      %add3A_339 = arith.addi %mul3A_333, %add3A_338 : i32
      %dma_start3A_340 = arith.constant 0 : i32
      %dma_start3A_341 = tpu.memref_slice %arg6[%add3A_339, %dma_start3A_340] : memref<40x128xi32, #tpu.memory_space<vmem>> -> memref<1x128xi32, #tpu.memory_space<vmem>>
      %dma_start3A_342 = tpu.memref_squeeze %dma_start3A_341 : memref<1x128xi32, #tpu.memory_space<vmem>> -> memref<128xi32, #tpu.memory_space<vmem>>
      %dma_start3A_343 = arith.constant 0 : i32
      %dma_start3A_344 = arith.constant 0 : i32
      %dma_start3A_345 = tpu.memref_slice %arg2[%dma_start3A_343, %dma_start3A_344] : memref<10000x128xf32, #tpu.memory_space<hbm>> -> memref<10000x128xf32, #tpu.memory_space<hbm>>
      tpu.enqueue_indirect_dma source(%dma_start3A_345 : memref<10000x128xf32, #tpu.memory_space<hbm>>) target(%arg9 : memref<128x128xf32, #tpu.memory_space<vmem>>) offsets(%dma_start3A_342 : memref<128xi32, #tpu.memory_space<vmem>>) semaphore(%arg12 : memref<!tpu.dma_semaphore, #tpu.memory_space<semaphore_mem>>)
      %dma_wait3A_346 = arith.constant 0 : i32
      %dma_wait3A_347 = arith.constant 0 : i32
      %dma_wait3A_348 = tpu.memref_slice %arg6[%dma_wait3A_346, %dma_wait3A_347] : memref<40x128xi32, #tpu.memory_space<vmem>> -> memref<1x128xi32, #tpu.memory_space<vmem>>
      %dma_wait3A_349 = tpu.memref_squeeze %dma_wait3A_348 : memref<1x128xi32, #tpu.memory_space<vmem>> -> memref<128xi32, #tpu.memory_space<vmem>>
      %dma_wait3A_350 = arith.constant 0 : i32
      %dma_wait3A_351 = arith.constant 0 : i32
      %dma_wait3A_352 = tpu.memref_slice %arg2[%dma_wait3A_350, %dma_wait3A_351] : memref<10000x128xf32, #tpu.memory_space<hbm>> -> memref<10000x128xf32, #tpu.memory_space<hbm>>
      tpu.wait_indirect_dma semaphore(%arg11 : memref<!tpu.dma_semaphore, #tpu.memory_space<semaphore_mem>>) src(%dma_wait3A_352 : memref<10000x128xf32, #tpu.memory_space<hbm>>) dst(%arg8 : memref<128x128xf32, #tpu.memory_space<vmem>>)
      %dma_start3A_353 = arith.constant 0 : i32
      %dma_start3A_354 = tpu.memref_slice %arg7[%mul3A_333, %dma_start3A_353] : memref<40x128xi32, #tpu.memory_space<vmem>> -> memref<1x128xi32, #tpu.memory_space<vmem>>
      %dma_start3A_355 = tpu.memref_squeeze %dma_start3A_354 : memref<1x128xi32, #tpu.memory_space<vmem>> -> memref<128xi32, #tpu.memory_space<vmem>>
      %dma_start3A_356 = arith.constant 0 : i32
      %dma_start3A_357 = arith.constant 0 : i32
      %dma_start3A_358 = tpu.memref_slice %arg10[%dma_start3A_356, %dma_start3A_357] : memref<10008x128xf32, #tpu.memory_space<vmem_shared>> -> memref<10008x128xf32, #tpu.memory_space<vmem_shared>>
      tpu.enqueue_indirect_dma source(%arg8 : memref<128x128xf32, #tpu.memory_space<vmem>>) target(%dma_start3A_358 : memref<10008x128xf32, #tpu.memory_space<vmem_shared>>) offsets(%dma_start3A_355 : memref<128xi32, #tpu.memory_space<vmem>>) semaphore(%arg13 : memref<!tpu.dma_semaphore, #tpu.memory_space<semaphore_mem>>) {add = true}
      %dma_wait3A_359 = arith.constant 0 : i32
      %dma_wait3A_360 = arith.constant 0 : i32
      %dma_wait3A_361 = tpu.memref_slice %arg7[%dma_wait3A_359, %dma_wait3A_360] : memref<40x128xi32, #tpu.memory_space<vmem>> -> memref<1x128xi32, #tpu.memory_space<vmem>>
      %dma_wait3A_362 = tpu.memref_squeeze %dma_wait3A_361 : memref<1x128xi32, #tpu.memory_space<vmem>> -> memref<128xi32, #tpu.memory_space<vmem>>
      %dma_wait3A_363 = arith.constant 0 : i32
      %dma_wait3A_364 = arith.constant 0 : i32
      %dma_wait3A_365 = tpu.memref_slice %arg10[%dma_wait3A_363, %dma_wait3A_364] : memref<10008x128xf32, #tpu.memory_space<vmem_shared>> -> memref<10008x128xf32, #tpu.memory_space<vmem_shared>>
      tpu.wait_indirect_dma semaphore(%arg13 : memref<!tpu.dma_semaphore, #tpu.memory_space<semaphore_mem>>) src(%arg8 : memref<128x128xf32, #tpu.memory_space<vmem>>) dst(%dma_wait3A_365 : memref<10008x128xf32, #tpu.memory_space<vmem_shared>>)
      %lt3A = arith.constant 19 : i32
      %lt3A_366 = arith.cmpi slt, %scan3A_331, %lt3A : i32
      %convert_element_type3A_367 = arith.extui %lt3A_366 : i1 to i32
      %cond3A_368 = arith.constant 0 : i32
      %cond3A_369 = arith.cmpi ne, %convert_element_type3A_367, %cond3A_368 : i32
      scf.if %cond3A_369 {
        %add3A_385 = arith.constant 2 : i32
        %add3A_386 = arith.addi %mul3A_333, %add3A_385 : i32
        %dma_start3A_387 = arith.constant 0 : i32
        %dma_start3A_388 = tpu.memref_slice %arg6[%add3A_386, %dma_start3A_387] : memref<40x128xi32, #tpu.memory_space<vmem>> -> memref<1x128xi32, #tpu.memory_space<vmem>>
        %dma_start3A_389 = tpu.memref_squeeze %dma_start3A_388 : memref<1x128xi32, #tpu.memory_space<vmem>> -> memref<128xi32, #tpu.memory_space<vmem>>
        %dma_start3A_390 = arith.constant 0 : i32
        %dma_start3A_391 = arith.constant 0 : i32
        %dma_start3A_392 = tpu.memref_slice %arg2[%dma_start3A_390, %dma_start3A_391] : memref<10000x128xf32, #tpu.memory_space<hbm>> -> memref<10000x128xf32, #tpu.memory_space<hbm>>
        tpu.enqueue_indirect_dma source(%dma_start3A_392 : memref<10000x128xf32, #tpu.memory_space<hbm>>) target(%arg8 : memref<128x128xf32, #tpu.memory_space<vmem>>) offsets(%dma_start3A_389 : memref<128xi32, #tpu.memory_space<vmem>>) semaphore(%arg11 : memref<!tpu.dma_semaphore, #tpu.memory_space<semaphore_mem>>)
      } else {
      }
      %dma_wait3A_370 = arith.constant 0 : i32
      %dma_wait3A_371 = arith.constant 0 : i32
      %dma_wait3A_372 = tpu.memref_slice %arg6[%dma_wait3A_370, %dma_wait3A_371] : memref<40x128xi32, #tpu.memory_space<vmem>> -> memref<1x128xi32, #tpu.memory_space<vmem>>
      %dma_wait3A_373 = tpu.memref_squeeze %dma_wait3A_372 : memref<1x128xi32, #tpu.memory_space<vmem>> -> memref<128xi32, #tpu.memory_space<vmem>>
      %dma_wait3A_374 = arith.constant 0 : i32
      %dma_wait3A_375 = arith.constant 0 : i32
      %dma_wait3A_376 = tpu.memref_slice %arg2[%dma_wait3A_374, %dma_wait3A_375] : memref<10000x128xf32, #tpu.memory_space<hbm>> -> memref<10000x128xf32, #tpu.memory_space<hbm>>
      tpu.wait_indirect_dma semaphore(%arg12 : memref<!tpu.dma_semaphore, #tpu.memory_space<semaphore_mem>>) src(%dma_wait3A_376 : memref<10000x128xf32, #tpu.memory_space<hbm>>) dst(%arg9 : memref<128x128xf32, #tpu.memory_space<vmem>>)
      %add3A_377 = arith.constant 1 : i32
      %add3A_378 = arith.addi %mul3A_333, %add3A_377 : i32
      %dma_start3A_379 = arith.constant 0 : i32
      %dma_start3A_380 = tpu.memref_slice %arg7[%add3A_378, %dma_start3A_379] : memref<40x128xi32, #tpu.memory_space<vmem>> -> memref<1x128xi32, #tpu.memory_space<vmem>>
      %dma_start3A_381 = tpu.memref_squeeze %dma_start3A_380 : memref<1x128xi32, #tpu.memory_space<vmem>> -> memref<128xi32, #tpu.memory_space<vmem>>
      %dma_start3A_382 = arith.constant 0 : i32
      %dma_start3A_383 = arith.constant 0 : i32
      %dma_start3A_384 = tpu.memref_slice %arg10[%dma_start3A_382, %dma_start3A_383] : memref<10008x128xf32, #tpu.memory_space<vmem_shared>> -> memref<10008x128xf32, #tpu.memory_space<vmem_shared>>
      tpu.enqueue_indirect_dma source(%arg9 : memref<128x128xf32, #tpu.memory_space<vmem>>) target(%dma_start3A_384 : memref<10008x128xf32, #tpu.memory_space<vmem_shared>>) offsets(%dma_start3A_381 : memref<128xi32, #tpu.memory_space<vmem>>) semaphore(%arg14 : memref<!tpu.dma_semaphore, #tpu.memory_space<semaphore_mem>>) {add = true}
    }
    %scan3A_57 = arith.constant 20 : i32
    %dma_wait3A_58 = arith.constant 0 : i32
    %dma_wait3A_59 = arith.constant 0 : i32
    %dma_wait3A_60 = tpu.memref_slice %arg7[%dma_wait3A_58, %dma_wait3A_59] : memref<40x128xi32, #tpu.memory_space<vmem>> -> memref<1x128xi32, #tpu.memory_space<vmem>>
    %dma_wait3A_61 = tpu.memref_squeeze %dma_wait3A_60 : memref<1x128xi32, #tpu.memory_space<vmem>> -> memref<128xi32, #tpu.memory_space<vmem>>
    %dma_wait3A_62 = arith.constant 0 : i32
    %dma_wait3A_63 = arith.constant 0 : i32
    %dma_wait3A_64 = tpu.memref_slice %arg10[%dma_wait3A_62, %dma_wait3A_63] : memref<10008x128xf32, #tpu.memory_space<vmem_shared>> -> memref<10008x128xf32, #tpu.memory_space<vmem_shared>>
    tpu.wait_indirect_dma semaphore(%arg14 : memref<!tpu.dma_semaphore, #tpu.memory_space<semaphore_mem>>) src(%arg9 : memref<128x128xf32, #tpu.memory_space<vmem>>) dst(%dma_wait3A_64 : memref<10008x128xf32, #tpu.memory_space<vmem_shared>>)
    %barrier3A_65 = arith.constant 0 : index
    tpu.barrier barrier_id(%barrier3A_65)
    %add3A_66 = arith.constant 0 : i32
    %add3A_67 = arith.addi %mul3A_6, %add3A_66 : i32
    %dma_start3A_68 = arith.constant 0 : i32
    %dma_start3A_69 = arith.constant 0 : i32
    %dma_start3A_70 = tpu.memref_slice %arg8[%dma_start3A_68, %dma_start3A_69] : memref<128x128xf32, #tpu.memory_space<vmem>> -> memref<128x128xf32, #tpu.memory_space<vmem>>
    %dma_start3A_71 = arith.constant 0 : i32
    %dma_start3A_72 = tpu.memref_slice %arg10[%add3A_67, %dma_start3A_71] : memref<10008x128xf32, #tpu.memory_space<vmem_shared>> -> memref<128x128xf32, #tpu.memory_space<vmem_shared>>
    %dma_start3A_73 = arith.constant 0 : i32
    %dma_start3A_74 = arith.constant 0 : i32
    %dma_start3A_75 = tpu.memref_slice %arg8[%dma_start3A_73, %dma_start3A_74] : memref<128x128xf32, #tpu.memory_space<vmem>> -> memref<128x128xf32, #tpu.memory_space<vmem>>
    %dma_start3A_76 = arith.constant 0 : i32
    %dma_start3A_77 = tpu.memref_slice %arg10[%add3A_67, %dma_start3A_76] : memref<10008x128xf32, #tpu.memory_space<vmem_shared>> -> memref<128x128xf32, #tpu.memory_space<vmem_shared>>
    tpu.enqueue_dma source(%dma_start3A_77 : memref<128x128xf32, #tpu.memory_space<vmem_shared>>) target(%dma_start3A_75 : memref<128x128xf32, #tpu.memory_space<vmem>>) target_semaphore(%arg11 : memref<!tpu.dma_semaphore, #tpu.memory_space<semaphore_mem>>)
    %add3A_78 = arith.constant 0 : i32
    %add3A_79 = arith.addi %mul3A_6, %add3A_78 : i32
    %dma_wait3A_80 = arith.constant 0 : i32
    %dma_wait3A_81 = arith.constant 0 : i32
    %dma_wait3A_82 = tpu.memref_slice %arg8[%dma_wait3A_80, %dma_wait3A_81] : memref<128x128xf32, #tpu.memory_space<vmem>> -> memref<128x128xf32, #tpu.memory_space<vmem>>
    %dma_wait3A_83 = arith.constant 0 : i32
    %dma_wait3A_84 = tpu.memref_slice %arg10[%add3A_79, %dma_wait3A_83] : memref<10008x128xf32, #tpu.memory_space<vmem_shared>> -> memref<128x128xf32, #tpu.memory_space<vmem_shared>>
    %dma_wait3A_85 = arith.constant 0 : i32
    %dma_wait3A_86 = arith.constant 0 : i32
    %dma_wait3A_87 = tpu.memref_slice %arg8[%dma_wait3A_85, %dma_wait3A_86] : memref<128x128xf32, #tpu.memory_space<vmem>> -> memref<128x128xf32, #tpu.memory_space<vmem>>
    %dma_wait3A_88 = arith.constant 0 : i32
    %dma_wait3A_89 = tpu.memref_slice %arg10[%add3A_79, %dma_wait3A_88] : memref<10008x128xf32, #tpu.memory_space<vmem_shared>> -> memref<128x128xf32, #tpu.memory_space<vmem_shared>>
    tpu.wait_dma2 semaphore(%arg11 : memref<!tpu.dma_semaphore, #tpu.memory_space<semaphore_mem>>) src(%dma_wait3A_89 : memref<128x128xf32, #tpu.memory_space<vmem_shared>>) dst(%dma_wait3A_87 : memref<128x128xf32, #tpu.memory_space<vmem>>)
    %add3A_90 = arith.constant 128 : i32
    %add3A_91 = arith.addi %mul3A_6, %add3A_90 : i32
    %dma_start3A_92 = arith.constant 0 : i32
    %dma_start3A_93 = arith.constant 0 : i32
    %dma_start3A_94 = tpu.memref_slice %arg9[%dma_start3A_92, %dma_start3A_93] : memref<128x128xf32, #tpu.memory_space<vmem>> -> memref<128x128xf32, #tpu.memory_space<vmem>>
    %dma_start3A_95 = arith.constant 0 : i32
    %dma_start3A_96 = tpu.memref_slice %arg10[%add3A_91, %dma_start3A_95] : memref<10008x128xf32, #tpu.memory_space<vmem_shared>> -> memref<128x128xf32, #tpu.memory_space<vmem_shared>>
    %dma_start3A_97 = arith.constant 0 : i32
    %dma_start3A_98 = arith.constant 0 : i32
    %dma_start3A_99 = tpu.memref_slice %arg9[%dma_start3A_97, %dma_start3A_98] : memref<128x128xf32, #tpu.memory_space<vmem>> -> memref<128x128xf32, #tpu.memory_space<vmem>>
    %dma_start3A_100 = arith.constant 0 : i32
    %dma_start3A_101 = tpu.memref_slice %arg10[%add3A_91, %dma_start3A_100] : memref<10008x128xf32, #tpu.memory_space<vmem_shared>> -> memref<128x128xf32, #tpu.memory_space<vmem_shared>>
    tpu.enqueue_dma source(%dma_start3A_101 : memref<128x128xf32, #tpu.memory_space<vmem_shared>>) target(%dma_start3A_99 : memref<128x128xf32, #tpu.memory_space<vmem>>) target_semaphore(%arg12 : memref<!tpu.dma_semaphore, #tpu.memory_space<semaphore_mem>>)
    %add3A_102 = arith.constant 0 : i32
    %add3A_103 = arith.addi %mul3A_6, %add3A_102 : i32
    %dma_start3A_104 = arith.constant 0 : i32
    %dma_start3A_105 = arith.constant 0 : i32
    %dma_start3A_106 = tpu.memref_slice %arg8[%dma_start3A_104, %dma_start3A_105] : memref<128x128xf32, #tpu.memory_space<vmem>> -> memref<128x128xf32, #tpu.memory_space<vmem>>
    %dma_start3A_107 = arith.constant 0 : i32
    %dma_start3A_108 = tpu.memref_slice %arg5[%arg0, %add3A_103, %dma_start3A_107] : memref<2x10000x128xf32, #tpu.memory_space<hbm>> -> memref<1x128x128xf32, #tpu.memory_space<hbm>>
    %dma_start3A_109 = tpu.memref_squeeze %dma_start3A_108 : memref<1x128x128xf32, #tpu.memory_space<hbm>> -> memref<128x128xf32, #tpu.memory_space<hbm>>
    %dma_start3A_110 = arith.constant 0 : i32
    %dma_start3A_111 = tpu.memref_slice %arg5[%arg0, %add3A_103, %dma_start3A_110] : memref<2x10000x128xf32, #tpu.memory_space<hbm>> -> memref<1x128x128xf32, #tpu.memory_space<hbm>>
    %dma_start3A_112 = tpu.memref_squeeze %dma_start3A_111 : memref<1x128x128xf32, #tpu.memory_space<hbm>> -> memref<128x128xf32, #tpu.memory_space<hbm>>
    %dma_start3A_113 = arith.constant 0 : i32
    %dma_start3A_114 = arith.constant 0 : i32
    %dma_start3A_115 = tpu.memref_slice %arg8[%dma_start3A_113, %dma_start3A_114] : memref<128x128xf32, #tpu.memory_space<vmem>> -> memref<128x128xf32, #tpu.memory_space<vmem>>
    tpu.enqueue_dma source(%dma_start3A_115 : memref<128x128xf32, #tpu.memory_space<vmem>>) target(%dma_start3A_112 : memref<128x128xf32, #tpu.memory_space<hbm>>) target_semaphore(%arg13 : memref<!tpu.dma_semaphore, #tpu.memory_space<semaphore_mem>>)
    %add3A_116 = arith.constant 128 : i32
    %add3A_117 = arith.addi %mul3A_6, %add3A_116 : i32
    %dma_wait3A_118 = arith.constant 0 : i32
    %dma_wait3A_119 = arith.constant 0 : i32
    %dma_wait3A_120 = tpu.memref_slice %arg9[%dma_wait3A_118, %dma_wait3A_119] : memref<128x128xf32, #tpu.memory_space<vmem>> -> memref<128x128xf32, #tpu.memory_space<vmem>>
    %dma_wait3A_121 = arith.constant 0 : i32
    %dma_wait3A_122 = tpu.memref_slice %arg10[%add3A_117, %dma_wait3A_121] : memref<10008x128xf32, #tpu.memory_space<vmem_shared>> -> memref<128x128xf32, #tpu.memory_space<vmem_shared>>
    %dma_wait3A_123 = arith.constant 0 : i32
    %dma_wait3A_124 = arith.constant 0 : i32
    %dma_wait3A_125 = tpu.memref_slice %arg9[%dma_wait3A_123, %dma_wait3A_124] : memref<128x128xf32, #tpu.memory_space<vmem>> -> memref<128x128xf32, #tpu.memory_space<vmem>>
    %dma_wait3A_126 = arith.constant 0 : i32
    %dma_wait3A_127 = tpu.memref_slice %arg10[%add3A_117, %dma_wait3A_126] : memref<10008x128xf32, #tpu.memory_space<vmem_shared>> -> memref<128x128xf32, #tpu.memory_space<vmem_shared>>
    tpu.wait_dma2 semaphore(%arg12 : memref<!tpu.dma_semaphore, #tpu.memory_space<semaphore_mem>>) src(%dma_wait3A_127 : memref<128x128xf32, #tpu.memory_space<vmem_shared>>) dst(%dma_wait3A_125 : memref<128x128xf32, #tpu.memory_space<vmem>>)
    %add3A_128 = arith.constant 0 : i32
    %add3A_129 = arith.addi %mul3A_6, %add3A_128 : i32
    %dma_wait3A_130 = arith.constant 0 : i32
    %dma_wait3A_131 = arith.constant 0 : i32
    %dma_wait3A_132 = tpu.memref_slice %arg8[%dma_wait3A_130, %dma_wait3A_131] : memref<128x128xf32, #tpu.memory_space<vmem>> -> memref<128x128xf32, #tpu.memory_space<vmem>>
    %dma_wait3A_133 = arith.constant 0 : i32
    %dma_wait3A_134 = tpu.memref_slice %arg5[%arg0, %add3A_129, %dma_wait3A_133] : memref<2x10000x128xf32, #tpu.memory_space<hbm>> -> memref<1x128x128xf32, #tpu.memory_space<hbm>>
    %dma_wait3A_135 = tpu.memref_squeeze %dma_wait3A_134 : memref<1x128x128xf32, #tpu.memory_space<hbm>> -> memref<128x128xf32, #tpu.memory_space<hbm>>
    %dma_wait3A_136 = arith.constant 0 : i32
    %dma_wait3A_137 = tpu.memref_slice %arg5[%arg0, %add3A_129, %dma_wait3A_136] : memref<2x10000x128xf32, #tpu.memory_space<hbm>> -> memref<1x128x128xf32, #tpu.memory_space<hbm>>
    %dma_wait3A_138 = tpu.memref_squeeze %dma_wait3A_137 : memref<1x128x128xf32, #tpu.memory_space<hbm>> -> memref<128x128xf32, #tpu.memory_space<hbm>>
    %dma_wait3A_139 = arith.constant 0 : i32
    %dma_wait3A_140 = arith.constant 0 : i32
    %dma_wait3A_141 = tpu.memref_slice %arg8[%dma_wait3A_139, %dma_wait3A_140] : memref<128x128xf32, #tpu.memory_space<vmem>> -> memref<128x128xf32, #tpu.memory_space<vmem>>
    tpu.wait_dma2 semaphore(%arg13 : memref<!tpu.dma_semaphore, #tpu.memory_space<semaphore_mem>>) src(%dma_wait3A_141 : memref<128x128xf32, #tpu.memory_space<vmem>>) dst(%dma_wait3A_138 : memref<128x128xf32, #tpu.memory_space<hbm>>)
    %add3A_142 = arith.constant 256 : i32
    %add3A_143 = arith.addi %mul3A_6, %add3A_142 : i32
    %dma_start3A_144 = arith.constant 0 : i32
    %dma_start3A_145 = arith.constant 0 : i32
    %dma_start3A_146 = tpu.memref_slice %arg8[%dma_start3A_144, %dma_start3A_145] : memref<128x128xf32, #tpu.memory_space<vmem>> -> memref<128x128xf32, #tpu.memory_space<vmem>>
    %dma_start3A_147 = arith.constant 0 : i32
    %dma_start3A_148 = tpu.memref_slice %arg10[%add3A_143, %dma_start3A_147] : memref<10008x128xf32, #tpu.memory_space<vmem_shared>> -> memref<128x128xf32, #tpu.memory_space<vmem_shared>>
    %dma_start3A_149 = arith.constant 0 : i32
    %dma_start3A_150 = arith.constant 0 : i32
    %dma_start3A_151 = tpu.memref_slice %arg8[%dma_start3A_149, %dma_start3A_150] : memref<128x128xf32, #tpu.memory_space<vmem>> -> memref<128x128xf32, #tpu.memory_space<vmem>>
    %dma_start3A_152 = arith.constant 0 : i32
    %dma_start3A_153 = tpu.memref_slice %arg10[%add3A_143, %dma_start3A_152] : memref<10008x128xf32, #tpu.memory_space<vmem_shared>> -> memref<128x128xf32, #tpu.memory_space<vmem_shared>>
    tpu.enqueue_dma source(%dma_start3A_153 : memref<128x128xf32, #tpu.memory_space<vmem_shared>>) target(%dma_start3A_151 : memref<128x128xf32, #tpu.memory_space<vmem>>) target_semaphore(%arg11 : memref<!tpu.dma_semaphore, #tpu.memory_space<semaphore_mem>>)
    %add3A_154 = arith.constant 128 : i32
    %add3A_155 = arith.addi %mul3A_6, %add3A_154 : i32
    %dma_start3A_156 = arith.constant 0 : i32
    %dma_start3A_157 = arith.constant 0 : i32
    %dma_start3A_158 = tpu.memref_slice %arg9[%dma_start3A_156, %dma_start3A_157] : memref<128x128xf32, #tpu.memory_space<vmem>> -> memref<128x128xf32, #tpu.memory_space<vmem>>
    %dma_start3A_159 = arith.constant 0 : i32
    %dma_start3A_160 = tpu.memref_slice %arg5[%arg0, %add3A_155, %dma_start3A_159] : memref<2x10000x128xf32, #tpu.memory_space<hbm>> -> memref<1x128x128xf32, #tpu.memory_space<hbm>>
    %dma_start3A_161 = tpu.memref_squeeze %dma_start3A_160 : memref<1x128x128xf32, #tpu.memory_space<hbm>> -> memref<128x128xf32, #tpu.memory_space<hbm>>
    %dma_start3A_162 = arith.constant 0 : i32
    %dma_start3A_163 = tpu.memref_slice %arg5[%arg0, %add3A_155, %dma_start3A_162] : memref<2x10000x128xf32, #tpu.memory_space<hbm>> -> memref<1x128x128xf32, #tpu.memory_space<hbm>>
    %dma_start3A_164 = tpu.memref_squeeze %dma_start3A_163 : memref<1x128x128xf32, #tpu.memory_space<hbm>> -> memref<128x128xf32, #tpu.memory_space<hbm>>
    %dma_start3A_165 = arith.constant 0 : i32
    %dma_start3A_166 = arith.constant 0 : i32
    %dma_start3A_167 = tpu.memref_slice %arg9[%dma_start3A_165, %dma_start3A_166] : memref<128x128xf32, #tpu.memory_space<vmem>> -> memref<128x128xf32, #tpu.memory_space<vmem>>
    tpu.enqueue_dma source(%dma_start3A_167 : memref<128x128xf32, #tpu.memory_space<vmem>>) target(%dma_start3A_164 : memref<128x128xf32, #tpu.memory_space<hbm>>) target_semaphore(%arg14 : memref<!tpu.dma_semaphore, #tpu.memory_space<semaphore_mem>>)
    %add3A_168 = arith.constant 256 : i32
    %add3A_169 = arith.addi %mul3A_6, %add3A_168 : i32
    %dma_wait3A_170 = arith.constant 0 : i32
    %dma_wait3A_171 = arith.constant 0 : i32
    %dma_wait3A_172 = tpu.memref_slice %arg8[%dma_wait3A_170, %dma_wait3A_171] : memref<128x128xf32, #tpu.memory_space<vmem>> -> memref<128x128xf32, #tpu.memory_space<vmem>>
    %dma_wait3A_173 = arith.constant 0 : i32
    %dma_wait3A_174 = tpu.memref_slice %arg10[%add3A_169, %dma_wait3A_173] : memref<10008x128xf32, #tpu.memory_space<vmem_shared>> -> memref<128x128xf32, #tpu.memory_space<vmem_shared>>
    %dma_wait3A_175 = arith.constant 0 : i32
    %dma_wait3A_176 = arith.constant 0 : i32
    %dma_wait3A_177 = tpu.memref_slice %arg8[%dma_wait3A_175, %dma_wait3A_176] : memref<128x128xf32, #tpu.memory_space<vmem>> -> memref<128x128xf32, #tpu.memory_space<vmem>>
    %dma_wait3A_178 = arith.constant 0 : i32
    %dma_wait3A_179 = tpu.memref_slice %arg10[%add3A_169, %dma_wait3A_178] : memref<10008x128xf32, #tpu.memory_space<vmem_shared>> -> memref<128x128xf32, #tpu.memory_space<vmem_shared>>
    tpu.wait_dma2 semaphore(%arg11 : memref<!tpu.dma_semaphore, #tpu.memory_space<semaphore_mem>>) src(%dma_wait3A_179 : memref<128x128xf32, #tpu.memory_space<vmem_shared>>) dst(%dma_wait3A_177 : memref<128x128xf32, #tpu.memory_space<vmem>>)
    %add3A_180 = arith.constant 128 : i32
    %add3A_181 = arith.addi %mul3A_6, %add3A_180 : i32
    %dma_wait3A_182 = arith.constant 0 : i32
    %dma_wait3A_183 = arith.constant 0 : i32
    %dma_wait3A_184 = tpu.memref_slice %arg9[%dma_wait3A_182, %dma_wait3A_183] : memref<128x128xf32, #tpu.memory_space<vmem>> -> memref<128x128xf32, #tpu.memory_space<vmem>>
    %dma_wait3A_185 = arith.constant 0 : i32
    %dma_wait3A_186 = tpu.memref_slice %arg5[%arg0, %add3A_181, %dma_wait3A_185] : memref<2x10000x128xf32, #tpu.memory_space<hbm>> -> memref<1x128x128xf32, #tpu.memory_space<hbm>>
    %dma_wait3A_187 = tpu.memref_squeeze %dma_wait3A_186 : memref<1x128x128xf32, #tpu.memory_space<hbm>> -> memref<128x128xf32, #tpu.memory_space<hbm>>
    %dma_wait3A_188 = arith.constant 0 : i32
    %dma_wait3A_189 = tpu.memref_slice %arg5[%arg0, %add3A_181, %dma_wait3A_188] : memref<2x10000x128xf32, #tpu.memory_space<hbm>> -> memref<1x128x128xf32, #tpu.memory_space<hbm>>
    %dma_wait3A_190 = tpu.memref_squeeze %dma_wait3A_189 : memref<1x128x128xf32, #tpu.memory_space<hbm>> -> memref<128x128xf32, #tpu.memory_space<hbm>>
    %dma_wait3A_191 = arith.constant 0 : i32
    %dma_wait3A_192 = arith.constant 0 : i32
    %dma_wait3A_193 = tpu.memref_slice %arg9[%dma_wait3A_191, %dma_wait3A_192] : memref<128x128xf32, #tpu.memory_space<vmem>> -> memref<128x128xf32, #tpu.memory_space<vmem>>
    tpu.wait_dma2 semaphore(%arg14 : memref<!tpu.dma_semaphore, #tpu.memory_space<semaphore_mem>>) src(%dma_wait3A_193 : memref<128x128xf32, #tpu.memory_space<vmem>>) dst(%dma_wait3A_190 : memref<128x128xf32, #tpu.memory_space<hbm>>)
    %add3A_194 = arith.constant 384 : i32
    %add3A_195 = arith.addi %mul3A_6, %add3A_194 : i32
    %dma_start3A_196 = arith.constant 0 : i32
    %dma_start3A_197 = arith.constant 0 : i32
    %dma_start3A_198 = tpu.memref_slice %arg9[%dma_start3A_196, %dma_start3A_197] : memref<128x128xf32, #tpu.memory_space<vmem>> -> memref<128x128xf32, #tpu.memory_space<vmem>>
    %dma_start3A_199 = arith.constant 0 : i32
    %dma_start3A_200 = tpu.memref_slice %arg10[%add3A_195, %dma_start3A_199] : memref<10008x128xf32, #tpu.memory_space<vmem_shared>> -> memref<128x128xf32, #tpu.memory_space<vmem_shared>>
    %dma_start3A_201 = arith.constant 0 : i32
    %dma_start3A_202 = arith.constant 0 : i32
    %dma_start3A_203 = tpu.memref_slice %arg9[%dma_start3A_201, %dma_start3A_202] : memref<128x128xf32, #tpu.memory_space<vmem>> -> memref<128x128xf32, #tpu.memory_space<vmem>>
    %dma_start3A_204 = arith.constant 0 : i32
    %dma_start3A_205 = tpu.memref_slice %arg10[%add3A_195, %dma_start3A_204] : memref<10008x128xf32, #tpu.memory_space<vmem_shared>> -> memref<128x128xf32, #tpu.memory_space<vmem_shared>>
    tpu.enqueue_dma source(%dma_start3A_205 : memref<128x128xf32, #tpu.memory_space<vmem_shared>>) target(%dma_start3A_203 : memref<128x128xf32, #tpu.memory_space<vmem>>) target_semaphore(%arg12 : memref<!tpu.dma_semaphore, #tpu.memory_space<semaphore_mem>>)
    %add3A_206 = arith.constant 256 : i32
    %add3A_207 = arith.addi %mul3A_6, %add3A_206 : i32
    %dma_start3A_208 = arith.constant 0 : i32
    %dma_start3A_209 = arith.constant 0 : i32
    %dma_start3A_210 = tpu.memref_slice %arg8[%dma_start3A_208, %dma_start3A_209] : memref<128x128xf32, #tpu.memory_space<vmem>> -> memref<128x128xf32, #tpu.memory_space<vmem>>
    %dma_start3A_211 = arith.constant 0 : i32
    %dma_start3A_212 = tpu.memref_slice %arg5[%arg0, %add3A_207, %dma_start3A_211] : memref<2x10000x128xf32, #tpu.memory_space<hbm>> -> memref<1x128x128xf32, #tpu.memory_space<hbm>>
    %dma_start3A_213 = tpu.memref_squeeze %dma_start3A_212 : memref<1x128x128xf32, #tpu.memory_space<hbm>> -> memref<128x128xf32, #tpu.memory_space<hbm>>
    %dma_start3A_214 = arith.constant 0 : i32
    %dma_start3A_215 = tpu.memref_slice %arg5[%arg0, %add3A_207, %dma_start3A_214] : memref<2x10000x128xf32, #tpu.memory_space<hbm>> -> memref<1x128x128xf32, #tpu.memory_space<hbm>>
    %dma_start3A_216 = tpu.memref_squeeze %dma_start3A_215 : memref<1x128x128xf32, #tpu.memory_space<hbm>> -> memref<128x128xf32, #tpu.memory_space<hbm>>
    %dma_start3A_217 = arith.constant 0 : i32
    %dma_start3A_218 = arith.constant 0 : i32
    %dma_start3A_219 = tpu.memref_slice %arg8[%dma_start3A_217, %dma_start3A_218] : memref<128x128xf32, #tpu.memory_space<vmem>> -> memref<128x128xf32, #tpu.memory_space<vmem>>
    tpu.enqueue_dma source(%dma_start3A_219 : memref<128x128xf32, #tpu.memory_space<vmem>>) target(%dma_start3A_216 : memref<128x128xf32, #tpu.memory_space<hbm>>) target_semaphore(%arg13 : memref<!tpu.dma_semaphore, #tpu.memory_space<semaphore_mem>>)
    %add3A_220 = arith.constant 384 : i32
    %add3A_221 = arith.addi %mul3A_6, %add3A_220 : i32
    %dma_wait3A_222 = arith.constant 0 : i32
    %dma_wait3A_223 = arith.constant 0 : i32
    %dma_wait3A_224 = tpu.memref_slice %arg9[%dma_wait3A_222, %dma_wait3A_223] : memref<128x128xf32, #tpu.memory_space<vmem>> -> memref<128x128xf32, #tpu.memory_space<vmem>>
    %dma_wait3A_225 = arith.constant 0 : i32
    %dma_wait3A_226 = tpu.memref_slice %arg10[%add3A_221, %dma_wait3A_225] : memref<10008x128xf32, #tpu.memory_space<vmem_shared>> -> memref<128x128xf32, #tpu.memory_space<vmem_shared>>
    %dma_wait3A_227 = arith.constant 0 : i32
    %dma_wait3A_228 = arith.constant 0 : i32
    %dma_wait3A_229 = tpu.memref_slice %arg9[%dma_wait3A_227, %dma_wait3A_228] : memref<128x128xf32, #tpu.memory_space<vmem>> -> memref<128x128xf32, #tpu.memory_space<vmem>>
    %dma_wait3A_230 = arith.constant 0 : i32
    %dma_wait3A_231 = tpu.memref_slice %arg10[%add3A_221, %dma_wait3A_230] : memref<10008x128xf32, #tpu.memory_space<vmem_shared>> -> memref<128x128xf32, #tpu.memory_space<vmem_shared>>
    tpu.wait_dma2 semaphore(%arg12 : memref<!tpu.dma_semaphore, #tpu.memory_space<semaphore_mem>>) src(%dma_wait3A_231 : memref<128x128xf32, #tpu.memory_space<vmem_shared>>) dst(%dma_wait3A_229 : memref<128x128xf32, #tpu.memory_space<vmem>>)
    %add3A_232 = arith.constant 256 : i32
    %add3A_233 = arith.addi %mul3A_6, %add3A_232 : i32
    %dma_wait3A_234 = arith.constant 0 : i32
    %dma_wait3A_235 = arith.constant 0 : i32
    %dma_wait3A_236 = tpu.memref_slice %arg8[%dma_wait3A_234, %dma_wait3A_235] : memref<128x128xf32, #tpu.memory_space<vmem>> -> memref<128x128xf32, #tpu.memory_space<vmem>>
    %dma_wait3A_237 = arith.constant 0 : i32
    %dma_wait3A_238 = tpu.memref_slice %arg5[%arg0, %add3A_233, %dma_wait3A_237] : memref<2x10000x128xf32, #tpu.memory_space<hbm>> -> memref<1x128x128xf32, #tpu.memory_space<hbm>>
    %dma_wait3A_239 = tpu.memref_squeeze %dma_wait3A_238 : memref<1x128x128xf32, #tpu.memory_space<hbm>> -> memref<128x128xf32, #tpu.memory_space<hbm>>
    %dma_wait3A_240 = arith.constant 0 : i32
    %dma_wait3A_241 = tpu.memref_slice %arg5[%arg0, %add3A_233, %dma_wait3A_240] : memref<2x10000x128xf32, #tpu.memory_space<hbm>> -> memref<1x128x128xf32, #tpu.memory_space<hbm>>
    %dma_wait3A_242 = tpu.memref_squeeze %dma_wait3A_241 : memref<1x128x128xf32, #tpu.memory_space<hbm>> -> memref<128x128xf32, #tpu.memory_space<hbm>>
    %dma_wait3A_243 = arith.constant 0 : i32
    %dma_wait3A_244 = arith.constant 0 : i32
    %dma_wait3A_245 = tpu.memref_slice %arg8[%dma_wait3A_243, %dma_wait3A_244] : memref<128x128xf32, #tpu.memory_space<vmem>> -> memref<128x128xf32, #tpu.memory_space<vmem>>
    tpu.wait_dma2 semaphore(%arg13 : memref<!tpu.dma_semaphore, #tpu.memory_space<semaphore_mem>>) src(%dma_wait3A_245 : memref<128x128xf32, #tpu.memory_space<vmem>>) dst(%dma_wait3A_242 : memref<128x128xf32, #tpu.memory_space<hbm>>)
    %add3A_246 = arith.constant 512 : i32
    %add3A_247 = arith.addi %mul3A_6, %add3A_246 : i32
    %dma_start3A_248 = arith.constant 0 : i32
    %dma_start3A_249 = arith.constant 0 : i32
    %dma_start3A_250 = tpu.memref_slice %arg8[%dma_start3A_248, %dma_start3A_249] : memref<128x128xf32, #tpu.memory_space<vmem>> -> memref<112x128xf32, #tpu.memory_space<vmem>>
    %dma_start3A_251 = arith.constant 0 : i32
    %dma_start3A_252 = tpu.memref_slice %arg10[%add3A_247, %dma_start3A_251] : memref<10008x128xf32, #tpu.memory_space<vmem_shared>> -> memref<112x128xf32, #tpu.memory_space<vmem_shared>>
    %dma_start3A_253 = arith.constant 0 : i32
    %dma_start3A_254 = arith.constant 0 : i32
    %dma_start3A_255 = tpu.memref_slice %arg8[%dma_start3A_253, %dma_start3A_254] : memref<128x128xf32, #tpu.memory_space<vmem>> -> memref<112x128xf32, #tpu.memory_space<vmem>>
    %dma_start3A_256 = arith.constant 0 : i32
    %dma_start3A_257 = tpu.memref_slice %arg10[%add3A_247, %dma_start3A_256] : memref<10008x128xf32, #tpu.memory_space<vmem_shared>> -> memref<112x128xf32, #tpu.memory_space<vmem_shared>>
    tpu.enqueue_dma source(%dma_start3A_257 : memref<112x128xf32, #tpu.memory_space<vmem_shared>>) target(%dma_start3A_255 : memref<112x128xf32, #tpu.memory_space<vmem>>) target_semaphore(%arg11 : memref<!tpu.dma_semaphore, #tpu.memory_space<semaphore_mem>>)
    %add3A_258 = arith.constant 384 : i32
    %add3A_259 = arith.addi %mul3A_6, %add3A_258 : i32
    %dma_start3A_260 = arith.constant 0 : i32
    %dma_start3A_261 = arith.constant 0 : i32
    %dma_start3A_262 = tpu.memref_slice %arg9[%dma_start3A_260, %dma_start3A_261] : memref<128x128xf32, #tpu.memory_space<vmem>> -> memref<128x128xf32, #tpu.memory_space<vmem>>
    %dma_start3A_263 = arith.constant 0 : i32
    %dma_start3A_264 = tpu.memref_slice %arg5[%arg0, %add3A_259, %dma_start3A_263] : memref<2x10000x128xf32, #tpu.memory_space<hbm>> -> memref<1x128x128xf32, #tpu.memory_space<hbm>>
    %dma_start3A_265 = tpu.memref_squeeze %dma_start3A_264 : memref<1x128x128xf32, #tpu.memory_space<hbm>> -> memref<128x128xf32, #tpu.memory_space<hbm>>
    %dma_start3A_266 = arith.constant 0 : i32
    %dma_start3A_267 = tpu.memref_slice %arg5[%arg0, %add3A_259, %dma_start3A_266] : memref<2x10000x128xf32, #tpu.memory_space<hbm>> -> memref<1x128x128xf32, #tpu.memory_space<hbm>>
    %dma_start3A_268 = tpu.memref_squeeze %dma_start3A_267 : memref<1x128x128xf32, #tpu.memory_space<hbm>> -> memref<128x128xf32, #tpu.memory_space<hbm>>
    %dma_start3A_269 = arith.constant 0 : i32
    %dma_start3A_270 = arith.constant 0 : i32
    %dma_start3A_271 = tpu.memref_slice %arg9[%dma_start3A_269, %dma_start3A_270] : memref<128x128xf32, #tpu.memory_space<vmem>> -> memref<128x128xf32, #tpu.memory_space<vmem>>
    tpu.enqueue_dma source(%dma_start3A_271 : memref<128x128xf32, #tpu.memory_space<vmem>>) target(%dma_start3A_268 : memref<128x128xf32, #tpu.memory_space<hbm>>) target_semaphore(%arg14 : memref<!tpu.dma_semaphore, #tpu.memory_space<semaphore_mem>>)
    %add3A_272 = arith.constant 512 : i32
    %add3A_273 = arith.addi %mul3A_6, %add3A_272 : i32
    %dma_wait3A_274 = arith.constant 0 : i32
    %dma_wait3A_275 = arith.constant 0 : i32
    %dma_wait3A_276 = tpu.memref_slice %arg8[%dma_wait3A_274, %dma_wait3A_275] : memref<128x128xf32, #tpu.memory_space<vmem>> -> memref<112x128xf32, #tpu.memory_space<vmem>>
    %dma_wait3A_277 = arith.constant 0 : i32
    %dma_wait3A_278 = tpu.memref_slice %arg10[%add3A_273, %dma_wait3A_277] : memref<10008x128xf32, #tpu.memory_space<vmem_shared>> -> memref<112x128xf32, #tpu.memory_space<vmem_shared>>
    %dma_wait3A_279 = arith.constant 0 : i32
    %dma_wait3A_280 = arith.constant 0 : i32
    %dma_wait3A_281 = tpu.memref_slice %arg8[%dma_wait3A_279, %dma_wait3A_280] : memref<128x128xf32, #tpu.memory_space<vmem>> -> memref<112x128xf32, #tpu.memory_space<vmem>>
    %dma_wait3A_282 = arith.constant 0 : i32
    %dma_wait3A_283 = tpu.memref_slice %arg10[%add3A_273, %dma_wait3A_282] : memref<10008x128xf32, #tpu.memory_space<vmem_shared>> -> memref<112x128xf32, #tpu.memory_space<vmem_shared>>
    tpu.wait_dma2 semaphore(%arg11 : memref<!tpu.dma_semaphore, #tpu.memory_space<semaphore_mem>>) src(%dma_wait3A_283 : memref<112x128xf32, #tpu.memory_space<vmem_shared>>) dst(%dma_wait3A_281 : memref<112x128xf32, #tpu.memory_space<vmem>>)
    %add3A_284 = arith.constant 512 : i32
    %add3A_285 = arith.addi %mul3A_6, %add3A_284 : i32
    %dma_start3A_286 = arith.constant 0 : i32
    %dma_start3A_287 = arith.constant 0 : i32
    %dma_start3A_288 = tpu.memref_slice %arg8[%dma_start3A_286, %dma_start3A_287] : memref<128x128xf32, #tpu.memory_space<vmem>> -> memref<112x128xf32, #tpu.memory_space<vmem>>
    %dma_start3A_289 = arith.constant 0 : i32
    %dma_start3A_290 = tpu.memref_slice %arg5[%arg0, %add3A_285, %dma_start3A_289] : memref<2x10000x128xf32, #tpu.memory_space<hbm>> -> memref<1x112x128xf32, #tpu.memory_space<hbm>>
    %dma_start3A_291 = tpu.memref_squeeze %dma_start3A_290 : memref<1x112x128xf32, #tpu.memory_space<hbm>> -> memref<112x128xf32, #tpu.memory_space<hbm>>
    %dma_start3A_292 = arith.constant 0 : i32
    %dma_start3A_293 = tpu.memref_slice %arg5[%arg0, %add3A_285, %dma_start3A_292] : memref<2x10000x128xf32, #tpu.memory_space<hbm>> -> memref<1x112x128xf32, #tpu.memory_space<hbm>>
    %dma_start3A_294 = tpu.memref_squeeze %dma_start3A_293 : memref<1x112x128xf32, #tpu.memory_space<hbm>> -> memref<112x128xf32, #tpu.memory_space<hbm>>
    %dma_start3A_295 = arith.constant 0 : i32
    %dma_start3A_296 = arith.constant 0 : i32
    %dma_start3A_297 = tpu.memref_slice %arg8[%dma_start3A_295, %dma_start3A_296] : memref<128x128xf32, #tpu.memory_space<vmem>> -> memref<112x128xf32, #tpu.memory_space<vmem>>
    tpu.enqueue_dma source(%dma_start3A_297 : memref<112x128xf32, #tpu.memory_space<vmem>>) target(%dma_start3A_294 : memref<112x128xf32, #tpu.memory_space<hbm>>) target_semaphore(%arg13 : memref<!tpu.dma_semaphore, #tpu.memory_space<semaphore_mem>>)
    %add3A_298 = arith.constant 384 : i32
    %add3A_299 = arith.addi %mul3A_6, %add3A_298 : i32
    %dma_wait3A_300 = arith.constant 0 : i32
    %dma_wait3A_301 = arith.constant 0 : i32
    %dma_wait3A_302 = tpu.memref_slice %arg9[%dma_wait3A_300, %dma_wait3A_301] : memref<128x128xf32, #tpu.memory_space<vmem>> -> memref<128x128xf32, #tpu.memory_space<vmem>>
    %dma_wait3A_303 = arith.constant 0 : i32
    %dma_wait3A_304 = tpu.memref_slice %arg5[%arg0, %add3A_299, %dma_wait3A_303] : memref<2x10000x128xf32, #tpu.memory_space<hbm>> -> memref<1x128x128xf32, #tpu.memory_space<hbm>>
    %dma_wait3A_305 = tpu.memref_squeeze %dma_wait3A_304 : memref<1x128x128xf32, #tpu.memory_space<hbm>> -> memref<128x128xf32, #tpu.memory_space<hbm>>
    %dma_wait3A_306 = arith.constant 0 : i32
    %dma_wait3A_307 = tpu.memref_slice %arg5[%arg0, %add3A_299, %dma_wait3A_306] : memref<2x10000x128xf32, #tpu.memory_space<hbm>> -> memref<1x128x128xf32, #tpu.memory_space<hbm>>
    %dma_wait3A_308 = tpu.memref_squeeze %dma_wait3A_307 : memref<1x128x128xf32, #tpu.memory_space<hbm>> -> memref<128x128xf32, #tpu.memory_space<hbm>>
    %dma_wait3A_309 = arith.constant 0 : i32
    %dma_wait3A_310 = arith.constant 0 : i32
    %dma_wait3A_311 = tpu.memref_slice %arg9[%dma_wait3A_309, %dma_wait3A_310] : memref<128x128xf32, #tpu.memory_space<vmem>> -> memref<128x128xf32, #tpu.memory_space<vmem>>
    tpu.wait_dma2 semaphore(%arg14 : memref<!tpu.dma_semaphore, #tpu.memory_space<semaphore_mem>>) src(%dma_wait3A_311 : memref<128x128xf32, #tpu.memory_space<vmem>>) dst(%dma_wait3A_308 : memref<128x128xf32, #tpu.memory_space<hbm>>)
    %add3A_312 = arith.constant 512 : i32
    %add3A_313 = arith.addi %mul3A_6, %add3A_312 : i32
    %dma_wait3A_314 = arith.constant 0 : i32
    %dma_wait3A_315 = arith.constant 0 : i32
    %dma_wait3A_316 = tpu.memref_slice %arg8[%dma_wait3A_314, %dma_wait3A_315] : memref<128x128xf32, #tpu.memory_space<vmem>> -> memref<112x128xf32, #tpu.memory_space<vmem>>
    %dma_wait3A_317 = arith.constant 0 : i32
    %dma_wait3A_318 = tpu.memref_slice %arg5[%arg0, %add3A_313, %dma_wait3A_317] : memref<2x10000x128xf32, #tpu.memory_space<hbm>> -> memref<1x112x128xf32, #tpu.memory_space<hbm>>
    %dma_wait3A_319 = tpu.memref_squeeze %dma_wait3A_318 : memref<1x112x128xf32, #tpu.memory_space<hbm>> -> memref<112x128xf32, #tpu.memory_space<hbm>>
    %dma_wait3A_320 = arith.constant 0 : i32
    %dma_wait3A_321 = tpu.memref_slice %arg5[%arg0, %add3A_313, %dma_wait3A_320] : memref<2x10000x128xf32, #tpu.memory_space<hbm>> -> memref<1x112x128xf32, #tpu.memory_space<hbm>>
    %dma_wait3A_322 = tpu.memref_squeeze %dma_wait3A_321 : memref<1x112x128xf32, #tpu.memory_space<hbm>> -> memref<112x128xf32, #tpu.memory_space<hbm>>
    %dma_wait3A_323 = arith.constant 0 : i32
    %dma_wait3A_324 = arith.constant 0 : i32
    %dma_wait3A_325 = tpu.memref_slice %arg8[%dma_wait3A_323, %dma_wait3A_324] : memref<128x128xf32, #tpu.memory_space<vmem>> -> memref<112x128xf32, #tpu.memory_space<vmem>>
    tpu.wait_dma2 semaphore(%arg13 : memref<!tpu.dma_semaphore, #tpu.memory_space<semaphore_mem>>) src(%dma_wait3A_325 : memref<112x128xf32, #tpu.memory_space<vmem>>) dst(%dma_wait3A_322 : memref<112x128xf32, #tpu.memory_space<hbm>>)
    %eq3A_326 = arith.constant 0 : i32
    %eq3A_327 = arith.cmpi eq, %arg1, %eq3A_326 : i32
    %convert_element_type3A_328 = arith.extui %eq3A_327 : i1 to i32
    %cond3A_329 = arith.constant 0 : i32
    %cond3A_330 = arith.cmpi ne, %convert_element_type3A_328, %cond3A_329 : i32
    scf.if %cond3A_330 {
      "tpu.region"() ({
        %run_scoped3A = tpu.sem_alloc : memref<!tpu.dma_semaphore, #tpu.memory_space<semaphore_mem>>
        %dma_start3A_331 = arith.constant 0 : i32
        %dma_start3A_332 = arith.constant 0 : i32
        %dma_start3A_333 = tpu.memref_slice %arg8[%dma_start3A_331, %dma_start3A_332] : memref<128x128xf32, #tpu.memory_space<vmem>> -> memref<16x128xf32, #tpu.memory_space<vmem>>
        %dma_start3A_334 = arith.constant 9984 : i32
        %dma_start3A_335 = arith.constant 0 : i32
        %dma_start3A_336 = tpu.memref_slice %arg10[%dma_start3A_334, %dma_start3A_335] : memref<10008x128xf32, #tpu.memory_space<vmem_shared>> -> memref<16x128xf32, #tpu.memory_space<vmem_shared>>
        %dma_start3A_337 = arith.constant 0 : i32
        %dma_start3A_338 = arith.constant 0 : i32
        %dma_start3A_339 = tpu.memref_slice %arg8[%dma_start3A_337, %dma_start3A_338] : memref<128x128xf32, #tpu.memory_space<vmem>> -> memref<16x128xf32, #tpu.memory_space<vmem>>
        %dma_start3A_340 = arith.constant 9984 : i32
        %dma_start3A_341 = arith.constant 0 : i32
        %dma_start3A_342 = tpu.memref_slice %arg10[%dma_start3A_340, %dma_start3A_341] : memref<10008x128xf32, #tpu.memory_space<vmem_shared>> -> memref<16x128xf32, #tpu.memory_space<vmem_shared>>
        tpu.enqueue_dma source(%dma_start3A_342 : memref<16x128xf32, #tpu.memory_space<vmem_shared>>) target(%dma_start3A_339 : memref<16x128xf32, #tpu.memory_space<vmem>>) target_semaphore(%run_scoped3A : memref<!tpu.dma_semaphore, #tpu.memory_space<semaphore_mem>>)
        %dma_wait3A_343 = arith.constant 0 : i32
        %dma_wait3A_344 = arith.constant 0 : i32
        %dma_wait3A_345 = tpu.memref_slice %arg8[%dma_wait3A_343, %dma_wait3A_344] : memref<128x128xf32, #tpu.memory_space<vmem>> -> memref<16x128xf32, #tpu.memory_space<vmem>>
        %dma_wait3A_346 = arith.constant 9984 : i32
        %dma_wait3A_347 = arith.constant 0 : i32
        %dma_wait3A_348 = tpu.memref_slice %arg10[%dma_wait3A_346, %dma_wait3A_347] : memref<10008x128xf32, #tpu.memory_space<vmem_shared>> -> memref<16x128xf32, #tpu.memory_space<vmem_shared>>
        %dma_wait3A_349 = arith.constant 0 : i32
        %dma_wait3A_350 = arith.constant 0 : i32
        %dma_wait3A_351 = tpu.memref_slice %arg8[%dma_wait3A_349, %dma_wait3A_350] : memref<128x128xf32, #tpu.memory_space<vmem>> -> memref<16x128xf32, #tpu.memory_space<vmem>>
        %dma_wait3A_352 = arith.constant 9984 : i32
        %dma_wait3A_353 = arith.constant 0 : i32
        %dma_wait3A_354 = tpu.memref_slice %arg10[%dma_wait3A_352, %dma_wait3A_353] : memref<10008x128xf32, #tpu.memory_space<vmem_shared>> -> memref<16x128xf32, #tpu.memory_space<vmem_shared>>
        tpu.wait_dma2 semaphore(%run_scoped3A : memref<!tpu.dma_semaphore, #tpu.memory_space<semaphore_mem>>) src(%dma_wait3A_354 : memref<16x128xf32, #tpu.memory_space<vmem_shared>>) dst(%dma_wait3A_351 : memref<16x128xf32, #tpu.memory_space<vmem>>)
        tpu.yield
      }) : () -> ()
      "tpu.region"() ({
        %run_scoped3A = tpu.sem_alloc : memref<!tpu.dma_semaphore, #tpu.memory_space<semaphore_mem>>
        %dma_start3A_331 = arith.constant 0 : i32
        %dma_start3A_332 = arith.constant 0 : i32
        %dma_start3A_333 = tpu.memref_slice %arg8[%dma_start3A_331, %dma_start3A_332] : memref<128x128xf32, #tpu.memory_space<vmem>> -> memref<16x128xf32, #tpu.memory_space<vmem>>
        %dma_start3A_334 = arith.constant 9984 : i32
        %dma_start3A_335 = arith.constant 0 : i32
        %dma_start3A_336 = tpu.memref_slice %arg5[%arg0, %dma_start3A_334, %dma_start3A_335] : memref<2x10000x128xf32, #tpu.memory_space<hbm>> -> memref<1x16x128xf32, #tpu.memory_space<hbm>>
        %dma_start3A_337 = tpu.memref_squeeze %dma_start3A_336 : memref<1x16x128xf32, #tpu.memory_space<hbm>> -> memref<16x128xf32, #tpu.memory_space<hbm>>
        %dma_start3A_338 = arith.constant 9984 : i32
        %dma_start3A_339 = arith.constant 0 : i32
        %dma_start3A_340 = tpu.memref_slice %arg5[%arg0, %dma_start3A_338, %dma_start3A_339] : memref<2x10000x128xf32, #tpu.memory_space<hbm>> -> memref<1x16x128xf32, #tpu.memory_space<hbm>>
        %dma_start3A_341 = tpu.memref_squeeze %dma_start3A_340 : memref<1x16x128xf32, #tpu.memory_space<hbm>> -> memref<16x128xf32, #tpu.memory_space<hbm>>
        %dma_start3A_342 = arith.constant 0 : i32
        %dma_start3A_343 = arith.constant 0 : i32
        %dma_start3A_344 = tpu.memref_slice %arg8[%dma_start3A_342, %dma_start3A_343] : memref<128x128xf32, #tpu.memory_space<vmem>> -> memref<16x128xf32, #tpu.memory_space<vmem>>
        tpu.enqueue_dma source(%dma_start3A_344 : memref<16x128xf32, #tpu.memory_space<vmem>>) target(%dma_start3A_341 : memref<16x128xf32, #tpu.memory_space<hbm>>) target_semaphore(%run_scoped3A : memref<!tpu.dma_semaphore, #tpu.memory_space<semaphore_mem>>)
        %dma_wait3A_345 = arith.constant 0 : i32
        %dma_wait3A_346 = arith.constant 0 : i32
        %dma_wait3A_347 = tpu.memref_slice %arg8[%dma_wait3A_345, %dma_wait3A_346] : memref<128x128xf32, #tpu.memory_space<vmem>> -> memref<16x128xf32, #tpu.memory_space<vmem>>
        %dma_wait3A_348 = arith.constant 9984 : i32
        %dma_wait3A_349 = arith.constant 0 : i32
        %dma_wait3A_350 = tpu.memref_slice %arg5[%arg0, %dma_wait3A_348, %dma_wait3A_349] : memref<2x10000x128xf32, #tpu.memory_space<hbm>> -> memref<1x16x128xf32, #tpu.memory_space<hbm>>
        %dma_wait3A_351 = tpu.memref_squeeze %dma_wait3A_350 : memref<1x16x128xf32, #tpu.memory_space<hbm>> -> memref<16x128xf32, #tpu.memory_space<hbm>>
        %dma_wait3A_352 = arith.constant 9984 : i32
        %dma_wait3A_353 = arith.constant 0 : i32
        %dma_wait3A_354 = tpu.memref_slice %arg5[%arg0, %dma_wait3A_352, %dma_wait3A_353] : memref<2x10000x128xf32, #tpu.memory_space<hbm>> -> memref<1x16x128xf32, #tpu.memory_space<hbm>>
        %dma_wait3A_355 = tpu.memref_squeeze %dma_wait3A_354 : memref<1x16x128xf32, #tpu.memory_space<hbm>> -> memref<16x128xf32, #tpu.memory_space<hbm>>
        %dma_wait3A_356 = arith.constant 0 : i32
        %dma_wait3A_357 = arith.constant 0 : i32
        %dma_wait3A_358 = tpu.memref_slice %arg8[%dma_wait3A_356, %dma_wait3A_357] : memref<128x128xf32, #tpu.memory_space<vmem>> -> memref<16x128xf32, #tpu.memory_space<vmem>>
        tpu.wait_dma2 semaphore(%run_scoped3A : memref<!tpu.dma_semaphore, #tpu.memory_space<semaphore_mem>>) src(%dma_wait3A_358 : memref<16x128xf32, #tpu.memory_space<vmem>>) dst(%dma_wait3A_355 : memref<16x128xf32, #tpu.memory_space<hbm>>)
        tpu.yield
      }) : () -> ()
    } else {
    }
    return
  }
}

module attributes {stable_mosaic.version = 14 : i64} {
  func.func @_tc_first_body(%arg0: i32, %arg1: memref<2x4x10240xf32, #tpu.memory_space<vmem>>, %arg2: memref<4096x128xf32, #tpu.memory_space<vmem>>, %arg3: memref<128x128xf32, #tpu.memory_space<vmem>>, %arg4: memref<4096x128xf32, #tpu.memory_space<vmem>>) attributes {dimension_semantics = [#tpu.dimension_semantics<arbitrary>], iteration_bounds = array<i64: 3>, scalar_prefetch = 0 : i64, scratch_operands = 0 : i64, tpu.core_type = #tpu.core_type<tc>, window_params = [{pipeline_mode = #tpu.pipeline_mode<synchronous>, transform_indices = @transform_0, window_bounds = array<i64: 2, 4, 10240>}, {transform_indices = @transform_1, window_bounds = array<i64: 4096, 128>}, {pipeline_mode = #tpu.pipeline_mode<synchronous>, transform_indices = @transform_2, window_bounds = array<i64: 128, 128>}, {transform_indices = @transform_3, window_bounds = array<i64: 4096, 128>}]} {
    %mul3A = arith.constant 4096 : i32
    %mul3A_0 = arith.muli %arg0, %mul3A : i32
    %get3A = arith.constant 0 : index
    %get3A_1 = arith.constant 0 : index
    %get3A_2 = arith.index_cast %mul3A_0 : i32 to index
    %get3A_3 = vector.load %arg1[%get3A, %get3A_1, %get3A_2] : memref<2x4x10240xf32, #tpu.memory_space<vmem>>, vector<1x1x4096xf32>
    %get3A_4 = vector.shape_cast %get3A_3 : vector<1x1x4096xf32> to vector<4096xf32>
    %get3A_5 = arith.constant 1 : index
    %get3A_6 = arith.constant 0 : index
    %get3A_7 = arith.index_cast %mul3A_0 : i32 to index
    %get3A_8 = vector.load %arg1[%get3A_5, %get3A_6, %get3A_7] : memref<2x4x10240xf32, #tpu.memory_space<vmem>>, vector<1x1x4096xf32>
    %get3A_9 = vector.shape_cast %get3A_8 : vector<1x1x4096xf32> to vector<4096xf32>
    %add3A = arith.addf %get3A_4, %get3A_9 : vector<4096xf32>
    %max3A = arith.constant 1.000000e+00 : f32
    %max3A_10 = vector.broadcast %max3A : f32 to vector<4096xf32>
    %max3A_11 = arith.maximumf %add3A, %max3A_10 : vector<4096xf32>
    %rsqrt3A = math.rsqrt %max3A_11 : vector<4096xf32>
    %get3A_12 = arith.constant 0 : index
    %get3A_13 = arith.constant 0 : index
    %get3A_14 = vector.load %arg2[%get3A_12, %get3A_13] : memref<4096x128xf32, #tpu.memory_space<vmem>>, vector<4096x128xf32>
    %broadcast_in_dim3A = vector.shape_cast %rsqrt3A : vector<4096xf32> to vector<4096x1xf32>
    %mul3A_15 = vector.broadcast %broadcast_in_dim3A : vector<4096x1xf32> to vector<4096x128xf32>
    %mul3A_16 = arith.mulf %get3A_14, %mul3A_15 : vector<4096x128xf32>
    %get3A_17 = arith.constant 0 : index
    %get3A_18 = arith.constant 0 : index
    %get3A_19 = vector.load %arg3[%get3A_17, %get3A_18] : memref<128x128xf32, #tpu.memory_space<vmem>>, vector<128x128xf32>
    %dot_general3A = arith.constant dense<0.000000e+00> : vector<4096x128xf32>
    %dot_general3A_20 = tpu.matmul %mul3A_16, %get3A_19, %dot_general3A {dimension_numbers = #tpu.dot_dimension_numbers<[1], [0], [0], [1], [0, 0, 1, 1], [], []>, transpose_lhs_hint = false} : vector<4096x128xf32>, vector<128x128xf32>, vector<4096x128xf32> -> vector<4096x128xf32>
    %swap3A = arith.constant 0 : index
    %swap3A_21 = arith.constant 0 : index
    %swap3A_22 = vector.load %arg4[%swap3A, %swap3A_21] : memref<4096x128xf32, #tpu.memory_space<vmem>>, vector<4096x128xf32>
    tpu.vector_store %arg4[%swap3A, %swap3A_21], %dot_general3A_20 {strides = array<i32>} : memref<4096x128xf32, #tpu.memory_space<vmem>>, vector<4096x128xf32>,
    return
  }
  func.func @transform_0(%arg0: i32) -> (i32, i32, i32) {
    %c0_i32 = arith.constant 0 : i32
    %c0_i32_0 = arith.constant 0 : i32
    %c0_i32_1 = arith.constant 0 : i32
    %c0_i32_2 = arith.constant 0 : i32
    return %c0_i32, %c0_i32_0, %c0_i32_1 : i32, i32, i32
  }
  func.func @transform_1(%arg0: i32) -> (i32, i32) {
    %c0_i32 = arith.constant 0 : i32
    %c0_i32_0 = arith.constant 0 : i32
    return %arg0, %c0_i32 : i32, i32
  }
  func.func @transform_2(%arg0: i32) -> (i32, i32) {
    %c0_i32 = arith.constant 0 : i32
    %c0_i32_0 = arith.constant 0 : i32
    %c0_i32_1 = arith.constant 0 : i32
    return %c0_i32, %c0_i32_0 : i32, i32
  }
  func.func @transform_3(%arg0: i32) -> (i32, i32) {
    %c0_i32 = arith.constant 0 : i32
    %c0_i32_0 = arith.constant 0 : i32
    return %arg0, %c0_i32 : i32, i32
  }
}

module attributes {stable_mosaic.version = 14 : i64} {
  func.func @_tc_mid_body(%arg0: i32, %arg1: memref<2x4x10240xf32, #tpu.memory_space<vmem>>, %arg2: memref<2x4096x128xf32, #tpu.memory_space<vmem>>, %arg3: memref<1x128xf32, #tpu.memory_space<vmem>>, %arg4: memref<128x128xf32, #tpu.memory_space<vmem>>, %arg5: memref<4096x128xf32, #tpu.memory_space<vmem>>) attributes {dimension_semantics = [#tpu.dimension_semantics<arbitrary>], iteration_bounds = array<i64: 3>, scalar_prefetch = 0 : i64, scratch_operands = 0 : i64, tpu.core_type = #tpu.core_type<tc>, window_params = [{pipeline_mode = #tpu.pipeline_mode<synchronous>, transform_indices = @transform_0, window_bounds = array<i64: 2, 4, 10240>}, {transform_indices = @transform_1, window_bounds = array<i64: 2, 4096, 128>}, {pipeline_mode = #tpu.pipeline_mode<synchronous>, transform_indices = @transform_2, window_bounds = array<i64: 1, 128>}, {pipeline_mode = #tpu.pipeline_mode<synchronous>, transform_indices = @transform_3, window_bounds = array<i64: 128, 128>}, {transform_indices = @transform_4, window_bounds = array<i64: 4096, 128>}]} {
    %mul3A = arith.constant 4096 : i32
    %mul3A_0 = arith.muli %arg0, %mul3A : i32
    %get3A = arith.constant 0 : index
    %get3A_1 = arith.constant 1 : index
    %get3A_2 = arith.index_cast %mul3A_0 : i32 to index
    %get3A_3 = vector.load %arg1[%get3A, %get3A_1, %get3A_2] : memref<2x4x10240xf32, #tpu.memory_space<vmem>>, vector<1x1x4096xf32>
    %get3A_4 = vector.shape_cast %get3A_3 : vector<1x1x4096xf32> to vector<4096xf32>
    %get3A_5 = arith.constant 1 : index
    %get3A_6 = arith.constant 1 : index
    %get3A_7 = arith.index_cast %mul3A_0 : i32 to index
    %get3A_8 = vector.load %arg1[%get3A_5, %get3A_6, %get3A_7] : memref<2x4x10240xf32, #tpu.memory_space<vmem>>, vector<1x1x4096xf32>
    %get3A_9 = vector.shape_cast %get3A_8 : vector<1x1x4096xf32> to vector<4096xf32>
    %add3A = arith.addf %get3A_4, %get3A_9 : vector<4096xf32>
    %get3A_10 = arith.constant 0 : index
    %get3A_11 = arith.constant 2 : index
    %get3A_12 = arith.index_cast %mul3A_0 : i32 to index
    %get3A_13 = vector.load %arg1[%get3A_10, %get3A_11, %get3A_12] : memref<2x4x10240xf32, #tpu.memory_space<vmem>>, vector<1x1x4096xf32>
    %get3A_14 = vector.shape_cast %get3A_13 : vector<1x1x4096xf32> to vector<4096xf32>
    %get3A_15 = arith.constant 1 : index
    %get3A_16 = arith.constant 2 : index
    %get3A_17 = arith.index_cast %mul3A_0 : i32 to index
    %get3A_18 = vector.load %arg1[%get3A_15, %get3A_16, %get3A_17] : memref<2x4x10240xf32, #tpu.memory_space<vmem>>, vector<1x1x4096xf32>
    %get3A_19 = vector.shape_cast %get3A_18 : vector<1x1x4096xf32> to vector<4096xf32>
    %add3A_20 = arith.addf %get3A_14, %get3A_19 : vector<4096xf32>
    %max3A = arith.constant 1.000000e+00 : f32
    %max3A_21 = vector.broadcast %max3A : f32 to vector<4096xf32>
    %max3A_22 = arith.maximumf %add3A, %max3A_21 : vector<4096xf32>
    %rsqrt3A = math.rsqrt %max3A_22 : vector<4096xf32>
    %max3A_23 = arith.constant 1.000000e+00 : f32
    %max3A_24 = vector.broadcast %max3A_23 : f32 to vector<4096xf32>
    %max3A_25 = arith.maximumf %add3A_20, %max3A_24 : vector<4096xf32>
    %rsqrt3A_26 = math.rsqrt %max3A_25 : vector<4096xf32>
    %get3A_27 = arith.constant 0 : index
    %get3A_28 = arith.constant 0 : index
    %get3A_29 = arith.constant 0 : index
    %get3A_30 = vector.load %arg2[%get3A_27, %get3A_28, %get3A_29] : memref<2x4096x128xf32, #tpu.memory_space<vmem>>, vector<1x4096x128xf32>
    %get3A_31 = vector.shape_cast %get3A_30 : vector<1x4096x128xf32> to vector<4096x128xf32>
    %get3A_32 = arith.constant 1 : index
    %get3A_33 = arith.constant 0 : index
    %get3A_34 = arith.constant 0 : index
    %get3A_35 = vector.load %arg2[%get3A_32, %get3A_33, %get3A_34] : memref<2x4096x128xf32, #tpu.memory_space<vmem>>, vector<1x4096x128xf32>
    %get3A_36 = vector.shape_cast %get3A_35 : vector<1x4096x128xf32> to vector<4096x128xf32>
    %add3A_37 = arith.addf %get3A_31, %get3A_36 : vector<4096x128xf32>
    %broadcast_in_dim3A = vector.shape_cast %rsqrt3A : vector<4096xf32> to vector<4096x1xf32>
    %mul3A_38 = vector.broadcast %broadcast_in_dim3A : vector<4096x1xf32> to vector<4096x128xf32>
    %mul3A_39 = arith.mulf %add3A_37, %mul3A_38 : vector<4096x128xf32>
    %get3A_40 = arith.constant 0 : index
    %get3A_41 = arith.constant 0 : index
    %get3A_42 = vector.load %arg3[%get3A_40, %get3A_41] : memref<1x128xf32, #tpu.memory_space<vmem>>, vector<1x128xf32>
    %add3A_43 = vector.broadcast %get3A_42 : vector<1x128xf32> to vector<4096x128xf32>
    %add3A_44 = arith.addf %mul3A_39, %add3A_43 : vector<4096x128xf32>
    %broadcast_in_dim3A_45 = vector.shape_cast %rsqrt3A_26 : vector<4096xf32> to vector<4096x1xf32>
    %mul3A_46 = vector.broadcast %broadcast_in_dim3A_45 : vector<4096x1xf32> to vector<4096x128xf32>
    %mul3A_47 = arith.mulf %add3A_44, %mul3A_46 : vector<4096x128xf32>
    %get3A_48 = arith.constant 0 : index
    %get3A_49 = arith.constant 0 : index
    %get3A_50 = vector.load %arg4[%get3A_48, %get3A_49] : memref<128x128xf32, #tpu.memory_space<vmem>>, vector<128x128xf32>
    %dot_general3A = arith.constant dense<0.000000e+00> : vector<4096x128xf32>
    %dot_general3A_51 = tpu.matmul %mul3A_47, %get3A_50, %dot_general3A {dimension_numbers = #tpu.dot_dimension_numbers<[1], [0], [0], [1], [0, 0, 1, 1], [], []>, transpose_lhs_hint = false} : vector<4096x128xf32>, vector<128x128xf32>, vector<4096x128xf32> -> vector<4096x128xf32>
    %swap3A = arith.constant 0 : index
    %swap3A_52 = arith.constant 0 : index
    %swap3A_53 = vector.load %arg5[%swap3A, %swap3A_52] : memref<4096x128xf32, #tpu.memory_space<vmem>>, vector<4096x128xf32>
    tpu.vector_store %arg5[%swap3A, %swap3A_52], %dot_general3A_51 {strides = array<i32>} : memref<4096x128xf32, #tpu.memory_space<vmem>>, vector<4096x128xf32>,
    return
  }
  func.func @transform_0(%arg0: i32) -> (i32, i32, i32) {
    %c0_i32 = arith.constant 0 : i32
    %c0_i32_0 = arith.constant 0 : i32
    %c0_i32_1 = arith.constant 0 : i32
    %c0_i32_2 = arith.constant 0 : i32
    return %c0_i32, %c0_i32_0, %c0_i32_1 : i32, i32, i32
  }
  func.func @transform_1(%arg0: i32) -> (i32, i32, i32) {
    %c0_i32 = arith.constant 0 : i32
    %c0_i32_0 = arith.constant 0 : i32
    %c0_i32_1 = arith.constant 0 : i32
    return %c0_i32, %arg0, %c0_i32_0 : i32, i32, i32
  }
  func.func @transform_2(%arg0: i32) -> (i32, i32) {
    %c0_i32 = arith.constant 0 : i32
    %c0_i32_0 = arith.constant 0 : i32
    %c0_i32_1 = arith.constant 0 : i32
    return %c0_i32, %c0_i32_0 : i32, i32
  }
  func.func @transform_3(%arg0: i32) -> (i32, i32) {
    %c0_i32 = arith.constant 0 : i32
    %c0_i32_0 = arith.constant 0 : i32
    %c0_i32_1 = arith.constant 0 : i32
    return %c0_i32, %c0_i32_0 : i32, i32
  }
  func.func @transform_4(%arg0: i32) -> (i32, i32) {
    %c0_i32 = arith.constant 0 : i32
    %c0_i32_0 = arith.constant 0 : i32
    return %arg0, %c0_i32 : i32, i32
  }
}

module attributes {stable_mosaic.version = 14 : i64} {
  func.func @_tc_last_body(%arg0: i32, %arg1: memref<2x4x10240xf32, #tpu.memory_space<vmem>>, %arg2: memref<2x4096x128xf32, #tpu.memory_space<vmem>>, %arg3: memref<1x128xf32, #tpu.memory_space<vmem>>, %arg4: memref<128x128xf32, #tpu.memory_space<vmem>>, %arg5: memref<1x128xf32, #tpu.memory_space<vmem>>, %arg6: memref<4096x128xf32, #tpu.memory_space<vmem>>) attributes {dimension_semantics = [#tpu.dimension_semantics<arbitrary>], iteration_bounds = array<i64: 3>, scalar_prefetch = 0 : i64, scratch_operands = 0 : i64, tpu.core_type = #tpu.core_type<tc>, window_params = [{pipeline_mode = #tpu.pipeline_mode<synchronous>, transform_indices = @transform_0, window_bounds = array<i64: 2, 4, 10240>}, {transform_indices = @transform_1, window_bounds = array<i64: 2, 4096, 128>}, {pipeline_mode = #tpu.pipeline_mode<synchronous>, transform_indices = @transform_2, window_bounds = array<i64: 1, 128>}, {pipeline_mode = #tpu.pipeline_mode<synchronous>, transform_indices = @transform_3, window_bounds = array<i64: 128, 128>}, {pipeline_mode = #tpu.pipeline_mode<synchronous>, transform_indices = @transform_4, window_bounds = array<i64: 1, 128>}, {transform_indices = @transform_5, window_bounds = array<i64: 4096, 128>}]} {
    %mul3A = arith.constant 4096 : i32
    %mul3A_0 = arith.muli %arg0, %mul3A : i32
    %get3A = arith.constant 0 : index
    %get3A_1 = arith.constant 3 : index
    %get3A_2 = arith.index_cast %mul3A_0 : i32 to index
    %get3A_3 = vector.load %arg1[%get3A, %get3A_1, %get3A_2] : memref<2x4x10240xf32, #tpu.memory_space<vmem>>, vector<1x1x4096xf32>
    %get3A_4 = vector.shape_cast %get3A_3 : vector<1x1x4096xf32> to vector<4096xf32>
    %get3A_5 = arith.constant 1 : index
    %get3A_6 = arith.constant 3 : index
    %get3A_7 = arith.index_cast %mul3A_0 : i32 to index
    %get3A_8 = vector.load %arg1[%get3A_5, %get3A_6, %get3A_7] : memref<2x4x10240xf32, #tpu.memory_space<vmem>>, vector<1x1x4096xf32>
    %get3A_9 = vector.shape_cast %get3A_8 : vector<1x1x4096xf32> to vector<4096xf32>
    %add3A = arith.addf %get3A_4, %get3A_9 : vector<4096xf32>
    %max3A = arith.constant 1.000000e+00 : f32
    %max3A_10 = vector.broadcast %max3A : f32 to vector<4096xf32>
    %max3A_11 = arith.maximumf %add3A, %max3A_10 : vector<4096xf32>
    %rsqrt3A = math.rsqrt %max3A_11 : vector<4096xf32>
    %get3A_12 = arith.constant 0 : index
    %get3A_13 = arith.constant 0 : index
    %get3A_14 = arith.constant 0 : index
    %get3A_15 = vector.load %arg2[%get3A_12, %get3A_13, %get3A_14] : memref<2x4096x128xf32, #tpu.memory_space<vmem>>, vector<1x4096x128xf32>
    %get3A_16 = vector.shape_cast %get3A_15 : vector<1x4096x128xf32> to vector<4096x128xf32>
    %get3A_17 = arith.constant 1 : index
    %get3A_18 = arith.constant 0 : index
    %get3A_19 = arith.constant 0 : index
    %get3A_20 = vector.load %arg2[%get3A_17, %get3A_18, %get3A_19] : memref<2x4096x128xf32, #tpu.memory_space<vmem>>, vector<1x4096x128xf32>
    %get3A_21 = vector.shape_cast %get3A_20 : vector<1x4096x128xf32> to vector<4096x128xf32>
    %add3A_22 = arith.addf %get3A_16, %get3A_21 : vector<4096x128xf32>
    %broadcast_in_dim3A = vector.shape_cast %rsqrt3A : vector<4096xf32> to vector<4096x1xf32>
    %mul3A_23 = vector.broadcast %broadcast_in_dim3A : vector<4096x1xf32> to vector<4096x128xf32>
    %mul3A_24 = arith.mulf %add3A_22, %mul3A_23 : vector<4096x128xf32>
    %get3A_25 = arith.constant 0 : index
    %get3A_26 = arith.constant 0 : index
    %get3A_27 = vector.load %arg3[%get3A_25, %get3A_26] : memref<1x128xf32, #tpu.memory_space<vmem>>, vector<1x128xf32>
    %add3A_28 = vector.broadcast %get3A_27 : vector<1x128xf32> to vector<4096x128xf32>
    %add3A_29 = arith.addf %mul3A_24, %add3A_28 : vector<4096x128xf32>
    %get3A_30 = arith.constant 0 : index
    %get3A_31 = arith.constant 0 : index
    %get3A_32 = vector.load %arg4[%get3A_30, %get3A_31] : memref<128x128xf32, #tpu.memory_space<vmem>>, vector<128x128xf32>
    %dot_general3A = arith.constant dense<0.000000e+00> : vector<4096x128xf32>
    %dot_general3A_33 = tpu.matmul %add3A_29, %get3A_32, %dot_general3A {dimension_numbers = #tpu.dot_dimension_numbers<[1], [0], [0], [1], [0, 0, 1, 1], [], []>, transpose_lhs_hint = false} : vector<4096x128xf32>, vector<128x128xf32>, vector<4096x128xf32> -> vector<4096x128xf32>
    %get3A_34 = arith.constant 0 : index
    %get3A_35 = arith.constant 0 : index
    %get3A_36 = vector.load %arg5[%get3A_34, %get3A_35] : memref<1x128xf32, #tpu.memory_space<vmem>>, vector<1x128xf32>
    %add3A_37 = vector.broadcast %get3A_36 : vector<1x128xf32> to vector<4096x128xf32>
    %add3A_38 = arith.addf %dot_general3A_33, %add3A_37 : vector<4096x128xf32>
    %swap3A = arith.constant 0 : index
    %swap3A_39 = arith.constant 0 : index
    %swap3A_40 = vector.load %arg6[%swap3A, %swap3A_39] : memref<4096x128xf32, #tpu.memory_space<vmem>>, vector<4096x128xf32>
    tpu.vector_store %arg6[%swap3A, %swap3A_39], %add3A_38 {strides = array<i32>} : memref<4096x128xf32, #tpu.memory_space<vmem>>, vector<4096x128xf32>,
    return
  }
  func.func @transform_0(%arg0: i32) -> (i32, i32, i32) {
    %c0_i32 = arith.constant 0 : i32
    %c0_i32_0 = arith.constant 0 : i32
    %c0_i32_1 = arith.constant 0 : i32
    %c0_i32_2 = arith.constant 0 : i32
    return %c0_i32, %c0_i32_0, %c0_i32_1 : i32, i32, i32
  }
  func.func @transform_1(%arg0: i32) -> (i32, i32, i32) {
    %c0_i32 = arith.constant 0 : i32
    %c0_i32_0 = arith.constant 0 : i32
    %c0_i32_1 = arith.constant 0 : i32
    return %c0_i32, %arg0, %c0_i32_0 : i32, i32, i32
  }
  func.func @transform_2(%arg0: i32) -> (i32, i32) {
    %c0_i32 = arith.constant 0 : i32
    %c0_i32_0 = arith.constant 0 : i32
    %c0_i32_1 = arith.constant 0 : i32
    return %c0_i32, %c0_i32_0 : i32, i32
  }
  func.func @transform_3(%arg0: i32) -> (i32, i32) {
    %c0_i32 = arith.constant 0 : i32
    %c0_i32_0 = arith.constant 0 : i32
    %c0_i32_1 = arith.constant 0 : i32
    return %c0_i32, %c0_i32_0 : i32, i32
  }
  func.func @transform_4(%arg0: i32) -> (i32, i32) {
    %c0_i32 = arith.constant 0 : i32
    %c0_i32_0 = arith.constant 0 : i32
    %c0_i32_1 = arith.constant 0 : i32
    return %c0_i32, %c0_i32_0 : i32, i32
  }
  func.func @transform_5(%arg0: i32) -> (i32, i32) {
    %c0_i32 = arith.constant 0 : i32
    %c0_i32_0 = arith.constant 0 : i32
    return %arg0, %c0_i32 : i32, i32
  }
}

</mosaic_0001>

<sc_bundles>
// kernel: kernel.11.cloned.1.call-start
scs
__scs_entry_jumppad:
0x0: {  	(pc) =	sbr.rel $0x88, $3  }
0x1: {  	(tag) =	ssettag $0x0;
	lr =	simm.s32 $0x1  }
0x2: {  	[smem:$0x3F98] =	sst lr;
	_ =	strace $0xD0000000  }
0x3: {  	_ = 	snop  }
0x4: {  	_ = 	snop  }
0x5: {  	_ = 	snop  }
0x6: {  	_ = 	snop  }
0x7: {  	_ = 	snop  }
__scs_overlays_trampoline_lowered:
0x8: {  	[smem:$0x3FA7] =	sst s0  }
0x9: {  	[smem:$0x3FA8] =	sst s1  }
0xa: {  	[smem:$0x3FA9] =	sst s2  }
0xb: {  	[smem:$0x3FAA] =	sst s3  }
0xc: {  	[smem:$0x3FAB] =	sst s4  }
0xd: {  	[smem:$0x3FAC] =	sst s5  }
0xe: {  	[smem:$0x3FAD] =	sst s6  }
0xf: {  	[smem:$0x3FAE] =	sst s7  }
0x10: {  	[smem:$0x3FAF] =	sst s8  }
0x11: {  	[smem:$0x3FB0] =	sst s9;
	s0 =	simm.s32 @!p0 $0x0  }
0x12: {  	s1 =	sld [smem:$0x3F96];
	s0 =	simm.s32 @p0 $0x1  }
0x13: {  	[smem:$0x3FB1] =	sst s0;
	s0 =	simm.s32 @!p1 $0x0  }
0x14: {  	s2 =	sld [smem:$0x3F95];
	s0 =	simm.s32 @p1 $0x1  }
0x15: {  	[smem:$0x3FB2] =	sst s0;
	s0 =	simm.s32 @!p2 $0x0  }
0x16: {  	s3 =	sld [smem:$0x3FDB];
	s0 =	simm.s32 @p2 $0x1  }
0x17: {  	s4 =	simm.s32 $0x1BF5;
	[smem:$0x3FB4] =	sst s0  }
0x18: {  	s0 =	sld [smem:$0x3F97];
	_ =	swait.ge [sflag:s4], $0x0  }
0x19: {  	s7 =	sld [smem:$0x3F98]  }
0x1a: {  	s8 =	sadd.s32 $0xFFFFE003, lr  }
0x1b: {  	s9 =	sadd.s32 $0xFFFFFEF7, lr;
	s5 =	simm.s32 $0xFFFFFFFF;
	p2 =	slt.u32 s8, $0xFFFFF086  }
0x1c: {  	p1 =	slt.u32 s9, $0xF7A;
	s5 =	simm.s32 @!p2 $0x0  }
0x1d: {  	s5 =	simm.s32 @p1 $0x1;
	p0 =	seq.s32 s7, s2  }
0x1e: {  	s7 =	smul.u32 @!p0 $0xF7A, s2;
	p2 =	seq.s32 @!p0 s5, $0x0  }
0x1f: {  	s9 =	smul.u32 $0xF7A, s1;
	s8 =	simm.s32 @!p0 $0x1BF5;
	p2 =	por !p2, p0  }
0x20: {  	[sflag:s8] =	ssyncset.s32 @!p0 $0xFFFFF086;
	s6 =	sadd.s32 @!p0 s3, s7;
	s7 =	simm.s32 @!p0 $0x108  }
0x21: {  	s3 =	sadd.s32 s3, s9;
	s6 =	sadd.s32 @!p0 $0x88, s6;
	s7 =	simm.s32 @p2 $0x1082  }
0x22: {  	[simem:s7], [sflag:s8] =	dma.local @!p0 [hbm:s6], $0xF7A  }
0x23: {  	s9 =	sor.u32 $0xD0000000, s2;
	s6 =	simm.s32 $0x108;
	_ =	swait.ge @!p0 [sflag:s8], $0x0  }
0x24: {  	s3 =	sadd.s32 $0x88, s3;
	s6 =	simm.s32 @!p1 $0x1082;
	[sflag:s4] =	ssyncset.s32 $0xFFFFF086  }
0x25: {  	[simem:s6], [sflag:s4] =	dma.local [hbm:s3], $0xF7A  }
0x26: {  	[smem:$0x3F98] =	sst s1;
	(tag) =	ssettag s2;
	_ =	strace s9  }
0x27: {  	s1 =	sld [smem:$0x3FA8]  }
0x28: {  	s2 =	sld [smem:$0x3FA9]  }
0x29: {  	s4 =	sld [smem:$0x3FAB]  }
0x2a: {  	p0 =	seq.s32 s5, $0x0;
	s5 =	sld [smem:$0x3FAC]  }
0x2b: {  	s6 =	sld [smem:$0x3FAD]  }
0x2c: {  	s7 =	sld [smem:$0x3FAE]  }
0x2d: {  	s3 =	simm.s32 $0x108;
	s8 =	sld [smem:$0x3FAF]  }
0x2e: {  	s3 =	simm.s32 @!p0 $0x1082;
	s9 =	sld [smem:$0x3FB0]  }
0x2f: {  	lr =	sadd.s32 s0, s3;
	s0 =	sld [smem:$0x3FA7]  }
0x30: {  	s3 =	sld [smem:$0x3FAA]  }
0x31: {  	[smem:$0x3FB3] =	sst s10  }
0x32: {  	s10 =	sld [smem:$0x3FB1];
	_ =	sdelay $0x3  }
0x33: {  	p0 =	seq.s32 s10, $0x1;
	s10 =	sld [smem:$0x3FB3];
	_ =	sdelay $0x3  }
0x34: {  	[smem:$0x3FB3] =	sst s10  }
0x35: {  	s10 =	sld [smem:$0x3FB2];
	_ =	sdelay $0x3  }
0x36: {  	p1 =	seq.s32 s10, $0x1;
	s10 =	sld [smem:$0x3FB3];
	_ =	sdelay $0x3  }
0x37: {  	[smem:$0x3FB3] =	sst s10  }
0x38: {  	s10 =	sld [smem:$0x3FB4]  }
0x39: {  	_ = 	snop;
	(pc) =	sbr.ind lr, $3  }
0x3a: {  	_ = 	snop  }
0x3b: {  	_ = 	snop  }
0x3c: {  	p2 =	seq.s32 s10, $0x1;
	s10 =	sld [smem:$0x3FB3]  }
0x3d: {  	_ =	shalt  }
0x3e: {  	_ =	shalt  }
0x3f: {  	_ =	shalt  }
0x40: {  	_ =	shalt  }
0x41: {  	_ =	shalt  }
0x42: {  	_ =	shalt  }
0x43: {  	_ =	shalt  }
0x44: {  	_ =	shalt  }
0x45: {  	_ =	shalt  }
0x46: {  	_ =	shalt  }
0x47: {  	_ =	shalt  }
0x48: {  	_ =	shalt  }
0x49: {  	_ =	shalt  }
0x4a: {  	_ =	shalt  }
0x4b: {  	_ =	shalt  }
0x4c: {  	_ =	shalt  }
0x4d: {  	_ =	shalt  }
0x4e: {  	_ =	shalt  }
0x4f: {  	_ =	shalt  }
0x50: {  	_ =	shalt  }
0x51: {  	_ =	shalt  }
0x52: {  	_ =	shalt  }
0x53: {  	_ =	shalt  }
0x54: {  	_ =	shalt  }
0x55: {  	_ =	shalt  }
0x56: {  	_ =	shalt  }
0x57: {  	_ =	shalt  }
0x58: {  	_ =	shalt  }
0x59: {  	_ =	shalt  }
0x5a: {  	_ =	shalt  }
0x5b: {  	_ =	shalt  }
0x5c: {  	_ =	shalt  }
0x5d: {  	_ =	shalt  }
0x5e: {  	_ =	shalt  }
0x5f: {  	_ =	shalt  }
0x60: {  	_ =	shalt  }
0x61: {  	_ =	shalt  }
0x62: {  	_ =	shalt  }
0x63: {  	_ =	shalt  }
0x64: {  	_ =	shalt  }
0x65: {  	_ =	shalt  }
0x66: {  	_ =	shalt  }
0x67: {  	_ =	shalt  }
0x68: {  	_ =	shalt  }
0x69: {  	_ =	shalt  }
0x6a: {  	_ =	shalt  }
0x6b: {  	_ =	shalt  }
0x6c: {  	_ =	shalt  }
0x6d: {  	_ =	shalt  }
0x6e: {  	_ =	shalt  }
0x6f: {  	_ =	shalt  }
0x70: {  	_ =	shalt  }
0x71: {  	_ =	shalt  }
0x72: {  	_ =	shalt  }
0x73: {  	_ =	shalt  }
0x74: {  	_ =	shalt  }
0x75: {  	_ =	shalt  }
0x76: {  	_ =	shalt  }
0x77: {  	_ =	shalt  }
0x78: {  	_ =	shalt  }
0x79: {  	_ =	shalt  }
0x7a: {  	_ =	shalt  }
0x7b: {  	_ =	shalt  }
0x7c: {  	_ =	shalt  }
0x7d: {  	_ =	shalt  }
0x7e: {  	_ =	shalt  }
0x7f: {  	_ =	shalt  }
0x80: {  	_ =	shalt  }
0x81: {  	_ =	shalt  }
0x82: {  	_ =	shalt  }
0x83: {  	_ =	shalt  }
0x84: {  	_ =	shalt  }
0x85: {  	_ =	shalt  }
0x86: {  	_ =	shalt  }
0x87: {  	_ =	shalt  }
.Lfunc_end0:
.L_simem_size_0:
called_computation.1_lowered:
.L_overlay_start_0:
0x88: {  	s2 =	sld [smem:$0x3FD9]  }
0x89: {  	s3 =	sld [smem:$0x3FFE];
	_ =	sdelay $0x1  }
0x8a: {  	s1 =	srdreg.scid  }
0x8b: {  	s0 =	sand.u32 $0x1, s1  }
0x8c: {  	s17 =	sshll.u32 s0, $0xA;
	s2 =	sadd.s32 s3, s2  }
0x8d: {  	s2 =	sadd.s32 s2, s17  }
0x8e: {  	[smem:$0x3FBF] =	sst s2  }
0x8f: {  	_ = 	snop  }
0x90: {  	s2 =	sld [smem:$0x3FD0];
	(tm) =	ssettm $0x1  }
0x91: {  	s18 =	sld [smem:$0x3FFB];
	_ =	sdelay $0x3  }
0x92: {  	_ =	strace s18  }
0x93: {  	s3 =	sld [smem:$0x3FFC];
	_ =	sdelay $0x3  }
0x94: {  	_ =	strace s3  }
0x95: {  	s3 =	sld [smem:$0x3FFD];
	_ =	sdelay $0x3  }
0x96: {  	_ =	strace s3  }
0x97: {  	_ =	strace $0x8FFFFFFF  }
0x98: {  	s19 =	sld [smem:$0x3FDB];
	_ =	sdelay $0x1  }
0x99: {  	s4 =	simm.s32 $_scs_section_size  }
0x9a: {  	s5 =	simm.s32 $_size__tile_overlayer_lowered;
	s6 =	simm.s32 $_tile_overlayer_lowered  }
0x9b: {  	s22 =	simm.s32 $0x1BFF;
	s21 =	sshll.u32 s6, $0x1;
	s3 =	sadd.s32 s4, s19  }
0x9c: {  	s7 =	simm.s32 $0x0;
	s20 =	sshll.u32 s5, $0x1;
	s5 =	sadd.s32 s21, s3  }
0x9d: {  	[timem:s7], [sflag:s22] =	dma.local [hbm:s5], s20  }
0x9e: {  	_ =	swait.ge [sflag:s22], s20  }
0x9f: {  	s4 =	ssub.s32 $0x0, s20;
	[sflag:s22] =	ssyncset.done $0x0  }
0xa0: {  	[sflag:s22] =	ssyncadd.s32 s4;
	_ =	sdelay $0x1  }
0xa1: {  	s23 =	simm.s32 $0x1B8B  }
0xa2: {  	_ =	swait.ge [sflag:s23], $0x1  }
0xa3: {  	[sflag:s23] =	ssyncset.done $0x0  }
0xa4: {  	s25 =	simm.s32 $0x1B8E;
	s24 =	sld [smem:$0x3FFE];
	[sflag:s23] =	ssyncadd.s32 $0xFFFFFFFF  }
0xa5: {  	s26 =	simm.s32 $execute0_lowered;
	[smem:$0x3FD2] =	sst s25  }
0xa6: {  	s5 =	sshll.u32 s26, $0x1;
	_ =	strace $0x80000049;
	[dreg:$0x1] =	wrdreg $0xFFFFFFFF  }
0xa7: {  	s28 =	simm.s32 $_size_execute0_lowered;
	s3 =	sadd.s32 s3, s5;
	[dreg:$0x0] =	wrdreg $0x0  }
0xa8: {  	s5 =	sshll.u32 s28, $0x1;
	[dreg:$0x2] =	wrdreg s3  }
0xa9: {  	[dreg:$0x3] =	wrdreg s5  }
0xaa: {  	[dreg:$0x4] =	wrdreg $0xC0  }
0xab: {  	_ =	task [dreg:s7], $0x5FFFF  }
0xac: {  	[dreg:$0x1] =	wrdreg $0xFFFFFFFF  }
0xad: {  	[dreg:$0x0] =	wrdreg $0x60  }
0xae: {  	[dreg:$0x2] =	wrdreg s2  }
0xaf: {  	[dreg:$0x3] =	wrdreg s24  }
0xb0: {  	[dreg:$0x4] =	wrdreg $0xA8000  }
0xb1: {  	[dreg:$0x5] =	wrdreg $0x9  }
0xb2: {  	_ =	task.clear_ibuf [dreg:s7], $0x6FFFF;
	_ =	strace $0x90000049  }
0xb3: {  	s29 =	simm.s32 $0x9;
	_ =	strace $0x8000004B  }
0xb4: {  	_ =	swait.ge [sflag:s29], $0x1  }
0xb5: {  	[sflag:s29] =	ssyncadd.s32 $0xFFFFFFFF  }
0xb6: {  	_ =	strace $0x9000004B  }
0xb7: {  	_ =	sfence  }
0xb8: {  	s30 =	sld [smem:$0x0];
	_ =	sdelay $0x2  }
0xb9: {  	s31 =	sshll.u32 s1, $0xD;
	s1 =	sshrl.u32 s1, $0x2  }
0xba: {  	s3 =	sand.u32 $0x4000, s31;
	s1 =	sadd.s32 s1, s30  }
0xbb: {  	s0 =	sor.u32 s3, s0;
	s1 =	sshll.u32 s1, $0x11  }
0xbc: {  	s0 =	sor.u32 s1, s0  }
0xbd: {  	s0 =	sadd.s32 $0x8F2B, s0  }
0xbe: {  	[sflag:s0] =	ssyncadd.remote.s32 $0x1  }
0xbf: {  	_ =	sfence.sel $0xFFFF  }
0xc0: {  	[dreg:$0x0] =	wrdreg $0xFFFFFFFF;
	(pc) =	sbr.abs _section_cstart, $3  }
0xc1: {  	[dreg:$0x1] =	wrdreg $0xFFFFFFFF  }
0xc2: {  	_ =	task.clear_ibuf [dreg:s7], $0x2FFFF;
	_ =	strace $0x9FFFFFFF  }
0xc3: {  	(tm) =	ssettm $0x7FFFFFFF  }
tec
execute0_lowered:
.L_overlay_start_1:
0x0: {  	(tag) =	ssettag $0x1  }
0x1: {  	s1 =	rddreg [dreg:$0x0]  }
0x2: {  	s0 =	rddreg [dreg:$0x1]  }
0x3: {  	s2 =	rddreg [dreg:$0x2];
	s3 =	simm.s32 $0x0;
	s4 =	srdreg.scid  }
0x4: {  	s11 =	stileid.u32;
	s28 =	simm.s32 $0x3;
	s29 =	simm.s32 $0x100  }
0x5: {  	s30 =	simm.s32 $0x2;
	s31 =	simm.s32 $0x1480;
	[smem:$0x7FF] =	sst s3  }
0x6: {  	s10 =	sadd.s32 $0xB600, s0;
	s12 =	sand.u32 $0x1, s4;
	s5 =	smul.u32 $0x4E000, s11  }
0x7: {  	s13 =	sadd.s32 $0x15600, s0;
	s0 =	sadd.s32 $0x33600, s0;
	s14 =	smul.u32 $0x13800, s11  }
0x8: {  	s8 =	smul.u32 $0x50, s11;
	p0 =	sne.s32 s11, $0x0;
	s11 =	simm.s32 $0x2700  }
0x9: {  	_ =	strace $0x8000004A;
	s4 =	ssub.s32 $0x2, s12;
	s7 =	smul.u32 $0x500, s12  }
0xa: {  	s12 =	smul.u32 $0x138800, s12;
	s6 =	sshrl.u32 s4, $0x1;
	s9 =	sshrl.u32 s5, $0x2  }
0xb: {  	s16 =	sadd.s32 $0x4000, s14;
	s17 =	sadd.s32 $0x8000, s14;
	s18 =	sadd.s32 $0xC000, s14  }
0xc: {  	s19 =	sadd.s32 $0x10000, s14;
	s15 =	ssub.s32 s4, s6;
	s4 =	sadd.s32 s9, s2  }
0xd: {  	s5 =	sadd.s32 s16, s2;
	s6 =	sadd.s32 s17, s2;
	s9 =	sadd.s32 s8, s7  }
0xe: {  	s7 =	sadd.s32 s18, s2;
	s8 =	sadd.s32 s19, s2;
	s20 =	sshll.u32 s9, $0x4  }
0xf: {  	s25 =	sadd.s32 s12, s18;
	s26 =	sadd.s32 s12, s19;
	s22 =	sadd.s32 s10, s20  }
0x10: {  	s21 =	sadd.s32 $0x280, s20;
	s20 =	sadd.s32 s13, s20;
	[dreg:$0x4] =	wrdreg s22  }
0x11: {  	s9 =	sadd.s32 $0x138000, s2;
	[dreg:$0x5] =	wrdreg s20;
	s10 =	sadd.s32 s10, s21  }
0x12: {  	s13 =	sadd.s32 s13, s21;
	s20 =	sadd.s32 s14, s12;
	s21 =	sadd.s32 s12, s16  }
0x13: {  	s22 =	sadd.s32 s12, s17;
	s12 =	sshrl.u32 s12, $0x3;
	[dreg:$0x6] =	wrdreg s10  }
0x14: {  	[dreg:$0x7] =	wrdreg s13;
	s10 =	sshrl.u32 s20, $0x3;
	s13 =	sshrl.u32 s21, $0x3  }
0x15: {  	s24 =	sshrl.u32 s22, $0x3;
	s20 =	smax.u32 s15, $0x1;
	s21 =	simm.s32 $0x2800  }
0x16: {  	s22 =	simm.s32 $0x5;
	s10 =	sadd.s32 s0, s10;
	s23 =	sadd.s32 s0, s13  }
0x17: {  	s13 =	sshrl.u32 s26, $0x3;
	s26 =	simm.s32 $0x1;
	[dreg:$0x8] =	wrdreg s10  }
0x18: {  	[dreg:$0x9] =	wrdreg s23;
	s10 =	sadd.s32 s0, s24;
	s18 =	sadd.s32 s0, s13  }
0x19: {  	s23 =	simm.s32 $0x1400;
	s24 =	simm.s32 $0x80;
	s13 =	simm.s32 $0x0  }
0x1a: {  	[dreg:$0xa] =	wrdreg s10;
	s10 =	sshrl.u32 s25, $0x3;
	s25 =	simm.s32 $0x6800  }
0x1b: {  	s17 =	sadd.s32 s0, s10;
	s0 =	sadd.s32 s0, s12;
	s10 =	simm.s32 $0x1380  }
0x1c: {  	v0 =	vimm.f32 $0.0e+00;
	s12 =	simm.s32 $0x2780;
	s19 =	sadd.s32 $0x27000, s0;
	s0 =	simm.s32 $0x4  }
.LBB2_1:
0x1d: {  	s14 =	simm.s32 $0x0;
	s15 =	simm.s32 $0x200  }
.LBB2_2:
0x1e: {  	p1 =	sne.s32 s15, $0xFE00;
	[tilespmem:s14+$0x2870] =	vst v0  }
0x1f: {  	[tilespmem:s14+$0x2800] =	vst v0  }
0x20: {  	[tilespmem:s14+$0x2810] =	vst v0  }
.Ltmp0:
0x21: {  	[tilespmem:s14+$0x2820] =	vst v0;
	(pc) =	sbr.rel @p1 .LBB2_2-.Ltmp0, $4  }
0x22: {  	[tilespmem:s14+$0x2830] =	vst v0  }
0x23: {  	[tilespmem:s14+$0x2840] =	vst v0  }
0x24: {  	[tilespmem:s14+$0x2850] =	vst v0  }
0x25: {  	[tilespmem:s14+$0x2860] =	vst v0;
	s14 =	sshra.s32 s15, $0x2;
	s15 =	sadd.s32 $0x200, s15  }
0x26: {  	[tilespmem:s14+$0x2870] =	vst v0  }
0x27: {  	[tilespmem:s14+$0x2800] =	vst v0  }
0x28: {  	[tilespmem:s14+$0x2810] =	vst v0  }
0x29: {  	[tilespmem:s14+$0x2820] =	vst v0  }
0x2a: {  	[tilespmem:s14+$0x2830] =	vst v0  }
0x2b: {  	[tilespmem:s14+$0x2840] =	vst v0  }
0x2c: {  	[tilespmem:s14+$0x2850] =	vst v0  }
0x2d: {  	[tilespmem:s14+$0x2860] =	vst v0  }
0x2e: {  	[spmem:s4] =	stream.linear.scatter [tilespmem:s21], [sflag:$0x5], $0x4000, $0x38;
	[tilespmem:$0x1E0C0] =	vst v63  }
0x2f: {  	_ =	swait.ge [sflag:s22], $0x4000  }
0x30: {  	[sflag:s22] =	ssyncset.done $0x0  }
0x31: {  	[sflag:s22] =	ssyncadd.s32 $0xFFFFC000  }
0x32: {  	[spmem:s5] =	stream.linear.scatter [tilespmem:s21], [sflag:$0x5], $0x4000, $0x38;
	[tilespmem:$0x1E0C0] =	vst v63  }
0x33: {  	_ =	swait.ge [sflag:s22], $0x4000  }
0x34: {  	[sflag:s22] =	ssyncset.done $0x0  }
0x35: {  	[sflag:s22] =	ssyncadd.s32 $0xFFFFC000  }
0x36: {  	[spmem:s6] =	stream.linear.scatter [tilespmem:s21], [sflag:$0x5], $0x4000, $0x38;
	[tilespmem:$0x1E0C0] =	vst v63  }
0x37: {  	_ =	swait.ge [sflag:s22], $0x4000  }
0x38: {  	[sflag:s22] =	ssyncset.done $0x0  }
0x39: {  	[sflag:s22] =	ssyncadd.s32 $0xFFFFC000  }
0x3a: {  	[spmem:s7] =	stream.linear.scatter [tilespmem:s21], [sflag:$0x5], $0x4000, $0x38;
	[tilespmem:$0x1E0C0] =	vst v63  }
0x3b: {  	_ =	swait.ge [sflag:s22], $0x4000  }
0x3c: {  	[sflag:s22] =	ssyncset.done $0x0  }
0x3d: {  	[sflag:s22] =	ssyncadd.s32 $0xFFFFC000  }
0x3e: {  	[spmem:s8] =	stream.linear.scatter [tilespmem:s21], [sflag:$0x5], $0x3800, $0x38;
	[tilespmem:$0x1E0C0] =	vst v63  }
0x3f: {  	_ =	swait.ge [sflag:s22], $0x3800  }
0x40: {  	[sflag:s22] =	ssyncset.done $0x0  }
0x41: {  	s14 =	simm.s32 @!p0 $0x2800;
	[sflag:s22] =	ssyncadd.s32 $0xFFFFC800  }
0x42: {  	[spmem:s9] =	stream.linear.scatter @!p0 [tilespmem:s14], [sflag:$0x5], $0x800, $0x38;
	[tilespmem:$0x1E0C0] =	vst v63  }
0x43: {  	s14 =	simm.s32 @!p0 $0x5  }
0x44: {  	_ =	swait.ge @!p0 [sflag:s14], $0x800  }
0x45: {  	[sflag:s14] =	ssyncset.done @!p0 $0x0  }
0x46: {  	[sflag:s14] =	ssyncadd.s32 @!p0 $0xFFFFF800  }
0x47: {  	[bflag:$0x0] =	sbarrier.arrive $0xFFFF  }
0x48: {  	s16 =	rddreg [dreg:$0x4]  }
0x49: {  	[tilespmem:s3], [sflag:$0x5] =	stream.linear.gather [hbm4b:s16+s3], $0x1400, $0x38;
	[tilespmem:$0x1E0C0] =	vst v63  }
0x4a: {  	_ =	swait.ge [sflag:s22], $0x1400  }
0x4b: {  	[sflag:s22] =	ssyncset.done $0x0  }
0x4c: {  	s15 =	rddreg [dreg:$0x5];
	[sflag:s22] =	ssyncadd.s32 $0xFFFFEC00  }
0x4d: {  	[tilespmem:s23], [sflag:$0x5] =	stream.linear.gather [hbm4b:s15+s3], $0x1400, $0x38;
	[tilespmem:$0x1E0C0] =	vst v63  }
0x4e: {  	_ =	swait.ge [sflag:s22], $0x1400  }
0x4f: {  	[sflag:s22] =	ssyncset.done $0x0  }
0x50: {  	[sflag:s22] =	ssyncadd.s32 $0xFFFFEC00  }
0x51: {  	[tilespmem:s21], [sflag:$0x1] =	stream.indirect.gather [hbm4b:s1+s24], $0x80, s3, s24, $0xb8;
	[tilespmem:$0x1E0C0] =	vst v63  }
0x52: {  	_ = 	snop  }
0x53: {  	[tilespmem:s25], [sflag:$0x2] =	stream.indirect.gather [hbm4b:s1+s24], $0x80, s24, s24, $0xb8;
	[tilespmem:$0x1E0C0] =	vst v63  }
0x54: {  	_ =	swait.ge [sflag:s26], $0x4000  }
0x55: {  	[sflag:s26] =	ssyncset.done $0x0  }
0x56: {  	[sflag:s26] =	ssyncadd.s32 $0xFFFFC000  }
0x57: {  	[spmem:s2] =	stream.indirect.scatter.add.f32 [tilespmem:s21], [sflag:$0x3], $0x80, s23, s24, $0xb8;
	[tilespmem:$0x1E0C0] =	vst v63  }
0x58: {  	_ =	swait.ge [sflag:s28], $0x4000  }
0x59: {  	[sflag:s28] =	ssyncset.done $0x0  }
0x5a: {  	[sflag:s28] =	ssyncadd.s32 $0xFFFFC000  }
0x5b: {  	[tilespmem:s21], [sflag:$0x1] =	stream.indirect.gather [hbm4b:s1+s24], $0x80, s29, s24, $0xb8;
	[tilespmem:$0x1E0C0] =	vst v63  }
0x5c: {  	_ =	swait.ge [sflag:s30], $0x4000  }
0x5d: {  	[sflag:s30] =	ssyncset.done $0x0  }
0x5e: {  	[sflag:s30] =	ssyncadd.s32 $0xFFFFC000  }
0x5f: {  	[spmem:s2] =	stream.indirect.scatter.add.f32 [tilespmem:s25], [sflag:$0x4], $0x80, s31, s24, $0xb8;
	[tilespmem:$0x1E0C0] =	vst v63  }
0x60: {  	_ =	swait.ge [sflag:s0], $0x4000  }
0x61: {  	[sflag:s0] =	ssyncset.done $0x0  }
0x62: {  	s16 =	simm.s32 $0x180;
	[sflag:s0] =	ssyncadd.s32 $0xFFFFC000  }
0x63: {  	[tilespmem:s25], [sflag:$0x2] =	stream.indirect.gather [hbm4b:s1+s24], $0x80, s16, s24, $0xb8;
	[tilespmem:$0x1E0C0] =	vst v63  }
0x64: {  	_ =	swait.ge [sflag:s26], $0x4000  }
0x65: {  	[sflag:s26] =	ssyncset.done $0x0  }
0x66: {  	s15 =	simm.s32 $0x1500;
	[sflag:s26] =	ssyncadd.s32 $0xFFFFC000  }
0x67: {  	[spmem:s2] =	stream.indirect.scatter.add.f32 [tilespmem:s21], [sflag:$0x3], $0x80, s15, s24, $0xb8;
	[tilespmem:$0x1E0C0] =	vst v63  }
0x68: {  	_ =	swait.ge [sflag:s28], $0x4000  }
0x69: {  	[sflag:s28] =	ssyncset.done $0x0  }
0x6a: {  	s16 =	simm.s32 $0x200;
	[sflag:s28] =	ssyncadd.s32 $0xFFFFC000  }
0x6b: {  	[tilespmem:s21], [sflag:$0x1] =	stream.indirect.gather [hbm4b:s1+s24], $0x80, s16, s24, $0xb8;
	[tilespmem:$0x1E0C0] =	vst v63  }
0x6c: {  	_ =	swait.ge [sflag:s30], $0x4000  }
0x6d: {  	[sflag:s30] =	ssyncset.done $0x0  }
0x6e: {  	s14 =	simm.s32 $0xFFFFBC00;
	s15 =	simm.s32 $0x1580;
	[sflag:s30] =	ssyncadd.s32 $0xFFFFC000  }
.LBB2_4:
0x6f: {  	[spmem:s2] =	stream.indirect.scatter.add.f32 [tilespmem:s25], [sflag:$0x4], $0x80, s15, s24, $0xb8;
	[tilespmem:$0x1E0C0] =	vst v63  }
0x70: {  	s15 =	smov.u32 s14  }
0x71: {  	p1 =	sne.s32 s14, $0xFFFFFC00;
	s14 =	sadd.s32 $0x400, s14;
	_ =	swait.ge [sflag:s0], $0x4000  }
0x72: {  	s15 =	sshra.s32 s15, $0x2;
	[sflag:s0] =	ssyncset.done $0x0  }
0x73: {  	s16 =	sadd.s32 $0x1380, s15;
	[sflag:s0] =	ssyncadd.s32 $0xFFFFC000  }
0x74: {  	[tilespmem:s25], [sflag:$0x2] =	stream.indirect.gather [hbm4b:s1+s24], $0x80, s16, s24, $0xb8;
	[tilespmem:$0x1E0C0] =	vst v63  }
0x75: {  	_ =	swait.ge [sflag:s26], $0x4000  }
0x76: {  	[sflag:s26] =	ssyncset.done $0x0  }
0x77: {  	s16 =	sadd.s32 $0x2700, s15;
	[sflag:s26] =	ssyncadd.s32 $0xFFFFC000  }
0x78: {  	[spmem:s2] =	stream.indirect.scatter.add.f32 [tilespmem:s21], [sflag:$0x3], $0x80, s16, s24, $0xb8;
	[tilespmem:$0x1E0C0] =	vst v63  }
0x79: {  	_ =	swait.ge [sflag:s28], $0x4000  }
0x7a: {  	[sflag:s28] =	ssyncset.done $0x0  }
.Ltmp1:
0x7b: {  	s16 =	sadd.s32 $0x1400, s15;
	[sflag:s28] =	ssyncadd.s32 $0xFFFFC000;
	(pc) =	sbr.rel @p1 .LBB2_4-.Ltmp1, $4  }
0x7c: {  	[tilespmem:s21], [sflag:$0x1] =	stream.indirect.gather [hbm4b:s1+s24], $0x80, s16, s24, $0xb8;
	[tilespmem:$0x1E0C0] =	vst v63  }
0x7d: {  	_ =	swait.ge [sflag:s30], $0x4000  }
0x7e: {  	[sflag:s30] =	ssyncset.done $0x0  }
0x7f: {  	s15 =	sadd.s32 $0x2780, s15;
	[sflag:s30] =	ssyncadd.s32 $0xFFFFC000  }
0x80: {  	[spmem:s2] =	stream.indirect.scatter.add.f32 [tilespmem:s25], [sflag:$0x4], $0x80, s15, s24, $0xb8;
	[tilespmem:$0x1E0C0] =	vst v63  }
0x81: {  	_ =	swait.ge [sflag:s0], $0x4000  }
0x82: {  	[sflag:s0] =	ssyncset.done $0x0  }
0x83: {  	[sflag:s0] =	ssyncadd.s32 $0xFFFFC000  }
0x84: {  	[tilespmem:s25], [sflag:$0x2] =	stream.indirect.gather [hbm4b:s1+s24], $0x80, s10, s24, $0xb8;
	[tilespmem:$0x1E0C0] =	vst v63  }
0x85: {  	_ =	swait.ge [sflag:s26], $0x4000  }
0x86: {  	[sflag:s26] =	ssyncset.done $0x0  }
0x87: {  	[sflag:s26] =	ssyncadd.s32 $0xFFFFC000  }
0x88: {  	[spmem:s2] =	stream.indirect.scatter.add.f32 [tilespmem:s21], [sflag:$0x3], $0x80, s11, s24, $0xb8;
	[tilespmem:$0x1E0C0] =	vst v63  }
0x89: {  	_ =	swait.ge [sflag:s28], $0x4000  }
0x8a: {  	[sflag:s28] =	ssyncset.done $0x0  }
0x8b: {  	[sflag:s28] =	ssyncadd.s32 $0xFFFFC000  }
0x8c: {  	_ =	swait.ge [sflag:s30], $0x4000  }
0x8d: {  	[sflag:s30] =	ssyncset.done $0x0  }
0x8e: {  	[sflag:s30] =	ssyncadd.s32 $0xFFFFC000  }
0x8f: {  	[spmem:s2] =	stream.indirect.scatter.add.f32 [tilespmem:s25], [sflag:$0x4], $0x80, s12, s24, $0xb8;
	[tilespmem:$0x1E0C0] =	vst v63  }
0x90: {  	_ =	swait.ge [sflag:s0], $0x4000  }
0x91: {  	[sflag:s0] =	ssyncset.done $0x0  }
0x92: {  	s14 =	rddreg [dreg:$0x6];
	[sflag:s0] =	ssyncadd.s32 $0xFFFFC000  }
0x93: {  	[tilespmem:s3], [sflag:$0x5] =	stream.linear.gather [hbm4b:s14+s3], $0x1400, $0x38;
	[tilespmem:$0x1E0C0] =	vst v63  }
0x94: {  	_ =	swait.ge [sflag:s22], $0x1400  }
0x95: {  	[sflag:s22] =	ssyncset.done $0x0  }
0x96: {  	s15 =	rddreg [dreg:$0x7];
	[sflag:s22] =	ssyncadd.s32 $0xFFFFEC00  }
0x97: {  	[tilespmem:s23], [sflag:$0x5] =	stream.linear.gather [hbm4b:s15+s3], $0x1400, $0x38;
	[tilespmem:$0x1E0C0] =	vst v63  }
0x98: {  	_ =	swait.ge [sflag:s22], $0x1400  }
0x99: {  	[sflag:s22] =	ssyncset.done $0x0  }
0x9a: {  	[sflag:s22] =	ssyncadd.s32 $0xFFFFEC00  }
0x9b: {  	[tilespmem:s21], [sflag:$0x1] =	stream.indirect.gather [hbm4b:s1+s24], $0x80, s3, s24, $0xb8;
	[tilespmem:$0x1E0C0] =	vst v63  }
0x9c: {  	_ = 	snop  }
0x9d: {  	[tilespmem:s25], [sflag:$0x2] =	stream.indirect.gather [hbm4b:s1+s24], $0x80, s24, s24, $0xb8;
	[tilespmem:$0x1E0C0] =	vst v63  }
0x9e: {  	_ =	swait.ge [sflag:s26], $0x4000  }
0x9f: {  	[sflag:s26] =	ssyncset.done $0x0  }
0xa0: {  	[sflag:s26] =	ssyncadd.s32 $0xFFFFC000  }
0xa1: {  	[spmem:s2] =	stream.indirect.scatter.add.f32 [tilespmem:s21], [sflag:$0x3], $0x80, s23, s24, $0xb8;
	[tilespmem:$0x1E0C0] =	vst v63  }
0xa2: {  	_ =	swait.ge [sflag:s28], $0x4000  }
0xa3: {  	[sflag:s28] =	ssyncset.done $0x0  }
0xa4: {  	[sflag:s28] =	ssyncadd.s32 $0xFFFFC000  }
0xa5: {  	[tilespmem:s21], [sflag:$0x1] =	stream.indirect.gather [hbm4b:s1+s24], $0x80, s29, s24, $0xb8;
	[tilespmem:$0x1E0C0] =	vst v63  }
0xa6: {  	_ =	swait.ge [sflag:s30], $0x4000  }
0xa7: {  	[sflag:s30] =	ssyncset.done $0x0  }
0xa8: {  	[sflag:s30] =	ssyncadd.s32 $0xFFFFC000  }
0xa9: {  	[spmem:s2] =	stream.indirect.scatter.add.f32 [tilespmem:s25], [sflag:$0x4], $0x80, s31, s24, $0xb8;
	[tilespmem:$0x1E0C0] =	vst v63  }
0xaa: {  	_ =	swait.ge [sflag:s0], $0x4000  }
0xab: {  	[sflag:s0] =	ssyncset.done $0x0  }
0xac: {  	s16 =	simm.s32 $0x180;
	[sflag:s0] =	ssyncadd.s32 $0xFFFFC000  }
0xad: {  	[tilespmem:s25], [sflag:$0x2] =	stream.indirect.gather [hbm4b:s1+s24], $0x80, s16, s24, $0xb8;
	[tilespmem:$0x1E0C0] =	vst v63  }
0xae: {  	_ =	swait.ge [sflag:s26], $0x4000  }
0xaf: {  	[sflag:s26] =	ssyncset.done $0x0  }
0xb0: {  	s15 =	simm.s32 $0x1500;
	[sflag:s26] =	ssyncadd.s32 $0xFFFFC000  }
0xb1: {  	[spmem:s2] =	stream.indirect.scatter.add.f32 [tilespmem:s21], [sflag:$0x3], $0x80, s15, s24, $0xb8;
	[tilespmem:$0x1E0C0] =	vst v63  }
0xb2: {  	_ =	swait.ge [sflag:s28], $0x4000  }
0xb3: {  	[sflag:s28] =	ssyncset.done $0x0  }
0xb4: {  	s16 =	simm.s32 $0x200;
	[sflag:s28] =	ssyncadd.s32 $0xFFFFC000  }
0xb5: {  	[tilespmem:s21], [sflag:$0x1] =	stream.indirect.gather [hbm4b:s1+s24], $0x80, s16, s24, $0xb8;
	[tilespmem:$0x1E0C0] =	vst v63  }
0xb6: {  	_ =	swait.ge [sflag:s30], $0x4000  }
0xb7: {  	[sflag:s30] =	ssyncset.done $0x0  }
0xb8: {  	s14 =	simm.s32 $0xFFFFBC00;
	s15 =	simm.s32 $0x1580;
	[sflag:s30] =	ssyncadd.s32 $0xFFFFC000  }
.LBB2_6:
0xb9: {  	[spmem:s2] =	stream.indirect.scatter.add.f32 [tilespmem:s25], [sflag:$0x4], $0x80, s15, s24, $0xb8;
	[tilespmem:$0x1E0C0] =	vst v63  }
0xba: {  	s15 =	smov.u32 s14  }
0xbb: {  	p1 =	sne.s32 s14, $0xFFFFFC00;
	s14 =	sadd.s32 $0x400, s14;
	_ =	swait.ge [sflag:s0], $0x4000  }
0xbc: {  	s15 =	sshra.s32 s15, $0x2;
	[sflag:s0] =	ssyncset.done $0x0  }
0xbd: {  	s16 =	sadd.s32 $0x1380, s15;
	[sflag:s0] =	ssyncadd.s32 $0xFFFFC000  }
0xbe: {  	[tilespmem:s25], [sflag:$0x2] =	stream.indirect.gather [hbm4b:s1+s24], $0x80, s16, s24, $0xb8;
	[tilespmem:$0x1E0C0] =	vst v63  }
0xbf: {  	_ =	swait.ge [sflag:s26], $0x4000  }
0xc0: {  	[sflag:s26] =	ssyncset.done $0x0  }
0xc1: {  	s16 =	sadd.s32 $0x2700, s15;
	[sflag:s26] =	ssyncadd.s32 $0xFFFFC000  }
0xc2: {  	[spmem:s2] =	stream.indirect.scatter.add.f32 [tilespmem:s21], [sflag:$0x3], $0x80, s16, s24, $0xb8;
	[tilespmem:$0x1E0C0] =	vst v63  }
0xc3: {  	_ =	swait.ge [sflag:s28], $0x4000  }
0xc4: {  	[sflag:s28] =	ssyncset.done $0x0  }
.Ltmp2:
0xc5: {  	s16 =	sadd.s32 $0x1400, s15;
	[sflag:s28] =	ssyncadd.s32 $0xFFFFC000;
	(pc) =	sbr.rel @p1 .LBB2_6-.Ltmp2, $4  }
0xc6: {  	[tilespmem:s21], [sflag:$0x1] =	stream.indirect.gather [hbm4b:s1+s24], $0x80, s16, s24, $0xb8;
	[tilespmem:$0x1E0C0] =	vst v63  }
0xc7: {  	_ =	swait.ge [sflag:s30], $0x4000  }
0xc8: {  	[sflag:s30] =	ssyncset.done $0x0  }
0xc9: {  	s15 =	sadd.s32 $0x2780, s15;
	[sflag:s30] =	ssyncadd.s32 $0xFFFFC000  }
0xca: {  	[spmem:s2] =	stream.indirect.scatter.add.f32 [tilespmem:s25], [sflag:$0x4], $0x80, s15, s24, $0xb8;
	[tilespmem:$0x1E0C0] =	vst v63  }
0xcb: {  	_ =	swait.ge [sflag:s0], $0x4000  }
0xcc: {  	[sflag:s0] =	ssyncset.done $0x0  }
0xcd: {  	[sflag:s0] =	ssyncadd.s32 $0xFFFFC000  }
0xce: {  	[tilespmem:s25], [sflag:$0x2] =	stream.indirect.gather [hbm4b:s1+s24], $0x80, s10, s24, $0xb8;
	[tilespmem:$0x1E0C0] =	vst v63  }
0xcf: {  	_ =	swait.ge [sflag:s26], $0x4000  }
0xd0: {  	[sflag:s26] =	ssyncset.done $0x0  }
0xd1: {  	[sflag:s26] =	ssyncadd.s32 $0xFFFFC000  }
0xd2: {  	[spmem:s2] =	stream.indirect.scatter.add.f32 [tilespmem:s21], [sflag:$0x3], $0x80, s11, s24, $0xb8;
	[tilespmem:$0x1E0C0] =	vst v63  }
0xd3: {  	_ =	swait.ge [sflag:s28], $0x4000  }
0xd4: {  	[sflag:s28] =	ssyncset.done $0x0  }
0xd5: {  	[sflag:s28] =	ssyncadd.s32 $0xFFFFC000  }
0xd6: {  	_ =	swait.ge [sflag:s30], $0x4000  }
0xd7: {  	[sflag:s30] =	ssyncset.done $0x0  }
0xd8: {  	[sflag:s30] =	ssyncadd.s32 $0xFFFFC000  }
0xd9: {  	[spmem:s2] =	stream.indirect.scatter.add.f32 [tilespmem:s25], [sflag:$0x4], $0x80, s12, s24, $0xb8;
	[tilespmem:$0x1E0C0] =	vst v63  }
0xda: {  	_ =	swait.ge [sflag:s0], $0x4000  }
0xdb: {  	[sflag:s0] =	ssyncset.done $0x0  }
0xdc: {  	[sflag:s0] =	ssyncadd.s32 $0xFFFFC000  }
0xdd: {  	[bflag:$0x0] =	sbarrier.arrive $0xFFFF  }
0xde: {  	[tilespmem:s21], [sflag:$0x1] =	stream.linear.gather [spmem:s4], $0x4000, $0x38;
	[tilespmem:$0x1E0C0] =	vst v63  }
0xdf: {  	_ =	swait.ge [sflag:s26], $0x4000  }
0xe0: {  	[sflag:s26] =	ssyncset.done $0x0  }
0xe1: {  	[sflag:s26] =	ssyncadd.s32 $0xFFFFC000  }
0xe2: {  	[tilespmem:s25], [sflag:$0x2] =	stream.linear.gather [spmem:s5], $0x4000, $0x38;
	[tilespmem:$0x1E0C0] =	vst v63  }
0xe3: {  	s14 =	rddreg [dreg:$0x8]  }
0xe4: {  	[hbm4b:s14+s3] =	stream.linear.scatter [tilespmem:s21], [sflag:$0x3], $0x4000, $0x38;
	[tilespmem:$0x1E0C0] =	vst v63  }
0xe5: {  	_ =	swait.ge [sflag:s30], $0x4000  }
0xe6: {  	[sflag:s30] =	ssyncset.done $0x0  }
0xe7: {  	[sflag:s30] =	ssyncadd.s32 $0xFFFFC000  }
0xe8: {  	_ =	swait.ge [sflag:s28], $0x4000  }
0xe9: {  	[sflag:s28] =	ssyncset.done $0x0  }
0xea: {  	[sflag:s28] =	ssyncadd.s32 $0xFFFFC000  }
0xeb: {  	[tilespmem:s21], [sflag:$0x1] =	stream.linear.gather [spmem:s6], $0x4000, $0x38;
	[tilespmem:$0x1E0C0] =	vst v63  }
0xec: {  	s15 =	rddreg [dreg:$0x9]  }
0xed: {  	[hbm4b:s15+s3] =	stream.linear.scatter [tilespmem:s25], [sflag:$0x4], $0x4000, $0x38;
	[tilespmem:$0x1E0C0] =	vst v63  }
0xee: {  	_ =	swait.ge [sflag:s26], $0x4000  }
0xef: {  	[sflag:s26] =	ssyncset.done $0x0  }
0xf0: {  	[sflag:s26] =	ssyncadd.s32 $0xFFFFC000  }
0xf1: {  	_ =	swait.ge [sflag:s0], $0x4000  }
0xf2: {  	[sflag:s0] =	ssyncset.done $0x0  }
0xf3: {  	[sflag:s0] =	ssyncadd.s32 $0xFFFFC000  }
0xf4: {  	[tilespmem:s25], [sflag:$0x2] =	stream.linear.gather [spmem:s7], $0x4000, $0x38;
	[tilespmem:$0x1E0C0] =	vst v63  }
0xf5: {  	s16 =	rddreg [dreg:$0xa]  }
0xf6: {  	[hbm4b:s16+s3] =	stream.linear.scatter [tilespmem:s21], [sflag:$0x3], $0x4000, $0x38;
	[tilespmem:$0x1E0C0] =	vst v63  }
0xf7: {  	_ =	swait.ge [sflag:s30], $0x4000  }
0xf8: {  	[sflag:s30] =	ssyncset.done $0x0  }
0xf9: {  	[sflag:s30] =	ssyncadd.s32 $0xFFFFC000  }
0xfa: {  	_ =	swait.ge [sflag:s28], $0x4000  }
0xfb: {  	[sflag:s28] =	ssyncset.done $0x0  }
0xfc: {  	[sflag:s28] =	ssyncadd.s32 $0xFFFFC000  }
0xfd: {  	[tilespmem:s21], [sflag:$0x1] =	stream.linear.gather [spmem:s8], $0x3800, $0x38;
	[tilespmem:$0x1E0C0] =	vst v63  }
0xfe: {  	_ = 	snop  }
0xff: {  	[hbm4b:s17+s3] =	stream.linear.scatter [tilespmem:s25], [sflag:$0x4], $0x4000, $0x38;
	[tilespmem:$0x1E0C0] =	vst v63  }
0x100: {  	_ =	swait.ge [sflag:s26], $0x3800  }
0x101: {  	[sflag:s26] =	ssyncset.done $0x0  }
0x102: {  	[sflag:s26] =	ssyncadd.s32 $0xFFFFC800  }
0x103: {  	[hbm4b:s18+s3] =	stream.linear.scatter [tilespmem:s21], [sflag:$0x3], $0x3800, $0x38;
	[tilespmem:$0x1E0C0] =	vst v63  }
0x104: {  	_ =	swait.ge [sflag:s0], $0x4000  }
0x105: {  	[sflag:s0] =	ssyncset.done $0x0  }
0x106: {  	[sflag:s0] =	ssyncadd.s32 $0xFFFFC000  }
0x107: {  	_ =	swait.ge [sflag:s28], $0x3800  }
0x108: {  	[sflag:s28] =	ssyncset.done $0x0  }
0x109: {  	s14 =	simm.s32 @!p0 $0x2800;
	s15 =	simm.s32 @!p0 $0x5;
	[sflag:s28] =	ssyncadd.s32 $0xFFFFC800  }
0x10a: {  	[tilespmem:s14], [sflag:$0x5] =	stream.linear.gather @!p0 [spmem:s9], $0x800, $0x38;
	[tilespmem:$0x1E0C0] =	vst v63  }
0x10b: {  	s13 =	sadd.s32 $0x1, s13;
	_ =	swait.ge @!p0 [sflag:s15], $0x800  }
0x10c: {  	p1 =	sne.s32 s13, s20;
	[sflag:s15] =	ssyncset.done @!p0 $0x0  }
.Ltmp3:
0x10d: {  	s16 =	simm.s32 @!p0 $0x0;
	[sflag:s15] =	ssyncadd.s32 @!p0 $0xFFFFF800;
	(pc) =	sbr.rel @p1 .LBB2_1-.Ltmp3, $4  }
0x10e: {  	[hbm4b:s19+s16] =	stream.linear.scatter @!p0 [tilespmem:s14], [sflag:$0x5], $0x800, $0x38;
	[tilespmem:$0x1E0C0] =	vst v63  }
0x10f: {  	_ =	swait.ge @!p0 [sflag:s15], $0x800  }
0x110: {  	[sflag:s15] =	ssyncset.done @!p0 $0x0  }
0x111: {  	[sflag:s15] =	ssyncadd.s32 @!p0 $0xFFFFF800  }
0x112: {  	_ =	sfence.sel $0x180000  }
0x113: {  	[bflag:$0x0] =	sbarrier.arrive $0xFFFF  }
0x114: {  	_ =	strace $0x9000004A  }
0x115: {  	[bflag:$0x2] =	sbarrier.arrive $0xFFFF  }
0x116: {  	s0 =	rddreg [dreg:$0x3]  }
0x117: {  	s0 =	sadd.s32 @!p0 $0x100000, s0  }
0x118: {  	[sflag:s0] =	ssyncadd.tile.s32 @!p0 $0x1;
	_ =	shalt  }
.Lfunc_end2:
_tile_overlayer_lowered:
.L_overlay_start_2:
0x119: {  	(tag) =	ssettag $0x2  }
0x11a: {  	s0 =	rddreg [dreg:$0x0];
	s2 =	stileid.u32  }
0x11b: {  	s1 =	rddreg [dreg:$0x1];
	p0 =	sne.s32 s2, $0x0  }
0x11c: {  	s3 =	rddreg [dreg:$0x2];
	[bflag:$0x3] =	sbarrier.arrive $0xFFFF;
	s2 =	simm.s32 @!p0 $0x1C05  }
0x11d: {  	[timem:s3], [sflag:s2] =	dma.local @!p0 [hbm:s0], s1  }
0x11e: {  	s0 =	simm.s32 @!p0 $0x5  }
0x11f: {  	_ =	swait.ge @!p0 [sflag:s0], s1  }
0x120: {  	s1 =	ssub.s32 @!p0 $0x0, s1;
	[sflag:s0] =	ssyncset.done @!p0 $0x0  }
0x121: {  	[sflag:s0] =	ssyncadd.s32 @!p0 s1  }
0x122: {  	[bflag:$0x3] =	sbarrier.arrive $0xFFFF  }
0x123: {  	_ =	shalt  }

// kernel: kernel.14.cloned.1.call-start
scs
__scs_entry_jumppad:
0x0: {  	(pc) =	sbr.rel $0x88, $3  }
0x1: {  	(tag) =	ssettag $0x0;
	lr =	simm.s32 $0x1  }
0x2: {  	[smem:$0x3F98] =	sst lr;
	_ =	strace $0xD0000000  }
0x3: {  	_ = 	snop  }
0x4: {  	_ = 	snop  }
0x5: {  	_ = 	snop  }
0x6: {  	_ = 	snop  }
0x7: {  	_ = 	snop  }
__scs_overlays_trampoline_lowered:
0x8: {  	[smem:$0x3FA7] =	sst s0  }
0x9: {  	[smem:$0x3FA8] =	sst s1  }
0xa: {  	[smem:$0x3FA9] =	sst s2  }
0xb: {  	[smem:$0x3FAA] =	sst s3  }
0xc: {  	[smem:$0x3FAB] =	sst s4  }
0xd: {  	[smem:$0x3FAC] =	sst s5  }
0xe: {  	[smem:$0x3FAD] =	sst s6  }
0xf: {  	[smem:$0x3FAE] =	sst s7  }
0x10: {  	[smem:$0x3FAF] =	sst s8  }
0x11: {  	[smem:$0x3FB0] =	sst s9;
	s0 =	simm.s32 @!p0 $0x0  }
0x12: {  	s1 =	sld [smem:$0x3F96];
	s0 =	simm.s32 @p0 $0x1  }
0x13: {  	[smem:$0x3FB1] =	sst s0;
	s0 =	simm.s32 @!p1 $0x0  }
0x14: {  	s2 =	sld [smem:$0x3F95];
	s0 =	simm.s32 @p1 $0x1  }
0x15: {  	[smem:$0x3FB2] =	sst s0;
	s0 =	simm.s32 @!p2 $0x0  }
0x16: {  	s3 =	sld [smem:$0x3FDB];
	s0 =	simm.s32 @p2 $0x1  }
0x17: {  	s4 =	simm.s32 $0x1BF5;
	[smem:$0x3FB4] =	sst s0  }
0x18: {  	s0 =	sld [smem:$0x3F97];
	_ =	swait.ge [sflag:s4], $0x0  }
0x19: {  	s7 =	sld [smem:$0x3F98]  }
0x1a: {  	s8 =	sadd.s32 $0xFFFFE003, lr  }
0x1b: {  	s9 =	sadd.s32 $0xFFFFFEF7, lr;
	s5 =	simm.s32 $0xFFFFFFFF;
	p2 =	slt.u32 s8, $0xFFFFF086  }
0x1c: {  	p1 =	slt.u32 s9, $0xF7A;
	s5 =	simm.s32 @!p2 $0x0  }
0x1d: {  	s5 =	simm.s32 @p1 $0x1;
	p0 =	seq.s32 s7, s2  }
0x1e: {  	s7 =	smul.u32 @!p0 $0xF7A, s2;
	p2 =	seq.s32 @!p0 s5, $0x0  }
0x1f: {  	s9 =	smul.u32 $0xF7A, s1;
	s8 =	simm.s32 @!p0 $0x1BF5;
	p2 =	por !p2, p0  }
0x20: {  	[sflag:s8] =	ssyncset.s32 @!p0 $0xFFFFF086;
	s6 =	sadd.s32 @!p0 s3, s7;
	s7 =	simm.s32 @!p0 $0x108  }
0x21: {  	s3 =	sadd.s32 s3, s9;
	s6 =	sadd.s32 @!p0 $0x88, s6;
	s7 =	simm.s32 @p2 $0x1082  }
0x22: {  	[simem:s7], [sflag:s8] =	dma.local @!p0 [hbm:s6], $0xF7A  }
0x23: {  	s9 =	sor.u32 $0xD0000000, s2;
	s6 =	simm.s32 $0x108;
	_ =	swait.ge @!p0 [sflag:s8], $0x0  }
0x24: {  	s3 =	sadd.s32 $0x88, s3;
	s6 =	simm.s32 @!p1 $0x1082;
	[sflag:s4] =	ssyncset.s32 $0xFFFFF086  }
0x25: {  	[simem:s6], [sflag:s4] =	dma.local [hbm:s3], $0xF7A  }
0x26: {  	[smem:$0x3F98] =	sst s1;
	(tag) =	ssettag s2;
	_ =	strace s9  }
0x27: {  	s1 =	sld [smem:$0x3FA8]  }
0x28: {  	s2 =	sld [smem:$0x3FA9]  }
0x29: {  	s4 =	sld [smem:$0x3FAB]  }
0x2a: {  	p0 =	seq.s32 s5, $0x0;
	s5 =	sld [smem:$0x3FAC]  }
0x2b: {  	s6 =	sld [smem:$0x3FAD]  }
0x2c: {  	s7 =	sld [smem:$0x3FAE]  }
0x2d: {  	s3 =	simm.s32 $0x108;
	s8 =	sld [smem:$0x3FAF]  }
0x2e: {  	s3 =	simm.s32 @!p0 $0x1082;
	s9 =	sld [smem:$0x3FB0]  }
0x2f: {  	lr =	sadd.s32 s0, s3;
	s0 =	sld [smem:$0x3FA7]  }
0x30: {  	s3 =	sld [smem:$0x3FAA]  }
0x31: {  	[smem:$0x3FB3] =	sst s10  }
0x32: {  	s10 =	sld [smem:$0x3FB1];
	_ =	sdelay $0x3  }
0x33: {  	p0 =	seq.s32 s10, $0x1;
	s10 =	sld [smem:$0x3FB3];
	_ =	sdelay $0x3  }
0x34: {  	[smem:$0x3FB3] =	sst s10  }
0x35: {  	s10 =	sld [smem:$0x3FB2];
	_ =	sdelay $0x3  }
0x36: {  	p1 =	seq.s32 s10, $0x1;
	s10 =	sld [smem:$0x3FB3];
	_ =	sdelay $0x3  }
0x37: {  	[smem:$0x3FB3] =	sst s10  }
0x38: {  	s10 =	sld [smem:$0x3FB4]  }
0x39: {  	_ = 	snop;
	(pc) =	sbr.ind lr, $3  }
0x3a: {  	_ = 	snop  }
0x3b: {  	_ = 	snop  }
0x3c: {  	p2 =	seq.s32 s10, $0x1;
	s10 =	sld [smem:$0x3FB3]  }
0x3d: {  	_ =	shalt  }
0x3e: {  	_ =	shalt  }
0x3f: {  	_ =	shalt  }
0x40: {  	_ =	shalt  }
0x41: {  	_ =	shalt  }
0x42: {  	_ =	shalt  }
0x43: {  	_ =	shalt  }
0x44: {  	_ =	shalt  }
0x45: {  	_ =	shalt  }
0x46: {  	_ =	shalt  }
0x47: {  	_ =	shalt  }
0x48: {  	_ =	shalt  }
0x49: {  	_ =	shalt  }
0x4a: {  	_ =	shalt  }
0x4b: {  	_ =	shalt  }
0x4c: {  	_ =	shalt  }
0x4d: {  	_ =	shalt  }
0x4e: {  	_ =	shalt  }
0x4f: {  	_ =	shalt  }
0x50: {  	_ =	shalt  }
0x51: {  	_ =	shalt  }
0x52: {  	_ =	shalt  }
0x53: {  	_ =	shalt  }
0x54: {  	_ =	shalt  }
0x55: {  	_ =	shalt  }
0x56: {  	_ =	shalt  }
0x57: {  	_ =	shalt  }
0x58: {  	_ =	shalt  }
0x59: {  	_ =	shalt  }
0x5a: {  	_ =	shalt  }
0x5b: {  	_ =	shalt  }
0x5c: {  	_ =	shalt  }
0x5d: {  	_ =	shalt  }
0x5e: {  	_ =	shalt  }
0x5f: {  	_ =	shalt  }
0x60: {  	_ =	shalt  }
0x61: {  	_ =	shalt  }
0x62: {  	_ =	shalt  }
0x63: {  	_ =	shalt  }
0x64: {  	_ =	shalt  }
0x65: {  	_ =	shalt  }
0x66: {  	_ =	shalt  }
0x67: {  	_ =	shalt  }
0x68: {  	_ =	shalt  }
0x69: {  	_ =	shalt  }
0x6a: {  	_ =	shalt  }
0x6b: {  	_ =	shalt  }
0x6c: {  	_ =	shalt  }
0x6d: {  	_ =	shalt  }
0x6e: {  	_ =	shalt  }
0x6f: {  	_ =	shalt  }
0x70: {  	_ =	shalt  }
0x71: {  	_ =	shalt  }
0x72: {  	_ =	shalt  }
0x73: {  	_ =	shalt  }
0x74: {  	_ =	shalt  }
0x75: {  	_ =	shalt  }
0x76: {  	_ =	shalt  }
0x77: {  	_ =	shalt  }
0x78: {  	_ =	shalt  }
0x79: {  	_ =	shalt  }
0x7a: {  	_ =	shalt  }
0x7b: {  	_ =	shalt  }
0x7c: {  	_ =	shalt  }
0x7d: {  	_ =	shalt  }
0x7e: {  	_ =	shalt  }
0x7f: {  	_ =	shalt  }
0x80: {  	_ =	shalt  }
0x81: {  	_ =	shalt  }
0x82: {  	_ =	shalt  }
0x83: {  	_ =	shalt  }
0x84: {  	_ =	shalt  }
0x85: {  	_ =	shalt  }
0x86: {  	_ =	shalt  }
0x87: {  	_ =	shalt  }
.Lfunc_end0:
.L_simem_size_0:
called_computation.2_lowered:
.L_overlay_start_0:
0x88: {  	s2 =	sld [smem:$0x3FD9]  }
0x89: {  	s3 =	sld [smem:$0x3FFE];
	_ =	sdelay $0x1  }
0x8a: {  	s1 =	srdreg.scid  }
0x8b: {  	s0 =	sand.u32 $0x1, s1  }
0x8c: {  	s17 =	sshll.u32 s0, $0xA;
	s2 =	sadd.s32 s3, s2  }
0x8d: {  	s2 =	sadd.s32 s2, s17  }
0x8e: {  	[smem:$0x3FBF] =	sst s2  }
0x8f: {  	_ = 	snop  }
0x90: {  	s2 =	sld [smem:$0x3FD0];
	(tm) =	ssettm $0x1  }
0x91: {  	s18 =	sld [smem:$0x3FFB];
	_ =	sdelay $0x3  }
0x92: {  	_ =	strace s18  }
0x93: {  	s3 =	sld [smem:$0x3FFC];
	_ =	sdelay $0x3  }
0x94: {  	_ =	strace s3  }
0x95: {  	s3 =	sld [smem:$0x3FFD];
	_ =	sdelay $0x3  }
0x96: {  	_ =	strace s3  }
0x97: {  	_ =	strace $0x8FFFFFFF  }
0x98: {  	s19 =	sld [smem:$0x3FDB];
	_ =	sdelay $0x1  }
0x99: {  	s4 =	simm.s32 $_scs_section_size  }
0x9a: {  	s5 =	simm.s32 $_size__tile_overlayer_lowered;
	s6 =	simm.s32 $_tile_overlayer_lowered  }
0x9b: {  	s22 =	simm.s32 $0x1BFF;
	s21 =	sshll.u32 s6, $0x1;
	s3 =	sadd.s32 s4, s19  }
0x9c: {  	s7 =	simm.s32 $0x0;
	s20 =	sshll.u32 s5, $0x1;
	s5 =	sadd.s32 s21, s3  }
0x9d: {  	[timem:s7], [sflag:s22] =	dma.local [hbm:s5], s20  }
0x9e: {  	_ =	swait.ge [sflag:s22], s20  }
0x9f: {  	s4 =	ssub.s32 $0x0, s20;
	[sflag:s22] =	ssyncset.done $0x0  }
0xa0: {  	[sflag:s22] =	ssyncadd.s32 s4;
	_ =	sdelay $0x1  }
0xa1: {  	s23 =	simm.s32 $0x1B8B  }
0xa2: {  	_ =	swait.ge [sflag:s23], $0x1  }
0xa3: {  	[sflag:s23] =	ssyncset.done $0x0  }
0xa4: {  	s25 =	simm.s32 $0x1B8E;
	s24 =	sld [smem:$0x3FFE];
	[sflag:s23] =	ssyncadd.s32 $0xFFFFFFFF  }
0xa5: {  	s26 =	simm.s32 $execute0_lowered;
	[smem:$0x3FD2] =	sst s25  }
0xa6: {  	s5 =	sshll.u32 s26, $0x1;
	_ =	strace $0x8000004C;
	[dreg:$0x1] =	wrdreg $0xFFFFFFFF  }
0xa7: {  	s28 =	simm.s32 $_size_execute0_lowered;
	s3 =	sadd.s32 s3, s5;
	[dreg:$0x0] =	wrdreg $0x0  }
0xa8: {  	s5 =	sshll.u32 s28, $0x1;
	[dreg:$0x2] =	wrdreg s3  }
0xa9: {  	[dreg:$0x3] =	wrdreg s5  }
0xaa: {  	[dreg:$0x4] =	wrdreg $0xC0  }
0xab: {  	_ =	task [dreg:s7], $0x5FFFF  }
0xac: {  	[dreg:$0x1] =	wrdreg $0xFFFFFFFF  }
0xad: {  	[dreg:$0x0] =	wrdreg $0x60  }
0xae: {  	[dreg:$0x2] =	wrdreg s2  }
0xaf: {  	[dreg:$0x3] =	wrdreg s24  }
0xb0: {  	[dreg:$0x4] =	wrdreg $0xA8000  }
0xb1: {  	[dreg:$0x5] =	wrdreg $0x9  }
0xb2: {  	_ =	task.clear_ibuf [dreg:s7], $0x6FFFF;
	_ =	strace $0x9000004C  }
0xb3: {  	s29 =	simm.s32 $0x9;
	_ =	strace $0x8000004E  }
0xb4: {  	_ =	swait.ge [sflag:s29], $0x1  }
0xb5: {  	[sflag:s29] =	ssyncadd.s32 $0xFFFFFFFF  }
0xb6: {  	_ =	strace $0x9000004E  }
0xb7: {  	_ =	sfence  }
0xb8: {  	s30 =	sld [smem:$0x0];
	_ =	sdelay $0x2  }
0xb9: {  	s31 =	sshll.u32 s1, $0xD;
	s1 =	sshrl.u32 s1, $0x2  }
0xba: {  	s3 =	sand.u32 $0x4000, s31;
	s1 =	sadd.s32 s1, s30  }
0xbb: {  	s0 =	sor.u32 s3, s0;
	s1 =	sshll.u32 s1, $0x11  }
0xbc: {  	s0 =	sor.u32 s1, s0  }
0xbd: {  	s0 =	sadd.s32 $0x8F2B, s0  }
0xbe: {  	[sflag:s0] =	ssyncadd.remote.s32 $0x1  }
0xbf: {  	_ =	sfence.sel $0xFFFF  }
0xc0: {  	[dreg:$0x0] =	wrdreg $0xFFFFFFFF;
	(pc) =	sbr.abs _section_cstart, $3  }
0xc1: {  	[dreg:$0x1] =	wrdreg $0xFFFFFFFF  }
0xc2: {  	_ =	task.clear_ibuf [dreg:s7], $0x2FFFF;
	_ =	strace $0x9FFFFFFF  }
0xc3: {  	(tm) =	ssettm $0x7FFFFFFF  }
tec
execute0_lowered:
.L_overlay_start_1:
0x0: {  	(tag) =	ssettag $0x1  }
0x1: {  	s1 =	rddreg [dreg:$0x0]  }
0x2: {  	s0 =	rddreg [dreg:$0x1]  }
0x3: {  	s2 =	rddreg [dreg:$0x2];
	s3 =	simm.s32 $0x0;
	s4 =	srdreg.scid  }
0x4: {  	s11 =	stileid.u32;
	s28 =	simm.s32 $0x3;
	s29 =	simm.s32 $0x100  }
0x5: {  	s30 =	simm.s32 $0x2;
	s31 =	simm.s32 $0x1480;
	[smem:$0x7FF] =	sst s3  }
0x6: {  	s10 =	sadd.s32 $0x1F600, s0;
	s12 =	sand.u32 $0x1, s4;
	s5 =	smul.u32 $0x4E000, s11  }
0x7: {  	s13 =	sadd.s32 $0x29600, s0;
	s0 =	sadd.s32 $0x33600, s0;
	s14 =	smul.u32 $0x13800, s11  }
0x8: {  	s8 =	smul.u32 $0x50, s11;
	p0 =	sne.s32 s11, $0x0;
	s11 =	simm.s32 $0x2700  }
0x9: {  	_ =	strace $0x8000004D;
	s4 =	ssub.s32 $0x2, s12;
	s7 =	smul.u32 $0x500, s12  }
0xa: {  	s12 =	smul.u32 $0x138800, s12;
	s6 =	sshrl.u32 s4, $0x1;
	s9 =	sshrl.u32 s5, $0x2  }
0xb: {  	s16 =	sadd.s32 $0x4000, s14;
	s17 =	sadd.s32 $0x8000, s14;
	s18 =	sadd.s32 $0xC000, s14  }
0xc: {  	s19 =	sadd.s32 $0x10000, s14;
	s15 =	ssub.s32 s4, s6;
	s4 =	sadd.s32 s9, s2  }
0xd: {  	s5 =	sadd.s32 s16, s2;
	s6 =	sadd.s32 s17, s2;
	s9 =	sadd.s32 s8, s7  }
0xe: {  	s7 =	sadd.s32 s18, s2;
	s8 =	sadd.s32 s19, s2;
	s20 =	sshll.u32 s9, $0x4  }
0xf: {  	s25 =	sadd.s32 s12, s18;
	s26 =	sadd.s32 s12, s19;
	s22 =	sadd.s32 s10, s20  }
0x10: {  	s21 =	sadd.s32 $0x280, s20;
	s20 =	sadd.s32 s13, s20;
	[dreg:$0x4] =	wrdreg s22  }
0x11: {  	s9 =	sadd.s32 $0x138000, s2;
	[dreg:$0x5] =	wrdreg s20;
	s10 =	sadd.s32 s10, s21  }
0x12: {  	s13 =	sadd.s32 s13, s21;
	s20 =	sadd.s32 s14, s12;
	s21 =	sadd.s32 s12, s16  }
0x13: {  	s22 =	sadd.s32 s12, s17;
	s12 =	sshrl.u32 s12, $0x3;
	[dreg:$0x6] =	wrdreg s10  }
0x14: {  	[dreg:$0x7] =	wrdreg s13;
	s10 =	sshrl.u32 s20, $0x3;
	s13 =	sshrl.u32 s21, $0x3  }
0x15: {  	s24 =	sshrl.u32 s22, $0x3;
	s20 =	smax.u32 s15, $0x1;
	s21 =	simm.s32 $0x2800  }
0x16: {  	s22 =	simm.s32 $0x5;
	s10 =	sadd.s32 s0, s10;
	s23 =	sadd.s32 s0, s13  }
0x17: {  	s13 =	sshrl.u32 s26, $0x3;
	s26 =	simm.s32 $0x1;
	[dreg:$0x8] =	wrdreg s10  }
0x18: {  	[dreg:$0x9] =	wrdreg s23;
	s10 =	sadd.s32 s0, s24;
	s18 =	sadd.s32 s0, s13  }
0x19: {  	s23 =	simm.s32 $0x1400;
	s24 =	simm.s32 $0x80;
	s13 =	simm.s32 $0x0  }
0x1a: {  	[dreg:$0xa] =	wrdreg s10;
	s10 =	sshrl.u32 s25, $0x3;
	s25 =	simm.s32 $0x6800  }
0x1b: {  	s17 =	sadd.s32 s0, s10;
	s0 =	sadd.s32 s0, s12;
	s10 =	simm.s32 $0x1380  }
0x1c: {  	v0 =	vimm.f32 $0.0e+00;
	s12 =	simm.s32 $0x2780;
	s19 =	sadd.s32 $0x27000, s0;
	s0 =	simm.s32 $0x4  }
.LBB2_1:
0x1d: {  	s14 =	simm.s32 $0x0;
	s15 =	simm.s32 $0x200  }
.LBB2_2:
0x1e: {  	p1 =	sne.s32 s15, $0xFE00;
	[tilespmem:s14+$0x2870] =	vst v0  }
0x1f: {  	[tilespmem:s14+$0x2800] =	vst v0  }
0x20: {  	[tilespmem:s14+$0x2810] =	vst v0  }
.Ltmp0:
0x21: {  	[tilespmem:s14+$0x2820] =	vst v0;
	(pc) =	sbr.rel @p1 .LBB2_2-.Ltmp0, $4  }
0x22: {  	[tilespmem:s14+$0x2830] =	vst v0  }
0x23: {  	[tilespmem:s14+$0x2840] =	vst v0  }
0x24: {  	[tilespmem:s14+$0x2850] =	vst v0  }
0x25: {  	[tilespmem:s14+$0x2860] =	vst v0;
	s14 =	sshra.s32 s15, $0x2;
	s15 =	sadd.s32 $0x200, s15  }
0x26: {  	[tilespmem:s14+$0x2870] =	vst v0  }
0x27: {  	[tilespmem:s14+$0x2800] =	vst v0  }
0x28: {  	[tilespmem:s14+$0x2810] =	vst v0  }
0x29: {  	[tilespmem:s14+$0x2820] =	vst v0  }
0x2a: {  	[tilespmem:s14+$0x2830] =	vst v0  }
0x2b: {  	[tilespmem:s14+$0x2840] =	vst v0  }
0x2c: {  	[tilespmem:s14+$0x2850] =	vst v0  }
0x2d: {  	[tilespmem:s14+$0x2860] =	vst v0  }
0x2e: {  	[spmem:s4] =	stream.linear.scatter [tilespmem:s21], [sflag:$0x5], $0x4000, $0x38;
	[tilespmem:$0x1E0C0] =	vst v63  }
0x2f: {  	_ =	swait.ge [sflag:s22], $0x4000  }
0x30: {  	[sflag:s22] =	ssyncset.done $0x0  }
0x31: {  	[sflag:s22] =	ssyncadd.s32 $0xFFFFC000  }
0x32: {  	[spmem:s5] =	stream.linear.scatter [tilespmem:s21], [sflag:$0x5], $0x4000, $0x38;
	[tilespmem:$0x1E0C0] =	vst v63  }
0x33: {  	_ =	swait.ge [sflag:s22], $0x4000  }
0x34: {  	[sflag:s22] =	ssyncset.done $0x0  }
0x35: {  	[sflag:s22] =	ssyncadd.s32 $0xFFFFC000  }
0x36: {  	[spmem:s6] =	stream.linear.scatter [tilespmem:s21], [sflag:$0x5], $0x4000, $0x38;
	[tilespmem:$0x1E0C0] =	vst v63  }
0x37: {  	_ =	swait.ge [sflag:s22], $0x4000  }
0x38: {  	[sflag:s22] =	ssyncset.done $0x0  }
0x39: {  	[sflag:s22] =	ssyncadd.s32 $0xFFFFC000  }
0x3a: {  	[spmem:s7] =	stream.linear.scatter [tilespmem:s21], [sflag:$0x5], $0x4000, $0x38;
	[tilespmem:$0x1E0C0] =	vst v63  }
0x3b: {  	_ =	swait.ge [sflag:s22], $0x4000  }
0x3c: {  	[sflag:s22] =	ssyncset.done $0x0  }
0x3d: {  	[sflag:s22] =	ssyncadd.s32 $0xFFFFC000  }
0x3e: {  	[spmem:s8] =	stream.linear.scatter [tilespmem:s21], [sflag:$0x5], $0x3800, $0x38;
	[tilespmem:$0x1E0C0] =	vst v63  }
0x3f: {  	_ =	swait.ge [sflag:s22], $0x3800  }
0x40: {  	[sflag:s22] =	ssyncset.done $0x0  }
0x41: {  	s14 =	simm.s32 @!p0 $0x2800;
	[sflag:s22] =	ssyncadd.s32 $0xFFFFC800  }
0x42: {  	[spmem:s9] =	stream.linear.scatter @!p0 [tilespmem:s14], [sflag:$0x5], $0x800, $0x38;
	[tilespmem:$0x1E0C0] =	vst v63  }
0x43: {  	s14 =	simm.s32 @!p0 $0x5  }
0x44: {  	_ =	swait.ge @!p0 [sflag:s14], $0x800  }
0x45: {  	[sflag:s14] =	ssyncset.done @!p0 $0x0  }
0x46: {  	[sflag:s14] =	ssyncadd.s32 @!p0 $0xFFFFF800  }
0x47: {  	[bflag:$0x0] =	sbarrier.arrive $0xFFFF  }
0x48: {  	s16 =	rddreg [dreg:$0x4]  }
0x49: {  	[tilespmem:s3], [sflag:$0x5] =	stream.linear.gather [hbm4b:s16+s3], $0x1400, $0x38;
	[tilespmem:$0x1E0C0] =	vst v63  }
0x4a: {  	_ =	swait.ge [sflag:s22], $0x1400  }
0x4b: {  	[sflag:s22] =	ssyncset.done $0x0  }
0x4c: {  	s15 =	rddreg [dreg:$0x5];
	[sflag:s22] =	ssyncadd.s32 $0xFFFFEC00  }
0x4d: {  	[tilespmem:s23], [sflag:$0x5] =	stream.linear.gather [hbm4b:s15+s3], $0x1400, $0x38;
	[tilespmem:$0x1E0C0] =	vst v63  }
0x4e: {  	_ =	swait.ge [sflag:s22], $0x1400  }
0x4f: {  	[sflag:s22] =	ssyncset.done $0x0  }
0x50: {  	[sflag:s22] =	ssyncadd.s32 $0xFFFFEC00  }
0x51: {  	[tilespmem:s21], [sflag:$0x1] =	stream.indirect.gather [hbm4b:s1+s24], $0x80, s3, s24, $0xb8;
	[tilespmem:$0x1E0C0] =	vst v63  }
0x52: {  	_ = 	snop  }
0x53: {  	[tilespmem:s25], [sflag:$0x2] =	stream.indirect.gather [hbm4b:s1+s24], $0x80, s24, s24, $0xb8;
	[tilespmem:$0x1E0C0] =	vst v63  }
0x54: {  	_ =	swait.ge [sflag:s26], $0x4000  }
0x55: {  	[sflag:s26] =	ssyncset.done $0x0  }
0x56: {  	[sflag:s26] =	ssyncadd.s32 $0xFFFFC000  }
0x57: {  	[spmem:s2] =	stream.indirect.scatter.add.f32 [tilespmem:s21], [sflag:$0x3], $0x80, s23, s24, $0xb8;
	[tilespmem:$0x1E0C0] =	vst v63  }
0x58: {  	_ =	swait.ge [sflag:s28], $0x4000  }
0x59: {  	[sflag:s28] =	ssyncset.done $0x0  }
0x5a: {  	[sflag:s28] =	ssyncadd.s32 $0xFFFFC000  }
0x5b: {  	[tilespmem:s21], [sflag:$0x1] =	stream.indirect.gather [hbm4b:s1+s24], $0x80, s29, s24, $0xb8;
	[tilespmem:$0x1E0C0] =	vst v63  }
0x5c: {  	_ =	swait.ge [sflag:s30], $0x4000  }
0x5d: {  	[sflag:s30] =	ssyncset.done $0x0  }
0x5e: {  	[sflag:s30] =	ssyncadd.s32 $0xFFFFC000  }
0x5f: {  	[spmem:s2] =	stream.indirect.scatter.add.f32 [tilespmem:s25], [sflag:$0x4], $0x80, s31, s24, $0xb8;
	[tilespmem:$0x1E0C0] =	vst v63  }
0x60: {  	_ =	swait.ge [sflag:s0], $0x4000  }
0x61: {  	[sflag:s0] =	ssyncset.done $0x0  }
0x62: {  	s16 =	simm.s32 $0x180;
	[sflag:s0] =	ssyncadd.s32 $0xFFFFC000  }
0x63: {  	[tilespmem:s25], [sflag:$0x2] =	stream.indirect.gather [hbm4b:s1+s24], $0x80, s16, s24, $0xb8;
	[tilespmem:$0x1E0C0] =	vst v63  }
0x64: {  	_ =	swait.ge [sflag:s26], $0x4000  }
0x65: {  	[sflag:s26] =	ssyncset.done $0x0  }
0x66: {  	s15 =	simm.s32 $0x1500;
	[sflag:s26] =	ssyncadd.s32 $0xFFFFC000  }
0x67: {  	[spmem:s2] =	stream.indirect.scatter.add.f32 [tilespmem:s21], [sflag:$0x3], $0x80, s15, s24, $0xb8;
	[tilespmem:$0x1E0C0] =	vst v63  }
0x68: {  	_ =	swait.ge [sflag:s28], $0x4000  }
0x69: {  	[sflag:s28] =	ssyncset.done $0x0  }
0x6a: {  	s16 =	simm.s32 $0x200;
	[sflag:s28] =	ssyncadd.s32 $0xFFFFC000  }
0x6b: {  	[tilespmem:s21], [sflag:$0x1] =	stream.indirect.gather [hbm4b:s1+s24], $0x80, s16, s24, $0xb8;
	[tilespmem:$0x1E0C0] =	vst v63  }
0x6c: {  	_ =	swait.ge [sflag:s30], $0x4000  }
0x6d: {  	[sflag:s30] =	ssyncset.done $0x0  }
0x6e: {  	s14 =	simm.s32 $0xFFFFBC00;
	s15 =	simm.s32 $0x1580;
	[sflag:s30] =	ssyncadd.s32 $0xFFFFC000  }
.LBB2_4:
0x6f: {  	[spmem:s2] =	stream.indirect.scatter.add.f32 [tilespmem:s25], [sflag:$0x4], $0x80, s15, s24, $0xb8;
	[tilespmem:$0x1E0C0] =	vst v63  }
0x70: {  	s15 =	smov.u32 s14  }
0x71: {  	p1 =	sne.s32 s14, $0xFFFFFC00;
	s14 =	sadd.s32 $0x400, s14;
	_ =	swait.ge [sflag:s0], $0x4000  }
0x72: {  	s15 =	sshra.s32 s15, $0x2;
	[sflag:s0] =	ssyncset.done $0x0  }
0x73: {  	s16 =	sadd.s32 $0x1380, s15;
	[sflag:s0] =	ssyncadd.s32 $0xFFFFC000  }
0x74: {  	[tilespmem:s25], [sflag:$0x2] =	stream.indirect.gather [hbm4b:s1+s24], $0x80, s16, s24, $0xb8;
	[tilespmem:$0x1E0C0] =	vst v63  }
0x75: {  	_ =	swait.ge [sflag:s26], $0x4000  }
0x76: {  	[sflag:s26] =	ssyncset.done $0x0  }
0x77: {  	s16 =	sadd.s32 $0x2700, s15;
	[sflag:s26] =	ssyncadd.s32 $0xFFFFC000  }
0x78: {  	[spmem:s2] =	stream.indirect.scatter.add.f32 [tilespmem:s21], [sflag:$0x3], $0x80, s16, s24, $0xb8;
	[tilespmem:$0x1E0C0] =	vst v63  }
0x79: {  	_ =	swait.ge [sflag:s28], $0x4000  }
0x7a: {  	[sflag:s28] =	ssyncset.done $0x0  }
.Ltmp1:
0x7b: {  	s16 =	sadd.s32 $0x1400, s15;
	[sflag:s28] =	ssyncadd.s32 $0xFFFFC000;
	(pc) =	sbr.rel @p1 .LBB2_4-.Ltmp1, $4  }
0x7c: {  	[tilespmem:s21], [sflag:$0x1] =	stream.indirect.gather [hbm4b:s1+s24], $0x80, s16, s24, $0xb8;
	[tilespmem:$0x1E0C0] =	vst v63  }
0x7d: {  	_ =	swait.ge [sflag:s30], $0x4000  }
0x7e: {  	[sflag:s30] =	ssyncset.done $0x0  }
0x7f: {  	s15 =	sadd.s32 $0x2780, s15;
	[sflag:s30] =	ssyncadd.s32 $0xFFFFC000  }
0x80: {  	[spmem:s2] =	stream.indirect.scatter.add.f32 [tilespmem:s25], [sflag:$0x4], $0x80, s15, s24, $0xb8;
	[tilespmem:$0x1E0C0] =	vst v63  }
0x81: {  	_ =	swait.ge [sflag:s0], $0x4000  }
0x82: {  	[sflag:s0] =	ssyncset.done $0x0  }
0x83: {  	[sflag:s0] =	ssyncadd.s32 $0xFFFFC000  }
0x84: {  	[tilespmem:s25], [sflag:$0x2] =	stream.indirect.gather [hbm4b:s1+s24], $0x80, s10, s24, $0xb8;
	[tilespmem:$0x1E0C0] =	vst v63  }
0x85: {  	_ =	swait.ge [sflag:s26], $0x4000  }
0x86: {  	[sflag:s26] =	ssyncset.done $0x0  }
0x87: {  	[sflag:s26] =	ssyncadd.s32 $0xFFFFC000  }
0x88: {  	[spmem:s2] =	stream.indirect.scatter.add.f32 [tilespmem:s21], [sflag:$0x3], $0x80, s11, s24, $0xb8;
	[tilespmem:$0x1E0C0] =	vst v63  }
0x89: {  	_ =	swait.ge [sflag:s28], $0x4000  }
0x8a: {  	[sflag:s28] =	ssyncset.done $0x0  }
0x8b: {  	[sflag:s28] =	ssyncadd.s32 $0xFFFFC000  }
0x8c: {  	_ =	swait.ge [sflag:s30], $0x4000  }
0x8d: {  	[sflag:s30] =	ssyncset.done $0x0  }
0x8e: {  	[sflag:s30] =	ssyncadd.s32 $0xFFFFC000  }
0x8f: {  	[spmem:s2] =	stream.indirect.scatter.add.f32 [tilespmem:s25], [sflag:$0x4], $0x80, s12, s24, $0xb8;
	[tilespmem:$0x1E0C0] =	vst v63  }
0x90: {  	_ =	swait.ge [sflag:s0], $0x4000  }
0x91: {  	[sflag:s0] =	ssyncset.done $0x0  }
0x92: {  	s14 =	rddreg [dreg:$0x6];
	[sflag:s0] =	ssyncadd.s32 $0xFFFFC000  }
0x93: {  	[tilespmem:s3], [sflag:$0x5] =	stream.linear.gather [hbm4b:s14+s3], $0x1400, $0x38;
	[tilespmem:$0x1E0C0] =	vst v63  }
0x94: {  	_ =	swait.ge [sflag:s22], $0x1400  }
0x95: {  	[sflag:s22] =	ssyncset.done $0x0  }
0x96: {  	s15 =	rddreg [dreg:$0x7];
	[sflag:s22] =	ssyncadd.s32 $0xFFFFEC00  }
0x97: {  	[tilespmem:s23], [sflag:$0x5] =	stream.linear.gather [hbm4b:s15+s3], $0x1400, $0x38;
	[tilespmem:$0x1E0C0] =	vst v63  }
0x98: {  	_ =	swait.ge [sflag:s22], $0x1400  }
0x99: {  	[sflag:s22] =	ssyncset.done $0x0  }
0x9a: {  	[sflag:s22] =	ssyncadd.s32 $0xFFFFEC00  }
0x9b: {  	[tilespmem:s21], [sflag:$0x1] =	stream.indirect.gather [hbm4b:s1+s24], $0x80, s3, s24, $0xb8;
	[tilespmem:$0x1E0C0] =	vst v63  }
0x9c: {  	_ = 	snop  }
0x9d: {  	[tilespmem:s25], [sflag:$0x2] =	stream.indirect.gather [hbm4b:s1+s24], $0x80, s24, s24, $0xb8;
	[tilespmem:$0x1E0C0] =	vst v63  }
0x9e: {  	_ =	swait.ge [sflag:s26], $0x4000  }
0x9f: {  	[sflag:s26] =	ssyncset.done $0x0  }
0xa0: {  	[sflag:s26] =	ssyncadd.s32 $0xFFFFC000  }
0xa1: {  	[spmem:s2] =	stream.indirect.scatter.add.f32 [tilespmem:s21], [sflag:$0x3], $0x80, s23, s24, $0xb8;
	[tilespmem:$0x1E0C0] =	vst v63  }
0xa2: {  	_ =	swait.ge [sflag:s28], $0x4000  }
0xa3: {  	[sflag:s28] =	ssyncset.done $0x0  }
0xa4: {  	[sflag:s28] =	ssyncadd.s32 $0xFFFFC000  }
0xa5: {  	[tilespmem:s21], [sflag:$0x1] =	stream.indirect.gather [hbm4b:s1+s24], $0x80, s29, s24, $0xb8;
	[tilespmem:$0x1E0C0] =	vst v63  }
0xa6: {  	_ =	swait.ge [sflag:s30], $0x4000  }
0xa7: {  	[sflag:s30] =	ssyncset.done $0x0  }
0xa8: {  	[sflag:s30] =	ssyncadd.s32 $0xFFFFC000  }
0xa9: {  	[spmem:s2] =	stream.indirect.scatter.add.f32 [tilespmem:s25], [sflag:$0x4], $0x80, s31, s24, $0xb8;
	[tilespmem:$0x1E0C0] =	vst v63  }
0xaa: {  	_ =	swait.ge [sflag:s0], $0x4000  }
0xab: {  	[sflag:s0] =	ssyncset.done $0x0  }
0xac: {  	s16 =	simm.s32 $0x180;
	[sflag:s0] =	ssyncadd.s32 $0xFFFFC000  }
0xad: {  	[tilespmem:s25], [sflag:$0x2] =	stream.indirect.gather [hbm4b:s1+s24], $0x80, s16, s24, $0xb8;
	[tilespmem:$0x1E0C0] =	vst v63  }
0xae: {  	_ =	swait.ge [sflag:s26], $0x4000  }
0xaf: {  	[sflag:s26] =	ssyncset.done $0x0  }
0xb0: {  	s15 =	simm.s32 $0x1500;
	[sflag:s26] =	ssyncadd.s32 $0xFFFFC000  }
0xb1: {  	[spmem:s2] =	stream.indirect.scatter.add.f32 [tilespmem:s21], [sflag:$0x3], $0x80, s15, s24, $0xb8;
	[tilespmem:$0x1E0C0] =	vst v63  }
0xb2: {  	_ =	swait.ge [sflag:s28], $0x4000  }
0xb3: {  	[sflag:s28] =	ssyncset.done $0x0  }
0xb4: {  	s16 =	simm.s32 $0x200;
	[sflag:s28] =	ssyncadd.s32 $0xFFFFC000  }
0xb5: {  	[tilespmem:s21], [sflag:$0x1] =	stream.indirect.gather [hbm4b:s1+s24], $0x80, s16, s24, $0xb8;
	[tilespmem:$0x1E0C0] =	vst v63  }
0xb6: {  	_ =	swait.ge [sflag:s30], $0x4000  }
0xb7: {  	[sflag:s30] =	ssyncset.done $0x0  }
0xb8: {  	s14 =	simm.s32 $0xFFFFBC00;
	s15 =	simm.s32 $0x1580;
	[sflag:s30] =	ssyncadd.s32 $0xFFFFC000  }
.LBB2_6:
0xb9: {  	[spmem:s2] =	stream.indirect.scatter.add.f32 [tilespmem:s25], [sflag:$0x4], $0x80, s15, s24, $0xb8;
	[tilespmem:$0x1E0C0] =	vst v63  }
0xba: {  	s15 =	smov.u32 s14  }
0xbb: {  	p1 =	sne.s32 s14, $0xFFFFFC00;
	s14 =	sadd.s32 $0x400, s14;
	_ =	swait.ge [sflag:s0], $0x4000  }
0xbc: {  	s15 =	sshra.s32 s15, $0x2;
	[sflag:s0] =	ssyncset.done $0x0  }
0xbd: {  	s16 =	sadd.s32 $0x1380, s15;
	[sflag:s0] =	ssyncadd.s32 $0xFFFFC000  }
0xbe: {  	[tilespmem:s25], [sflag:$0x2] =	stream.indirect.gather [hbm4b:s1+s24], $0x80, s16, s24, $0xb8;
	[tilespmem:$0x1E0C0] =	vst v63  }
0xbf: {  	_ =	swait.ge [sflag:s26], $0x4000  }
0xc0: {  	[sflag:s26] =	ssyncset.done $0x0  }
0xc1: {  	s16 =	sadd.s32 $0x2700, s15;
	[sflag:s26] =	ssyncadd.s32 $0xFFFFC000  }
0xc2: {  	[spmem:s2] =	stream.indirect.scatter.add.f32 [tilespmem:s21], [sflag:$0x3], $0x80, s16, s24, $0xb8;
	[tilespmem:$0x1E0C0] =	vst v63  }
0xc3: {  	_ =	swait.ge [sflag:s28], $0x4000  }
0xc4: {  	[sflag:s28] =	ssyncset.done $0x0  }
.Ltmp2:
0xc5: {  	s16 =	sadd.s32 $0x1400, s15;
	[sflag:s28] =	ssyncadd.s32 $0xFFFFC000;
	(pc) =	sbr.rel @p1 .LBB2_6-.Ltmp2, $4  }
0xc6: {  	[tilespmem:s21], [sflag:$0x1] =	stream.indirect.gather [hbm4b:s1+s24], $0x80, s16, s24, $0xb8;
	[tilespmem:$0x1E0C0] =	vst v63  }
0xc7: {  	_ =	swait.ge [sflag:s30], $0x4000  }
0xc8: {  	[sflag:s30] =	ssyncset.done $0x0  }
0xc9: {  	s15 =	sadd.s32 $0x2780, s15;
	[sflag:s30] =	ssyncadd.s32 $0xFFFFC000  }
0xca: {  	[spmem:s2] =	stream.indirect.scatter.add.f32 [tilespmem:s25], [sflag:$0x4], $0x80, s15, s24, $0xb8;
	[tilespmem:$0x1E0C0] =	vst v63  }
0xcb: {  	_ =	swait.ge [sflag:s0], $0x4000  }
0xcc: {  	[sflag:s0] =	ssyncset.done $0x0  }
0xcd: {  	[sflag:s0] =	ssyncadd.s32 $0xFFFFC000  }
0xce: {  	[tilespmem:s25], [sflag:$0x2] =	stream.indirect.gather [hbm4b:s1+s24], $0x80, s10, s24, $0xb8;
	[tilespmem:$0x1E0C0] =	vst v63  }
0xcf: {  	_ =	swait.ge [sflag:s26], $0x4000  }
0xd0: {  	[sflag:s26] =	ssyncset.done $0x0  }
0xd1: {  	[sflag:s26] =	ssyncadd.s32 $0xFFFFC000  }
0xd2: {  	[spmem:s2] =	stream.indirect.scatter.add.f32 [tilespmem:s21], [sflag:$0x3], $0x80, s11, s24, $0xb8;
	[tilespmem:$0x1E0C0] =	vst v63  }
0xd3: {  	_ =	swait.ge [sflag:s28], $0x4000  }
0xd4: {  	[sflag:s28] =	ssyncset.done $0x0  }
0xd5: {  	[sflag:s28] =	ssyncadd.s32 $0xFFFFC000  }
0xd6: {  	_ =	swait.ge [sflag:s30], $0x4000  }
0xd7: {  	[sflag:s30] =	ssyncset.done $0x0  }
0xd8: {  	[sflag:s30] =	ssyncadd.s32 $0xFFFFC000  }
0xd9: {  	[spmem:s2] =	stream.indirect.scatter.add.f32 [tilespmem:s25], [sflag:$0x4], $0x80, s12, s24, $0xb8;
	[tilespmem:$0x1E0C0] =	vst v63  }
0xda: {  	_ =	swait.ge [sflag:s0], $0x4000  }
0xdb: {  	[sflag:s0] =	ssyncset.done $0x0  }
0xdc: {  	[sflag:s0] =	ssyncadd.s32 $0xFFFFC000  }
0xdd: {  	[bflag:$0x0] =	sbarrier.arrive $0xFFFF  }
0xde: {  	[tilespmem:s21], [sflag:$0x1] =	stream.linear.gather [spmem:s4], $0x4000, $0x38;
	[tilespmem:$0x1E0C0] =	vst v63  }
0xdf: {  	_ =	swait.ge [sflag:s26], $0x4000  }
0xe0: {  	[sflag:s26] =	ssyncset.done $0x0  }
0xe1: {  	[sflag:s26] =	ssyncadd.s32 $0xFFFFC000  }
0xe2: {  	[tilespmem:s25], [sflag:$0x2] =	stream.linear.gather [spmem:s5], $0x4000, $0x38;
	[tilespmem:$0x1E0C0] =	vst v63  }
0xe3: {  	s14 =	rddreg [dreg:$0x8]  }
0xe4: {  	[hbm4b:s14+s3] =	stream.linear.scatter [tilespmem:s21], [sflag:$0x3], $0x4000, $0x38;
	[tilespmem:$0x1E0C0] =	vst v63  }
0xe5: {  	_ =	swait.ge [sflag:s30], $0x4000  }
0xe6: {  	[sflag:s30] =	ssyncset.done $0x0  }
0xe7: {  	[sflag:s30] =	ssyncadd.s32 $0xFFFFC000  }
0xe8: {  	_ =	swait.ge [sflag:s28], $0x4000  }
0xe9: {  	[sflag:s28] =	ssyncset.done $0x0  }
0xea: {  	[sflag:s28] =	ssyncadd.s32 $0xFFFFC000  }
0xeb: {  	[tilespmem:s21], [sflag:$0x1] =	stream.linear.gather [spmem:s6], $0x4000, $0x38;
	[tilespmem:$0x1E0C0] =	vst v63  }
0xec: {  	s15 =	rddreg [dreg:$0x9]  }
0xed: {  	[hbm4b:s15+s3] =	stream.linear.scatter [tilespmem:s25], [sflag:$0x4], $0x4000, $0x38;
	[tilespmem:$0x1E0C0] =	vst v63  }
0xee: {  	_ =	swait.ge [sflag:s26], $0x4000  }
0xef: {  	[sflag:s26] =	ssyncset.done $0x0  }
0xf0: {  	[sflag:s26] =	ssyncadd.s32 $0xFFFFC000  }
0xf1: {  	_ =	swait.ge [sflag:s0], $0x4000  }
0xf2: {  	[sflag:s0] =	ssyncset.done $0x0  }
0xf3: {  	[sflag:s0] =	ssyncadd.s32 $0xFFFFC000  }
0xf4: {  	[tilespmem:s25], [sflag:$0x2] =	stream.linear.gather [spmem:s7], $0x4000, $0x38;
	[tilespmem:$0x1E0C0] =	vst v63  }
0xf5: {  	s16 =	rddreg [dreg:$0xa]  }
0xf6: {  	[hbm4b:s16+s3] =	stream.linear.scatter [tilespmem:s21], [sflag:$0x3], $0x4000, $0x38;
	[tilespmem:$0x1E0C0] =	vst v63  }
0xf7: {  	_ =	swait.ge [sflag:s30], $0x4000  }
0xf8: {  	[sflag:s30] =	ssyncset.done $0x0  }
0xf9: {  	[sflag:s30] =	ssyncadd.s32 $0xFFFFC000  }
0xfa: {  	_ =	swait.ge [sflag:s28], $0x4000  }
0xfb: {  	[sflag:s28] =	ssyncset.done $0x0  }
0xfc: {  	[sflag:s28] =	ssyncadd.s32 $0xFFFFC000  }
0xfd: {  	[tilespmem:s21], [sflag:$0x1] =	stream.linear.gather [spmem:s8], $0x3800, $0x38;
	[tilespmem:$0x1E0C0] =	vst v63  }
0xfe: {  	_ = 	snop  }
0xff: {  	[hbm4b:s17+s3] =	stream.linear.scatter [tilespmem:s25], [sflag:$0x4], $0x4000, $0x38;
	[tilespmem:$0x1E0C0] =	vst v63  }
0x100: {  	_ =	swait.ge [sflag:s26], $0x3800  }
0x101: {  	[sflag:s26] =	ssyncset.done $0x0  }
0x102: {  	[sflag:s26] =	ssyncadd.s32 $0xFFFFC800  }
0x103: {  	[hbm4b:s18+s3] =	stream.linear.scatter [tilespmem:s21], [sflag:$0x3], $0x3800, $0x38;
	[tilespmem:$0x1E0C0] =	vst v63  }
0x104: {  	_ =	swait.ge [sflag:s0], $0x4000  }
0x105: {  	[sflag:s0] =	ssyncset.done $0x0  }
0x106: {  	[sflag:s0] =	ssyncadd.s32 $0xFFFFC000  }
0x107: {  	_ =	swait.ge [sflag:s28], $0x3800  }
0x108: {  	[sflag:s28] =	ssyncset.done $0x0  }
0x109: {  	s14 =	simm.s32 @!p0 $0x2800;
	s15 =	simm.s32 @!p0 $0x5;
	[sflag:s28] =	ssyncadd.s32 $0xFFFFC800  }
0x10a: {  	[tilespmem:s14], [sflag:$0x5] =	stream.linear.gather @!p0 [spmem:s9], $0x800, $0x38;
	[tilespmem:$0x1E0C0] =	vst v63  }
0x10b: {  	s13 =	sadd.s32 $0x1, s13;
	_ =	swait.ge @!p0 [sflag:s15], $0x800  }
0x10c: {  	p1 =	sne.s32 s13, s20;
	[sflag:s15] =	ssyncset.done @!p0 $0x0  }
.Ltmp3:
0x10d: {  	s16 =	simm.s32 @!p0 $0x0;
	[sflag:s15] =	ssyncadd.s32 @!p0 $0xFFFFF800;
	(pc) =	sbr.rel @p1 .LBB2_1-.Ltmp3, $4  }
0x10e: {  	[hbm4b:s19+s16] =	stream.linear.scatter @!p0 [tilespmem:s14], [sflag:$0x5], $0x800, $0x38;
	[tilespmem:$0x1E0C0] =	vst v63  }
0x10f: {  	_ =	swait.ge @!p0 [sflag:s15], $0x800  }
0x110: {  	[sflag:s15] =	ssyncset.done @!p0 $0x0  }
0x111: {  	[sflag:s15] =	ssyncadd.s32 @!p0 $0xFFFFF800  }
0x112: {  	_ =	sfence.sel $0x180000  }
0x113: {  	[bflag:$0x0] =	sbarrier.arrive $0xFFFF  }
0x114: {  	_ =	strace $0x9000004D  }
0x115: {  	[bflag:$0x2] =	sbarrier.arrive $0xFFFF  }
0x116: {  	s0 =	rddreg [dreg:$0x3]  }
0x117: {  	s0 =	sadd.s32 @!p0 $0x100000, s0  }
0x118: {  	[sflag:s0] =	ssyncadd.tile.s32 @!p0 $0x1;
	_ =	shalt  }
.Lfunc_end2:
_tile_overlayer_lowered:
.L_overlay_start_2:
0x119: {  	(tag) =	ssettag $0x2  }
0x11a: {  	s0 =	rddreg [dreg:$0x0];
	s2 =	stileid.u32  }
0x11b: {  	s1 =	rddreg [dreg:$0x1];
	p0 =	sne.s32 s2, $0x0  }
0x11c: {  	s3 =	rddreg [dreg:$0x2];
	[bflag:$0x3] =	sbarrier.arrive $0xFFFF;
	s2 =	simm.s32 @!p0 $0x1C05  }
0x11d: {  	[timem:s3], [sflag:s2] =	dma.local @!p0 [hbm:s0], s1  }
0x11e: {  	s0 =	simm.s32 @!p0 $0x5  }
0x11f: {  	_ =	swait.ge @!p0 [sflag:s0], s1  }
0x120: {  	s1 =	ssub.s32 @!p0 $0x0, s1;
	[sflag:s0] =	ssyncset.done @!p0 $0x0  }
0x121: {  	[sflag:s0] =	ssyncadd.s32 @!p0 s1  }
0x122: {  	[bflag:$0x3] =	sbarrier.arrive $0xFFFF  }
0x123: {  	_ =	shalt  }

// kernel: kernel.8.cloned.1.call-start
scs
__scs_entry_jumppad:
0x0: {  	(pc) =	sbr.rel $0x88, $3  }
0x1: {  	(tag) =	ssettag $0x0;
	lr =	simm.s32 $0x1  }
0x2: {  	[smem:$0x3F98] =	sst lr;
	_ =	strace $0xD0000000  }
0x3: {  	_ = 	snop  }
0x4: {  	_ = 	snop  }
0x5: {  	_ = 	snop  }
0x6: {  	_ = 	snop  }
0x7: {  	_ = 	snop  }
__scs_overlays_trampoline_lowered:
0x8: {  	[smem:$0x3FA7] =	sst s0  }
0x9: {  	[smem:$0x3FA8] =	sst s1  }
0xa: {  	[smem:$0x3FA9] =	sst s2  }
0xb: {  	[smem:$0x3FAA] =	sst s3  }
0xc: {  	[smem:$0x3FAB] =	sst s4  }
0xd: {  	[smem:$0x3FAC] =	sst s5  }
0xe: {  	[smem:$0x3FAD] =	sst s6  }
0xf: {  	[smem:$0x3FAE] =	sst s7  }
0x10: {  	[smem:$0x3FAF] =	sst s8  }
0x11: {  	[smem:$0x3FB0] =	sst s9;
	s0 =	simm.s32 @!p0 $0x0  }
0x12: {  	s1 =	sld [smem:$0x3F96];
	s0 =	simm.s32 @p0 $0x1  }
0x13: {  	[smem:$0x3FB1] =	sst s0;
	s0 =	simm.s32 @!p1 $0x0  }
0x14: {  	s2 =	sld [smem:$0x3F95];
	s0 =	simm.s32 @p1 $0x1  }
0x15: {  	[smem:$0x3FB2] =	sst s0;
	s0 =	simm.s32 @!p2 $0x0  }
0x16: {  	s3 =	sld [smem:$0x3FDB];
	s0 =	simm.s32 @p2 $0x1  }
0x17: {  	s4 =	simm.s32 $0x1BF5;
	[smem:$0x3FB4] =	sst s0  }
0x18: {  	s0 =	sld [smem:$0x3F97];
	_ =	swait.ge [sflag:s4], $0x0  }
0x19: {  	s7 =	sld [smem:$0x3F98]  }
0x1a: {  	s8 =	sadd.s32 $0xFFFFE003, lr  }
0x1b: {  	s9 =	sadd.s32 $0xFFFFFEF7, lr;
	s5 =	simm.s32 $0xFFFFFFFF;
	p2 =	slt.u32 s8, $0xFFFFF086  }
0x1c: {  	p1 =	slt.u32 s9, $0xF7A;
	s5 =	simm.s32 @!p2 $0x0  }
0x1d: {  	s5 =	simm.s32 @p1 $0x1;
	p0 =	seq.s32 s7, s2  }
0x1e: {  	s7 =	smul.u32 @!p0 $0xF7A, s2;
	p2 =	seq.s32 @!p0 s5, $0x0  }
0x1f: {  	s9 =	smul.u32 $0xF7A, s1;
	s8 =	simm.s32 @!p0 $0x1BF5;
	p2 =	por !p2, p0  }
0x20: {  	[sflag:s8] =	ssyncset.s32 @!p0 $0xFFFFF086;
	s6 =	sadd.s32 @!p0 s3, s7;
	s7 =	simm.s32 @!p0 $0x108  }
0x21: {  	s3 =	sadd.s32 s3, s9;
	s6 =	sadd.s32 @!p0 $0x88, s6;
	s7 =	simm.s32 @p2 $0x1082  }
0x22: {  	[simem:s7], [sflag:s8] =	dma.local @!p0 [hbm:s6], $0xF7A  }
0x23: {  	s9 =	sor.u32 $0xD0000000, s2;
	s6 =	simm.s32 $0x108;
	_ =	swait.ge @!p0 [sflag:s8], $0x0  }
0x24: {  	s3 =	sadd.s32 $0x88, s3;
	s6 =	simm.s32 @!p1 $0x1082;
	[sflag:s4] =	ssyncset.s32 $0xFFFFF086  }
0x25: {  	[simem:s6], [sflag:s4] =	dma.local [hbm:s3], $0xF7A  }
0x26: {  	[smem:$0x3F98] =	sst s1;
	(tag) =	ssettag s2;
	_ =	strace s9  }
0x27: {  	s1 =	sld [smem:$0x3FA8]  }
0x28: {  	s2 =	sld [smem:$0x3FA9]  }
0x29: {  	s4 =	sld [smem:$0x3FAB]  }
0x2a: {  	p0 =	seq.s32 s5, $0x0;
	s5 =	sld [smem:$0x3FAC]  }
0x2b: {  	s6 =	sld [smem:$0x3FAD]  }
0x2c: {  	s7 =	sld [smem:$0x3FAE]  }
0x2d: {  	s3 =	simm.s32 $0x108;
	s8 =	sld [smem:$0x3FAF]  }
0x2e: {  	s3 =	simm.s32 @!p0 $0x1082;
	s9 =	sld [smem:$0x3FB0]  }
0x2f: {  	lr =	sadd.s32 s0, s3;
	s0 =	sld [smem:$0x3FA7]  }
0x30: {  	s3 =	sld [smem:$0x3FAA]  }
0x31: {  	[smem:$0x3FB3] =	sst s10  }
0x32: {  	s10 =	sld [smem:$0x3FB1];
	_ =	sdelay $0x3  }
0x33: {  	p0 =	seq.s32 s10, $0x1;
	s10 =	sld [smem:$0x3FB3];
	_ =	sdelay $0x3  }
0x34: {  	[smem:$0x3FB3] =	sst s10  }
0x35: {  	s10 =	sld [smem:$0x3FB2];
	_ =	sdelay $0x3  }
0x36: {  	p1 =	seq.s32 s10, $0x1;
	s10 =	sld [smem:$0x3FB3];
	_ =	sdelay $0x3  }
0x37: {  	[smem:$0x3FB3] =	sst s10  }
0x38: {  	s10 =	sld [smem:$0x3FB4]  }
0x39: {  	_ = 	snop;
	(pc) =	sbr.ind lr, $3  }
0x3a: {  	_ = 	snop  }
0x3b: {  	_ = 	snop  }
0x3c: {  	p2 =	seq.s32 s10, $0x1;
	s10 =	sld [smem:$0x3FB3]  }
0x3d: {  	_ =	shalt  }
0x3e: {  	_ =	shalt  }
0x3f: {  	_ =	shalt  }
0x40: {  	_ =	shalt  }
0x41: {  	_ =	shalt  }
0x42: {  	_ =	shalt  }
0x43: {  	_ =	shalt  }
0x44: {  	_ =	shalt  }
0x45: {  	_ =	shalt  }
0x46: {  	_ =	shalt  }
0x47: {  	_ =	shalt  }
0x48: {  	_ =	shalt  }
0x49: {  	_ =	shalt  }
0x4a: {  	_ =	shalt  }
0x4b: {  	_ =	shalt  }
0x4c: {  	_ =	shalt  }
0x4d: {  	_ =	shalt  }
0x4e: {  	_ =	shalt  }
0x4f: {  	_ =	shalt  }
0x50: {  	_ =	shalt  }
0x51: {  	_ =	shalt  }
0x52: {  	_ =	shalt  }
0x53: {  	_ =	shalt  }
0x54: {  	_ =	shalt  }
0x55: {  	_ =	shalt  }
0x56: {  	_ =	shalt  }
0x57: {  	_ =	shalt  }
0x58: {  	_ =	shalt  }
0x59: {  	_ =	shalt  }
0x5a: {  	_ =	shalt  }
0x5b: {  	_ =	shalt  }
0x5c: {  	_ =	shalt  }
0x5d: {  	_ =	shalt  }
0x5e: {  	_ =	shalt  }
0x5f: {  	_ =	shalt  }
0x60: {  	_ =	shalt  }
0x61: {  	_ =	shalt  }
0x62: {  	_ =	shalt  }
0x63: {  	_ =	shalt  }
0x64: {  	_ =	shalt  }
0x65: {  	_ =	shalt  }
0x66: {  	_ =	shalt  }
0x67: {  	_ =	shalt  }
0x68: {  	_ =	shalt  }
0x69: {  	_ =	shalt  }
0x6a: {  	_ =	shalt  }
0x6b: {  	_ =	shalt  }
0x6c: {  	_ =	shalt  }
0x6d: {  	_ =	shalt  }
0x6e: {  	_ =	shalt  }
0x6f: {  	_ =	shalt  }
0x70: {  	_ =	shalt  }
0x71: {  	_ =	shalt  }
0x72: {  	_ =	shalt  }
0x73: {  	_ =	shalt  }
0x74: {  	_ =	shalt  }
0x75: {  	_ =	shalt  }
0x76: {  	_ =	shalt  }
0x77: {  	_ =	shalt  }
0x78: {  	_ =	shalt  }
0x79: {  	_ =	shalt  }
0x7a: {  	_ =	shalt  }
0x7b: {  	_ =	shalt  }
0x7c: {  	_ =	shalt  }
0x7d: {  	_ =	shalt  }
0x7e: {  	_ =	shalt  }
0x7f: {  	_ =	shalt  }
0x80: {  	_ =	shalt  }
0x81: {  	_ =	shalt  }
0x82: {  	_ =	shalt  }
0x83: {  	_ =	shalt  }
0x84: {  	_ =	shalt  }
0x85: {  	_ =	shalt  }
0x86: {  	_ =	shalt  }
0x87: {  	_ =	shalt  }
.Lfunc_end0:
.L_simem_size_0:
called_computation_lowered:
.L_overlay_start_0:
0x88: {  	s2 =	sld [smem:$0x3FD9]  }
0x89: {  	s3 =	sld [smem:$0x3FFE];
	_ =	sdelay $0x1  }
0x8a: {  	s1 =	srdreg.scid  }
0x8b: {  	s0 =	sand.u32 $0x1, s1  }
0x8c: {  	s17 =	sshll.u32 s0, $0xA;
	s2 =	sadd.s32 s3, s2  }
0x8d: {  	s2 =	sadd.s32 s2, s17  }
0x8e: {  	[smem:$0x3FBF] =	sst s2  }
0x8f: {  	_ = 	snop  }
0x90: {  	s2 =	sld [smem:$0x3FD0];
	(tm) =	ssettm $0x1  }
0x91: {  	s18 =	sld [smem:$0x3FFB];
	_ =	sdelay $0x3  }
0x92: {  	_ =	strace s18  }
0x93: {  	s3 =	sld [smem:$0x3FFC];
	_ =	sdelay $0x3  }
0x94: {  	_ =	strace s3  }
0x95: {  	s3 =	sld [smem:$0x3FFD];
	_ =	sdelay $0x3  }
0x96: {  	_ =	strace s3  }
0x97: {  	_ =	strace $0x8FFFFFFF  }
0x98: {  	s19 =	sld [smem:$0x3FDB];
	_ =	sdelay $0x1  }
0x99: {  	s4 =	simm.s32 $_scs_section_size  }
0x9a: {  	s5 =	simm.s32 $_size__tile_overlayer_lowered;
	s6 =	simm.s32 $_tile_overlayer_lowered  }
0x9b: {  	s22 =	simm.s32 $0x1BFF;
	s21 =	sshll.u32 s6, $0x1;
	s3 =	sadd.s32 s4, s19  }
0x9c: {  	s7 =	simm.s32 $0x0;
	s20 =	sshll.u32 s5, $0x1;
	s5 =	sadd.s32 s21, s3  }
0x9d: {  	[timem:s7], [sflag:s22] =	dma.local [hbm:s5], s20  }
0x9e: {  	_ =	swait.ge [sflag:s22], s20  }
0x9f: {  	s4 =	ssub.s32 $0x0, s20;
	[sflag:s22] =	ssyncset.done $0x0  }
0xa0: {  	[sflag:s22] =	ssyncadd.s32 s4;
	_ =	sdelay $0x1  }
0xa1: {  	s23 =	simm.s32 $0x1B8B  }
0xa2: {  	_ =	swait.ge [sflag:s23], $0x1  }
0xa3: {  	[sflag:s23] =	ssyncset.done $0x0  }
0xa4: {  	s25 =	simm.s32 $0x1B8E;
	s24 =	sld [smem:$0x3FFE];
	[sflag:s23] =	ssyncadd.s32 $0xFFFFFFFF  }
0xa5: {  	s26 =	simm.s32 $execute0_lowered;
	[smem:$0x3FD2] =	sst s25  }
0xa6: {  	s5 =	sshll.u32 s26, $0x1;
	_ =	strace $0x80000046;
	[dreg:$0x1] =	wrdreg $0xFFFFFFFF  }
0xa7: {  	s28 =	simm.s32 $_size_execute0_lowered;
	s3 =	sadd.s32 s3, s5;
	[dreg:$0x0] =	wrdreg $0x0  }
0xa8: {  	s5 =	sshll.u32 s28, $0x1;
	[dreg:$0x2] =	wrdreg s3  }
0xa9: {  	[dreg:$0x3] =	wrdreg s5  }
0xaa: {  	[dreg:$0x4] =	wrdreg $0xC0  }
0xab: {  	_ =	task [dreg:s7], $0x5FFFF  }
0xac: {  	[dreg:$0x1] =	wrdreg $0xFFFFFFFF  }
0xad: {  	[dreg:$0x0] =	wrdreg $0x60  }
0xae: {  	[dreg:$0x2] =	wrdreg s2  }
0xaf: {  	[dreg:$0x3] =	wrdreg s24  }
0xb0: {  	[dreg:$0x4] =	wrdreg $0xA4800  }
0xb1: {  	[dreg:$0x5] =	wrdreg $0xA6F80  }
0xb2: {  	[dreg:$0x6] =	wrdreg $0xA9700  }
0xb3: {  	[dreg:$0x7] =	wrdreg $0xABE80  }
0xb4: {  	[dreg:$0x8] =	wrdreg $0x9  }
0xb5: {  	_ =	task.clear_ibuf [dreg:s7], $0x9FFFF;
	_ =	strace $0x90000046  }
0xb6: {  	s29 =	simm.s32 $0x9;
	_ =	strace $0x80000048  }
0xb7: {  	_ =	swait.ge [sflag:s29], $0x1  }
0xb8: {  	[sflag:s29] =	ssyncadd.s32 $0xFFFFFFFF  }
0xb9: {  	_ =	strace $0x90000048  }
0xba: {  	_ =	sfence  }
0xbb: {  	s30 =	sld [smem:$0x0];
	_ =	sdelay $0x2  }
0xbc: {  	s31 =	sshll.u32 s1, $0xD;
	s1 =	sshrl.u32 s1, $0x2  }
0xbd: {  	s3 =	sand.u32 $0x4000, s31;
	s1 =	sadd.s32 s1, s30  }
0xbe: {  	s0 =	sor.u32 s3, s0;
	s1 =	sshll.u32 s1, $0x11  }
0xbf: {  	s0 =	sor.u32 s1, s0  }
0xc0: {  	s0 =	sadd.s32 $0x8F2B, s0  }
0xc1: {  	[sflag:s0] =	ssyncadd.remote.s32 $0x1  }
0xc2: {  	_ =	sfence.sel $0xFFFF  }
0xc3: {  	[dreg:$0x0] =	wrdreg $0xFFFFFFFF;
	(pc) =	sbr.abs _section_cstart, $3  }
0xc4: {  	[dreg:$0x1] =	wrdreg $0xFFFFFFFF  }
0xc5: {  	_ =	task.clear_ibuf [dreg:s7], $0x2FFFF;
	_ =	strace $0x9FFFFFFF  }
0xc6: {  	(tm) =	ssettm $0x7FFFFFFF  }
0xc7: {  	_ =	shalt  }
tec
execute0_lowered:
.L_overlay_start_1:
0x0: {  	(tag) =	ssettag $0x1  }
0x1: {  	s1 =	rddreg [dreg:$0x0]  }
0x2: {  	s3 =	rddreg [dreg:$0x1]  }
0x3: {  	s0 =	rddreg [dreg:$0x2]  }
0x4: {  	s2 =	rddreg [dreg:$0x3];
	s5 =	srdreg.scid  }
0x5: {  	s4 =	rddreg [dreg:$0x4];
	s20 =	stileid.u32  }
0x6: {  	s6 =	simm.s32 $0x0;
	s21 =	simm.s32 $0x2800;
	s22 =	simm.s32 $0x5000  }
0x7: {  	s23 =	simm.s32 $0x7800;
	s28 =	simm.s32 $0x2;
	s29 =	simm.s32 $0x3  }
0x8: {  	s30 =	simm.s32 $0x4;
	s31 =	simm.s32 $0x0;
	s9 =	smul.u32 $0x50, s20  }
0x9: {  	s7 =	sand.u32 $0x1, s5;
	s5 =	rddreg [dreg:$0x5];
	s10 =	smul.u32 $0x3E8, s20  }
0xa: {  	[smem:$0x7FF] =	sst s6;
	p0 =	sgt.u32 s20, $0x9;
	s8 =	smul.u32 $0x500, s7  }
0xb: {  	s20 =	simm.s32 $0x5;
	s11 =	smul.u32 $0xA000, s7;
	s7 =	ssub.s32 $0x2, s7  }
0xc: {  	_ =	strace $0x80000047;
	s25 =	sshrl.u32 s7, $0x1;
	s8 =	sadd.s32 s9, s8  }
0xd: {  	s24 =	sadd.s32 s10, s11;
	s19 =	ssub.s32 s7, s25;
	s7 =	sadd.s32 s10, s0  }
0xe: {  	s9 =	sadd.s32 s10, s4;
	s25 =	simm.s32 $0xA000;
	s12 =	sshll.u32 s8, $0x4  }
0xf: {  	s8 =	sshrl.u32 s24, $0x3;
	s19 =	smax.u32 s19, $0x1;
	s24 =	simm.s32 $0x80  }
0x10: {  	s14 =	sadd.s32 s12, s3;
	s3 =	sadd.s32 s8, s3;
	s1 =	sadd.s32 s1, s12  }
0x11: {  	s8 =	sadd.s32 s10, s2;
	s10 =	sadd.s32 s10, s5;
	[dreg:$0x7] =	wrdreg s1  }
0x12: {  	s26 =	sadd.s32 $0x15600, s14;
	s13 =	sadd.s32 $0x1600, s14;
	s14 =	sadd.s32 $0x29600, s14  }
0x13: {  	s15 =	sadd.s32 $0x33600, s3;
	s16 =	sadd.s32 $0x33B00, s3;
	s17 =	sadd.s32 $0x34000, s3  }
0x14: {  	v0 =	vimm.f32 $0.0e+00;
	v1 =	vimm.f32 $1.000000000e+00;
	s18 =	sadd.s32 $0x34500, s3;
	[dreg:$0x8] =	wrdreg s26;
	s26 =	simm.s32 $0x1  }
.LBB2_1:
0x15: {  	s3 =	simm.s32 $0x40;
	s1 =	simm.s32 $0x0  }
.LBB2_2:
0x16: {  	p1 =	sne.s32 s3, $0xFC0;
	[tilespmem:s1+$0xA080] =	vst v0;
	s1 =	smov.u32 s3;
	s3 =	sadd.s32 $0x40, s3  }
.Ltmp0:
0x17: {  	(pc) =	sbr.rel @p1 .LBB2_2-.Ltmp0, $2  }
0x18: {  	_ =	sdelay $0x2  }
0x19: {  	s1 =	sshra.s32 s1, $0x2  }
0x1a: {  	[tilespmem:s1+$0xA080] =	vst v0  }
0x1b: {  	[tilespmem:$0xA000] =	vst v1  }
0x1c: {  	[tilespmem:$0xA010] =	vst v1  }
0x1d: {  	[tilespmem:$0xA020] =	vst v1  }
0x1e: {  	[tilespmem:$0xA030] =	vst v1  }
0x1f: {  	[tilespmem:$0xA040] =	vst v1  }
0x20: {  	[tilespmem:$0xA050] =	vst v1  }
0x21: {  	[tilespmem:$0xA060] =	vst v1  }
0x22: {  	s1 =	simm.s32 @!p0 $0xA080;
	s3 =	simm.s32 @!p0 $0x5;
	[tilespmem:$0xA070] =	vst v1  }
0x23: {  	[spmem:s7] =	stream.linear.scatter @!p0 [tilespmem:s1], [sflag:$0x5], $0x3E8, $0x38;
	[tilespmem:$0xAE60] =	vst v63  }
0x24: {  	_ =	swait.ge @!p0 [sflag:s3], $0x3E8  }
0x25: {  	[sflag:s3] =	ssyncset.done @!p0 $0x0  }
0x26: {  	[sflag:s3] =	ssyncadd.s32 @!p0 $0xFFFFFC18  }
0x27: {  	[spmem:s8] =	stream.linear.scatter @!p0 [tilespmem:s1], [sflag:$0x5], $0x3E8, $0x38;
	[tilespmem:$0xAE60] =	vst v63  }
0x28: {  	_ =	swait.ge @!p0 [sflag:s3], $0x3E8  }
0x29: {  	[sflag:s3] =	ssyncset.done @!p0 $0x0  }
0x2a: {  	[sflag:s3] =	ssyncadd.s32 @!p0 $0xFFFFFC18  }
0x2b: {  	[spmem:s9] =	stream.linear.scatter @!p0 [tilespmem:s1], [sflag:$0x5], $0x3E8, $0x38;
	[tilespmem:$0xAE60] =	vst v63  }
0x2c: {  	_ =	swait.ge @!p0 [sflag:s3], $0x3E8  }
0x2d: {  	[sflag:s3] =	ssyncset.done @!p0 $0x0  }
0x2e: {  	[sflag:s3] =	ssyncadd.s32 @!p0 $0xFFFFFC18  }
0x2f: {  	[spmem:s10] =	stream.linear.scatter @!p0 [tilespmem:s1], [sflag:$0x5], $0x3E8, $0x38;
	[tilespmem:$0xAE60] =	vst v63  }
0x30: {  	_ =	swait.ge @!p0 [sflag:s3], $0x3E8  }
0x31: {  	[sflag:s3] =	ssyncset.done @!p0 $0x0  }
0x32: {  	[sflag:s3] =	ssyncadd.s32 @!p0 $0xFFFFFC18  }
0x33: {  	[bflag:$0x0] =	sbarrier.arrive $0xFFFF  }
0x34: {  	s3 =	rddreg [dreg:$0x7]  }
0x35: {  	[tilespmem:s6], [sflag:$0x5] =	stream.linear.gather [hbm4b:s3+s6], $0x2800, $0x38;
	[tilespmem:$0xAE60] =	vst v63  }
0x36: {  	_ =	swait.ge [sflag:s20], $0x2800  }
0x37: {  	[sflag:s20] =	ssyncset.done $0x0  }
0x38: {  	s11 =	rddreg [dreg:$0x8];
	[sflag:s20] =	ssyncadd.s32 $0xFFFFD800  }
0x39: {  	[tilespmem:s21], [sflag:$0x5] =	stream.linear.gather [hbm4b:s11+s6], $0x2800, $0x38;
	[tilespmem:$0xAE60] =	vst v63  }
0x3a: {  	_ =	swait.ge [sflag:s20], $0x2800  }
0x3b: {  	[sflag:s20] =	ssyncset.done $0x0  }
0x3c: {  	[sflag:s20] =	ssyncadd.s32 $0xFFFFD800  }
0x3d: {  	[tilespmem:s22], [sflag:$0x5] =	stream.linear.gather [hbm4b:s13+s6], $0x2800, $0x38;
	[tilespmem:$0xAE60] =	vst v63  }
0x3e: {  	_ =	swait.ge [sflag:s20], $0x2800  }
0x3f: {  	[sflag:s20] =	ssyncset.done $0x0  }
0x40: {  	[sflag:s20] =	ssyncadd.s32 $0xFFFFD800  }
0x41: {  	[tilespmem:s23], [sflag:$0x5] =	stream.linear.gather [hbm4b:s14+s6], $0x2800, $0x38;
	[tilespmem:$0xAE60] =	vst v63  }
0x42: {  	_ =	swait.ge [sflag:s20], $0x2800  }
0x43: {  	[sflag:s20] =	ssyncset.done $0x0  }
0x44: {  	[sflag:s20] =	ssyncadd.s32 $0xFFFFD800  }
0x45: {  	[spmem:s0] =	stream.indirect.scatter.add.f32 [tilespmem:s25], [sflag:$0x1], $0x1, s6, s24, $0xb8;
	[tilespmem:$0xAE60] =	vst v63  }
0x46: {  	_ = 	snop  }
0x47: {  	[spmem:s2] =	stream.indirect.scatter.add.f32 [tilespmem:s25], [sflag:$0x2], $0x1, s21, s24, $0xb8;
	[tilespmem:$0xAE60] =	vst v63  }
0x48: {  	_ = 	snop  }
0x49: {  	[spmem:s4] =	stream.indirect.scatter.add.f32 [tilespmem:s25], [sflag:$0x3], $0x1, s22, s24, $0xb8;
	[tilespmem:$0xAE60] =	vst v63  }
0x4a: {  	_ = 	snop  }
0x4b: {  	[spmem:s5] =	stream.indirect.scatter.add.f32 [tilespmem:s25], [sflag:$0x4], $0x1, s23, s24, $0xb8;
	[tilespmem:$0xAE60] =	vst v63  }
0x4c: {  	s12 =	simm.s32 $0x80  }
0x4d: {  	[spmem:s0] =	stream.indirect.scatter.add.f32 [tilespmem:s25], [sflag:$0x1], $0x1, s12, s24, $0xb8;
	[tilespmem:$0xAE60] =	vst v63  }
0x4e: {  	s3 =	simm.s32 $0x2880  }
0x4f: {  	[spmem:s2] =	stream.indirect.scatter.add.f32 [tilespmem:s25], [sflag:$0x2], $0x1, s3, s24, $0xb8;
	[tilespmem:$0xAE60] =	vst v63  }
0x50: {  	s11 =	simm.s32 $0x5080  }
0x51: {  	[spmem:s4] =	stream.indirect.scatter.add.f32 [tilespmem:s25], [sflag:$0x3], $0x1, s11, s24, $0xb8;
	[tilespmem:$0xAE60] =	vst v63  }
0x52: {  	s12 =	simm.s32 $0x7880  }
0x53: {  	[spmem:s5] =	stream.indirect.scatter.add.f32 [tilespmem:s25], [sflag:$0x4], $0x1, s12, s24, $0xb8;
	[tilespmem:$0xAE60] =	vst v63  }
0x54: {  	_ =	swait.ge [sflag:s26], $0x80  }
0x55: {  	[sflag:s26] =	ssyncset.done $0x0  }
0x56: {  	[sflag:s26] =	ssyncadd.s32 $0xFFFFFF80  }
0x57: {  	_ =	swait.ge [sflag:s28], $0x80  }
0x58: {  	[sflag:s28] =	ssyncset.done $0x0  }
0x59: {  	[sflag:s28] =	ssyncadd.s32 $0xFFFFFF80  }
0x5a: {  	_ =	swait.ge [sflag:s29], $0x80  }
0x5b: {  	[sflag:s29] =	ssyncset.done $0x0  }
0x5c: {  	[sflag:s29] =	ssyncadd.s32 $0xFFFFFF80  }
0x5d: {  	_ =	swait.ge [sflag:s30], $0x80  }
0x5e: {  	s1 =	simm.s32 $0x600;
	s3 =	simm.s32 $0x400;
	[sflag:s30] =	ssyncset.done $0x0  }
.LBB2_4:
0x5f: {  	s11 =	sshra.s32 s3, $0x2  }
0x60: {  	[sflag:s30] =	ssyncadd.s32 $0xFFFFFF80;
	s3 =	smov.u32 s1;
	s12 =	sadd.s32 $0x200, s1  }
0x61: {  	[spmem:s0] =	stream.indirect.scatter.add.f32 [tilespmem:s25], [sflag:$0x1], $0x1, s11, s24, $0xb8;
	[tilespmem:$0xAE60] =	vst v63  }
0x62: {  	p1 =	sne.s32 s1, $0x9E00;
	s1 =	sadd.s32 $0x2800, s11  }
0x63: {  	[spmem:s2] =	stream.indirect.scatter.add.f32 [tilespmem:s25], [sflag:$0x2], $0x1, s1, s24, $0xb8;
	[tilespmem:$0xAE60] =	vst v63  }
0x64: {  	s1 =	sadd.s32 $0x5000, s11  }
0x65: {  	[spmem:s4] =	stream.indirect.scatter.add.f32 [tilespmem:s25], [sflag:$0x3], $0x1, s1, s24, $0xb8;
	[tilespmem:$0xAE60] =	vst v63  }
0x66: {  	s1 =	sadd.s32 $0x7800, s11  }
0x67: {  	[spmem:s5] =	stream.indirect.scatter.add.f32 [tilespmem:s25], [sflag:$0x4], $0x1, s1, s24, $0xb8;
	[tilespmem:$0xAE60] =	vst v63  }
0x68: {  	_ =	swait.ge [sflag:s26], $0x80  }
0x69: {  	[sflag:s26] =	ssyncset.done $0x0  }
0x6a: {  	[sflag:s26] =	ssyncadd.s32 $0xFFFFFF80  }
0x6b: {  	_ =	swait.ge [sflag:s28], $0x80  }
0x6c: {  	[sflag:s28] =	ssyncset.done $0x0  }
0x6d: {  	[sflag:s28] =	ssyncadd.s32 $0xFFFFFF80  }
.Ltmp1:
0x6e: {  	_ =	swait.ge [sflag:s29], $0x80;
	(pc) =	sbr.rel @p1 .LBB2_4-.Ltmp1, $4  }
0x6f: {  	[sflag:s29] =	ssyncset.done $0x0  }
0x70: {  	[sflag:s29] =	ssyncadd.s32 $0xFFFFFF80  }
0x71: {  	_ =	swait.ge [sflag:s30], $0x80  }
0x72: {  	s1 =	smov.u32 s12;
	[sflag:s30] =	ssyncset.done $0x0  }
0x73: {  	s1 =	sshra.s32 s3, $0x2;
	[sflag:s30] =	ssyncadd.s32 $0xFFFFFF80  }
0x74: {  	[spmem:s0] =	stream.indirect.scatter.add.f32 [tilespmem:s25], [sflag:$0x1], $0x1, s1, s24, $0xb8;
	[tilespmem:$0xAE60] =	vst v63  }
0x75: {  	s3 =	sadd.s32 $0x2800, s1  }
0x76: {  	[spmem:s2] =	stream.indirect.scatter.add.f32 [tilespmem:s25], [sflag:$0x2], $0x1, s3, s24, $0xb8;
	[tilespmem:$0xAE60] =	vst v63  }
0x77: {  	s12 =	sadd.s32 $0x5000, s1  }
0x78: {  	[spmem:s4] =	stream.indirect.scatter.add.f32 [tilespmem:s25], [sflag:$0x3], $0x1, s12, s24, $0xb8;
	[tilespmem:$0xAE60] =	vst v63  }
0x79: {  	s1 =	sadd.s32 $0x7800, s1  }
0x7a: {  	[spmem:s5] =	stream.indirect.scatter.add.f32 [tilespmem:s25], [sflag:$0x4], $0x1, s1, s24, $0xb8;
	[tilespmem:$0xAE60] =	vst v63  }
0x7b: {  	_ =	swait.ge [sflag:s26], $0x80  }
0x7c: {  	[sflag:s26] =	ssyncset.done $0x0  }
0x7d: {  	[sflag:s26] =	ssyncadd.s32 $0xFFFFFF80  }
0x7e: {  	_ =	swait.ge [sflag:s28], $0x80  }
0x7f: {  	[sflag:s28] =	ssyncset.done $0x0  }
0x80: {  	[sflag:s28] =	ssyncadd.s32 $0xFFFFFF80  }
0x81: {  	_ =	swait.ge [sflag:s29], $0x80  }
0x82: {  	[sflag:s29] =	ssyncset.done $0x0  }
0x83: {  	[sflag:s29] =	ssyncadd.s32 $0xFFFFFF80  }
0x84: {  	_ =	swait.ge [sflag:s30], $0x80  }
0x85: {  	[sflag:s30] =	ssyncset.done $0x0  }
0x86: {  	[sflag:s30] =	ssyncadd.s32 $0xFFFFFF80  }
0x87: {  	_ =	swait.ge [sflag:s26], $0x80  }
0x88: {  	[sflag:s26] =	ssyncset.done $0x0  }
0x89: {  	[sflag:s26] =	ssyncadd.s32 $0xFFFFFF80  }
0x8a: {  	_ =	swait.ge [sflag:s28], $0x80  }
0x8b: {  	[sflag:s28] =	ssyncset.done $0x0  }
0x8c: {  	[sflag:s28] =	ssyncadd.s32 $0xFFFFFF80  }
0x8d: {  	_ =	swait.ge [sflag:s29], $0x80  }
0x8e: {  	[sflag:s29] =	ssyncset.done $0x0  }
0x8f: {  	[sflag:s29] =	ssyncadd.s32 $0xFFFFFF80  }
0x90: {  	_ =	swait.ge [sflag:s30], $0x80  }
0x91: {  	[sflag:s30] =	ssyncset.done $0x0  }
0x92: {  	[sflag:s30] =	ssyncadd.s32 $0xFFFFFF80  }
0x93: {  	s3 =	simm.s32 @!p0 $0x5;
	s1 =	simm.s32 @!p0 $0xA080;
	[bflag:$0x0] =	sbarrier.arrive $0xFFFF  }
0x94: {  	[tilespmem:s1], [sflag:$0x5] =	stream.linear.gather @!p0 [spmem:s7], $0x3E8, $0x38;
	[tilespmem:$0xAE60] =	vst v63  }
0x95: {  	_ =	swait.ge @!p0 [sflag:s3], $0x3E8  }
0x96: {  	[sflag:s3] =	ssyncset.done @!p0 $0x0  }
0x97: {  	s11 =	simm.s32 @!p0 $0x0;
	[sflag:s3] =	ssyncadd.s32 @!p0 $0xFFFFFC18  }
0x98: {  	[hbm4b:s15+s11] =	stream.linear.scatter @!p0 [tilespmem:s1], [sflag:$0x5], $0x3E8, $0x38;
	[tilespmem:$0xAE60] =	vst v63  }
0x99: {  	_ =	swait.ge @!p0 [sflag:s3], $0x3E8  }
0x9a: {  	[sflag:s3] =	ssyncset.done @!p0 $0x0  }
0x9b: {  	[sflag:s3] =	ssyncadd.s32 @!p0 $0xFFFFFC18  }
0x9c: {  	[tilespmem:s1], [sflag:$0x5] =	stream.linear.gather @!p0 [spmem:s8], $0x3E8, $0x38;
	[tilespmem:$0xAE60] =	vst v63  }
0x9d: {  	_ =	swait.ge @!p0 [sflag:s3], $0x3E8  }
0x9e: {  	[sflag:s3] =	ssyncset.done @!p0 $0x0  }
0x9f: {  	[sflag:s3] =	ssyncadd.s32 @!p0 $0xFFFFFC18  }
0xa0: {  	[hbm4b:s16+s11] =	stream.linear.scatter @!p0 [tilespmem:s1], [sflag:$0x5], $0x3E8, $0x38;
	[tilespmem:$0xAE60] =	vst v63  }
0xa1: {  	_ =	swait.ge @!p0 [sflag:s3], $0x3E8  }
0xa2: {  	[sflag:s3] =	ssyncset.done @!p0 $0x0  }
0xa3: {  	[sflag:s3] =	ssyncadd.s32 @!p0 $0xFFFFFC18  }
0xa4: {  	[tilespmem:s1], [sflag:$0x5] =	stream.linear.gather @!p0 [spmem:s9], $0x3E8, $0x38;
	[tilespmem:$0xAE60] =	vst v63  }
0xa5: {  	_ =	swait.ge @!p0 [sflag:s3], $0x3E8  }
0xa6: {  	[sflag:s3] =	ssyncset.done @!p0 $0x0  }
0xa7: {  	[sflag:s3] =	ssyncadd.s32 @!p0 $0xFFFFFC18  }
0xa8: {  	[hbm4b:s17+s11] =	stream.linear.scatter @!p0 [tilespmem:s1], [sflag:$0x5], $0x3E8, $0x38;
	[tilespmem:$0xAE60] =	vst v63  }
0xa9: {  	_ =	swait.ge @!p0 [sflag:s3], $0x3E8  }
0xaa: {  	[sflag:s3] =	ssyncset.done @!p0 $0x0  }
0xab: {  	[sflag:s3] =	ssyncadd.s32 @!p0 $0xFFFFFC18  }
0xac: {  	[tilespmem:s1], [sflag:$0x5] =	stream.linear.gather @!p0 [spmem:s10], $0x3E8, $0x38;
	[tilespmem:$0xAE60] =	vst v63  }
0xad: {  	s31 =	sadd.s32 $0x1, s31;
	_ =	swait.ge @!p0 [sflag:s3], $0x3E8  }
0xae: {  	p1 =	sne.s32 s31, s19;
	[sflag:s3] =	ssyncset.done @!p0 $0x0  }
.Ltmp2:
0xaf: {  	[sflag:s3] =	ssyncadd.s32 @!p0 $0xFFFFFC18;
	(pc) =	sbr.rel @p1 .LBB2_1-.Ltmp2, $4  }
0xb0: {  	[hbm4b:s18+s11] =	stream.linear.scatter @!p0 [tilespmem:s1], [sflag:$0x5], $0x3E8, $0x38;
	[tilespmem:$0xAE60] =	vst v63  }
0xb1: {  	_ =	swait.ge @!p0 [sflag:s3], $0x3E8  }
0xb2: {  	[sflag:s3] =	ssyncset.done @!p0 $0x0  }
0xb3: {  	[sflag:s3] =	ssyncadd.s32 @!p0 $0xFFFFFC18  }
0xb4: {  	_ =	sfence.sel $0x180000  }
0xb5: {  	[bflag:$0x0] =	sbarrier.arrive $0xFFFF  }
0xb6: {  	_ =	strace $0x90000047  }
0xb7: {  	s0 =	stileid.u32;
	[bflag:$0x2] =	sbarrier.arrive $0xFFFF  }
0xb8: {  	p0 =	sne.s32 s0, $0x0;
	s0 =	rddreg [dreg:$0x6]  }
0xb9: {  	s0 =	sadd.s32 @!p0 $0x100000, s0  }
0xba: {  	[sflag:s0] =	ssyncadd.tile.s32 @!p0 $0x1;
	_ =	shalt  }
.Lfunc_end2:
_tile_overlayer_lowered:
.L_overlay_start_2:
0xbb: {  	(tag) =	ssettag $0x2  }
0xbc: {  	s0 =	rddreg [dreg:$0x0];
	s2 =	stileid.u32  }
0xbd: {  	s1 =	rddreg [dreg:$0x1];
	p0 =	sne.s32 s2, $0x0  }
0xbe: {  	s3 =	rddreg [dreg:$0x2];
	[bflag:$0x3] =	sbarrier.arrive $0xFFFF;
	s2 =	simm.s32 @!p0 $0x1C05  }
0xbf: {  	[timem:s3], [sflag:s2] =	dma.local @!p0 [hbm:s0], s1  }
0xc0: {  	s0 =	simm.s32 @!p0 $0x5  }
0xc1: {  	_ =	swait.ge @!p0 [sflag:s0], s1  }
0xc2: {  	s1 =	ssub.s32 @!p0 $0x0, s1;
	[sflag:s0] =	ssyncset.done @!p0 $0x0  }
0xc3: {  	[sflag:s0] =	ssyncadd.s32 @!p0 s1  }
0xc4: {  	[bflag:$0x3] =	sbarrier.arrive $0xFFFF  }
0xc5: {  	_ =	shalt  }

</sc_bundles>
